<compile_context>
chip_gen: v7x
topology: tpu7x:2x2x1
jax: 0.10.2.dev20260603
libtpu: 0.0.44.dev20260713+nightly
codegen_flags: <defaults>
</compile_context>

<pallas_src>
import functools

import jax
import jax.numpy as jnp
from jax import lax
from jax.experimental import pallas as pl
from jax.experimental.pallas import tpu as pltpu
from jax.experimental.pallas import tpu_sc as plsc

NC = 2
NS = 16
NW = NC * NS
CHUNK = 128
NBUF = 2
BLK = 1264


@functools.lru_cache(maxsize=None)
def _seg_sum_kernel(np_, na, k, d):
    mesh = plsc.VectorSubcoreMesh(core_axis_name="c", subcore_axis_name="s", num_cores=NC, num_subcores=NS)
    rpt = -(-(na // NS) // 8) * 8
    rlast = na - rpt * (NS - 1)

    @functools.partial(
        pl.kernel,
        out_type=jax.ShapeDtypeStruct((NC, np_, d), jnp.float32),
        mesh=mesh,
        scratch_types=(
            [pltpu.VMEM((k, CHUNK), jnp.int32)]
            + [pltpu.VMEM((CHUNK, d), jnp.float32)] * NBUF
            + [pltpu.VMEM((CHUNK,), jnp.int32)] * NBUF
            + [pltpu.VMEM_SHARED((na, d), jnp.float32)]
            + [pltpu.SemaphoreType.DMA] * (3 * NBUF)
        ),
    )
    def seg(hp_hbm, src_hbm, dst_hbm, z_hbm, out_hbm, *scr):
        src_v = scr[0]
        bufs = scr[1:1 + NBUF]
        dbufs = scr[1 + NBUF:1 + 2 * NBUF]
        acc = scr[1 + 2 * NBUF]
        sems = scr[2 + 2 * NBUF:]
        gsems = sems[:NBUF]
        ssems = sems[NBUF:2 * NBUF]
        isems = sems[2 * NBUF:]
        c = lax.axis_index("c")
        s = lax.axis_index("s")
        wid = s * NC + c
        src_w = src_hbm.at[wid]
        dst_w = dst_hbm.at[wid]
        pltpu.sync_copy(src_w, src_v)

        @pl.when(s < NS - 1)
        def _():
            pltpu.sync_copy(z_hbm.at[pl.ds(s * rpt, rpt)], acc.at[pl.ds(s * rpt, rpt)])

        @pl.when(s == NS - 1)
        def _():
            pltpu.sync_copy(z_hbm.at[pl.ds((NS - 1) * rpt, rlast)],
                            acc.at[pl.ds((NS - 1) * rpt, rlast)])

        plsc.subcore_barrier()

        for b in range(NBUF):
            pltpu.async_copy(hp_hbm.at[src_v.at[b]], bufs[b], gsems[b])
            pltpu.async_copy(dst_w.at[b], dbufs[b], isems[b])

        def step(i, carry):
            j = i * NBUF
            for b in range(NBUF):
                jj = j + b
                pltpu.make_async_copy(hp_hbm.at[src_v.at[jj]], bufs[b], gsems[b]).wait()
                pltpu.make_async_copy(dst_w.at[jj], dbufs[b], isems[b]).wait()
                pltpu.async_copy(bufs[b], acc.at[dbufs[b]], ssems[b], add=True)
            for b in range(NBUF):
                jj = j + b
                pltpu.make_async_copy(bufs[b], acc.at[dbufs[b]], ssems[b]).wait()
                nj = jj + NBUF

                @pl.when(nj < k)
                def _():
                    pltpu.async_copy(hp_hbm.at[src_v.at[nj]], bufs[b], gsems[b])
                    pltpu.async_copy(dst_w.at[nj], dbufs[b], isems[b])
            return carry

        lax.fori_loop(0, k // NBUF, step, 0)
        plsc.subcore_barrier()

        @pl.when(s < NS - 1)
        def _():
            pltpu.sync_copy(acc.at[pl.ds(s * rpt, rpt)],
                            out_hbm.at[c].at[pl.ds(s * rpt, rpt)])

        @pl.when(s == NS - 1)
        def _():
            pltpu.sync_copy(acc.at[pl.ds((NS - 1) * rpt, rlast)],
                            out_hbm.at[c].at[pl.ds((NS - 1) * rpt, rlast)])

    return seg


def _seg_sum_call(hp, src3, dst3, zrows, np_, na, k, d):
    return _seg_sum_kernel(np_, na, k, d)(hp, src3, dst3, zrows)


def _deg_call(dst3, ones_d, zrows, np_, na, k, d):
    mesh = plsc.VectorSubcoreMesh(core_axis_name="c", subcore_axis_name="s", num_cores=NC, num_subcores=NS)
    rpt = -(-(na // NS) // 8) * 8
    rlast = na - rpt * (NS - 1)

    @functools.partial(
        pl.kernel,
        out_type=jax.ShapeDtypeStruct((NC, np_, d), jnp.float32),
        mesh=mesh,
        scratch_types=(
            [pltpu.VMEM((CHUNK,), jnp.int32)] * NBUF
            + [pltpu.VMEM((CHUNK, d), jnp.float32)]
            + [pltpu.VMEM_SHARED((na, d), jnp.float32)]
            + [pltpu.SemaphoreType.DMA] * (2 * NBUF)
        ),
    )
    def deg(dst_hbm, ones_hbm, z_hbm, out_hbm, *scr):
        dbufs = scr[:NBUF]
        ones_v = scr[NBUF]
        acc = scr[NBUF + 1]
        sems = scr[NBUF + 2:]
        ssems = sems[:NBUF]
        isems = sems[NBUF:]
        c = lax.axis_index("c")
        s = lax.axis_index("s")
        wid = s * NC + c
        dst_w = dst_hbm.at[wid]
        pltpu.sync_copy(ones_hbm, ones_v)
        @pl.when(s < NS - 1)
        def _():
            pltpu.sync_copy(z_hbm.at[pl.ds(s * rpt, rpt)], acc.at[pl.ds(s * rpt, rpt)])

        @pl.when(s == NS - 1)
        def _():
            pltpu.sync_copy(z_hbm.at[pl.ds((NS - 1) * rpt, rlast)],
                            acc.at[pl.ds((NS - 1) * rpt, rlast)])

        plsc.subcore_barrier()

        for b in range(NBUF):
            pltpu.async_copy(dst_w.at[b], dbufs[b], isems[b])

        def step(i, carry):
            j = i * NBUF
            for b in range(NBUF):
                jj = j + b
                pltpu.make_async_copy(dst_w.at[jj], dbufs[b], isems[b]).wait()
                pltpu.async_copy(ones_v, acc.at[dbufs[b]], ssems[b], add=True)
            for b in range(NBUF):
                jj = j + b
                pltpu.make_async_copy(ones_v, acc.at[dbufs[b]], ssems[b]).wait()
                nj = jj + NBUF

                @pl.when(nj < k)
                def _():
                    pltpu.async_copy(dst_w.at[nj], dbufs[b], isems[b])
            return carry

        lax.fori_loop(0, k // NBUF, step, 0)
        plsc.subcore_barrier()

        @pl.when(s < NS - 1)
        def _():
            pltpu.sync_copy(acc.at[pl.ds(s * rpt, rpt)],
                            out_hbm.at[c].at[pl.ds(s * rpt, rpt)])

        @pl.when(s == NS - 1)
        def _():
            pltpu.sync_copy(acc.at[pl.ds((NS - 1) * rpt, rlast)],
                            out_hbm.at[c].at[pl.ds((NS - 1) * rpt, rlast)])

    return deg(dst3, ones_d, zrows)


def _pre_body(x_ref, deg_ref, w_ref, hp_ref, dv_ref):
    deg = deg_ref[0, :, :1] + deg_ref[1, :, :1] + 1.0
    dinv = lax.rsqrt(deg)
    h = jnp.dot(x_ref[...], w_ref[...], preferred_element_type=jnp.float32)
    hp_ref[...] = h * dinv
    dv_ref[...] = jnp.broadcast_to(dinv, dv_ref.shape)


def _tc_pre(xp, deg2, w0):
    np_, d = xp.shape
    grid = (np_ // BLK,)
    return pl.pallas_call(
        _pre_body,
        grid=grid,
        in_specs=[
            pl.BlockSpec((BLK, d), lambda i: (i, 0)),
            pl.BlockSpec((NC, BLK, d), lambda i: (0, i, 0)),
            pl.BlockSpec((d, d), lambda i: (0, 0)),
        ],
        out_specs=[
            pl.BlockSpec((BLK, d), lambda i: (i, 0)),
            pl.BlockSpec((BLK, 16), lambda i: (i, 0)),
        ],
        out_shape=[
            jax.ShapeDtypeStruct((np_, d), jnp.float32),
            jax.ShapeDtypeStruct((np_, 16), jnp.float32),
        ],
    )(xp, deg2, w0)


def _tc_mid(s2, hp, dinv16, b_prev, w, skip=None, w_skip=None, emit_a=False):
    np_, d = hp.shape
    grid = (np_ // BLK,)
    has_skip = skip is not None

    def body(*refs):
        s_ref, hp_ref, dv_ref, b_ref, w_ref = refs[:5]
        rest = refs[5:]
        if has_skip:
            skip_ref, wskip_ref = rest[0], rest[1]
            rest = rest[2:]
        dinv = dv_ref[:, :1]
        a = dinv * (s_ref[0] + s_ref[1] + hp_ref[...]) + b_ref[...]
        a = jnp.maximum(a, 0.0)
        h = jnp.dot(a, w_ref[...], preferred_element_type=jnp.float32)
        if has_skip:
            h = h + jnp.dot(skip_ref[...], wskip_ref[...],
                            preferred_element_type=jnp.float32)
        rest[0][...] = dinv * h
        if emit_a:
            rest[1][...] = a

    in_specs = [
        pl.BlockSpec((NC, BLK, d), lambda i: (0, i, 0)),
        pl.BlockSpec((BLK, d), lambda i: (i, 0)),
        pl.BlockSpec((BLK, 16), lambda i: (i, 0)),
        pl.BlockSpec((1, d), lambda i: (0, 0)),
        pl.BlockSpec((d, d), lambda i: (0, 0)),
    ]
    args = [s2, hp, dinv16, b_prev, w]
    if has_skip:
        in_specs += [pl.BlockSpec((BLK, d), lambda i: (i, 0)),
                     pl.BlockSpec((d, d), lambda i: (0, 0))]
        args += [skip, w_skip]
    out_specs = [pl.BlockSpec((BLK, d), lambda i: (i, 0))]
    out_shape = [jax.ShapeDtypeStruct((np_, d), jnp.float32)]
    if emit_a:
        out_specs.append(pl.BlockSpec((BLK, d), lambda i: (i, 0)))
        out_shape.append(jax.ShapeDtypeStruct((np_, d), jnp.float32))
    res = pl.pallas_call(
        body, grid=grid, in_specs=in_specs, out_specs=out_specs,
        out_shape=out_shape,
    )(*args)
    return res if emit_a else res[0]


def _final_body(s_ref, hp_ref, dv_ref, b_ref, out_ref):
    dinv = dv_ref[:, :1]
    out_ref[...] = dinv * (s_ref[0] + s_ref[1] + hp_ref[...]) + b_ref[...]


def _tc_final(s2, hp, dinv16, b):
    np_, d = hp.shape
    grid = (np_ // BLK,)
    return pl.pallas_call(
        _final_body,
        grid=grid,
        in_specs=[
            pl.BlockSpec((NC, BLK, d), lambda i: (0, i, 0)),
            pl.BlockSpec((BLK, d), lambda i: (i, 0)),
            pl.BlockSpec((BLK, 16), lambda i: (i, 0)),
            pl.BlockSpec((1, d), lambda i: (0, 0)),
        ],
        out_specs=pl.BlockSpec((BLK, d), lambda i: (i, 0)),
        out_shape=jax.ShapeDtypeStruct((np_, d), jnp.float32),
    )(s2, hp, dinv16, b)


def kernel(x, edge_index, W0, b0, W1, b1, W2, b2, W3, b3, W4, b4, W5, b5, W6, b6):
    n, d = x.shape
    e = edge_index.shape[1]

    per_tile = -(-e // (NW * CHUNK * NBUF)) * (CHUNK * NBUF)
    k = per_tile // CHUNK
    e_pad = NW * per_tile
    np_ = -(-(n + 1) // BLK) * BLK
    na = -(-(n + 1) // NS) * NS
    pad_e = e_pad - e
    src3 = jnp.concatenate(
        [edge_index[0], jnp.zeros((pad_e,), edge_index.dtype)]).reshape(NW, k, CHUNK)
    dst3 = jnp.concatenate(
        [edge_index[1], jnp.full((pad_e,), n, edge_index.dtype)]).reshape(NW, k, CHUNK)
    xp = jnp.pad(x, ((0, np_ - n), (0, 0)))
    zrows = jnp.zeros((np_, d), jnp.float32)
    ones_d = jnp.ones((CHUNK, d), jnp.float32)
    b0r, b1r, b2r, b3r, b4r, b5r, b6r = (
        bb.reshape(1, d) for bb in (b0, b1, b2, b3, b4, b5, b6))

    deg2 = _deg_call(dst3, ones_d, zrows, np_, na, k, d)
    hp0, dinv16 = _tc_pre(xp, deg2, W0)
    s = _seg_sum_call(hp0, src3, dst3, zrows, np_, na, k, d)
    hp1 = _tc_mid(s, hp0, dinv16, b0r, W1)
    s = _seg_sum_call(hp1, src3, dst3, zrows, np_, na, k, d)
    hp2, a1 = _tc_mid(s, hp1, dinv16, b1r, W2, emit_a=True)
    s = _seg_sum_call(hp2, src3, dst3, zrows, np_, na, k, d)
    hp3 = _tc_mid(s, hp2, dinv16, b2r, W3)
    s = _seg_sum_call(hp3, src3, dst3, zrows, np_, na, k, d)
    hp4 = _tc_mid(s, hp3, dinv16, b3r, W4[:d], skip=a1, w_skip=W4[d:])
    s = _seg_sum_call(hp4, src3, dst3, zrows, np_, na, k, d)
    hp5 = _tc_mid(s, hp4, dinv16, b4r, W5)
    s = _seg_sum_call(hp5, src3, dst3, zrows, np_, na, k, d)
    hp6 = _tc_mid(s, hp5, dinv16, b5r, W6[:d], skip=xp, w_skip=W6[d:])
    s = _seg_sum_call(hp6, src3, dst3, zrows, np_, na, k, d)
    out = _tc_final(s, hp6, dinv16, b6r)
    return out[:n]

# --- scband reference (transcript-rebuilt; emitter-appended) ---
"""Pipeline reference for scband-gunet-90537910599971 (READ-ONLY COPY).

The authoritative reference and input builder live on the scoring server;
editing this copy changes nothing except your own understanding.
"""

import jax, jax.numpy as jnp
import numpy as np

N = 10000
E = 320000
D = 128
# GUNet(estimator=GCNConv, params=(128, [128,128], 128)) builds 7 GCN layers with dims:
LAYER_DIMS = [(128, 128), (128, 128), (128, 128), (128, 128), (256, 128), (128, 128), (256, 128)]


def setup_inputs(seed: int = 0):
    key = jax.random.key(seed)
    keys = jax.random.split(key, 2 + len(LAYER_DIMS))
    inp = {}
    inp["x"] = jax.random.normal(keys[0], (N, D), dtype=jnp.float32)
    inp["edge_index"] = jax.random.randint(keys[1], (2, E), 0, N, dtype=jnp.int32)
    for i, (din, dout) in enumerate(LAYER_DIMS):
        inp["W%d" % i] = jax.random.normal(keys[2 + i], (din, dout), dtype=jnp.float32) * (1.0 / np.sqrt(din))
        inp["b%d" % i] = jnp.zeros((dout,), dtype=jnp.float32)
    return inp


def _gcn_conv(x, edge_index, W, b, num_nodes):
    # torch_geometric GCNConv: add self-loops, symmetric deg^-1/2 normalization,
    # message = norm * (x W)[src], aggregate = scatter-add over dst, plus bias.
    loop = jnp.arange(num_nodes, dtype=edge_index.dtype)
    src = jnp.concatenate([edge_index[0], loop])
    dst = jnp.concatenate([edge_index[1], loop])
    deg = jax.ops.segment_sum(jnp.ones_like(src, dtype=x.dtype), dst, num_segments=num_nodes)
    dinv = jnp.where(deg > 0, jax.lax.rsqrt(jnp.maximum(deg, 1e-12)), 0.0)
    norm = dinv[src] * dinv[dst]
    h = x @ W
    msg = h[src] * norm[:, None]
    out = jax.ops.segment_sum(msg, dst, num_segments=num_nodes)
    return out + b


def reference(x, edge_index, W0, b0, W1, b1, W2, b2, W3, b3, W4, b4, W5, b5, W6, b6):
    num_nodes = x.shape[0]
    act = jax.nn.relu
    x0 = x
    # down path (n_channels = 2)
    h = act(_gcn_conv(x0, edge_index, W0, b0, num_nodes))
    h1 = act(_gcn_conv(h, edge_index, W1, b1, num_nodes))
    h = act(_gcn_conv(h1, edge_index, W2, b2, num_nodes))
    h = act(_gcn_conv(h, edge_index, W3, b3, num_nodes))
    # up path with skip connection (cat with h1)
    h = act(_gcn_conv(jnp.concatenate([h, h1], axis=-1), edge_index, W4, b4, num_nodes))
    h = act(_gcn_conv(h, edge_index, W5, b5, num_nodes))
    # last layer: skip connection with input x0, no activation
    out = _gcn_conv(jnp.concatenate([h, x0], axis=-1), edge_index, W6, b6, num_nodes)
    return out

if __name__ == "__main__":
    import jax
    _d = setup_inputs()
    print(jax.jit(kernel)(*tuple(_d.values())))

</pallas_src>

<mosaic_0001>
#map = affine_map<(d0, d1) -> (0, 0)>
#map1 = affine_map<(d0, d1) -> (0, 0, 0)>
module attributes {stable_mosaic.version = 14 : i64} {
  func.func @seg(%arg0: i32, %arg1: i32, %arg2: memref<10112x128xf32, #tpu.memory_space<hbm>>, %arg3: memref<32x80x128xi32, #tpu.memory_space<hbm>>, %arg4: memref<32x80x128xi32, #tpu.memory_space<hbm>>, %arg5: memref<10112x128xf32, #tpu.memory_space<hbm>>, %arg6: memref<2x10112x128xf32, #tpu.memory_space<hbm>>, %arg7: memref<80x128xi32, #tpu.memory_space<vmem>>, %arg8: memref<128x128xf32, #tpu.memory_space<vmem>>, %arg9: memref<128x128xf32, #tpu.memory_space<vmem>>, %arg10: memref<128xi32, #tpu.memory_space<vmem>>, %arg11: memref<128xi32, #tpu.memory_space<vmem>>, %arg12: memref<10016x128xf32, #tpu.memory_space<vmem_shared>>, %arg13: memref<!tpu.dma_semaphore, #tpu.memory_space<semaphore_mem>>, %arg14: memref<!tpu.dma_semaphore, #tpu.memory_space<semaphore_mem>>, %arg15: memref<!tpu.dma_semaphore, #tpu.memory_space<semaphore_mem>>, %arg16: memref<!tpu.dma_semaphore, #tpu.memory_space<semaphore_mem>>, %arg17: memref<!tpu.dma_semaphore, #tpu.memory_space<semaphore_mem>>, %arg18: memref<!tpu.dma_semaphore, #tpu.memory_space<semaphore_mem>>) attributes {dimension_semantics = [#tpu.dimension_semantics<core_parallel>, #tpu.dimension_semantics<subcore_parallel>], iteration_bounds = array<i64: 2, 16>, scalar_prefetch = 0 : i64, scratch_operands = 12 : i64, tpu.core_type = #tpu.core_type<sc_vector_subcore>, window_params = [{transform_indices = #map}, {transform_indices = #map1}, {transform_indices = #map1}, {transform_indices = #map}, {transform_indices = #map1}]} {
    %mul3A = arith.constant 2 : i32
    %mul3A_0 = arith.muli %arg1, %mul3A : i32
    %add3A = arith.addi %mul3A_0, %arg0 : i32
    "tpu.region"() ({
      %run_scoped3A = tpu.sem_alloc : memref<!tpu.dma_semaphore, #tpu.memory_space<semaphore_mem>>
      %dma_start3A_66 = arith.constant 0 : i32
      %dma_start3A_67 = arith.constant 0 : i32
      %dma_start3A_68 = tpu.memref_slice %arg3[%add3A, %dma_start3A_66, %dma_start3A_67] : memref<32x80x128xi32, #tpu.memory_space<hbm>> -> memref<1x80x128xi32, #tpu.memory_space<hbm>>
      %dma_start3A_69 = tpu.memref_squeeze %dma_start3A_68 : memref<1x80x128xi32, #tpu.memory_space<hbm>> -> memref<80x128xi32, #tpu.memory_space<hbm>>
      %dma_start3A_70 = arith.constant 0 : i32
      %dma_start3A_71 = arith.constant 0 : i32
      %dma_start3A_72 = tpu.memref_slice %arg3[%add3A, %dma_start3A_70, %dma_start3A_71] : memref<32x80x128xi32, #tpu.memory_space<hbm>> -> memref<1x80x128xi32, #tpu.memory_space<hbm>>
      %dma_start3A_73 = tpu.memref_squeeze %dma_start3A_72 : memref<1x80x128xi32, #tpu.memory_space<hbm>> -> memref<80x128xi32, #tpu.memory_space<hbm>>
      tpu.enqueue_dma source(%dma_start3A_73 : memref<80x128xi32, #tpu.memory_space<hbm>>) target(%arg7 : memref<80x128xi32, #tpu.memory_space<vmem>>) target_semaphore(%run_scoped3A : memref<!tpu.dma_semaphore, #tpu.memory_space<semaphore_mem>>)
      %dma_wait3A = arith.constant 0 : i32
      %dma_wait3A_74 = arith.constant 0 : i32
      %dma_wait3A_75 = tpu.memref_slice %arg3[%add3A, %dma_wait3A, %dma_wait3A_74] : memref<32x80x128xi32, #tpu.memory_space<hbm>> -> memref<1x80x128xi32, #tpu.memory_space<hbm>>
      %dma_wait3A_76 = tpu.memref_squeeze %dma_wait3A_75 : memref<1x80x128xi32, #tpu.memory_space<hbm>> -> memref<80x128xi32, #tpu.memory_space<hbm>>
      %dma_wait3A_77 = arith.constant 0 : i32
      %dma_wait3A_78 = arith.constant 0 : i32
      %dma_wait3A_79 = tpu.memref_slice %arg3[%add3A, %dma_wait3A_77, %dma_wait3A_78] : memref<32x80x128xi32, #tpu.memory_space<hbm>> -> memref<1x80x128xi32, #tpu.memory_space<hbm>>
      %dma_wait3A_80 = tpu.memref_squeeze %dma_wait3A_79 : memref<1x80x128xi32, #tpu.memory_space<hbm>> -> memref<80x128xi32, #tpu.memory_space<hbm>>
      tpu.wait_dma2 semaphore(%run_scoped3A : memref<!tpu.dma_semaphore, #tpu.memory_space<semaphore_mem>>) src(%dma_wait3A_80 : memref<80x128xi32, #tpu.memory_space<hbm>>) dst(%arg7 : memref<80x128xi32, #tpu.memory_space<vmem>>)
      tpu.yield
    }) : () -> ()
    %lt3A = arith.constant 15 : i32
    %lt3A_1 = arith.cmpi slt, %arg1, %lt3A : i32
    %convert_element_type3A = arith.extui %lt3A_1 : i1 to i32
    %cond3A = arith.constant 0 : i32
    %cond3A_2 = arith.cmpi ne, %convert_element_type3A, %cond3A : i32
    scf.if %cond3A_2 {
      %mul3A_66 = arith.constant 632 : i32
      %mul3A_67 = arith.muli %arg1, %mul3A_66 : i32
      %mul3A_68 = arith.constant 632 : i32
      %mul3A_69 = arith.muli %arg1, %mul3A_68 : i32
      "tpu.region"() ({
        %run_scoped3A = tpu.sem_alloc : memref<!tpu.dma_semaphore, #tpu.memory_space<semaphore_mem>>
        %dma_start3A_70 = arith.constant 0 : i32
        %dma_start3A_71 = tpu.memref_slice %arg12[%mul3A_69, %dma_start3A_70] : memref<10016x128xf32, #tpu.memory_space<vmem_shared>> -> memref<632x128xf32, #tpu.memory_space<vmem_shared>>
        %dma_start3A_72 = arith.constant 0 : i32
        %dma_start3A_73 = tpu.memref_slice %arg5[%mul3A_67, %dma_start3A_72] : memref<10112x128xf32, #tpu.memory_space<hbm>> -> memref<632x128xf32, #tpu.memory_space<hbm>>
        tpu.enqueue_dma source(%dma_start3A_73 : memref<632x128xf32, #tpu.memory_space<hbm>>) target(%dma_start3A_71 : memref<632x128xf32, #tpu.memory_space<vmem_shared>>) target_semaphore(%run_scoped3A : memref<!tpu.dma_semaphore, #tpu.memory_space<semaphore_mem>>)
        %dma_wait3A = arith.constant 0 : i32
        %dma_wait3A_74 = tpu.memref_slice %arg12[%mul3A_69, %dma_wait3A] : memref<10016x128xf32, #tpu.memory_space<vmem_shared>> -> memref<632x128xf32, #tpu.memory_space<vmem_shared>>
        %dma_wait3A_75 = arith.constant 0 : i32
        %dma_wait3A_76 = tpu.memref_slice %arg5[%mul3A_67, %dma_wait3A_75] : memref<10112x128xf32, #tpu.memory_space<hbm>> -> memref<632x128xf32, #tpu.memory_space<hbm>>
        tpu.wait_dma2 semaphore(%run_scoped3A : memref<!tpu.dma_semaphore, #tpu.memory_space<semaphore_mem>>) src(%dma_wait3A_76 : memref<632x128xf32, #tpu.memory_space<hbm>>) dst(%dma_wait3A_74 : memref<632x128xf32, #tpu.memory_space<vmem_shared>>)
        tpu.yield
      }) : () -> ()
    } else {
    }
    %eq3A = arith.constant 15 : i32
    %eq3A_3 = arith.cmpi eq, %arg1, %eq3A : i32
    %convert_element_type3A_4 = arith.extui %eq3A_3 : i1 to i32
    %cond3A_5 = arith.constant 0 : i32
    %cond3A_6 = arith.cmpi ne, %convert_element_type3A_4, %cond3A_5 : i32
    scf.if %cond3A_6 {
      "tpu.region"() ({
        %run_scoped3A = tpu.sem_alloc : memref<!tpu.dma_semaphore, #tpu.memory_space<semaphore_mem>>
        %dma_start3A_66 = arith.constant 9480 : i32
        %dma_start3A_67 = arith.constant 0 : i32
        %dma_start3A_68 = tpu.memref_slice %arg12[%dma_start3A_66, %dma_start3A_67] : memref<10016x128xf32, #tpu.memory_space<vmem_shared>> -> memref<536x128xf32, #tpu.memory_space<vmem_shared>>
        %dma_start3A_69 = arith.constant 9480 : i32
        %dma_start3A_70 = arith.constant 0 : i32
        %dma_start3A_71 = tpu.memref_slice %arg5[%dma_start3A_69, %dma_start3A_70] : memref<10112x128xf32, #tpu.memory_space<hbm>> -> memref<536x128xf32, #tpu.memory_space<hbm>>
        tpu.enqueue_dma source(%dma_start3A_71 : memref<536x128xf32, #tpu.memory_space<hbm>>) target(%dma_start3A_68 : memref<536x128xf32, #tpu.memory_space<vmem_shared>>) target_semaphore(%run_scoped3A : memref<!tpu.dma_semaphore, #tpu.memory_space<semaphore_mem>>)
        %dma_wait3A = arith.constant 9480 : i32
        %dma_wait3A_72 = arith.constant 0 : i32
        %dma_wait3A_73 = tpu.memref_slice %arg12[%dma_wait3A, %dma_wait3A_72] : memref<10016x128xf32, #tpu.memory_space<vmem_shared>> -> memref<536x128xf32, #tpu.memory_space<vmem_shared>>
        %dma_wait3A_74 = arith.constant 9480 : i32
        %dma_wait3A_75 = arith.constant 0 : i32
        %dma_wait3A_76 = tpu.memref_slice %arg5[%dma_wait3A_74, %dma_wait3A_75] : memref<10112x128xf32, #tpu.memory_space<hbm>> -> memref<536x128xf32, #tpu.memory_space<hbm>>
        tpu.wait_dma2 semaphore(%run_scoped3A : memref<!tpu.dma_semaphore, #tpu.memory_space<semaphore_mem>>) src(%dma_wait3A_76 : memref<536x128xf32, #tpu.memory_space<hbm>>) dst(%dma_wait3A_73 : memref<536x128xf32, #tpu.memory_space<vmem_shared>>)
        tpu.yield
      }) : () -> ()
    } else {
    }
    %barrier3A = arith.constant 0 : index
    tpu.barrier barrier_id(%barrier3A)
    %dma_start3A = arith.constant 0 : i32
    %dma_start3A_7 = arith.constant 0 : i32
    %dma_start3A_8 = tpu.memref_slice %arg7[%dma_start3A, %dma_start3A_7] : memref<80x128xi32, #tpu.memory_space<vmem>> -> memref<1x128xi32, #tpu.memory_space<vmem>>
    %dma_start3A_9 = tpu.memref_squeeze %dma_start3A_8 : memref<1x128xi32, #tpu.memory_space<vmem>> -> memref<128xi32, #tpu.memory_space<vmem>>
    %dma_start3A_10 = arith.constant 0 : i32
    %dma_start3A_11 = arith.constant 0 : i32
    %dma_start3A_12 = tpu.memref_slice %arg2[%dma_start3A_10, %dma_start3A_11] : memref<10112x128xf32, #tpu.memory_space<hbm>> -> memref<10112x128xf32, #tpu.memory_space<hbm>>
    tpu.enqueue_indirect_dma source(%dma_start3A_12 : memref<10112x128xf32, #tpu.memory_space<hbm>>) target(%arg8 : memref<128x128xf32, #tpu.memory_space<vmem>>) offsets(%dma_start3A_9 : memref<128xi32, #tpu.memory_space<vmem>>) semaphore(%arg13 : memref<!tpu.dma_semaphore, #tpu.memory_space<semaphore_mem>>)
    %dma_start3A_13 = arith.constant 0 : i32
    %dma_start3A_14 = arith.constant 0 : i32
    %dma_start3A_15 = arith.constant 0 : i32
    %dma_start3A_16 = tpu.memref_slice %arg4[%add3A, %dma_start3A_14, %dma_start3A_15] : memref<32x80x128xi32, #tpu.memory_space<hbm>> -> memref<1x80x128xi32, #tpu.memory_space<hbm>>
    %dma_start3A_17 = tpu.memref_squeeze %dma_start3A_16 : memref<1x80x128xi32, #tpu.memory_space<hbm>> -> memref<80x128xi32, #tpu.memory_space<hbm>>
    %dma_start3A_18 = arith.constant 0 : i32
    %dma_start3A_19 = tpu.memref_slice %dma_start3A_17[%dma_start3A_13, %dma_start3A_18] : memref<80x128xi32, #tpu.memory_space<hbm>> -> memref<1x128xi32, #tpu.memory_space<hbm>>
    %dma_start3A_20 = tpu.memref_squeeze %dma_start3A_19 : memref<1x128xi32, #tpu.memory_space<hbm>> -> memref<128xi32, #tpu.memory_space<hbm>>
    %dma_start3A_21 = arith.constant 0 : i32
    %dma_start3A_22 = arith.constant 0 : i32
    %dma_start3A_23 = tpu.memref_slice %arg4[%add3A, %dma_start3A_21, %dma_start3A_22] : memref<32x80x128xi32, #tpu.memory_space<hbm>> -> memref<1x80x128xi32, #tpu.memory_space<hbm>>
    %dma_start3A_24 = tpu.memref_squeeze %dma_start3A_23 : memref<1x80x128xi32, #tpu.memory_space<hbm>> -> memref<80x128xi32, #tpu.memory_space<hbm>>
    %dma_start3A_25 = arith.constant 0 : i32
    %dma_start3A_26 = tpu.memref_slice %dma_start3A_24[%dma_start3A_13, %dma_start3A_25] : memref<80x128xi32, #tpu.memory_space<hbm>> -> memref<1x128xi32, #tpu.memory_space<hbm>>
    %dma_start3A_27 = tpu.memref_squeeze %dma_start3A_26 : memref<1x128xi32, #tpu.memory_space<hbm>> -> memref<128xi32, #tpu.memory_space<hbm>>
    tpu.enqueue_dma source(%dma_start3A_27 : memref<128xi32, #tpu.memory_space<hbm>>) target(%arg10 : memref<128xi32, #tpu.memory_space<vmem>>) target_semaphore(%arg17 : memref<!tpu.dma_semaphore, #tpu.memory_space<semaphore_mem>>)
    %dma_start3A_28 = arith.constant 1 : i32
    %dma_start3A_29 = arith.constant 0 : i32
    %dma_start3A_30 = tpu.memref_slice %arg7[%dma_start3A_28, %dma_start3A_29] : memref<80x128xi32, #tpu.memory_space<vmem>> -> memref<1x128xi32, #tpu.memory_space<vmem>>
    %dma_start3A_31 = tpu.memref_squeeze %dma_start3A_30 : memref<1x128xi32, #tpu.memory_space<vmem>> -> memref<128xi32, #tpu.memory_space<vmem>>
    %dma_start3A_32 = arith.constant 0 : i32
    %dma_start3A_33 = arith.constant 0 : i32
    %dma_start3A_34 = tpu.memref_slice %arg2[%dma_start3A_32, %dma_start3A_33] : memref<10112x128xf32, #tpu.memory_space<hbm>> -> memref<10112x128xf32, #tpu.memory_space<hbm>>
    tpu.enqueue_indirect_dma source(%dma_start3A_34 : memref<10112x128xf32, #tpu.memory_space<hbm>>) target(%arg9 : memref<128x128xf32, #tpu.memory_space<vmem>>) offsets(%dma_start3A_31 : memref<128xi32, #tpu.memory_space<vmem>>) semaphore(%arg14 : memref<!tpu.dma_semaphore, #tpu.memory_space<semaphore_mem>>)
    %dma_start3A_35 = arith.constant 1 : i32
    %dma_start3A_36 = arith.constant 0 : i32
    %dma_start3A_37 = arith.constant 0 : i32
    %dma_start3A_38 = tpu.memref_slice %arg4[%add3A, %dma_start3A_36, %dma_start3A_37] : memref<32x80x128xi32, #tpu.memory_space<hbm>> -> memref<1x80x128xi32, #tpu.memory_space<hbm>>
    %dma_start3A_39 = tpu.memref_squeeze %dma_start3A_38 : memref<1x80x128xi32, #tpu.memory_space<hbm>> -> memref<80x128xi32, #tpu.memory_space<hbm>>
    %dma_start3A_40 = arith.constant 0 : i32
    %dma_start3A_41 = tpu.memref_slice %dma_start3A_39[%dma_start3A_35, %dma_start3A_40] : memref<80x128xi32, #tpu.memory_space<hbm>> -> memref<1x128xi32, #tpu.memory_space<hbm>>
    %dma_start3A_42 = tpu.memref_squeeze %dma_start3A_41 : memref<1x128xi32, #tpu.memory_space<hbm>> -> memref<128xi32, #tpu.memory_space<hbm>>
    %dma_start3A_43 = arith.constant 0 : i32
    %dma_start3A_44 = arith.constant 0 : i32
    %dma_start3A_45 = tpu.memref_slice %arg4[%add3A, %dma_start3A_43, %dma_start3A_44] : memref<32x80x128xi32, #tpu.memory_space<hbm>> -> memref<1x80x128xi32, #tpu.memory_space<hbm>>
    %dma_start3A_46 = tpu.memref_squeeze %dma_start3A_45 : memref<1x80x128xi32, #tpu.memory_space<hbm>> -> memref<80x128xi32, #tpu.memory_space<hbm>>
    %dma_start3A_47 = arith.constant 0 : i32
    %dma_start3A_48 = tpu.memref_slice %dma_start3A_46[%dma_start3A_35, %dma_start3A_47] : memref<80x128xi32, #tpu.memory_space<hbm>> -> memref<1x128xi32, #tpu.memory_space<hbm>>
    %dma_start3A_49 = tpu.memref_squeeze %dma_start3A_48 : memref<1x128xi32, #tpu.memory_space<hbm>> -> memref<128xi32, #tpu.memory_space<hbm>>
    tpu.enqueue_dma source(%dma_start3A_49 : memref<128xi32, #tpu.memory_space<hbm>>) target(%arg11 : memref<128xi32, #tpu.memory_space<vmem>>) target_semaphore(%arg18 : memref<!tpu.dma_semaphore, #tpu.memory_space<semaphore_mem>>)
    %scan3A = arith.constant 0 : i32
    %scan3A_50 = arith.constant 0 : i32
    %scan3A_51 = arith.constant 40 : i32
    %scan3A_52 = arith.addi %scan3A_50, %scan3A_51 : i32
    %scan3A_53 = arith.constant 1 : i32
    scf.for %scan3A_66 = %scan3A_50 to %scan3A_52 step %scan3A_53  : i32 {
      %mul3A_67 = arith.constant 2 : i32
      %mul3A_68 = arith.muli %scan3A_66, %mul3A_67 : i32
      %add3A_69 = arith.constant 0 : i32
      %add3A_70 = arith.addi %mul3A_68, %add3A_69 : i32
      %dma_wait3A = arith.constant 0 : i32
      %dma_wait3A_71 = tpu.memref_slice %arg7[%add3A_70, %dma_wait3A] : memref<80x128xi32, #tpu.memory_space<vmem>> -> memref<1x128xi32, #tpu.memory_space<vmem>>
      %dma_wait3A_72 = tpu.memref_squeeze %dma_wait3A_71 : memref<1x128xi32, #tpu.memory_space<vmem>> -> memref<128xi32, #tpu.memory_space<vmem>>
      %dma_wait3A_73 = arith.constant 0 : i32
      %dma_wait3A_74 = arith.constant 0 : i32
      %dma_wait3A_75 = tpu.memref_slice %arg2[%dma_wait3A_73, %dma_wait3A_74] : memref<10112x128xf32, #tpu.memory_space<hbm>> -> memref<10112x128xf32, #tpu.memory_space<hbm>>
      tpu.wait_indirect_dma semaphore(%arg13 : memref<!tpu.dma_semaphore, #tpu.memory_space<semaphore_mem>>) src(%dma_wait3A_75 : memref<10112x128xf32, #tpu.memory_space<hbm>>) dst(%arg8 : memref<128x128xf32, #tpu.memory_space<vmem>>)
      %dma_wait3A_76 = arith.constant 0 : i32
      %dma_wait3A_77 = arith.constant 0 : i32
      %dma_wait3A_78 = tpu.memref_slice %arg4[%add3A, %dma_wait3A_76, %dma_wait3A_77] : memref<32x80x128xi32, #tpu.memory_space<hbm>> -> memref<1x80x128xi32, #tpu.memory_space<hbm>>
      %dma_wait3A_79 = tpu.memref_squeeze %dma_wait3A_78 : memref<1x80x128xi32, #tpu.memory_space<hbm>> -> memref<80x128xi32, #tpu.memory_space<hbm>>
      %dma_wait3A_80 = arith.constant 0 : i32
      %dma_wait3A_81 = tpu.memref_slice %dma_wait3A_79[%add3A_70, %dma_wait3A_80] : memref<80x128xi32, #tpu.memory_space<hbm>> -> memref<1x128xi32, #tpu.memory_space<hbm>>
      %dma_wait3A_82 = tpu.memref_squeeze %dma_wait3A_81 : memref<1x128xi32, #tpu.memory_space<hbm>> -> memref<128xi32, #tpu.memory_space<hbm>>
      %dma_wait3A_83 = arith.constant 0 : i32
      %dma_wait3A_84 = arith.constant 0 : i32
      %dma_wait3A_85 = tpu.memref_slice %arg4[%add3A, %dma_wait3A_83, %dma_wait3A_84] : memref<32x80x128xi32, #tpu.memory_space<hbm>> -> memref<1x80x128xi32, #tpu.memory_space<hbm>>
      %dma_wait3A_86 = tpu.memref_squeeze %dma_wait3A_85 : memref<1x80x128xi32, #tpu.memory_space<hbm>> -> memref<80x128xi32, #tpu.memory_space<hbm>>
      %dma_wait3A_87 = arith.constant 0 : i32
      %dma_wait3A_88 = tpu.memref_slice %dma_wait3A_86[%add3A_70, %dma_wait3A_87] : memref<80x128xi32, #tpu.memory_space<hbm>> -> memref<1x128xi32, #tpu.memory_space<hbm>>
      %dma_wait3A_89 = tpu.memref_squeeze %dma_wait3A_88 : memref<1x128xi32, #tpu.memory_space<hbm>> -> memref<128xi32, #tpu.memory_space<hbm>>
      tpu.wait_dma2 semaphore(%arg17 : memref<!tpu.dma_semaphore, #tpu.memory_space<semaphore_mem>>) src(%dma_wait3A_89 : memref<128xi32, #tpu.memory_space<hbm>>) dst(%arg10 : memref<128xi32, #tpu.memory_space<vmem>>)
      %dma_start3A_90 = arith.constant 0 : i32
      %dma_start3A_91 = arith.constant 0 : i32
      %dma_start3A_92 = tpu.memref_slice %arg12[%dma_start3A_90, %dma_start3A_91] : memref<10016x128xf32, #tpu.memory_space<vmem_shared>> -> memref<10016x128xf32, #tpu.memory_space<vmem_shared>>
      tpu.enqueue_indirect_dma source(%arg8 : memref<128x128xf32, #tpu.memory_space<vmem>>) target(%dma_start3A_92 : memref<10016x128xf32, #tpu.memory_space<vmem_shared>>) offsets(%arg10 : memref<128xi32, #tpu.memory_space<vmem>>) semaphore(%arg15 : memref<!tpu.dma_semaphore, #tpu.memory_space<semaphore_mem>>) {add = true}
      %add3A_93 = arith.constant 1 : i32
      %add3A_94 = arith.addi %mul3A_68, %add3A_93 : i32
      %dma_wait3A_95 = arith.constant 0 : i32
      %dma_wait3A_96 = tpu.memref_slice %arg7[%add3A_94, %dma_wait3A_95] : memref<80x128xi32, #tpu.memory_space<vmem>> -> memref<1x128xi32, #tpu.memory_space<vmem>>
      %dma_wait3A_97 = tpu.memref_squeeze %dma_wait3A_96 : memref<1x128xi32, #tpu.memory_space<vmem>> -> memref<128xi32, #tpu.memory_space<vmem>>
      %dma_wait3A_98 = arith.constant 0 : i32
      %dma_wait3A_99 = arith.constant 0 : i32
      %dma_wait3A_100 = tpu.memref_slice %arg2[%dma_wait3A_98, %dma_wait3A_99] : memref<10112x128xf32, #tpu.memory_space<hbm>> -> memref<10112x128xf32, #tpu.memory_space<hbm>>
      tpu.wait_indirect_dma semaphore(%arg14 : memref<!tpu.dma_semaphore, #tpu.memory_space<semaphore_mem>>) src(%dma_wait3A_100 : memref<10112x128xf32, #tpu.memory_space<hbm>>) dst(%arg9 : memref<128x128xf32, #tpu.memory_space<vmem>>)
      %dma_wait3A_101 = arith.constant 0 : i32
      %dma_wait3A_102 = arith.constant 0 : i32
      %dma_wait3A_103 = tpu.memref_slice %arg4[%add3A, %dma_wait3A_101, %dma_wait3A_102] : memref<32x80x128xi32, #tpu.memory_space<hbm>> -> memref<1x80x128xi32, #tpu.memory_space<hbm>>
      %dma_wait3A_104 = tpu.memref_squeeze %dma_wait3A_103 : memref<1x80x128xi32, #tpu.memory_space<hbm>> -> memref<80x128xi32, #tpu.memory_space<hbm>>
      %dma_wait3A_105 = arith.constant 0 : i32
      %dma_wait3A_106 = tpu.memref_slice %dma_wait3A_104[%add3A_94, %dma_wait3A_105] : memref<80x128xi32, #tpu.memory_space<hbm>> -> memref<1x128xi32, #tpu.memory_space<hbm>>
      %dma_wait3A_107 = tpu.memref_squeeze %dma_wait3A_106 : memref<1x128xi32, #tpu.memory_space<hbm>> -> memref<128xi32, #tpu.memory_space<hbm>>
      %dma_wait3A_108 = arith.constant 0 : i32
      %dma_wait3A_109 = arith.constant 0 : i32
      %dma_wait3A_110 = tpu.memref_slice %arg4[%add3A, %dma_wait3A_108, %dma_wait3A_109] : memref<32x80x128xi32, #tpu.memory_space<hbm>> -> memref<1x80x128xi32, #tpu.memory_space<hbm>>
      %dma_wait3A_111 = tpu.memref_squeeze %dma_wait3A_110 : memref<1x80x128xi32, #tpu.memory_space<hbm>> -> memref<80x128xi32, #tpu.memory_space<hbm>>
      %dma_wait3A_112 = arith.constant 0 : i32
      %dma_wait3A_113 = tpu.memref_slice %dma_wait3A_111[%add3A_94, %dma_wait3A_112] : memref<80x128xi32, #tpu.memory_space<hbm>> -> memref<1x128xi32, #tpu.memory_space<hbm>>
      %dma_wait3A_114 = tpu.memref_squeeze %dma_wait3A_113 : memref<1x128xi32, #tpu.memory_space<hbm>> -> memref<128xi32, #tpu.memory_space<hbm>>
      tpu.wait_dma2 semaphore(%arg18 : memref<!tpu.dma_semaphore, #tpu.memory_space<semaphore_mem>>) src(%dma_wait3A_114 : memref<128xi32, #tpu.memory_space<hbm>>) dst(%arg11 : memref<128xi32, #tpu.memory_space<vmem>>)
      %dma_start3A_115 = arith.constant 0 : i32
      %dma_start3A_116 = arith.constant 0 : i32
      %dma_start3A_117 = tpu.memref_slice %arg12[%dma_start3A_115, %dma_start3A_116] : memref<10016x128xf32, #tpu.memory_space<vmem_shared>> -> memref<10016x128xf32, #tpu.memory_space<vmem_shared>>
      tpu.enqueue_indirect_dma source(%arg9 : memref<128x128xf32, #tpu.memory_space<vmem>>) target(%dma_start3A_117 : memref<10016x128xf32, #tpu.memory_space<vmem_shared>>) offsets(%arg11 : memref<128xi32, #tpu.memory_space<vmem>>) semaphore(%arg16 : memref<!tpu.dma_semaphore, #tpu.memory_space<semaphore_mem>>) {add = true}
      %add3A_118 = arith.constant 0 : i32
      %add3A_119 = arith.addi %mul3A_68, %add3A_118 : i32
      %dma_wait3A_120 = arith.constant 0 : i32
      %dma_wait3A_121 = arith.constant 0 : i32
      %dma_wait3A_122 = tpu.memref_slice %arg12[%dma_wait3A_120, %dma_wait3A_121] : memref<10016x128xf32, #tpu.memory_space<vmem_shared>> -> memref<10016x128xf32, #tpu.memory_space<vmem_shared>>
      tpu.wait_indirect_dma semaphore(%arg15 : memref<!tpu.dma_semaphore, #tpu.memory_space<semaphore_mem>>) src(%arg8 : memref<128x128xf32, #tpu.memory_space<vmem>>) dst(%dma_wait3A_122 : memref<10016x128xf32, #tpu.memory_space<vmem_shared>>)
      %add3A_123 = arith.constant 2 : i32
      %add3A_124 = arith.addi %add3A_119, %add3A_123 : i32
      %lt3A_125 = arith.constant 80 : i32
      %lt3A_126 = arith.cmpi slt, %add3A_124, %lt3A_125 : i32
      %convert_element_type3A_127 = arith.extui %lt3A_126 : i1 to i32
      %cond3A_128 = arith.constant 0 : i32
      %cond3A_129 = arith.cmpi ne, %convert_element_type3A_127, %cond3A_128 : i32
      scf.if %cond3A_129 {
        %dma_start3A_142 = arith.constant 0 : i32
        %dma_start3A_143 = tpu.memref_slice %arg7[%add3A_124, %dma_start3A_142] : memref<80x128xi32, #tpu.memory_space<vmem>> -> memref<1x128xi32, #tpu.memory_space<vmem>>
        %dma_start3A_144 = tpu.memref_squeeze %dma_start3A_143 : memref<1x128xi32, #tpu.memory_space<vmem>> -> memref<128xi32, #tpu.memory_space<vmem>>
        %dma_start3A_145 = arith.constant 0 : i32
        %dma_start3A_146 = arith.constant 0 : i32
        %dma_start3A_147 = tpu.memref_slice %arg2[%dma_start3A_145, %dma_start3A_146] : memref<10112x128xf32, #tpu.memory_space<hbm>> -> memref<10112x128xf32, #tpu.memory_space<hbm>>
        tpu.enqueue_indirect_dma source(%dma_start3A_147 : memref<10112x128xf32, #tpu.memory_space<hbm>>) target(%arg8 : memref<128x128xf32, #tpu.memory_space<vmem>>) offsets(%dma_start3A_144 : memref<128xi32, #tpu.memory_space<vmem>>) semaphore(%arg13 : memref<!tpu.dma_semaphore, #tpu.memory_space<semaphore_mem>>)
        %dma_start3A_148 = arith.constant 0 : i32
        %dma_start3A_149 = arith.constant 0 : i32
        %dma_start3A_150 = tpu.memref_slice %arg4[%add3A, %dma_start3A_148, %dma_start3A_149] : memref<32x80x128xi32, #tpu.memory_space<hbm>> -> memref<1x80x128xi32, #tpu.memory_space<hbm>>
        %dma_start3A_151 = tpu.memref_squeeze %dma_start3A_150 : memref<1x80x128xi32, #tpu.memory_space<hbm>> -> memref<80x128xi32, #tpu.memory_space<hbm>>
        %dma_start3A_152 = arith.constant 0 : i32
        %dma_start3A_153 = tpu.memref_slice %dma_start3A_151[%add3A_124, %dma_start3A_152] : memref<80x128xi32, #tpu.memory_space<hbm>> -> memref<1x128xi32, #tpu.memory_space<hbm>>
        %dma_start3A_154 = tpu.memref_squeeze %dma_start3A_153 : memref<1x128xi32, #tpu.memory_space<hbm>> -> memref<128xi32, #tpu.memory_space<hbm>>
        %dma_start3A_155 = arith.constant 0 : i32
        %dma_start3A_156 = arith.constant 0 : i32
        %dma_start3A_157 = tpu.memref_slice %arg4[%add3A, %dma_start3A_155, %dma_start3A_156] : memref<32x80x128xi32, #tpu.memory_space<hbm>> -> memref<1x80x128xi32, #tpu.memory_space<hbm>>
        %dma_start3A_158 = tpu.memref_squeeze %dma_start3A_157 : memref<1x80x128xi32, #tpu.memory_space<hbm>> -> memref<80x128xi32, #tpu.memory_space<hbm>>
        %dma_start3A_159 = arith.constant 0 : i32
        %dma_start3A_160 = tpu.memref_slice %dma_start3A_158[%add3A_124, %dma_start3A_159] : memref<80x128xi32, #tpu.memory_space<hbm>> -> memref<1x128xi32, #tpu.memory_space<hbm>>
        %dma_start3A_161 = tpu.memref_squeeze %dma_start3A_160 : memref<1x128xi32, #tpu.memory_space<hbm>> -> memref<128xi32, #tpu.memory_space<hbm>>
        tpu.enqueue_dma source(%dma_start3A_161 : memref<128xi32, #tpu.memory_space<hbm>>) target(%arg10 : memref<128xi32, #tpu.memory_space<vmem>>) target_semaphore(%arg17 : memref<!tpu.dma_semaphore, #tpu.memory_space<semaphore_mem>>)
      } else {
      }
      %add3A_130 = arith.constant 1 : i32
      %add3A_131 = arith.addi %mul3A_68, %add3A_130 : i32
      %dma_wait3A_132 = arith.constant 0 : i32
      %dma_wait3A_133 = arith.constant 0 : i32
      %dma_wait3A_134 = tpu.memref_slice %arg12[%dma_wait3A_132, %dma_wait3A_133] : memref<10016x128xf32, #tpu.memory_space<vmem_shared>> -> memref<10016x128xf32, #tpu.memory_space<vmem_shared>>
      tpu.wait_indirect_dma semaphore(%arg16 : memref<!tpu.dma_semaphore, #tpu.memory_space<semaphore_mem>>) src(%arg9 : memref<128x128xf32, #tpu.memory_space<vmem>>) dst(%dma_wait3A_134 : memref<10016x128xf32, #tpu.memory_space<vmem_shared>>)
      %add3A_135 = arith.constant 2 : i32
      %add3A_136 = arith.addi %add3A_131, %add3A_135 : i32
      %lt3A_137 = arith.constant 80 : i32
      %lt3A_138 = arith.cmpi slt, %add3A_136, %lt3A_137 : i32
      %convert_element_type3A_139 = arith.extui %lt3A_138 : i1 to i32
      %cond3A_140 = arith.constant 0 : i32
      %cond3A_141 = arith.cmpi ne, %convert_element_type3A_139, %cond3A_140 : i32
      scf.if %cond3A_141 {
        %dma_start3A_142 = arith.constant 0 : i32
        %dma_start3A_143 = tpu.memref_slice %arg7[%add3A_136, %dma_start3A_142] : memref<80x128xi32, #tpu.memory_space<vmem>> -> memref<1x128xi32, #tpu.memory_space<vmem>>
        %dma_start3A_144 = tpu.memref_squeeze %dma_start3A_143 : memref<1x128xi32, #tpu.memory_space<vmem>> -> memref<128xi32, #tpu.memory_space<vmem>>
        %dma_start3A_145 = arith.constant 0 : i32
        %dma_start3A_146 = arith.constant 0 : i32
        %dma_start3A_147 = tpu.memref_slice %arg2[%dma_start3A_145, %dma_start3A_146] : memref<10112x128xf32, #tpu.memory_space<hbm>> -> memref<10112x128xf32, #tpu.memory_space<hbm>>
        tpu.enqueue_indirect_dma source(%dma_start3A_147 : memref<10112x128xf32, #tpu.memory_space<hbm>>) target(%arg9 : memref<128x128xf32, #tpu.memory_space<vmem>>) offsets(%dma_start3A_144 : memref<128xi32, #tpu.memory_space<vmem>>) semaphore(%arg14 : memref<!tpu.dma_semaphore, #tpu.memory_space<semaphore_mem>>)
        %dma_start3A_148 = arith.constant 0 : i32
        %dma_start3A_149 = arith.constant 0 : i32
        %dma_start3A_150 = tpu.memref_slice %arg4[%add3A, %dma_start3A_148, %dma_start3A_149] : memref<32x80x128xi32, #tpu.memory_space<hbm>> -> memref<1x80x128xi32, #tpu.memory_space<hbm>>
        %dma_start3A_151 = tpu.memref_squeeze %dma_start3A_150 : memref<1x80x128xi32, #tpu.memory_space<hbm>> -> memref<80x128xi32, #tpu.memory_space<hbm>>
        %dma_start3A_152 = arith.constant 0 : i32
        %dma_start3A_153 = tpu.memref_slice %dma_start3A_151[%add3A_136, %dma_start3A_152] : memref<80x128xi32, #tpu.memory_space<hbm>> -> memref<1x128xi32, #tpu.memory_space<hbm>>
        %dma_start3A_154 = tpu.memref_squeeze %dma_start3A_153 : memref<1x128xi32, #tpu.memory_space<hbm>> -> memref<128xi32, #tpu.memory_space<hbm>>
        %dma_start3A_155 = arith.constant 0 : i32
        %dma_start3A_156 = arith.constant 0 : i32
        %dma_start3A_157 = tpu.memref_slice %arg4[%add3A, %dma_start3A_155, %dma_start3A_156] : memref<32x80x128xi32, #tpu.memory_space<hbm>> -> memref<1x80x128xi32, #tpu.memory_space<hbm>>
        %dma_start3A_158 = tpu.memref_squeeze %dma_start3A_157 : memref<1x80x128xi32, #tpu.memory_space<hbm>> -> memref<80x128xi32, #tpu.memory_space<hbm>>
        %dma_start3A_159 = arith.constant 0 : i32
        %dma_start3A_160 = tpu.memref_slice %dma_start3A_158[%add3A_136, %dma_start3A_159] : memref<80x128xi32, #tpu.memory_space<hbm>> -> memref<1x128xi32, #tpu.memory_space<hbm>>
        %dma_start3A_161 = tpu.memref_squeeze %dma_start3A_160 : memref<1x128xi32, #tpu.memory_space<hbm>> -> memref<128xi32, #tpu.memory_space<hbm>>
        tpu.enqueue_dma source(%dma_start3A_161 : memref<128xi32, #tpu.memory_space<hbm>>) target(%arg11 : memref<128xi32, #tpu.memory_space<vmem>>) target_semaphore(%arg18 : memref<!tpu.dma_semaphore, #tpu.memory_space<semaphore_mem>>)
      } else {
      }
    }
    %scan3A_54 = arith.constant 40 : i32
    %barrier3A_55 = arith.constant 0 : index
    tpu.barrier barrier_id(%barrier3A_55)
    %lt3A_56 = arith.constant 15 : i32
    %lt3A_57 = arith.cmpi slt, %arg1, %lt3A_56 : i32
    %convert_element_type3A_58 = arith.extui %lt3A_57 : i1 to i32
    %cond3A_59 = arith.constant 0 : i32
    %cond3A_60 = arith.cmpi ne, %convert_element_type3A_58, %cond3A_59 : i32
    scf.if %cond3A_60 {
      %mul3A_66 = arith.constant 632 : i32
      %mul3A_67 = arith.muli %arg1, %mul3A_66 : i32
      %mul3A_68 = arith.constant 632 : i32
      %mul3A_69 = arith.muli %arg1, %mul3A_68 : i32
      "tpu.region"() ({
        %run_scoped3A = tpu.sem_alloc : memref<!tpu.dma_semaphore, #tpu.memory_space<semaphore_mem>>
        %dma_start3A_70 = arith.constant 0 : i32
        %dma_start3A_71 = arith.constant 0 : i32
        %dma_start3A_72 = tpu.memref_slice %arg6[%arg0, %dma_start3A_70, %dma_start3A_71] : memref<2x10112x128xf32, #tpu.memory_space<hbm>> -> memref<1x10112x128xf32, #tpu.memory_space<hbm>>
        %dma_start3A_73 = tpu.memref_squeeze %dma_start3A_72 : memref<1x10112x128xf32, #tpu.memory_space<hbm>> -> memref<10112x128xf32, #tpu.memory_space<hbm>>
        %dma_start3A_74 = arith.constant 0 : i32
        %dma_start3A_75 = tpu.memref_slice %dma_start3A_73[%mul3A_69, %dma_start3A_74] : memref<10112x128xf32, #tpu.memory_space<hbm>> -> memref<632x128xf32, #tpu.memory_space<hbm>>
        %dma_start3A_76 = arith.constant 0 : i32
        %dma_start3A_77 = tpu.memref_slice %arg12[%mul3A_67, %dma_start3A_76] : memref<10016x128xf32, #tpu.memory_space<vmem_shared>> -> memref<632x128xf32, #tpu.memory_space<vmem_shared>>
        tpu.enqueue_dma source(%dma_start3A_77 : memref<632x128xf32, #tpu.memory_space<vmem_shared>>) target(%dma_start3A_75 : memref<632x128xf32, #tpu.memory_space<hbm>>) target_semaphore(%run_scoped3A : memref<!tpu.dma_semaphore, #tpu.memory_space<semaphore_mem>>)
        %dma_wait3A = arith.constant 0 : i32
        %dma_wait3A_78 = arith.constant 0 : i32
        %dma_wait3A_79 = tpu.memref_slice %arg6[%arg0, %dma_wait3A, %dma_wait3A_78] : memref<2x10112x128xf32, #tpu.memory_space<hbm>> -> memref<1x10112x128xf32, #tpu.memory_space<hbm>>
        %dma_wait3A_80 = tpu.memref_squeeze %dma_wait3A_79 : memref<1x10112x128xf32, #tpu.memory_space<hbm>> -> memref<10112x128xf32, #tpu.memory_space<hbm>>
        %dma_wait3A_81 = arith.constant 0 : i32
        %dma_wait3A_82 = tpu.memref_slice %dma_wait3A_80[%mul3A_69, %dma_wait3A_81] : memref<10112x128xf32, #tpu.memory_space<hbm>> -> memref<632x128xf32, #tpu.memory_space<hbm>>
        %dma_wait3A_83 = arith.constant 0 : i32
        %dma_wait3A_84 = tpu.memref_slice %arg12[%mul3A_67, %dma_wait3A_83] : memref<10016x128xf32, #tpu.memory_space<vmem_shared>> -> memref<632x128xf32, #tpu.memory_space<vmem_shared>>
        tpu.wait_dma2 semaphore(%run_scoped3A : memref<!tpu.dma_semaphore, #tpu.memory_space<semaphore_mem>>) src(%dma_wait3A_84 : memref<632x128xf32, #tpu.memory_space<vmem_shared>>) dst(%dma_wait3A_82 : memref<632x128xf32, #tpu.memory_space<hbm>>)
        tpu.yield
      }) : () -> ()
    } else {
    }
    %eq3A_61 = arith.constant 15 : i32
    %eq3A_62 = arith.cmpi eq, %arg1, %eq3A_61 : i32
    %convert_element_type3A_63 = arith.extui %eq3A_62 : i1 to i32
    %cond3A_64 = arith.constant 0 : i32
    %cond3A_65 = arith.cmpi ne, %convert_element_type3A_63, %cond3A_64 : i32
    scf.if %cond3A_65 {
      "tpu.region"() ({
        %run_scoped3A = tpu.sem_alloc : memref<!tpu.dma_semaphore, #tpu.memory_space<semaphore_mem>>
        %dma_start3A_66 = arith.constant 0 : i32
        %dma_start3A_67 = arith.constant 0 : i32
        %dma_start3A_68 = tpu.memref_slice %arg6[%arg0, %dma_start3A_66, %dma_start3A_67] : memref<2x10112x128xf32, #tpu.memory_space<hbm>> -> memref<1x10112x128xf32, #tpu.memory_space<hbm>>
        %dma_start3A_69 = tpu.memref_squeeze %dma_start3A_68 : memref<1x10112x128xf32, #tpu.memory_space<hbm>> -> memref<10112x128xf32, #tpu.memory_space<hbm>>
        %dma_start3A_70 = arith.constant 9480 : i32
        %dma_start3A_71 = arith.constant 0 : i32
        %dma_start3A_72 = tpu.memref_slice %dma_start3A_69[%dma_start3A_70, %dma_start3A_71] : memref<10112x128xf32, #tpu.memory_space<hbm>> -> memref<536x128xf32, #tpu.memory_space<hbm>>
        %dma_start3A_73 = arith.constant 9480 : i32
        %dma_start3A_74 = arith.constant 0 : i32
        %dma_start3A_75 = tpu.memref_slice %arg12[%dma_start3A_73, %dma_start3A_74] : memref<10016x128xf32, #tpu.memory_space<vmem_shared>> -> memref<536x128xf32, #tpu.memory_space<vmem_shared>>
        tpu.enqueue_dma source(%dma_start3A_75 : memref<536x128xf32, #tpu.memory_space<vmem_shared>>) target(%dma_start3A_72 : memref<536x128xf32, #tpu.memory_space<hbm>>) target_semaphore(%run_scoped3A : memref<!tpu.dma_semaphore, #tpu.memory_space<semaphore_mem>>)
        %dma_wait3A = arith.constant 0 : i32
        %dma_wait3A_76 = arith.constant 0 : i32
        %dma_wait3A_77 = tpu.memref_slice %arg6[%arg0, %dma_wait3A, %dma_wait3A_76] : memref<2x10112x128xf32, #tpu.memory_space<hbm>> -> memref<1x10112x128xf32, #tpu.memory_space<hbm>>
        %dma_wait3A_78 = tpu.memref_squeeze %dma_wait3A_77 : memref<1x10112x128xf32, #tpu.memory_space<hbm>> -> memref<10112x128xf32, #tpu.memory_space<hbm>>
        %dma_wait3A_79 = arith.constant 9480 : i32
        %dma_wait3A_80 = arith.constant 0 : i32
        %dma_wait3A_81 = tpu.memref_slice %dma_wait3A_78[%dma_wait3A_79, %dma_wait3A_80] : memref<10112x128xf32, #tpu.memory_space<hbm>> -> memref<536x128xf32, #tpu.memory_space<hbm>>
        %dma_wait3A_82 = arith.constant 9480 : i32
        %dma_wait3A_83 = arith.constant 0 : i32
        %dma_wait3A_84 = tpu.memref_slice %arg12[%dma_wait3A_82, %dma_wait3A_83] : memref<10016x128xf32, #tpu.memory_space<vmem_shared>> -> memref<536x128xf32, #tpu.memory_space<vmem_shared>>
        tpu.wait_dma2 semaphore(%run_scoped3A : memref<!tpu.dma_semaphore, #tpu.memory_space<semaphore_mem>>) src(%dma_wait3A_84 : memref<536x128xf32, #tpu.memory_space<vmem_shared>>) dst(%dma_wait3A_81 : memref<536x128xf32, #tpu.memory_space<hbm>>)
        tpu.yield
      }) : () -> ()
    } else {
    }
    return
  }
}

#map = affine_map<(d0, d1) -> (0, 0, 0)>
#map1 = affine_map<(d0, d1) -> (0, 0)>
module attributes {stable_mosaic.version = 14 : i64} {
  func.func @deg(%arg0: i32, %arg1: i32, %arg2: memref<32x80x128xi32, #tpu.memory_space<hbm>>, %arg3: memref<128x128xf32, #tpu.memory_space<hbm>>, %arg4: memref<10112x128xf32, #tpu.memory_space<hbm>>, %arg5: memref<2x10112x128xf32, #tpu.memory_space<hbm>>, %arg6: memref<128xi32, #tpu.memory_space<vmem>>, %arg7: memref<128xi32, #tpu.memory_space<vmem>>, %arg8: memref<128x128xf32, #tpu.memory_space<vmem>>, %arg9: memref<10016x128xf32, #tpu.memory_space<vmem_shared>>, %arg10: memref<!tpu.dma_semaphore, #tpu.memory_space<semaphore_mem>>, %arg11: memref<!tpu.dma_semaphore, #tpu.memory_space<semaphore_mem>>, %arg12: memref<!tpu.dma_semaphore, #tpu.memory_space<semaphore_mem>>, %arg13: memref<!tpu.dma_semaphore, #tpu.memory_space<semaphore_mem>>) attributes {dimension_semantics = [#tpu.dimension_semantics<core_parallel>, #tpu.dimension_semantics<subcore_parallel>], iteration_bounds = array<i64: 2, 16>, scalar_prefetch = 0 : i64, scratch_operands = 8 : i64, tpu.core_type = #tpu.core_type<sc_vector_subcore>, window_params = [{transform_indices = #map}, {transform_indices = #map1}, {transform_indices = #map1}, {transform_indices = #map}]} {
    %mul3A = arith.constant 2 : i32
    %mul3A_0 = arith.muli %arg1, %mul3A : i32
    %add3A = arith.addi %mul3A_0, %arg0 : i32
    "tpu.region"() ({
      %run_scoped3A = tpu.sem_alloc : memref<!tpu.dma_semaphore, #tpu.memory_space<semaphore_mem>>
      tpu.enqueue_dma source(%arg3 : memref<128x128xf32, #tpu.memory_space<hbm>>) target(%arg8 : memref<128x128xf32, #tpu.memory_space<vmem>>) target_semaphore(%run_scoped3A : memref<!tpu.dma_semaphore, #tpu.memory_space<semaphore_mem>>)
      tpu.wait_dma2 semaphore(%run_scoped3A : memref<!tpu.dma_semaphore, #tpu.memory_space<semaphore_mem>>) src(%arg3 : memref<128x128xf32, #tpu.memory_space<hbm>>) dst(%arg8 : memref<128x128xf32, #tpu.memory_space<vmem>>)
      tpu.yield
    }) : () -> ()
    %lt3A = arith.constant 15 : i32
    %lt3A_1 = arith.cmpi slt, %arg1, %lt3A : i32
    %convert_element_type3A = arith.extui %lt3A_1 : i1 to i32
    %cond3A = arith.constant 0 : i32
    %cond3A_2 = arith.cmpi ne, %convert_element_type3A, %cond3A : i32
    scf.if %cond3A_2 {
      %mul3A_52 = arith.constant 632 : i32
      %mul3A_53 = arith.muli %arg1, %mul3A_52 : i32
      %mul3A_54 = arith.constant 632 : i32
      %mul3A_55 = arith.muli %arg1, %mul3A_54 : i32
      "tpu.region"() ({
        %run_scoped3A = tpu.sem_alloc : memref<!tpu.dma_semaphore, #tpu.memory_space<semaphore_mem>>
        %dma_start3A_56 = arith.constant 0 : i32
        %dma_start3A_57 = tpu.memref_slice %arg9[%mul3A_55, %dma_start3A_56] : memref<10016x128xf32, #tpu.memory_space<vmem_shared>> -> memref<632x128xf32, #tpu.memory_space<vmem_shared>>
        %dma_start3A_58 = arith.constant 0 : i32
        %dma_start3A_59 = tpu.memref_slice %arg4[%mul3A_53, %dma_start3A_58] : memref<10112x128xf32, #tpu.memory_space<hbm>> -> memref<632x128xf32, #tpu.memory_space<hbm>>
        tpu.enqueue_dma source(%dma_start3A_59 : memref<632x128xf32, #tpu.memory_space<hbm>>) target(%dma_start3A_57 : memref<632x128xf32, #tpu.memory_space<vmem_shared>>) target_semaphore(%run_scoped3A : memref<!tpu.dma_semaphore, #tpu.memory_space<semaphore_mem>>)
        %dma_wait3A = arith.constant 0 : i32
        %dma_wait3A_60 = tpu.memref_slice %arg9[%mul3A_55, %dma_wait3A] : memref<10016x128xf32, #tpu.memory_space<vmem_shared>> -> memref<632x128xf32, #tpu.memory_space<vmem_shared>>
        %dma_wait3A_61 = arith.constant 0 : i32
        %dma_wait3A_62 = tpu.memref_slice %arg4[%mul3A_53, %dma_wait3A_61] : memref<10112x128xf32, #tpu.memory_space<hbm>> -> memref<632x128xf32, #tpu.memory_space<hbm>>
        tpu.wait_dma2 semaphore(%run_scoped3A : memref<!tpu.dma_semaphore, #tpu.memory_space<semaphore_mem>>) src(%dma_wait3A_62 : memref<632x128xf32, #tpu.memory_space<hbm>>) dst(%dma_wait3A_60 : memref<632x128xf32, #tpu.memory_space<vmem_shared>>)
        tpu.yield
      }) : () -> ()
    } else {
    }
    %eq3A = arith.constant 15 : i32
    %eq3A_3 = arith.cmpi eq, %arg1, %eq3A : i32
    %convert_element_type3A_4 = arith.extui %eq3A_3 : i1 to i32
    %cond3A_5 = arith.constant 0 : i32
    %cond3A_6 = arith.cmpi ne, %convert_element_type3A_4, %cond3A_5 : i32
    scf.if %cond3A_6 {
      "tpu.region"() ({
        %run_scoped3A = tpu.sem_alloc : memref<!tpu.dma_semaphore, #tpu.memory_space<semaphore_mem>>
        %dma_start3A_52 = arith.constant 9480 : i32
        %dma_start3A_53 = arith.constant 0 : i32
        %dma_start3A_54 = tpu.memref_slice %arg9[%dma_start3A_52, %dma_start3A_53] : memref<10016x128xf32, #tpu.memory_space<vmem_shared>> -> memref<536x128xf32, #tpu.memory_space<vmem_shared>>
        %dma_start3A_55 = arith.constant 9480 : i32
        %dma_start3A_56 = arith.constant 0 : i32
        %dma_start3A_57 = tpu.memref_slice %arg4[%dma_start3A_55, %dma_start3A_56] : memref<10112x128xf32, #tpu.memory_space<hbm>> -> memref<536x128xf32, #tpu.memory_space<hbm>>
        tpu.enqueue_dma source(%dma_start3A_57 : memref<536x128xf32, #tpu.memory_space<hbm>>) target(%dma_start3A_54 : memref<536x128xf32, #tpu.memory_space<vmem_shared>>) target_semaphore(%run_scoped3A : memref<!tpu.dma_semaphore, #tpu.memory_space<semaphore_mem>>)
        %dma_wait3A = arith.constant 9480 : i32
        %dma_wait3A_58 = arith.constant 0 : i32
        %dma_wait3A_59 = tpu.memref_slice %arg9[%dma_wait3A, %dma_wait3A_58] : memref<10016x128xf32, #tpu.memory_space<vmem_shared>> -> memref<536x128xf32, #tpu.memory_space<vmem_shared>>
        %dma_wait3A_60 = arith.constant 9480 : i32
        %dma_wait3A_61 = arith.constant 0 : i32
        %dma_wait3A_62 = tpu.memref_slice %arg4[%dma_wait3A_60, %dma_wait3A_61] : memref<10112x128xf32, #tpu.memory_space<hbm>> -> memref<536x128xf32, #tpu.memory_space<hbm>>
        tpu.wait_dma2 semaphore(%run_scoped3A : memref<!tpu.dma_semaphore, #tpu.memory_space<semaphore_mem>>) src(%dma_wait3A_62 : memref<536x128xf32, #tpu.memory_space<hbm>>) dst(%dma_wait3A_59 : memref<536x128xf32, #tpu.memory_space<vmem_shared>>)
        tpu.yield
      }) : () -> ()
    } else {
    }
    %barrier3A = arith.constant 0 : index
    tpu.barrier barrier_id(%barrier3A)
    %dma_start3A = arith.constant 0 : i32
    %dma_start3A_7 = arith.constant 0 : i32
    %dma_start3A_8 = arith.constant 0 : i32
    %dma_start3A_9 = tpu.memref_slice %arg2[%add3A, %dma_start3A_7, %dma_start3A_8] : memref<32x80x128xi32, #tpu.memory_space<hbm>> -> memref<1x80x128xi32, #tpu.memory_space<hbm>>
    %dma_start3A_10 = tpu.memref_squeeze %dma_start3A_9 : memref<1x80x128xi32, #tpu.memory_space<hbm>> -> memref<80x128xi32, #tpu.memory_space<hbm>>
    %dma_start3A_11 = arith.constant 0 : i32
    %dma_start3A_12 = tpu.memref_slice %dma_start3A_10[%dma_start3A, %dma_start3A_11] : memref<80x128xi32, #tpu.memory_space<hbm>> -> memref<1x128xi32, #tpu.memory_space<hbm>>
    %dma_start3A_13 = tpu.memref_squeeze %dma_start3A_12 : memref<1x128xi32, #tpu.memory_space<hbm>> -> memref<128xi32, #tpu.memory_space<hbm>>
    %dma_start3A_14 = arith.constant 0 : i32
    %dma_start3A_15 = arith.constant 0 : i32
    %dma_start3A_16 = tpu.memref_slice %arg2[%add3A, %dma_start3A_14, %dma_start3A_15] : memref<32x80x128xi32, #tpu.memory_space<hbm>> -> memref<1x80x128xi32, #tpu.memory_space<hbm>>
    %dma_start3A_17 = tpu.memref_squeeze %dma_start3A_16 : memref<1x80x128xi32, #tpu.memory_space<hbm>> -> memref<80x128xi32, #tpu.memory_space<hbm>>
    %dma_start3A_18 = arith.constant 0 : i32
    %dma_start3A_19 = tpu.memref_slice %dma_start3A_17[%dma_start3A, %dma_start3A_18] : memref<80x128xi32, #tpu.memory_space<hbm>> -> memref<1x128xi32, #tpu.memory_space<hbm>>
    %dma_start3A_20 = tpu.memref_squeeze %dma_start3A_19 : memref<1x128xi32, #tpu.memory_space<hbm>> -> memref<128xi32, #tpu.memory_space<hbm>>
    tpu.enqueue_dma source(%dma_start3A_20 : memref<128xi32, #tpu.memory_space<hbm>>) target(%arg6 : memref<128xi32, #tpu.memory_space<vmem>>) target_semaphore(%arg12 : memref<!tpu.dma_semaphore, #tpu.memory_space<semaphore_mem>>)
    %dma_start3A_21 = arith.constant 1 : i32
    %dma_start3A_22 = arith.constant 0 : i32
    %dma_start3A_23 = arith.constant 0 : i32
    %dma_start3A_24 = tpu.memref_slice %arg2[%add3A, %dma_start3A_22, %dma_start3A_23] : memref<32x80x128xi32, #tpu.memory_space<hbm>> -> memref<1x80x128xi32, #tpu.memory_space<hbm>>
    %dma_start3A_25 = tpu.memref_squeeze %dma_start3A_24 : memref<1x80x128xi32, #tpu.memory_space<hbm>> -> memref<80x128xi32, #tpu.memory_space<hbm>>
    %dma_start3A_26 = arith.constant 0 : i32
    %dma_start3A_27 = tpu.memref_slice %dma_start3A_25[%dma_start3A_21, %dma_start3A_26] : memref<80x128xi32, #tpu.memory_space<hbm>> -> memref<1x128xi32, #tpu.memory_space<hbm>>
    %dma_start3A_28 = tpu.memref_squeeze %dma_start3A_27 : memref<1x128xi32, #tpu.memory_space<hbm>> -> memref<128xi32, #tpu.memory_space<hbm>>
    %dma_start3A_29 = arith.constant 0 : i32
    %dma_start3A_30 = arith.constant 0 : i32
    %dma_start3A_31 = tpu.memref_slice %arg2[%add3A, %dma_start3A_29, %dma_start3A_30] : memref<32x80x128xi32, #tpu.memory_space<hbm>> -> memref<1x80x128xi32, #tpu.memory_space<hbm>>
    %dma_start3A_32 = tpu.memref_squeeze %dma_start3A_31 : memref<1x80x128xi32, #tpu.memory_space<hbm>> -> memref<80x128xi32, #tpu.memory_space<hbm>>
    %dma_start3A_33 = arith.constant 0 : i32
    %dma_start3A_34 = tpu.memref_slice %dma_start3A_32[%dma_start3A_21, %dma_start3A_33] : memref<80x128xi32, #tpu.memory_space<hbm>> -> memref<1x128xi32, #tpu.memory_space<hbm>>
    %dma_start3A_35 = tpu.memref_squeeze %dma_start3A_34 : memref<1x128xi32, #tpu.memory_space<hbm>> -> memref<128xi32, #tpu.memory_space<hbm>>
    tpu.enqueue_dma source(%dma_start3A_35 : memref<128xi32, #tpu.memory_space<hbm>>) target(%arg7 : memref<128xi32, #tpu.memory_space<vmem>>) target_semaphore(%arg13 : memref<!tpu.dma_semaphore, #tpu.memory_space<semaphore_mem>>)
    %scan3A = arith.constant 0 : i32
    %scan3A_36 = arith.constant 0 : i32
    %scan3A_37 = arith.constant 40 : i32
    %scan3A_38 = arith.addi %scan3A_36, %scan3A_37 : i32
    %scan3A_39 = arith.constant 1 : i32
    scf.for %scan3A_52 = %scan3A_36 to %scan3A_38 step %scan3A_39  : i32 {
      %mul3A_53 = arith.constant 2 : i32
      %mul3A_54 = arith.muli %scan3A_52, %mul3A_53 : i32
      %add3A_55 = arith.constant 0 : i32
      %add3A_56 = arith.addi %mul3A_54, %add3A_55 : i32
      %dma_wait3A = arith.constant 0 : i32
      %dma_wait3A_57 = arith.constant 0 : i32
      %dma_wait3A_58 = tpu.memref_slice %arg2[%add3A, %dma_wait3A, %dma_wait3A_57] : memref<32x80x128xi32, #tpu.memory_space<hbm>> -> memref<1x80x128xi32, #tpu.memory_space<hbm>>
      %dma_wait3A_59 = tpu.memref_squeeze %dma_wait3A_58 : memref<1x80x128xi32, #tpu.memory_space<hbm>> -> memref<80x128xi32, #tpu.memory_space<hbm>>
      %dma_wait3A_60 = arith.constant 0 : i32
      %dma_wait3A_61 = tpu.memref_slice %dma_wait3A_59[%add3A_56, %dma_wait3A_60] : memref<80x128xi32, #tpu.memory_space<hbm>> -> memref<1x128xi32, #tpu.memory_space<hbm>>
      %dma_wait3A_62 = tpu.memref_squeeze %dma_wait3A_61 : memref<1x128xi32, #tpu.memory_space<hbm>> -> memref<128xi32, #tpu.memory_space<hbm>>
      %dma_wait3A_63 = arith.constant 0 : i32
      %dma_wait3A_64 = arith.constant 0 : i32
      %dma_wait3A_65 = tpu.memref_slice %arg2[%add3A, %dma_wait3A_63, %dma_wait3A_64] : memref<32x80x128xi32, #tpu.memory_space<hbm>> -> memref<1x80x128xi32, #tpu.memory_space<hbm>>
      %dma_wait3A_66 = tpu.memref_squeeze %dma_wait3A_65 : memref<1x80x128xi32, #tpu.memory_space<hbm>> -> memref<80x128xi32, #tpu.memory_space<hbm>>
      %dma_wait3A_67 = arith.constant 0 : i32
      %dma_wait3A_68 = tpu.memref_slice %dma_wait3A_66[%add3A_56, %dma_wait3A_67] : memref<80x128xi32, #tpu.memory_space<hbm>> -> memref<1x128xi32, #tpu.memory_space<hbm>>
      %dma_wait3A_69 = tpu.memref_squeeze %dma_wait3A_68 : memref<1x128xi32, #tpu.memory_space<hbm>> -> memref<128xi32, #tpu.memory_space<hbm>>
      tpu.wait_dma2 semaphore(%arg12 : memref<!tpu.dma_semaphore, #tpu.memory_space<semaphore_mem>>) src(%dma_wait3A_69 : memref<128xi32, #tpu.memory_space<hbm>>) dst(%arg6 : memref<128xi32, #tpu.memory_space<vmem>>)
      %dma_start3A_70 = arith.constant 0 : i32
      %dma_start3A_71 = arith.constant 0 : i32
      %dma_start3A_72 = tpu.memref_slice %arg9[%dma_start3A_70, %dma_start3A_71] : memref<10016x128xf32, #tpu.memory_space<vmem_shared>> -> memref<10016x128xf32, #tpu.memory_space<vmem_shared>>
      tpu.enqueue_indirect_dma source(%arg8 : memref<128x128xf32, #tpu.memory_space<vmem>>) target(%dma_start3A_72 : memref<10016x128xf32, #tpu.memory_space<vmem_shared>>) offsets(%arg6 : memref<128xi32, #tpu.memory_space<vmem>>) semaphore(%arg10 : memref<!tpu.dma_semaphore, #tpu.memory_space<semaphore_mem>>) {add = true}
      %add3A_73 = arith.constant 1 : i32
      %add3A_74 = arith.addi %mul3A_54, %add3A_73 : i32
      %dma_wait3A_75 = arith.constant 0 : i32
      %dma_wait3A_76 = arith.constant 0 : i32
      %dma_wait3A_77 = tpu.memref_slice %arg2[%add3A, %dma_wait3A_75, %dma_wait3A_76] : memref<32x80x128xi32, #tpu.memory_space<hbm>> -> memref<1x80x128xi32, #tpu.memory_space<hbm>>
      %dma_wait3A_78 = tpu.memref_squeeze %dma_wait3A_77 : memref<1x80x128xi32, #tpu.memory_space<hbm>> -> memref<80x128xi32, #tpu.memory_space<hbm>>
      %dma_wait3A_79 = arith.constant 0 : i32
      %dma_wait3A_80 = tpu.memref_slice %dma_wait3A_78[%add3A_74, %dma_wait3A_79] : memref<80x128xi32, #tpu.memory_space<hbm>> -> memref<1x128xi32, #tpu.memory_space<hbm>>
      %dma_wait3A_81 = tpu.memref_squeeze %dma_wait3A_80 : memref<1x128xi32, #tpu.memory_space<hbm>> -> memref<128xi32, #tpu.memory_space<hbm>>
      %dma_wait3A_82 = arith.constant 0 : i32
      %dma_wait3A_83 = arith.constant 0 : i32
      %dma_wait3A_84 = tpu.memref_slice %arg2[%add3A, %dma_wait3A_82, %dma_wait3A_83] : memref<32x80x128xi32, #tpu.memory_space<hbm>> -> memref<1x80x128xi32, #tpu.memory_space<hbm>>
      %dma_wait3A_85 = tpu.memref_squeeze %dma_wait3A_84 : memref<1x80x128xi32, #tpu.memory_space<hbm>> -> memref<80x128xi32, #tpu.memory_space<hbm>>
      %dma_wait3A_86 = arith.constant 0 : i32
      %dma_wait3A_87 = tpu.memref_slice %dma_wait3A_85[%add3A_74, %dma_wait3A_86] : memref<80x128xi32, #tpu.memory_space<hbm>> -> memref<1x128xi32, #tpu.memory_space<hbm>>
      %dma_wait3A_88 = tpu.memref_squeeze %dma_wait3A_87 : memref<1x128xi32, #tpu.memory_space<hbm>> -> memref<128xi32, #tpu.memory_space<hbm>>
      tpu.wait_dma2 semaphore(%arg13 : memref<!tpu.dma_semaphore, #tpu.memory_space<semaphore_mem>>) src(%dma_wait3A_88 : memref<128xi32, #tpu.memory_space<hbm>>) dst(%arg7 : memref<128xi32, #tpu.memory_space<vmem>>)
      %dma_start3A_89 = arith.constant 0 : i32
      %dma_start3A_90 = arith.constant 0 : i32
      %dma_start3A_91 = tpu.memref_slice %arg9[%dma_start3A_89, %dma_start3A_90] : memref<10016x128xf32, #tpu.memory_space<vmem_shared>> -> memref<10016x128xf32, #tpu.memory_space<vmem_shared>>
      tpu.enqueue_indirect_dma source(%arg8 : memref<128x128xf32, #tpu.memory_space<vmem>>) target(%dma_start3A_91 : memref<10016x128xf32, #tpu.memory_space<vmem_shared>>) offsets(%arg7 : memref<128xi32, #tpu.memory_space<vmem>>) semaphore(%arg11 : memref<!tpu.dma_semaphore, #tpu.memory_space<semaphore_mem>>) {add = true}
      %add3A_92 = arith.constant 0 : i32
      %add3A_93 = arith.addi %mul3A_54, %add3A_92 : i32
      %dma_wait3A_94 = arith.constant 0 : i32
      %dma_wait3A_95 = arith.constant 0 : i32
      %dma_wait3A_96 = tpu.memref_slice %arg9[%dma_wait3A_94, %dma_wait3A_95] : memref<10016x128xf32, #tpu.memory_space<vmem_shared>> -> memref<10016x128xf32, #tpu.memory_space<vmem_shared>>
      tpu.wait_indirect_dma semaphore(%arg10 : memref<!tpu.dma_semaphore, #tpu.memory_space<semaphore_mem>>) src(%arg8 : memref<128x128xf32, #tpu.memory_space<vmem>>) dst(%dma_wait3A_96 : memref<10016x128xf32, #tpu.memory_space<vmem_shared>>)
      %add3A_97 = arith.constant 2 : i32
      %add3A_98 = arith.addi %add3A_93, %add3A_97 : i32
      %lt3A_99 = arith.constant 80 : i32
      %lt3A_100 = arith.cmpi slt, %add3A_98, %lt3A_99 : i32
      %convert_element_type3A_101 = arith.extui %lt3A_100 : i1 to i32
      %cond3A_102 = arith.constant 0 : i32
      %cond3A_103 = arith.cmpi ne, %convert_element_type3A_101, %cond3A_102 : i32
      scf.if %cond3A_103 {
        %dma_start3A_116 = arith.constant 0 : i32
        %dma_start3A_117 = arith.constant 0 : i32
        %dma_start3A_118 = tpu.memref_slice %arg2[%add3A, %dma_start3A_116, %dma_start3A_117] : memref<32x80x128xi32, #tpu.memory_space<hbm>> -> memref<1x80x128xi32, #tpu.memory_space<hbm>>
        %dma_start3A_119 = tpu.memref_squeeze %dma_start3A_118 : memref<1x80x128xi32, #tpu.memory_space<hbm>> -> memref<80x128xi32, #tpu.memory_space<hbm>>
        %dma_start3A_120 = arith.constant 0 : i32
        %dma_start3A_121 = tpu.memref_slice %dma_start3A_119[%add3A_98, %dma_start3A_120] : memref<80x128xi32, #tpu.memory_space<hbm>> -> memref<1x128xi32, #tpu.memory_space<hbm>>
        %dma_start3A_122 = tpu.memref_squeeze %dma_start3A_121 : memref<1x128xi32, #tpu.memory_space<hbm>> -> memref<128xi32, #tpu.memory_space<hbm>>
        %dma_start3A_123 = arith.constant 0 : i32
        %dma_start3A_124 = arith.constant 0 : i32
        %dma_start3A_125 = tpu.memref_slice %arg2[%add3A, %dma_start3A_123, %dma_start3A_124] : memref<32x80x128xi32, #tpu.memory_space<hbm>> -> memref<1x80x128xi32, #tpu.memory_space<hbm>>
        %dma_start3A_126 = tpu.memref_squeeze %dma_start3A_125 : memref<1x80x128xi32, #tpu.memory_space<hbm>> -> memref<80x128xi32, #tpu.memory_space<hbm>>
        %dma_start3A_127 = arith.constant 0 : i32
        %dma_start3A_128 = tpu.memref_slice %dma_start3A_126[%add3A_98, %dma_start3A_127] : memref<80x128xi32, #tpu.memory_space<hbm>> -> memref<1x128xi32, #tpu.memory_space<hbm>>
        %dma_start3A_129 = tpu.memref_squeeze %dma_start3A_128 : memref<1x128xi32, #tpu.memory_space<hbm>> -> memref<128xi32, #tpu.memory_space<hbm>>
        tpu.enqueue_dma source(%dma_start3A_129 : memref<128xi32, #tpu.memory_space<hbm>>) target(%arg6 : memref<128xi32, #tpu.memory_space<vmem>>) target_semaphore(%arg12 : memref<!tpu.dma_semaphore, #tpu.memory_space<semaphore_mem>>)
      } else {
      }
      %add3A_104 = arith.constant 1 : i32
      %add3A_105 = arith.addi %mul3A_54, %add3A_104 : i32
      %dma_wait3A_106 = arith.constant 0 : i32
      %dma_wait3A_107 = arith.constant 0 : i32
      %dma_wait3A_108 = tpu.memref_slice %arg9[%dma_wait3A_106, %dma_wait3A_107] : memref<10016x128xf32, #tpu.memory_space<vmem_shared>> -> memref<10016x128xf32, #tpu.memory_space<vmem_shared>>
      tpu.wait_indirect_dma semaphore(%arg11 : memref<!tpu.dma_semaphore, #tpu.memory_space<semaphore_mem>>) src(%arg8 : memref<128x128xf32, #tpu.memory_space<vmem>>) dst(%dma_wait3A_108 : memref<10016x128xf32, #tpu.memory_space<vmem_shared>>)
      %add3A_109 = arith.constant 2 : i32
      %add3A_110 = arith.addi %add3A_105, %add3A_109 : i32
      %lt3A_111 = arith.constant 80 : i32
      %lt3A_112 = arith.cmpi slt, %add3A_110, %lt3A_111 : i32
      %convert_element_type3A_113 = arith.extui %lt3A_112 : i1 to i32
      %cond3A_114 = arith.constant 0 : i32
      %cond3A_115 = arith.cmpi ne, %convert_element_type3A_113, %cond3A_114 : i32
      scf.if %cond3A_115 {
        %dma_start3A_116 = arith.constant 0 : i32
        %dma_start3A_117 = arith.constant 0 : i32
        %dma_start3A_118 = tpu.memref_slice %arg2[%add3A, %dma_start3A_116, %dma_start3A_117] : memref<32x80x128xi32, #tpu.memory_space<hbm>> -> memref<1x80x128xi32, #tpu.memory_space<hbm>>
        %dma_start3A_119 = tpu.memref_squeeze %dma_start3A_118 : memref<1x80x128xi32, #tpu.memory_space<hbm>> -> memref<80x128xi32, #tpu.memory_space<hbm>>
        %dma_start3A_120 = arith.constant 0 : i32
        %dma_start3A_121 = tpu.memref_slice %dma_start3A_119[%add3A_110, %dma_start3A_120] : memref<80x128xi32, #tpu.memory_space<hbm>> -> memref<1x128xi32, #tpu.memory_space<hbm>>
        %dma_start3A_122 = tpu.memref_squeeze %dma_start3A_121 : memref<1x128xi32, #tpu.memory_space<hbm>> -> memref<128xi32, #tpu.memory_space<hbm>>
        %dma_start3A_123 = arith.constant 0 : i32
        %dma_start3A_124 = arith.constant 0 : i32
        %dma_start3A_125 = tpu.memref_slice %arg2[%add3A, %dma_start3A_123, %dma_start3A_124] : memref<32x80x128xi32, #tpu.memory_space<hbm>> -> memref<1x80x128xi32, #tpu.memory_space<hbm>>
        %dma_start3A_126 = tpu.memref_squeeze %dma_start3A_125 : memref<1x80x128xi32, #tpu.memory_space<hbm>> -> memref<80x128xi32, #tpu.memory_space<hbm>>
        %dma_start3A_127 = arith.constant 0 : i32
        %dma_start3A_128 = tpu.memref_slice %dma_start3A_126[%add3A_110, %dma_start3A_127] : memref<80x128xi32, #tpu.memory_space<hbm>> -> memref<1x128xi32, #tpu.memory_space<hbm>>
        %dma_start3A_129 = tpu.memref_squeeze %dma_start3A_128 : memref<1x128xi32, #tpu.memory_space<hbm>> -> memref<128xi32, #tpu.memory_space<hbm>>
        tpu.enqueue_dma source(%dma_start3A_129 : memref<128xi32, #tpu.memory_space<hbm>>) target(%arg7 : memref<128xi32, #tpu.memory_space<vmem>>) target_semaphore(%arg13 : memref<!tpu.dma_semaphore, #tpu.memory_space<semaphore_mem>>)
      } else {
      }
    }
    %scan3A_40 = arith.constant 40 : i32
    %barrier3A_41 = arith.constant 0 : index
    tpu.barrier barrier_id(%barrier3A_41)
    %lt3A_42 = arith.constant 15 : i32
    %lt3A_43 = arith.cmpi slt, %arg1, %lt3A_42 : i32
    %convert_element_type3A_44 = arith.extui %lt3A_43 : i1 to i32
    %cond3A_45 = arith.constant 0 : i32
    %cond3A_46 = arith.cmpi ne, %convert_element_type3A_44, %cond3A_45 : i32
    scf.if %cond3A_46 {
      %mul3A_52 = arith.constant 632 : i32
      %mul3A_53 = arith.muli %arg1, %mul3A_52 : i32
      %mul3A_54 = arith.constant 632 : i32
      %mul3A_55 = arith.muli %arg1, %mul3A_54 : i32
      "tpu.region"() ({
        %run_scoped3A = tpu.sem_alloc : memref<!tpu.dma_semaphore, #tpu.memory_space<semaphore_mem>>
        %dma_start3A_56 = arith.constant 0 : i32
        %dma_start3A_57 = arith.constant 0 : i32
        %dma_start3A_58 = tpu.memref_slice %arg5[%arg0, %dma_start3A_56, %dma_start3A_57] : memref<2x10112x128xf32, #tpu.memory_space<hbm>> -> memref<1x10112x128xf32, #tpu.memory_space<hbm>>
        %dma_start3A_59 = tpu.memref_squeeze %dma_start3A_58 : memref<1x10112x128xf32, #tpu.memory_space<hbm>> -> memref<10112x128xf32, #tpu.memory_space<hbm>>
        %dma_start3A_60 = arith.constant 0 : i32
        %dma_start3A_61 = tpu.memref_slice %dma_start3A_59[%mul3A_55, %dma_start3A_60] : memref<10112x128xf32, #tpu.memory_space<hbm>> -> memref<632x128xf32, #tpu.memory_space<hbm>>
        %dma_start3A_62 = arith.constant 0 : i32
        %dma_start3A_63 = tpu.memref_slice %arg9[%mul3A_53, %dma_start3A_62] : memref<10016x128xf32, #tpu.memory_space<vmem_shared>> -> memref<632x128xf32, #tpu.memory_space<vmem_shared>>
        tpu.enqueue_dma source(%dma_start3A_63 : memref<632x128xf32, #tpu.memory_space<vmem_shared>>) target(%dma_start3A_61 : memref<632x128xf32, #tpu.memory_space<hbm>>) target_semaphore(%run_scoped3A : memref<!tpu.dma_semaphore, #tpu.memory_space<semaphore_mem>>)
        %dma_wait3A = arith.constant 0 : i32
        %dma_wait3A_64 = arith.constant 0 : i32
        %dma_wait3A_65 = tpu.memref_slice %arg5[%arg0, %dma_wait3A, %dma_wait3A_64] : memref<2x10112x128xf32, #tpu.memory_space<hbm>> -> memref<1x10112x128xf32, #tpu.memory_space<hbm>>
        %dma_wait3A_66 = tpu.memref_squeeze %dma_wait3A_65 : memref<1x10112x128xf32, #tpu.memory_space<hbm>> -> memref<10112x128xf32, #tpu.memory_space<hbm>>
        %dma_wait3A_67 = arith.constant 0 : i32
        %dma_wait3A_68 = tpu.memref_slice %dma_wait3A_66[%mul3A_55, %dma_wait3A_67] : memref<10112x128xf32, #tpu.memory_space<hbm>> -> memref<632x128xf32, #tpu.memory_space<hbm>>
        %dma_wait3A_69 = arith.constant 0 : i32
        %dma_wait3A_70 = tpu.memref_slice %arg9[%mul3A_53, %dma_wait3A_69] : memref<10016x128xf32, #tpu.memory_space<vmem_shared>> -> memref<632x128xf32, #tpu.memory_space<vmem_shared>>
        tpu.wait_dma2 semaphore(%run_scoped3A : memref<!tpu.dma_semaphore, #tpu.memory_space<semaphore_mem>>) src(%dma_wait3A_70 : memref<632x128xf32, #tpu.memory_space<vmem_shared>>) dst(%dma_wait3A_68 : memref<632x128xf32, #tpu.memory_space<hbm>>)
        tpu.yield
      }) : () -> ()
    } else {
    }
    %eq3A_47 = arith.constant 15 : i32
    %eq3A_48 = arith.cmpi eq, %arg1, %eq3A_47 : i32
    %convert_element_type3A_49 = arith.extui %eq3A_48 : i1 to i32
    %cond3A_50 = arith.constant 0 : i32
    %cond3A_51 = arith.cmpi ne, %convert_element_type3A_49, %cond3A_50 : i32
    scf.if %cond3A_51 {
      "tpu.region"() ({
        %run_scoped3A = tpu.sem_alloc : memref<!tpu.dma_semaphore, #tpu.memory_space<semaphore_mem>>
        %dma_start3A_52 = arith.constant 0 : i32
        %dma_start3A_53 = arith.constant 0 : i32
        %dma_start3A_54 = tpu.memref_slice %arg5[%arg0, %dma_start3A_52, %dma_start3A_53] : memref<2x10112x128xf32, #tpu.memory_space<hbm>> -> memref<1x10112x128xf32, #tpu.memory_space<hbm>>
        %dma_start3A_55 = tpu.memref_squeeze %dma_start3A_54 : memref<1x10112x128xf32, #tpu.memory_space<hbm>> -> memref<10112x128xf32, #tpu.memory_space<hbm>>
        %dma_start3A_56 = arith.constant 9480 : i32
        %dma_start3A_57 = arith.constant 0 : i32
        %dma_start3A_58 = tpu.memref_slice %dma_start3A_55[%dma_start3A_56, %dma_start3A_57] : memref<10112x128xf32, #tpu.memory_space<hbm>> -> memref<536x128xf32, #tpu.memory_space<hbm>>
        %dma_start3A_59 = arith.constant 9480 : i32
        %dma_start3A_60 = arith.constant 0 : i32
        %dma_start3A_61 = tpu.memref_slice %arg9[%dma_start3A_59, %dma_start3A_60] : memref<10016x128xf32, #tpu.memory_space<vmem_shared>> -> memref<536x128xf32, #tpu.memory_space<vmem_shared>>
        tpu.enqueue_dma source(%dma_start3A_61 : memref<536x128xf32, #tpu.memory_space<vmem_shared>>) target(%dma_start3A_58 : memref<536x128xf32, #tpu.memory_space<hbm>>) target_semaphore(%run_scoped3A : memref<!tpu.dma_semaphore, #tpu.memory_space<semaphore_mem>>)
        %dma_wait3A = arith.constant 0 : i32
        %dma_wait3A_62 = arith.constant 0 : i32
        %dma_wait3A_63 = tpu.memref_slice %arg5[%arg0, %dma_wait3A, %dma_wait3A_62] : memref<2x10112x128xf32, #tpu.memory_space<hbm>> -> memref<1x10112x128xf32, #tpu.memory_space<hbm>>
        %dma_wait3A_64 = tpu.memref_squeeze %dma_wait3A_63 : memref<1x10112x128xf32, #tpu.memory_space<hbm>> -> memref<10112x128xf32, #tpu.memory_space<hbm>>
        %dma_wait3A_65 = arith.constant 9480 : i32
        %dma_wait3A_66 = arith.constant 0 : i32
        %dma_wait3A_67 = tpu.memref_slice %dma_wait3A_64[%dma_wait3A_65, %dma_wait3A_66] : memref<10112x128xf32, #tpu.memory_space<hbm>> -> memref<536x128xf32, #tpu.memory_space<hbm>>
        %dma_wait3A_68 = arith.constant 9480 : i32
        %dma_wait3A_69 = arith.constant 0 : i32
        %dma_wait3A_70 = tpu.memref_slice %arg9[%dma_wait3A_68, %dma_wait3A_69] : memref<10016x128xf32, #tpu.memory_space<vmem_shared>> -> memref<536x128xf32, #tpu.memory_space<vmem_shared>>
        tpu.wait_dma2 semaphore(%run_scoped3A : memref<!tpu.dma_semaphore, #tpu.memory_space<semaphore_mem>>) src(%dma_wait3A_70 : memref<536x128xf32, #tpu.memory_space<vmem_shared>>) dst(%dma_wait3A_67 : memref<536x128xf32, #tpu.memory_space<hbm>>)
        tpu.yield
      }) : () -> ()
    } else {
    }
    return
  }
}

#map = affine_map<(d0, d1) -> (0, 0)>
#map1 = affine_map<(d0, d1) -> (0, 0, 0)>
module attributes {stable_mosaic.version = 14 : i64} {
  func.func @seg(%arg0: i32, %arg1: i32, %arg2: memref<10112x128xf32, #tpu.memory_space<hbm>>, %arg3: memref<32x80x128xi32, #tpu.memory_space<hbm>>, %arg4: memref<32x80x128xi32, #tpu.memory_space<hbm>>, %arg5: memref<10112x128xf32, #tpu.memory_space<hbm>>, %arg6: memref<2x10112x128xf32, #tpu.memory_space<hbm>>, %arg7: memref<80x128xi32, #tpu.memory_space<vmem>>, %arg8: memref<128x128xf32, #tpu.memory_space<vmem>>, %arg9: memref<128x128xf32, #tpu.memory_space<vmem>>, %arg10: memref<128xi32, #tpu.memory_space<vmem>>, %arg11: memref<128xi32, #tpu.memory_space<vmem>>, %arg12: memref<10016x128xf32, #tpu.memory_space<vmem_shared>>, %arg13: memref<!tpu.dma_semaphore, #tpu.memory_space<semaphore_mem>>, %arg14: memref<!tpu.dma_semaphore, #tpu.memory_space<semaphore_mem>>, %arg15: memref<!tpu.dma_semaphore, #tpu.memory_space<semaphore_mem>>, %arg16: memref<!tpu.dma_semaphore, #tpu.memory_space<semaphore_mem>>, %arg17: memref<!tpu.dma_semaphore, #tpu.memory_space<semaphore_mem>>, %arg18: memref<!tpu.dma_semaphore, #tpu.memory_space<semaphore_mem>>) attributes {dimension_semantics = [#tpu.dimension_semantics<core_parallel>, #tpu.dimension_semantics<subcore_parallel>], iteration_bounds = array<i64: 2, 16>, scalar_prefetch = 0 : i64, scratch_operands = 12 : i64, tpu.core_type = #tpu.core_type<sc_vector_subcore>, window_params = [{transform_indices = #map}, {transform_indices = #map1}, {transform_indices = #map1}, {transform_indices = #map}, {transform_indices = #map1}]} {
    %mul3A = arith.constant 2 : i32
    %mul3A_0 = arith.muli %arg1, %mul3A : i32
    %add3A = arith.addi %mul3A_0, %arg0 : i32
    "tpu.region"() ({
      %run_scoped3A = tpu.sem_alloc : memref<!tpu.dma_semaphore, #tpu.memory_space<semaphore_mem>>
      %dma_start3A_66 = arith.constant 0 : i32
      %dma_start3A_67 = arith.constant 0 : i32
      %dma_start3A_68 = tpu.memref_slice %arg3[%add3A, %dma_start3A_66, %dma_start3A_67] : memref<32x80x128xi32, #tpu.memory_space<hbm>> -> memref<1x80x128xi32, #tpu.memory_space<hbm>>
      %dma_start3A_69 = tpu.memref_squeeze %dma_start3A_68 : memref<1x80x128xi32, #tpu.memory_space<hbm>> -> memref<80x128xi32, #tpu.memory_space<hbm>>
      %dma_start3A_70 = arith.constant 0 : i32
      %dma_start3A_71 = arith.constant 0 : i32
      %dma_start3A_72 = tpu.memref_slice %arg3[%add3A, %dma_start3A_70, %dma_start3A_71] : memref<32x80x128xi32, #tpu.memory_space<hbm>> -> memref<1x80x128xi32, #tpu.memory_space<hbm>>
      %dma_start3A_73 = tpu.memref_squeeze %dma_start3A_72 : memref<1x80x128xi32, #tpu.memory_space<hbm>> -> memref<80x128xi32, #tpu.memory_space<hbm>>
      tpu.enqueue_dma source(%dma_start3A_73 : memref<80x128xi32, #tpu.memory_space<hbm>>) target(%arg7 : memref<80x128xi32, #tpu.memory_space<vmem>>) target_semaphore(%run_scoped3A : memref<!tpu.dma_semaphore, #tpu.memory_space<semaphore_mem>>)
      %dma_wait3A = arith.constant 0 : i32
      %dma_wait3A_74 = arith.constant 0 : i32
      %dma_wait3A_75 = tpu.memref_slice %arg3[%add3A, %dma_wait3A, %dma_wait3A_74] : memref<32x80x128xi32, #tpu.memory_space<hbm>> -> memref<1x80x128xi32, #tpu.memory_space<hbm>>
      %dma_wait3A_76 = tpu.memref_squeeze %dma_wait3A_75 : memref<1x80x128xi32, #tpu.memory_space<hbm>> -> memref<80x128xi32, #tpu.memory_space<hbm>>
      %dma_wait3A_77 = arith.constant 0 : i32
      %dma_wait3A_78 = arith.constant 0 : i32
      %dma_wait3A_79 = tpu.memref_slice %arg3[%add3A, %dma_wait3A_77, %dma_wait3A_78] : memref<32x80x128xi32, #tpu.memory_space<hbm>> -> memref<1x80x128xi32, #tpu.memory_space<hbm>>
      %dma_wait3A_80 = tpu.memref_squeeze %dma_wait3A_79 : memref<1x80x128xi32, #tpu.memory_space<hbm>> -> memref<80x128xi32, #tpu.memory_space<hbm>>
      tpu.wait_dma2 semaphore(%run_scoped3A : memref<!tpu.dma_semaphore, #tpu.memory_space<semaphore_mem>>) src(%dma_wait3A_80 : memref<80x128xi32, #tpu.memory_space<hbm>>) dst(%arg7 : memref<80x128xi32, #tpu.memory_space<vmem>>)
      tpu.yield
    }) : () -> ()
    %lt3A = arith.constant 15 : i32
    %lt3A_1 = arith.cmpi slt, %arg1, %lt3A : i32
    %convert_element_type3A = arith.extui %lt3A_1 : i1 to i32
    %cond3A = arith.constant 0 : i32
    %cond3A_2 = arith.cmpi ne, %convert_element_type3A, %cond3A : i32
    scf.if %cond3A_2 {
      %mul3A_66 = arith.constant 632 : i32
      %mul3A_67 = arith.muli %arg1, %mul3A_66 : i32
      %mul3A_68 = arith.constant 632 : i32
      %mul3A_69 = arith.muli %arg1, %mul3A_68 : i32
      "tpu.region"() ({
        %run_scoped3A = tpu.sem_alloc : memref<!tpu.dma_semaphore, #tpu.memory_space<semaphore_mem>>
        %dma_start3A_70 = arith.constant 0 : i32
        %dma_start3A_71 = tpu.memref_slice %arg12[%mul3A_69, %dma_start3A_70] : memref<10016x128xf32, #tpu.memory_space<vmem_shared>> -> memref<632x128xf32, #tpu.memory_space<vmem_shared>>
        %dma_start3A_72 = arith.constant 0 : i32
        %dma_start3A_73 = tpu.memref_slice %arg5[%mul3A_67, %dma_start3A_72] : memref<10112x128xf32, #tpu.memory_space<hbm>> -> memref<632x128xf32, #tpu.memory_space<hbm>>
        tpu.enqueue_dma source(%dma_start3A_73 : memref<632x128xf32, #tpu.memory_space<hbm>>) target(%dma_start3A_71 : memref<632x128xf32, #tpu.memory_space<vmem_shared>>) target_semaphore(%run_scoped3A : memref<!tpu.dma_semaphore, #tpu.memory_space<semaphore_mem>>)
        %dma_wait3A = arith.constant 0 : i32
        %dma_wait3A_74 = tpu.memref_slice %arg12[%mul3A_69, %dma_wait3A] : memref<10016x128xf32, #tpu.memory_space<vmem_shared>> -> memref<632x128xf32, #tpu.memory_space<vmem_shared>>
        %dma_wait3A_75 = arith.constant 0 : i32
        %dma_wait3A_76 = tpu.memref_slice %arg5[%mul3A_67, %dma_wait3A_75] : memref<10112x128xf32, #tpu.memory_space<hbm>> -> memref<632x128xf32, #tpu.memory_space<hbm>>
        tpu.wait_dma2 semaphore(%run_scoped3A : memref<!tpu.dma_semaphore, #tpu.memory_space<semaphore_mem>>) src(%dma_wait3A_76 : memref<632x128xf32, #tpu.memory_space<hbm>>) dst(%dma_wait3A_74 : memref<632x128xf32, #tpu.memory_space<vmem_shared>>)
        tpu.yield
      }) : () -> ()
    } else {
    }
    %eq3A = arith.constant 15 : i32
    %eq3A_3 = arith.cmpi eq, %arg1, %eq3A : i32
    %convert_element_type3A_4 = arith.extui %eq3A_3 : i1 to i32
    %cond3A_5 = arith.constant 0 : i32
    %cond3A_6 = arith.cmpi ne, %convert_element_type3A_4, %cond3A_5 : i32
    scf.if %cond3A_6 {
      "tpu.region"() ({
        %run_scoped3A = tpu.sem_alloc : memref<!tpu.dma_semaphore, #tpu.memory_space<semaphore_mem>>
        %dma_start3A_66 = arith.constant 9480 : i32
        %dma_start3A_67 = arith.constant 0 : i32
        %dma_start3A_68 = tpu.memref_slice %arg12[%dma_start3A_66, %dma_start3A_67] : memref<10016x128xf32, #tpu.memory_space<vmem_shared>> -> memref<536x128xf32, #tpu.memory_space<vmem_shared>>
        %dma_start3A_69 = arith.constant 9480 : i32
        %dma_start3A_70 = arith.constant 0 : i32
        %dma_start3A_71 = tpu.memref_slice %arg5[%dma_start3A_69, %dma_start3A_70] : memref<10112x128xf32, #tpu.memory_space<hbm>> -> memref<536x128xf32, #tpu.memory_space<hbm>>
        tpu.enqueue_dma source(%dma_start3A_71 : memref<536x128xf32, #tpu.memory_space<hbm>>) target(%dma_start3A_68 : memref<536x128xf32, #tpu.memory_space<vmem_shared>>) target_semaphore(%run_scoped3A : memref<!tpu.dma_semaphore, #tpu.memory_space<semaphore_mem>>)
        %dma_wait3A = arith.constant 9480 : i32
        %dma_wait3A_72 = arith.constant 0 : i32
        %dma_wait3A_73 = tpu.memref_slice %arg12[%dma_wait3A, %dma_wait3A_72] : memref<10016x128xf32, #tpu.memory_space<vmem_shared>> -> memref<536x128xf32, #tpu.memory_space<vmem_shared>>
        %dma_wait3A_74 = arith.constant 9480 : i32
        %dma_wait3A_75 = arith.constant 0 : i32
        %dma_wait3A_76 = tpu.memref_slice %arg5[%dma_wait3A_74, %dma_wait3A_75] : memref<10112x128xf32, #tpu.memory_space<hbm>> -> memref<536x128xf32, #tpu.memory_space<hbm>>
        tpu.wait_dma2 semaphore(%run_scoped3A : memref<!tpu.dma_semaphore, #tpu.memory_space<semaphore_mem>>) src(%dma_wait3A_76 : memref<536x128xf32, #tpu.memory_space<hbm>>) dst(%dma_wait3A_73 : memref<536x128xf32, #tpu.memory_space<vmem_shared>>)
        tpu.yield
      }) : () -> ()
    } else {
    }
    %barrier3A = arith.constant 0 : index
    tpu.barrier barrier_id(%barrier3A)
    %dma_start3A = arith.constant 0 : i32
    %dma_start3A_7 = arith.constant 0 : i32
    %dma_start3A_8 = tpu.memref_slice %arg7[%dma_start3A, %dma_start3A_7] : memref<80x128xi32, #tpu.memory_space<vmem>> -> memref<1x128xi32, #tpu.memory_space<vmem>>
    %dma_start3A_9 = tpu.memref_squeeze %dma_start3A_8 : memref<1x128xi32, #tpu.memory_space<vmem>> -> memref<128xi32, #tpu.memory_space<vmem>>
    %dma_start3A_10 = arith.constant 0 : i32
    %dma_start3A_11 = arith.constant 0 : i32
    %dma_start3A_12 = tpu.memref_slice %arg2[%dma_start3A_10, %dma_start3A_11] : memref<10112x128xf32, #tpu.memory_space<hbm>> -> memref<10112x128xf32, #tpu.memory_space<hbm>>
    tpu.enqueue_indirect_dma source(%dma_start3A_12 : memref<10112x128xf32, #tpu.memory_space<hbm>>) target(%arg8 : memref<128x128xf32, #tpu.memory_space<vmem>>) offsets(%dma_start3A_9 : memref<128xi32, #tpu.memory_space<vmem>>) semaphore(%arg13 : memref<!tpu.dma_semaphore, #tpu.memory_space<semaphore_mem>>)
    %dma_start3A_13 = arith.constant 0 : i32
    %dma_start3A_14 = arith.constant 0 : i32
    %dma_start3A_15 = arith.constant 0 : i32
    %dma_start3A_16 = tpu.memref_slice %arg4[%add3A, %dma_start3A_14, %dma_start3A_15] : memref<32x80x128xi32, #tpu.memory_space<hbm>> -> memref<1x80x128xi32, #tpu.memory_space<hbm>>
    %dma_start3A_17 = tpu.memref_squeeze %dma_start3A_16 : memref<1x80x128xi32, #tpu.memory_space<hbm>> -> memref<80x128xi32, #tpu.memory_space<hbm>>
    %dma_start3A_18 = arith.constant 0 : i32
    %dma_start3A_19 = tpu.memref_slice %dma_start3A_17[%dma_start3A_13, %dma_start3A_18] : memref<80x128xi32, #tpu.memory_space<hbm>> -> memref<1x128xi32, #tpu.memory_space<hbm>>
    %dma_start3A_20 = tpu.memref_squeeze %dma_start3A_19 : memref<1x128xi32, #tpu.memory_space<hbm>> -> memref<128xi32, #tpu.memory_space<hbm>>
    %dma_start3A_21 = arith.constant 0 : i32
    %dma_start3A_22 = arith.constant 0 : i32
    %dma_start3A_23 = tpu.memref_slice %arg4[%add3A, %dma_start3A_21, %dma_start3A_22] : memref<32x80x128xi32, #tpu.memory_space<hbm>> -> memref<1x80x128xi32, #tpu.memory_space<hbm>>
    %dma_start3A_24 = tpu.memref_squeeze %dma_start3A_23 : memref<1x80x128xi32, #tpu.memory_space<hbm>> -> memref<80x128xi32, #tpu.memory_space<hbm>>
    %dma_start3A_25 = arith.constant 0 : i32
    %dma_start3A_26 = tpu.memref_slice %dma_start3A_24[%dma_start3A_13, %dma_start3A_25] : memref<80x128xi32, #tpu.memory_space<hbm>> -> memref<1x128xi32, #tpu.memory_space<hbm>>
    %dma_start3A_27 = tpu.memref_squeeze %dma_start3A_26 : memref<1x128xi32, #tpu.memory_space<hbm>> -> memref<128xi32, #tpu.memory_space<hbm>>
    tpu.enqueue_dma source(%dma_start3A_27 : memref<128xi32, #tpu.memory_space<hbm>>) target(%arg10 : memref<128xi32, #tpu.memory_space<vmem>>) target_semaphore(%arg17 : memref<!tpu.dma_semaphore, #tpu.memory_space<semaphore_mem>>)
    %dma_start3A_28 = arith.constant 1 : i32
    %dma_start3A_29 = arith.constant 0 : i32
    %dma_start3A_30 = tpu.memref_slice %arg7[%dma_start3A_28, %dma_start3A_29] : memref<80x128xi32, #tpu.memory_space<vmem>> -> memref<1x128xi32, #tpu.memory_space<vmem>>
    %dma_start3A_31 = tpu.memref_squeeze %dma_start3A_30 : memref<1x128xi32, #tpu.memory_space<vmem>> -> memref<128xi32, #tpu.memory_space<vmem>>
    %dma_start3A_32 = arith.constant 0 : i32
    %dma_start3A_33 = arith.constant 0 : i32
    %dma_start3A_34 = tpu.memref_slice %arg2[%dma_start3A_32, %dma_start3A_33] : memref<10112x128xf32, #tpu.memory_space<hbm>> -> memref<10112x128xf32, #tpu.memory_space<hbm>>
    tpu.enqueue_indirect_dma source(%dma_start3A_34 : memref<10112x128xf32, #tpu.memory_space<hbm>>) target(%arg9 : memref<128x128xf32, #tpu.memory_space<vmem>>) offsets(%dma_start3A_31 : memref<128xi32, #tpu.memory_space<vmem>>) semaphore(%arg14 : memref<!tpu.dma_semaphore, #tpu.memory_space<semaphore_mem>>)
    %dma_start3A_35 = arith.constant 1 : i32
    %dma_start3A_36 = arith.constant 0 : i32
    %dma_start3A_37 = arith.constant 0 : i32
    %dma_start3A_38 = tpu.memref_slice %arg4[%add3A, %dma_start3A_36, %dma_start3A_37] : memref<32x80x128xi32, #tpu.memory_space<hbm>> -> memref<1x80x128xi32, #tpu.memory_space<hbm>>
    %dma_start3A_39 = tpu.memref_squeeze %dma_start3A_38 : memref<1x80x128xi32, #tpu.memory_space<hbm>> -> memref<80x128xi32, #tpu.memory_space<hbm>>
    %dma_start3A_40 = arith.constant 0 : i32
    %dma_start3A_41 = tpu.memref_slice %dma_start3A_39[%dma_start3A_35, %dma_start3A_40] : memref<80x128xi32, #tpu.memory_space<hbm>> -> memref<1x128xi32, #tpu.memory_space<hbm>>
    %dma_start3A_42 = tpu.memref_squeeze %dma_start3A_41 : memref<1x128xi32, #tpu.memory_space<hbm>> -> memref<128xi32, #tpu.memory_space<hbm>>
    %dma_start3A_43 = arith.constant 0 : i32
    %dma_start3A_44 = arith.constant 0 : i32
    %dma_start3A_45 = tpu.memref_slice %arg4[%add3A, %dma_start3A_43, %dma_start3A_44] : memref<32x80x128xi32, #tpu.memory_space<hbm>> -> memref<1x80x128xi32, #tpu.memory_space<hbm>>
    %dma_start3A_46 = tpu.memref_squeeze %dma_start3A_45 : memref<1x80x128xi32, #tpu.memory_space<hbm>> -> memref<80x128xi32, #tpu.memory_space<hbm>>
    %dma_start3A_47 = arith.constant 0 : i32
    %dma_start3A_48 = tpu.memref_slice %dma_start3A_46[%dma_start3A_35, %dma_start3A_47] : memref<80x128xi32, #tpu.memory_space<hbm>> -> memref<1x128xi32, #tpu.memory_space<hbm>>
    %dma_start3A_49 = tpu.memref_squeeze %dma_start3A_48 : memref<1x128xi32, #tpu.memory_space<hbm>> -> memref<128xi32, #tpu.memory_space<hbm>>
    tpu.enqueue_dma source(%dma_start3A_49 : memref<128xi32, #tpu.memory_space<hbm>>) target(%arg11 : memref<128xi32, #tpu.memory_space<vmem>>) target_semaphore(%arg18 : memref<!tpu.dma_semaphore, #tpu.memory_space<semaphore_mem>>)
    %scan3A = arith.constant 0 : i32
    %scan3A_50 = arith.constant 0 : i32
    %scan3A_51 = arith.constant 40 : i32
    %scan3A_52 = arith.addi %scan3A_50, %scan3A_51 : i32
    %scan3A_53 = arith.constant 1 : i32
    scf.for %scan3A_66 = %scan3A_50 to %scan3A_52 step %scan3A_53  : i32 {
      %mul3A_67 = arith.constant 2 : i32
      %mul3A_68 = arith.muli %scan3A_66, %mul3A_67 : i32
      %add3A_69 = arith.constant 0 : i32
      %add3A_70 = arith.addi %mul3A_68, %add3A_69 : i32
      %dma_wait3A = arith.constant 0 : i32
      %dma_wait3A_71 = tpu.memref_slice %arg7[%add3A_70, %dma_wait3A] : memref<80x128xi32, #tpu.memory_space<vmem>> -> memref<1x128xi32, #tpu.memory_space<vmem>>
      %dma_wait3A_72 = tpu.memref_squeeze %dma_wait3A_71 : memref<1x128xi32, #tpu.memory_space<vmem>> -> memref<128xi32, #tpu.memory_space<vmem>>
      %dma_wait3A_73 = arith.constant 0 : i32
      %dma_wait3A_74 = arith.constant 0 : i32
      %dma_wait3A_75 = tpu.memref_slice %arg2[%dma_wait3A_73, %dma_wait3A_74] : memref<10112x128xf32, #tpu.memory_space<hbm>> -> memref<10112x128xf32, #tpu.memory_space<hbm>>
      tpu.wait_indirect_dma semaphore(%arg13 : memref<!tpu.dma_semaphore, #tpu.memory_space<semaphore_mem>>) src(%dma_wait3A_75 : memref<10112x128xf32, #tpu.memory_space<hbm>>) dst(%arg8 : memref<128x128xf32, #tpu.memory_space<vmem>>)
      %dma_wait3A_76 = arith.constant 0 : i32
      %dma_wait3A_77 = arith.constant 0 : i32
      %dma_wait3A_78 = tpu.memref_slice %arg4[%add3A, %dma_wait3A_76, %dma_wait3A_77] : memref<32x80x128xi32, #tpu.memory_space<hbm>> -> memref<1x80x128xi32, #tpu.memory_space<hbm>>
      %dma_wait3A_79 = tpu.memref_squeeze %dma_wait3A_78 : memref<1x80x128xi32, #tpu.memory_space<hbm>> -> memref<80x128xi32, #tpu.memory_space<hbm>>
      %dma_wait3A_80 = arith.constant 0 : i32
      %dma_wait3A_81 = tpu.memref_slice %dma_wait3A_79[%add3A_70, %dma_wait3A_80] : memref<80x128xi32, #tpu.memory_space<hbm>> -> memref<1x128xi32, #tpu.memory_space<hbm>>
      %dma_wait3A_82 = tpu.memref_squeeze %dma_wait3A_81 : memref<1x128xi32, #tpu.memory_space<hbm>> -> memref<128xi32, #tpu.memory_space<hbm>>
      %dma_wait3A_83 = arith.constant 0 : i32
      %dma_wait3A_84 = arith.constant 0 : i32
      %dma_wait3A_85 = tpu.memref_slice %arg4[%add3A, %dma_wait3A_83, %dma_wait3A_84] : memref<32x80x128xi32, #tpu.memory_space<hbm>> -> memref<1x80x128xi32, #tpu.memory_space<hbm>>
      %dma_wait3A_86 = tpu.memref_squeeze %dma_wait3A_85 : memref<1x80x128xi32, #tpu.memory_space<hbm>> -> memref<80x128xi32, #tpu.memory_space<hbm>>
      %dma_wait3A_87 = arith.constant 0 : i32
      %dma_wait3A_88 = tpu.memref_slice %dma_wait3A_86[%add3A_70, %dma_wait3A_87] : memref<80x128xi32, #tpu.memory_space<hbm>> -> memref<1x128xi32, #tpu.memory_space<hbm>>
      %dma_wait3A_89 = tpu.memref_squeeze %dma_wait3A_88 : memref<1x128xi32, #tpu.memory_space<hbm>> -> memref<128xi32, #tpu.memory_space<hbm>>
      tpu.wait_dma2 semaphore(%arg17 : memref<!tpu.dma_semaphore, #tpu.memory_space<semaphore_mem>>) src(%dma_wait3A_89 : memref<128xi32, #tpu.memory_space<hbm>>) dst(%arg10 : memref<128xi32, #tpu.memory_space<vmem>>)
      %dma_start3A_90 = arith.constant 0 : i32
      %dma_start3A_91 = arith.constant 0 : i32
      %dma_start3A_92 = tpu.memref_slice %arg12[%dma_start3A_90, %dma_start3A_91] : memref<10016x128xf32, #tpu.memory_space<vmem_shared>> -> memref<10016x128xf32, #tpu.memory_space<vmem_shared>>
      tpu.enqueue_indirect_dma source(%arg8 : memref<128x128xf32, #tpu.memory_space<vmem>>) target(%dma_start3A_92 : memref<10016x128xf32, #tpu.memory_space<vmem_shared>>) offsets(%arg10 : memref<128xi32, #tpu.memory_space<vmem>>) semaphore(%arg15 : memref<!tpu.dma_semaphore, #tpu.memory_space<semaphore_mem>>) {add = true}
      %add3A_93 = arith.constant 1 : i32
      %add3A_94 = arith.addi %mul3A_68, %add3A_93 : i32
      %dma_wait3A_95 = arith.constant 0 : i32
      %dma_wait3A_96 = tpu.memref_slice %arg7[%add3A_94, %dma_wait3A_95] : memref<80x128xi32, #tpu.memory_space<vmem>> -> memref<1x128xi32, #tpu.memory_space<vmem>>
      %dma_wait3A_97 = tpu.memref_squeeze %dma_wait3A_96 : memref<1x128xi32, #tpu.memory_space<vmem>> -> memref<128xi32, #tpu.memory_space<vmem>>
      %dma_wait3A_98 = arith.constant 0 : i32
      %dma_wait3A_99 = arith.constant 0 : i32
      %dma_wait3A_100 = tpu.memref_slice %arg2[%dma_wait3A_98, %dma_wait3A_99] : memref<10112x128xf32, #tpu.memory_space<hbm>> -> memref<10112x128xf32, #tpu.memory_space<hbm>>
      tpu.wait_indirect_dma semaphore(%arg14 : memref<!tpu.dma_semaphore, #tpu.memory_space<semaphore_mem>>) src(%dma_wait3A_100 : memref<10112x128xf32, #tpu.memory_space<hbm>>) dst(%arg9 : memref<128x128xf32, #tpu.memory_space<vmem>>)
      %dma_wait3A_101 = arith.constant 0 : i32
      %dma_wait3A_102 = arith.constant 0 : i32
      %dma_wait3A_103 = tpu.memref_slice %arg4[%add3A, %dma_wait3A_101, %dma_wait3A_102] : memref<32x80x128xi32, #tpu.memory_space<hbm>> -> memref<1x80x128xi32, #tpu.memory_space<hbm>>
      %dma_wait3A_104 = tpu.memref_squeeze %dma_wait3A_103 : memref<1x80x128xi32, #tpu.memory_space<hbm>> -> memref<80x128xi32, #tpu.memory_space<hbm>>
      %dma_wait3A_105 = arith.constant 0 : i32
      %dma_wait3A_106 = tpu.memref_slice %dma_wait3A_104[%add3A_94, %dma_wait3A_105] : memref<80x128xi32, #tpu.memory_space<hbm>> -> memref<1x128xi32, #tpu.memory_space<hbm>>
      %dma_wait3A_107 = tpu.memref_squeeze %dma_wait3A_106 : memref<1x128xi32, #tpu.memory_space<hbm>> -> memref<128xi32, #tpu.memory_space<hbm>>
      %dma_wait3A_108 = arith.constant 0 : i32
      %dma_wait3A_109 = arith.constant 0 : i32
      %dma_wait3A_110 = tpu.memref_slice %arg4[%add3A, %dma_wait3A_108, %dma_wait3A_109] : memref<32x80x128xi32, #tpu.memory_space<hbm>> -> memref<1x80x128xi32, #tpu.memory_space<hbm>>
      %dma_wait3A_111 = tpu.memref_squeeze %dma_wait3A_110 : memref<1x80x128xi32, #tpu.memory_space<hbm>> -> memref<80x128xi32, #tpu.memory_space<hbm>>
      %dma_wait3A_112 = arith.constant 0 : i32
      %dma_wait3A_113 = tpu.memref_slice %dma_wait3A_111[%add3A_94, %dma_wait3A_112] : memref<80x128xi32, #tpu.memory_space<hbm>> -> memref<1x128xi32, #tpu.memory_space<hbm>>
      %dma_wait3A_114 = tpu.memref_squeeze %dma_wait3A_113 : memref<1x128xi32, #tpu.memory_space<hbm>> -> memref<128xi32, #tpu.memory_space<hbm>>
      tpu.wait_dma2 semaphore(%arg18 : memref<!tpu.dma_semaphore, #tpu.memory_space<semaphore_mem>>) src(%dma_wait3A_114 : memref<128xi32, #tpu.memory_space<hbm>>) dst(%arg11 : memref<128xi32, #tpu.memory_space<vmem>>)
      %dma_start3A_115 = arith.constant 0 : i32
      %dma_start3A_116 = arith.constant 0 : i32
      %dma_start3A_117 = tpu.memref_slice %arg12[%dma_start3A_115, %dma_start3A_116] : memref<10016x128xf32, #tpu.memory_space<vmem_shared>> -> memref<10016x128xf32, #tpu.memory_space<vmem_shared>>
      tpu.enqueue_indirect_dma source(%arg9 : memref<128x128xf32, #tpu.memory_space<vmem>>) target(%dma_start3A_117 : memref<10016x128xf32, #tpu.memory_space<vmem_shared>>) offsets(%arg11 : memref<128xi32, #tpu.memory_space<vmem>>) semaphore(%arg16 : memref<!tpu.dma_semaphore, #tpu.memory_space<semaphore_mem>>) {add = true}
      %add3A_118 = arith.constant 0 : i32
      %add3A_119 = arith.addi %mul3A_68, %add3A_118 : i32
      %dma_wait3A_120 = arith.constant 0 : i32
      %dma_wait3A_121 = arith.constant 0 : i32
      %dma_wait3A_122 = tpu.memref_slice %arg12[%dma_wait3A_120, %dma_wait3A_121] : memref<10016x128xf32, #tpu.memory_space<vmem_shared>> -> memref<10016x128xf32, #tpu.memory_space<vmem_shared>>
      tpu.wait_indirect_dma semaphore(%arg15 : memref<!tpu.dma_semaphore, #tpu.memory_space<semaphore_mem>>) src(%arg8 : memref<128x128xf32, #tpu.memory_space<vmem>>) dst(%dma_wait3A_122 : memref<10016x128xf32, #tpu.memory_space<vmem_shared>>)
      %add3A_123 = arith.constant 2 : i32
      %add3A_124 = arith.addi %add3A_119, %add3A_123 : i32
      %lt3A_125 = arith.constant 80 : i32
      %lt3A_126 = arith.cmpi slt, %add3A_124, %lt3A_125 : i32
      %convert_element_type3A_127 = arith.extui %lt3A_126 : i1 to i32
      %cond3A_128 = arith.constant 0 : i32
      %cond3A_129 = arith.cmpi ne, %convert_element_type3A_127, %cond3A_128 : i32
      scf.if %cond3A_129 {
        %dma_start3A_142 = arith.constant 0 : i32
        %dma_start3A_143 = tpu.memref_slice %arg7[%add3A_124, %dma_start3A_142] : memref<80x128xi32, #tpu.memory_space<vmem>> -> memref<1x128xi32, #tpu.memory_space<vmem>>
        %dma_start3A_144 = tpu.memref_squeeze %dma_start3A_143 : memref<1x128xi32, #tpu.memory_space<vmem>> -> memref<128xi32, #tpu.memory_space<vmem>>
        %dma_start3A_145 = arith.constant 0 : i32
        %dma_start3A_146 = arith.constant 0 : i32
        %dma_start3A_147 = tpu.memref_slice %arg2[%dma_start3A_145, %dma_start3A_146] : memref<10112x128xf32, #tpu.memory_space<hbm>> -> memref<10112x128xf32, #tpu.memory_space<hbm>>
        tpu.enqueue_indirect_dma source(%dma_start3A_147 : memref<10112x128xf32, #tpu.memory_space<hbm>>) target(%arg8 : memref<128x128xf32, #tpu.memory_space<vmem>>) offsets(%dma_start3A_144 : memref<128xi32, #tpu.memory_space<vmem>>) semaphore(%arg13 : memref<!tpu.dma_semaphore, #tpu.memory_space<semaphore_mem>>)
        %dma_start3A_148 = arith.constant 0 : i32
        %dma_start3A_149 = arith.constant 0 : i32
        %dma_start3A_150 = tpu.memref_slice %arg4[%add3A, %dma_start3A_148, %dma_start3A_149] : memref<32x80x128xi32, #tpu.memory_space<hbm>> -> memref<1x80x128xi32, #tpu.memory_space<hbm>>
        %dma_start3A_151 = tpu.memref_squeeze %dma_start3A_150 : memref<1x80x128xi32, #tpu.memory_space<hbm>> -> memref<80x128xi32, #tpu.memory_space<hbm>>
        %dma_start3A_152 = arith.constant 0 : i32
        %dma_start3A_153 = tpu.memref_slice %dma_start3A_151[%add3A_124, %dma_start3A_152] : memref<80x128xi32, #tpu.memory_space<hbm>> -> memref<1x128xi32, #tpu.memory_space<hbm>>
        %dma_start3A_154 = tpu.memref_squeeze %dma_start3A_153 : memref<1x128xi32, #tpu.memory_space<hbm>> -> memref<128xi32, #tpu.memory_space<hbm>>
        %dma_start3A_155 = arith.constant 0 : i32
        %dma_start3A_156 = arith.constant 0 : i32
        %dma_start3A_157 = tpu.memref_slice %arg4[%add3A, %dma_start3A_155, %dma_start3A_156] : memref<32x80x128xi32, #tpu.memory_space<hbm>> -> memref<1x80x128xi32, #tpu.memory_space<hbm>>
        %dma_start3A_158 = tpu.memref_squeeze %dma_start3A_157 : memref<1x80x128xi32, #tpu.memory_space<hbm>> -> memref<80x128xi32, #tpu.memory_space<hbm>>
        %dma_start3A_159 = arith.constant 0 : i32
        %dma_start3A_160 = tpu.memref_slice %dma_start3A_158[%add3A_124, %dma_start3A_159] : memref<80x128xi32, #tpu.memory_space<hbm>> -> memref<1x128xi32, #tpu.memory_space<hbm>>
        %dma_start3A_161 = tpu.memref_squeeze %dma_start3A_160 : memref<1x128xi32, #tpu.memory_space<hbm>> -> memref<128xi32, #tpu.memory_space<hbm>>
        tpu.enqueue_dma source(%dma_start3A_161 : memref<128xi32, #tpu.memory_space<hbm>>) target(%arg10 : memref<128xi32, #tpu.memory_space<vmem>>) target_semaphore(%arg17 : memref<!tpu.dma_semaphore, #tpu.memory_space<semaphore_mem>>)
      } else {
      }
      %add3A_130 = arith.constant 1 : i32
      %add3A_131 = arith.addi %mul3A_68, %add3A_130 : i32
      %dma_wait3A_132 = arith.constant 0 : i32
      %dma_wait3A_133 = arith.constant 0 : i32
      %dma_wait3A_134 = tpu.memref_slice %arg12[%dma_wait3A_132, %dma_wait3A_133] : memref<10016x128xf32, #tpu.memory_space<vmem_shared>> -> memref<10016x128xf32, #tpu.memory_space<vmem_shared>>
      tpu.wait_indirect_dma semaphore(%arg16 : memref<!tpu.dma_semaphore, #tpu.memory_space<semaphore_mem>>) src(%arg9 : memref<128x128xf32, #tpu.memory_space<vmem>>) dst(%dma_wait3A_134 : memref<10016x128xf32, #tpu.memory_space<vmem_shared>>)
      %add3A_135 = arith.constant 2 : i32
      %add3A_136 = arith.addi %add3A_131, %add3A_135 : i32
      %lt3A_137 = arith.constant 80 : i32
      %lt3A_138 = arith.cmpi slt, %add3A_136, %lt3A_137 : i32
      %convert_element_type3A_139 = arith.extui %lt3A_138 : i1 to i32
      %cond3A_140 = arith.constant 0 : i32
      %cond3A_141 = arith.cmpi ne, %convert_element_type3A_139, %cond3A_140 : i32
      scf.if %cond3A_141 {
        %dma_start3A_142 = arith.constant 0 : i32
        %dma_start3A_143 = tpu.memref_slice %arg7[%add3A_136, %dma_start3A_142] : memref<80x128xi32, #tpu.memory_space<vmem>> -> memref<1x128xi32, #tpu.memory_space<vmem>>
        %dma_start3A_144 = tpu.memref_squeeze %dma_start3A_143 : memref<1x128xi32, #tpu.memory_space<vmem>> -> memref<128xi32, #tpu.memory_space<vmem>>
        %dma_start3A_145 = arith.constant 0 : i32
        %dma_start3A_146 = arith.constant 0 : i32
        %dma_start3A_147 = tpu.memref_slice %arg2[%dma_start3A_145, %dma_start3A_146] : memref<10112x128xf32, #tpu.memory_space<hbm>> -> memref<10112x128xf32, #tpu.memory_space<hbm>>
        tpu.enqueue_indirect_dma source(%dma_start3A_147 : memref<10112x128xf32, #tpu.memory_space<hbm>>) target(%arg9 : memref<128x128xf32, #tpu.memory_space<vmem>>) offsets(%dma_start3A_144 : memref<128xi32, #tpu.memory_space<vmem>>) semaphore(%arg14 : memref<!tpu.dma_semaphore, #tpu.memory_space<semaphore_mem>>)
        %dma_start3A_148 = arith.constant 0 : i32
        %dma_start3A_149 = arith.constant 0 : i32
        %dma_start3A_150 = tpu.memref_slice %arg4[%add3A, %dma_start3A_148, %dma_start3A_149] : memref<32x80x128xi32, #tpu.memory_space<hbm>> -> memref<1x80x128xi32, #tpu.memory_space<hbm>>
        %dma_start3A_151 = tpu.memref_squeeze %dma_start3A_150 : memref<1x80x128xi32, #tpu.memory_space<hbm>> -> memref<80x128xi32, #tpu.memory_space<hbm>>
        %dma_start3A_152 = arith.constant 0 : i32
        %dma_start3A_153 = tpu.memref_slice %dma_start3A_151[%add3A_136, %dma_start3A_152] : memref<80x128xi32, #tpu.memory_space<hbm>> -> memref<1x128xi32, #tpu.memory_space<hbm>>
        %dma_start3A_154 = tpu.memref_squeeze %dma_start3A_153 : memref<1x128xi32, #tpu.memory_space<hbm>> -> memref<128xi32, #tpu.memory_space<hbm>>
        %dma_start3A_155 = arith.constant 0 : i32
        %dma_start3A_156 = arith.constant 0 : i32
        %dma_start3A_157 = tpu.memref_slice %arg4[%add3A, %dma_start3A_155, %dma_start3A_156] : memref<32x80x128xi32, #tpu.memory_space<hbm>> -> memref<1x80x128xi32, #tpu.memory_space<hbm>>
        %dma_start3A_158 = tpu.memref_squeeze %dma_start3A_157 : memref<1x80x128xi32, #tpu.memory_space<hbm>> -> memref<80x128xi32, #tpu.memory_space<hbm>>
        %dma_start3A_159 = arith.constant 0 : i32
        %dma_start3A_160 = tpu.memref_slice %dma_start3A_158[%add3A_136, %dma_start3A_159] : memref<80x128xi32, #tpu.memory_space<hbm>> -> memref<1x128xi32, #tpu.memory_space<hbm>>
        %dma_start3A_161 = tpu.memref_squeeze %dma_start3A_160 : memref<1x128xi32, #tpu.memory_space<hbm>> -> memref<128xi32, #tpu.memory_space<hbm>>
        tpu.enqueue_dma source(%dma_start3A_161 : memref<128xi32, #tpu.memory_space<hbm>>) target(%arg11 : memref<128xi32, #tpu.memory_space<vmem>>) target_semaphore(%arg18 : memref<!tpu.dma_semaphore, #tpu.memory_space<semaphore_mem>>)
      } else {
      }
    }
    %scan3A_54 = arith.constant 40 : i32
    %barrier3A_55 = arith.constant 0 : index
    tpu.barrier barrier_id(%barrier3A_55)
    %lt3A_56 = arith.constant 15 : i32
    %lt3A_57 = arith.cmpi slt, %arg1, %lt3A_56 : i32
    %convert_element_type3A_58 = arith.extui %lt3A_57 : i1 to i32
    %cond3A_59 = arith.constant 0 : i32
    %cond3A_60 = arith.cmpi ne, %convert_element_type3A_58, %cond3A_59 : i32
    scf.if %cond3A_60 {
      %mul3A_66 = arith.constant 632 : i32
      %mul3A_67 = arith.muli %arg1, %mul3A_66 : i32
      %mul3A_68 = arith.constant 632 : i32
      %mul3A_69 = arith.muli %arg1, %mul3A_68 : i32
      "tpu.region"() ({
        %run_scoped3A = tpu.sem_alloc : memref<!tpu.dma_semaphore, #tpu.memory_space<semaphore_mem>>
        %dma_start3A_70 = arith.constant 0 : i32
        %dma_start3A_71 = arith.constant 0 : i32
        %dma_start3A_72 = tpu.memref_slice %arg6[%arg0, %dma_start3A_70, %dma_start3A_71] : memref<2x10112x128xf32, #tpu.memory_space<hbm>> -> memref<1x10112x128xf32, #tpu.memory_space<hbm>>
        %dma_start3A_73 = tpu.memref_squeeze %dma_start3A_72 : memref<1x10112x128xf32, #tpu.memory_space<hbm>> -> memref<10112x128xf32, #tpu.memory_space<hbm>>
        %dma_start3A_74 = arith.constant 0 : i32
        %dma_start3A_75 = tpu.memref_slice %dma_start3A_73[%mul3A_69, %dma_start3A_74] : memref<10112x128xf32, #tpu.memory_space<hbm>> -> memref<632x128xf32, #tpu.memory_space<hbm>>
        %dma_start3A_76 = arith.constant 0 : i32
        %dma_start3A_77 = tpu.memref_slice %arg12[%mul3A_67, %dma_start3A_76] : memref<10016x128xf32, #tpu.memory_space<vmem_shared>> -> memref<632x128xf32, #tpu.memory_space<vmem_shared>>
        tpu.enqueue_dma source(%dma_start3A_77 : memref<632x128xf32, #tpu.memory_space<vmem_shared>>) target(%dma_start3A_75 : memref<632x128xf32, #tpu.memory_space<hbm>>) target_semaphore(%run_scoped3A : memref<!tpu.dma_semaphore, #tpu.memory_space<semaphore_mem>>)
        %dma_wait3A = arith.constant 0 : i32
        %dma_wait3A_78 = arith.constant 0 : i32
        %dma_wait3A_79 = tpu.memref_slice %arg6[%arg0, %dma_wait3A, %dma_wait3A_78] : memref<2x10112x128xf32, #tpu.memory_space<hbm>> -> memref<1x10112x128xf32, #tpu.memory_space<hbm>>
        %dma_wait3A_80 = tpu.memref_squeeze %dma_wait3A_79 : memref<1x10112x128xf32, #tpu.memory_space<hbm>> -> memref<10112x128xf32, #tpu.memory_space<hbm>>
        %dma_wait3A_81 = arith.constant 0 : i32
        %dma_wait3A_82 = tpu.memref_slice %dma_wait3A_80[%mul3A_69, %dma_wait3A_81] : memref<10112x128xf32, #tpu.memory_space<hbm>> -> memref<632x128xf32, #tpu.memory_space<hbm>>
        %dma_wait3A_83 = arith.constant 0 : i32
        %dma_wait3A_84 = tpu.memref_slice %arg12[%mul3A_67, %dma_wait3A_83] : memref<10016x128xf32, #tpu.memory_space<vmem_shared>> -> memref<632x128xf32, #tpu.memory_space<vmem_shared>>
        tpu.wait_dma2 semaphore(%run_scoped3A : memref<!tpu.dma_semaphore, #tpu.memory_space<semaphore_mem>>) src(%dma_wait3A_84 : memref<632x128xf32, #tpu.memory_space<vmem_shared>>) dst(%dma_wait3A_82 : memref<632x128xf32, #tpu.memory_space<hbm>>)
        tpu.yield
      }) : () -> ()
    } else {
    }
    %eq3A_61 = arith.constant 15 : i32
    %eq3A_62 = arith.cmpi eq, %arg1, %eq3A_61 : i32
    %convert_element_type3A_63 = arith.extui %eq3A_62 : i1 to i32
    %cond3A_64 = arith.constant 0 : i32
    %cond3A_65 = arith.cmpi ne, %convert_element_type3A_63, %cond3A_64 : i32
    scf.if %cond3A_65 {
      "tpu.region"() ({
        %run_scoped3A = tpu.sem_alloc : memref<!tpu.dma_semaphore, #tpu.memory_space<semaphore_mem>>
        %dma_start3A_66 = arith.constant 0 : i32
        %dma_start3A_67 = arith.constant 0 : i32
        %dma_start3A_68 = tpu.memref_slice %arg6[%arg0, %dma_start3A_66, %dma_start3A_67] : memref<2x10112x128xf32, #tpu.memory_space<hbm>> -> memref<1x10112x128xf32, #tpu.memory_space<hbm>>
        %dma_start3A_69 = tpu.memref_squeeze %dma_start3A_68 : memref<1x10112x128xf32, #tpu.memory_space<hbm>> -> memref<10112x128xf32, #tpu.memory_space<hbm>>
        %dma_start3A_70 = arith.constant 9480 : i32
        %dma_start3A_71 = arith.constant 0 : i32
        %dma_start3A_72 = tpu.memref_slice %dma_start3A_69[%dma_start3A_70, %dma_start3A_71] : memref<10112x128xf32, #tpu.memory_space<hbm>> -> memref<536x128xf32, #tpu.memory_space<hbm>>
        %dma_start3A_73 = arith.constant 9480 : i32
        %dma_start3A_74 = arith.constant 0 : i32
        %dma_start3A_75 = tpu.memref_slice %arg12[%dma_start3A_73, %dma_start3A_74] : memref<10016x128xf32, #tpu.memory_space<vmem_shared>> -> memref<536x128xf32, #tpu.memory_space<vmem_shared>>
        tpu.enqueue_dma source(%dma_start3A_75 : memref<536x128xf32, #tpu.memory_space<vmem_shared>>) target(%dma_start3A_72 : memref<536x128xf32, #tpu.memory_space<hbm>>) target_semaphore(%run_scoped3A : memref<!tpu.dma_semaphore, #tpu.memory_space<semaphore_mem>>)
        %dma_wait3A = arith.constant 0 : i32
        %dma_wait3A_76 = arith.constant 0 : i32
        %dma_wait3A_77 = tpu.memref_slice %arg6[%arg0, %dma_wait3A, %dma_wait3A_76] : memref<2x10112x128xf32, #tpu.memory_space<hbm>> -> memref<1x10112x128xf32, #tpu.memory_space<hbm>>
        %dma_wait3A_78 = tpu.memref_squeeze %dma_wait3A_77 : memref<1x10112x128xf32, #tpu.memory_space<hbm>> -> memref<10112x128xf32, #tpu.memory_space<hbm>>
        %dma_wait3A_79 = arith.constant 9480 : i32
        %dma_wait3A_80 = arith.constant 0 : i32
        %dma_wait3A_81 = tpu.memref_slice %dma_wait3A_78[%dma_wait3A_79, %dma_wait3A_80] : memref<10112x128xf32, #tpu.memory_space<hbm>> -> memref<536x128xf32, #tpu.memory_space<hbm>>
        %dma_wait3A_82 = arith.constant 9480 : i32
        %dma_wait3A_83 = arith.constant 0 : i32
        %dma_wait3A_84 = tpu.memref_slice %arg12[%dma_wait3A_82, %dma_wait3A_83] : memref<10016x128xf32, #tpu.memory_space<vmem_shared>> -> memref<536x128xf32, #tpu.memory_space<vmem_shared>>
        tpu.wait_dma2 semaphore(%run_scoped3A : memref<!tpu.dma_semaphore, #tpu.memory_space<semaphore_mem>>) src(%dma_wait3A_84 : memref<536x128xf32, #tpu.memory_space<vmem_shared>>) dst(%dma_wait3A_81 : memref<536x128xf32, #tpu.memory_space<hbm>>)
        tpu.yield
      }) : () -> ()
    } else {
    }
    return
  }
}

#map = affine_map<(d0, d1) -> (0, 0)>
#map1 = affine_map<(d0, d1) -> (0, 0, 0)>
module attributes {stable_mosaic.version = 14 : i64} {
  func.func @seg(%arg0: i32, %arg1: i32, %arg2: memref<10112x128xf32, #tpu.memory_space<hbm>>, %arg3: memref<32x80x128xi32, #tpu.memory_space<hbm>>, %arg4: memref<32x80x128xi32, #tpu.memory_space<hbm>>, %arg5: memref<10112x128xf32, #tpu.memory_space<hbm>>, %arg6: memref<2x10112x128xf32, #tpu.memory_space<hbm>>, %arg7: memref<80x128xi32, #tpu.memory_space<vmem>>, %arg8: memref<128x128xf32, #tpu.memory_space<vmem>>, %arg9: memref<128x128xf32, #tpu.memory_space<vmem>>, %arg10: memref<128xi32, #tpu.memory_space<vmem>>, %arg11: memref<128xi32, #tpu.memory_space<vmem>>, %arg12: memref<10016x128xf32, #tpu.memory_space<vmem_shared>>, %arg13: memref<!tpu.dma_semaphore, #tpu.memory_space<semaphore_mem>>, %arg14: memref<!tpu.dma_semaphore, #tpu.memory_space<semaphore_mem>>, %arg15: memref<!tpu.dma_semaphore, #tpu.memory_space<semaphore_mem>>, %arg16: memref<!tpu.dma_semaphore, #tpu.memory_space<semaphore_mem>>, %arg17: memref<!tpu.dma_semaphore, #tpu.memory_space<semaphore_mem>>, %arg18: memref<!tpu.dma_semaphore, #tpu.memory_space<semaphore_mem>>) attributes {dimension_semantics = [#tpu.dimension_semantics<core_parallel>, #tpu.dimension_semantics<subcore_parallel>], iteration_bounds = array<i64: 2, 16>, scalar_prefetch = 0 : i64, scratch_operands = 12 : i64, tpu.core_type = #tpu.core_type<sc_vector_subcore>, window_params = [{transform_indices = #map}, {transform_indices = #map1}, {transform_indices = #map1}, {transform_indices = #map}, {transform_indices = #map1}]} {
    %mul3A = arith.constant 2 : i32
    %mul3A_0 = arith.muli %arg1, %mul3A : i32
    %add3A = arith.addi %mul3A_0, %arg0 : i32
    "tpu.region"() ({
      %run_scoped3A = tpu.sem_alloc : memref<!tpu.dma_semaphore, #tpu.memory_space<semaphore_mem>>
      %dma_start3A_66 = arith.constant 0 : i32
      %dma_start3A_67 = arith.constant 0 : i32
      %dma_start3A_68 = tpu.memref_slice %arg3[%add3A, %dma_start3A_66, %dma_start3A_67] : memref<32x80x128xi32, #tpu.memory_space<hbm>> -> memref<1x80x128xi32, #tpu.memory_space<hbm>>
      %dma_start3A_69 = tpu.memref_squeeze %dma_start3A_68 : memref<1x80x128xi32, #tpu.memory_space<hbm>> -> memref<80x128xi32, #tpu.memory_space<hbm>>
      %dma_start3A_70 = arith.constant 0 : i32
      %dma_start3A_71 = arith.constant 0 : i32
      %dma_start3A_72 = tpu.memref_slice %arg3[%add3A, %dma_start3A_70, %dma_start3A_71] : memref<32x80x128xi32, #tpu.memory_space<hbm>> -> memref<1x80x128xi32, #tpu.memory_space<hbm>>
      %dma_start3A_73 = tpu.memref_squeeze %dma_start3A_72 : memref<1x80x128xi32, #tpu.memory_space<hbm>> -> memref<80x128xi32, #tpu.memory_space<hbm>>
      tpu.enqueue_dma source(%dma_start3A_73 : memref<80x128xi32, #tpu.memory_space<hbm>>) target(%arg7 : memref<80x128xi32, #tpu.memory_space<vmem>>) target_semaphore(%run_scoped3A : memref<!tpu.dma_semaphore, #tpu.memory_space<semaphore_mem>>)
      %dma_wait3A = arith.constant 0 : i32
      %dma_wait3A_74 = arith.constant 0 : i32
      %dma_wait3A_75 = tpu.memref_slice %arg3[%add3A, %dma_wait3A, %dma_wait3A_74] : memref<32x80x128xi32, #tpu.memory_space<hbm>> -> memref<1x80x128xi32, #tpu.memory_space<hbm>>
      %dma_wait3A_76 = tpu.memref_squeeze %dma_wait3A_75 : memref<1x80x128xi32, #tpu.memory_space<hbm>> -> memref<80x128xi32, #tpu.memory_space<hbm>>
      %dma_wait3A_77 = arith.constant 0 : i32
      %dma_wait3A_78 = arith.constant 0 : i32
      %dma_wait3A_79 = tpu.memref_slice %arg3[%add3A, %dma_wait3A_77, %dma_wait3A_78] : memref<32x80x128xi32, #tpu.memory_space<hbm>> -> memref<1x80x128xi32, #tpu.memory_space<hbm>>
      %dma_wait3A_80 = tpu.memref_squeeze %dma_wait3A_79 : memref<1x80x128xi32, #tpu.memory_space<hbm>> -> memref<80x128xi32, #tpu.memory_space<hbm>>
      tpu.wait_dma2 semaphore(%run_scoped3A : memref<!tpu.dma_semaphore, #tpu.memory_space<semaphore_mem>>) src(%dma_wait3A_80 : memref<80x128xi32, #tpu.memory_space<hbm>>) dst(%arg7 : memref<80x128xi32, #tpu.memory_space<vmem>>)
      tpu.yield
    }) : () -> ()
    %lt3A = arith.constant 15 : i32
    %lt3A_1 = arith.cmpi slt, %arg1, %lt3A : i32
    %convert_element_type3A = arith.extui %lt3A_1 : i1 to i32
    %cond3A = arith.constant 0 : i32
    %cond3A_2 = arith.cmpi ne, %convert_element_type3A, %cond3A : i32
    scf.if %cond3A_2 {
      %mul3A_66 = arith.constant 632 : i32
      %mul3A_67 = arith.muli %arg1, %mul3A_66 : i32
      %mul3A_68 = arith.constant 632 : i32
      %mul3A_69 = arith.muli %arg1, %mul3A_68 : i32
      "tpu.region"() ({
        %run_scoped3A = tpu.sem_alloc : memref<!tpu.dma_semaphore, #tpu.memory_space<semaphore_mem>>
        %dma_start3A_70 = arith.constant 0 : i32
        %dma_start3A_71 = tpu.memref_slice %arg12[%mul3A_69, %dma_start3A_70] : memref<10016x128xf32, #tpu.memory_space<vmem_shared>> -> memref<632x128xf32, #tpu.memory_space<vmem_shared>>
        %dma_start3A_72 = arith.constant 0 : i32
        %dma_start3A_73 = tpu.memref_slice %arg5[%mul3A_67, %dma_start3A_72] : memref<10112x128xf32, #tpu.memory_space<hbm>> -> memref<632x128xf32, #tpu.memory_space<hbm>>
        tpu.enqueue_dma source(%dma_start3A_73 : memref<632x128xf32, #tpu.memory_space<hbm>>) target(%dma_start3A_71 : memref<632x128xf32, #tpu.memory_space<vmem_shared>>) target_semaphore(%run_scoped3A : memref<!tpu.dma_semaphore, #tpu.memory_space<semaphore_mem>>)
        %dma_wait3A = arith.constant 0 : i32
        %dma_wait3A_74 = tpu.memref_slice %arg12[%mul3A_69, %dma_wait3A] : memref<10016x128xf32, #tpu.memory_space<vmem_shared>> -> memref<632x128xf32, #tpu.memory_space<vmem_shared>>
        %dma_wait3A_75 = arith.constant 0 : i32
        %dma_wait3A_76 = tpu.memref_slice %arg5[%mul3A_67, %dma_wait3A_75] : memref<10112x128xf32, #tpu.memory_space<hbm>> -> memref<632x128xf32, #tpu.memory_space<hbm>>
        tpu.wait_dma2 semaphore(%run_scoped3A : memref<!tpu.dma_semaphore, #tpu.memory_space<semaphore_mem>>) src(%dma_wait3A_76 : memref<632x128xf32, #tpu.memory_space<hbm>>) dst(%dma_wait3A_74 : memref<632x128xf32, #tpu.memory_space<vmem_shared>>)
        tpu.yield
      }) : () -> ()
    } else {
    }
    %eq3A = arith.constant 15 : i32
    %eq3A_3 = arith.cmpi eq, %arg1, %eq3A : i32
    %convert_element_type3A_4 = arith.extui %eq3A_3 : i1 to i32
    %cond3A_5 = arith.constant 0 : i32
    %cond3A_6 = arith.cmpi ne, %convert_element_type3A_4, %cond3A_5 : i32
    scf.if %cond3A_6 {
      "tpu.region"() ({
        %run_scoped3A = tpu.sem_alloc : memref<!tpu.dma_semaphore, #tpu.memory_space<semaphore_mem>>
        %dma_start3A_66 = arith.constant 9480 : i32
        %dma_start3A_67 = arith.constant 0 : i32
        %dma_start3A_68 = tpu.memref_slice %arg12[%dma_start3A_66, %dma_start3A_67] : memref<10016x128xf32, #tpu.memory_space<vmem_shared>> -> memref<536x128xf32, #tpu.memory_space<vmem_shared>>
        %dma_start3A_69 = arith.constant 9480 : i32
        %dma_start3A_70 = arith.constant 0 : i32
        %dma_start3A_71 = tpu.memref_slice %arg5[%dma_start3A_69, %dma_start3A_70] : memref<10112x128xf32, #tpu.memory_space<hbm>> -> memref<536x128xf32, #tpu.memory_space<hbm>>
        tpu.enqueue_dma source(%dma_start3A_71 : memref<536x128xf32, #tpu.memory_space<hbm>>) target(%dma_start3A_68 : memref<536x128xf32, #tpu.memory_space<vmem_shared>>) target_semaphore(%run_scoped3A : memref<!tpu.dma_semaphore, #tpu.memory_space<semaphore_mem>>)
        %dma_wait3A = arith.constant 9480 : i32
        %dma_wait3A_72 = arith.constant 0 : i32
        %dma_wait3A_73 = tpu.memref_slice %arg12[%dma_wait3A, %dma_wait3A_72] : memref<10016x128xf32, #tpu.memory_space<vmem_shared>> -> memref<536x128xf32, #tpu.memory_space<vmem_shared>>
        %dma_wait3A_74 = arith.constant 9480 : i32
        %dma_wait3A_75 = arith.constant 0 : i32
        %dma_wait3A_76 = tpu.memref_slice %arg5[%dma_wait3A_74, %dma_wait3A_75] : memref<10112x128xf32, #tpu.memory_space<hbm>> -> memref<536x128xf32, #tpu.memory_space<hbm>>
        tpu.wait_dma2 semaphore(%run_scoped3A : memref<!tpu.dma_semaphore, #tpu.memory_space<semaphore_mem>>) src(%dma_wait3A_76 : memref<536x128xf32, #tpu.memory_space<hbm>>) dst(%dma_wait3A_73 : memref<536x128xf32, #tpu.memory_space<vmem_shared>>)
        tpu.yield
      }) : () -> ()
    } else {
    }
    %barrier3A = arith.constant 0 : index
    tpu.barrier barrier_id(%barrier3A)
    %dma_start3A = arith.constant 0 : i32
    %dma_start3A_7 = arith.constant 0 : i32
    %dma_start3A_8 = tpu.memref_slice %arg7[%dma_start3A, %dma_start3A_7] : memref<80x128xi32, #tpu.memory_space<vmem>> -> memref<1x128xi32, #tpu.memory_space<vmem>>
    %dma_start3A_9 = tpu.memref_squeeze %dma_start3A_8 : memref<1x128xi32, #tpu.memory_space<vmem>> -> memref<128xi32, #tpu.memory_space<vmem>>
    %dma_start3A_10 = arith.constant 0 : i32
    %dma_start3A_11 = arith.constant 0 : i32
    %dma_start3A_12 = tpu.memref_slice %arg2[%dma_start3A_10, %dma_start3A_11] : memref<10112x128xf32, #tpu.memory_space<hbm>> -> memref<10112x128xf32, #tpu.memory_space<hbm>>
    tpu.enqueue_indirect_dma source(%dma_start3A_12 : memref<10112x128xf32, #tpu.memory_space<hbm>>) target(%arg8 : memref<128x128xf32, #tpu.memory_space<vmem>>) offsets(%dma_start3A_9 : memref<128xi32, #tpu.memory_space<vmem>>) semaphore(%arg13 : memref<!tpu.dma_semaphore, #tpu.memory_space<semaphore_mem>>)
    %dma_start3A_13 = arith.constant 0 : i32
    %dma_start3A_14 = arith.constant 0 : i32
    %dma_start3A_15 = arith.constant 0 : i32
    %dma_start3A_16 = tpu.memref_slice %arg4[%add3A, %dma_start3A_14, %dma_start3A_15] : memref<32x80x128xi32, #tpu.memory_space<hbm>> -> memref<1x80x128xi32, #tpu.memory_space<hbm>>
    %dma_start3A_17 = tpu.memref_squeeze %dma_start3A_16 : memref<1x80x128xi32, #tpu.memory_space<hbm>> -> memref<80x128xi32, #tpu.memory_space<hbm>>
    %dma_start3A_18 = arith.constant 0 : i32
    %dma_start3A_19 = tpu.memref_slice %dma_start3A_17[%dma_start3A_13, %dma_start3A_18] : memref<80x128xi32, #tpu.memory_space<hbm>> -> memref<1x128xi32, #tpu.memory_space<hbm>>
    %dma_start3A_20 = tpu.memref_squeeze %dma_start3A_19 : memref<1x128xi32, #tpu.memory_space<hbm>> -> memref<128xi32, #tpu.memory_space<hbm>>
    %dma_start3A_21 = arith.constant 0 : i32
    %dma_start3A_22 = arith.constant 0 : i32
    %dma_start3A_23 = tpu.memref_slice %arg4[%add3A, %dma_start3A_21, %dma_start3A_22] : memref<32x80x128xi32, #tpu.memory_space<hbm>> -> memref<1x80x128xi32, #tpu.memory_space<hbm>>
    %dma_start3A_24 = tpu.memref_squeeze %dma_start3A_23 : memref<1x80x128xi32, #tpu.memory_space<hbm>> -> memref<80x128xi32, #tpu.memory_space<hbm>>
    %dma_start3A_25 = arith.constant 0 : i32
    %dma_start3A_26 = tpu.memref_slice %dma_start3A_24[%dma_start3A_13, %dma_start3A_25] : memref<80x128xi32, #tpu.memory_space<hbm>> -> memref<1x128xi32, #tpu.memory_space<hbm>>
    %dma_start3A_27 = tpu.memref_squeeze %dma_start3A_26 : memref<1x128xi32, #tpu.memory_space<hbm>> -> memref<128xi32, #tpu.memory_space<hbm>>
    tpu.enqueue_dma source(%dma_start3A_27 : memref<128xi32, #tpu.memory_space<hbm>>) target(%arg10 : memref<128xi32, #tpu.memory_space<vmem>>) target_semaphore(%arg17 : memref<!tpu.dma_semaphore, #tpu.memory_space<semaphore_mem>>)
    %dma_start3A_28 = arith.constant 1 : i32
    %dma_start3A_29 = arith.constant 0 : i32
    %dma_start3A_30 = tpu.memref_slice %arg7[%dma_start3A_28, %dma_start3A_29] : memref<80x128xi32, #tpu.memory_space<vmem>> -> memref<1x128xi32, #tpu.memory_space<vmem>>
    %dma_start3A_31 = tpu.memref_squeeze %dma_start3A_30 : memref<1x128xi32, #tpu.memory_space<vmem>> -> memref<128xi32, #tpu.memory_space<vmem>>
    %dma_start3A_32 = arith.constant 0 : i32
    %dma_start3A_33 = arith.constant 0 : i32
    %dma_start3A_34 = tpu.memref_slice %arg2[%dma_start3A_32, %dma_start3A_33] : memref<10112x128xf32, #tpu.memory_space<hbm>> -> memref<10112x128xf32, #tpu.memory_space<hbm>>
    tpu.enqueue_indirect_dma source(%dma_start3A_34 : memref<10112x128xf32, #tpu.memory_space<hbm>>) target(%arg9 : memref<128x128xf32, #tpu.memory_space<vmem>>) offsets(%dma_start3A_31 : memref<128xi32, #tpu.memory_space<vmem>>) semaphore(%arg14 : memref<!tpu.dma_semaphore, #tpu.memory_space<semaphore_mem>>)
    %dma_start3A_35 = arith.constant 1 : i32
    %dma_start3A_36 = arith.constant 0 : i32
    %dma_start3A_37 = arith.constant 0 : i32
    %dma_start3A_38 = tpu.memref_slice %arg4[%add3A, %dma_start3A_36, %dma_start3A_37] : memref<32x80x128xi32, #tpu.memory_space<hbm>> -> memref<1x80x128xi32, #tpu.memory_space<hbm>>
    %dma_start3A_39 = tpu.memref_squeeze %dma_start3A_38 : memref<1x80x128xi32, #tpu.memory_space<hbm>> -> memref<80x128xi32, #tpu.memory_space<hbm>>
    %dma_start3A_40 = arith.constant 0 : i32
    %dma_start3A_41 = tpu.memref_slice %dma_start3A_39[%dma_start3A_35, %dma_start3A_40] : memref<80x128xi32, #tpu.memory_space<hbm>> -> memref<1x128xi32, #tpu.memory_space<hbm>>
    %dma_start3A_42 = tpu.memref_squeeze %dma_start3A_41 : memref<1x128xi32, #tpu.memory_space<hbm>> -> memref<128xi32, #tpu.memory_space<hbm>>
    %dma_start3A_43 = arith.constant 0 : i32
    %dma_start3A_44 = arith.constant 0 : i32
    %dma_start3A_45 = tpu.memref_slice %arg4[%add3A, %dma_start3A_43, %dma_start3A_44] : memref<32x80x128xi32, #tpu.memory_space<hbm>> -> memref<1x80x128xi32, #tpu.memory_space<hbm>>
    %dma_start3A_46 = tpu.memref_squeeze %dma_start3A_45 : memref<1x80x128xi32, #tpu.memory_space<hbm>> -> memref<80x128xi32, #tpu.memory_space<hbm>>
    %dma_start3A_47 = arith.constant 0 : i32
    %dma_start3A_48 = tpu.memref_slice %dma_start3A_46[%dma_start3A_35, %dma_start3A_47] : memref<80x128xi32, #tpu.memory_space<hbm>> -> memref<1x128xi32, #tpu.memory_space<hbm>>
    %dma_start3A_49 = tpu.memref_squeeze %dma_start3A_48 : memref<1x128xi32, #tpu.memory_space<hbm>> -> memref<128xi32, #tpu.memory_space<hbm>>
    tpu.enqueue_dma source(%dma_start3A_49 : memref<128xi32, #tpu.memory_space<hbm>>) target(%arg11 : memref<128xi32, #tpu.memory_space<vmem>>) target_semaphore(%arg18 : memref<!tpu.dma_semaphore, #tpu.memory_space<semaphore_mem>>)
    %scan3A = arith.constant 0 : i32
    %scan3A_50 = arith.constant 0 : i32
    %scan3A_51 = arith.constant 40 : i32
    %scan3A_52 = arith.addi %scan3A_50, %scan3A_51 : i32
    %scan3A_53 = arith.constant 1 : i32
    scf.for %scan3A_66 = %scan3A_50 to %scan3A_52 step %scan3A_53  : i32 {
      %mul3A_67 = arith.constant 2 : i32
      %mul3A_68 = arith.muli %scan3A_66, %mul3A_67 : i32
      %add3A_69 = arith.constant 0 : i32
      %add3A_70 = arith.addi %mul3A_68, %add3A_69 : i32
      %dma_wait3A = arith.constant 0 : i32
      %dma_wait3A_71 = tpu.memref_slice %arg7[%add3A_70, %dma_wait3A] : memref<80x128xi32, #tpu.memory_space<vmem>> -> memref<1x128xi32, #tpu.memory_space<vmem>>
      %dma_wait3A_72 = tpu.memref_squeeze %dma_wait3A_71 : memref<1x128xi32, #tpu.memory_space<vmem>> -> memref<128xi32, #tpu.memory_space<vmem>>
      %dma_wait3A_73 = arith.constant 0 : i32
      %dma_wait3A_74 = arith.constant 0 : i32
      %dma_wait3A_75 = tpu.memref_slice %arg2[%dma_wait3A_73, %dma_wait3A_74] : memref<10112x128xf32, #tpu.memory_space<hbm>> -> memref<10112x128xf32, #tpu.memory_space<hbm>>
      tpu.wait_indirect_dma semaphore(%arg13 : memref<!tpu.dma_semaphore, #tpu.memory_space<semaphore_mem>>) src(%dma_wait3A_75 : memref<10112x128xf32, #tpu.memory_space<hbm>>) dst(%arg8 : memref<128x128xf32, #tpu.memory_space<vmem>>)
      %dma_wait3A_76 = arith.constant 0 : i32
      %dma_wait3A_77 = arith.constant 0 : i32
      %dma_wait3A_78 = tpu.memref_slice %arg4[%add3A, %dma_wait3A_76, %dma_wait3A_77] : memref<32x80x128xi32, #tpu.memory_space<hbm>> -> memref<1x80x128xi32, #tpu.memory_space<hbm>>
      %dma_wait3A_79 = tpu.memref_squeeze %dma_wait3A_78 : memref<1x80x128xi32, #tpu.memory_space<hbm>> -> memref<80x128xi32, #tpu.memory_space<hbm>>
      %dma_wait3A_80 = arith.constant 0 : i32
      %dma_wait3A_81 = tpu.memref_slice %dma_wait3A_79[%add3A_70, %dma_wait3A_80] : memref<80x128xi32, #tpu.memory_space<hbm>> -> memref<1x128xi32, #tpu.memory_space<hbm>>
      %dma_wait3A_82 = tpu.memref_squeeze %dma_wait3A_81 : memref<1x128xi32, #tpu.memory_space<hbm>> -> memref<128xi32, #tpu.memory_space<hbm>>
      %dma_wait3A_83 = arith.constant 0 : i32
      %dma_wait3A_84 = arith.constant 0 : i32
      %dma_wait3A_85 = tpu.memref_slice %arg4[%add3A, %dma_wait3A_83, %dma_wait3A_84] : memref<32x80x128xi32, #tpu.memory_space<hbm>> -> memref<1x80x128xi32, #tpu.memory_space<hbm>>
      %dma_wait3A_86 = tpu.memref_squeeze %dma_wait3A_85 : memref<1x80x128xi32, #tpu.memory_space<hbm>> -> memref<80x128xi32, #tpu.memory_space<hbm>>
      %dma_wait3A_87 = arith.constant 0 : i32
      %dma_wait3A_88 = tpu.memref_slice %dma_wait3A_86[%add3A_70, %dma_wait3A_87] : memref<80x128xi32, #tpu.memory_space<hbm>> -> memref<1x128xi32, #tpu.memory_space<hbm>>
      %dma_wait3A_89 = tpu.memref_squeeze %dma_wait3A_88 : memref<1x128xi32, #tpu.memory_space<hbm>> -> memref<128xi32, #tpu.memory_space<hbm>>
      tpu.wait_dma2 semaphore(%arg17 : memref<!tpu.dma_semaphore, #tpu.memory_space<semaphore_mem>>) src(%dma_wait3A_89 : memref<128xi32, #tpu.memory_space<hbm>>) dst(%arg10 : memref<128xi32, #tpu.memory_space<vmem>>)
      %dma_start3A_90 = arith.constant 0 : i32
      %dma_start3A_91 = arith.constant 0 : i32
      %dma_start3A_92 = tpu.memref_slice %arg12[%dma_start3A_90, %dma_start3A_91] : memref<10016x128xf32, #tpu.memory_space<vmem_shared>> -> memref<10016x128xf32, #tpu.memory_space<vmem_shared>>
      tpu.enqueue_indirect_dma source(%arg8 : memref<128x128xf32, #tpu.memory_space<vmem>>) target(%dma_start3A_92 : memref<10016x128xf32, #tpu.memory_space<vmem_shared>>) offsets(%arg10 : memref<128xi32, #tpu.memory_space<vmem>>) semaphore(%arg15 : memref<!tpu.dma_semaphore, #tpu.memory_space<semaphore_mem>>) {add = true}
      %add3A_93 = arith.constant 1 : i32
      %add3A_94 = arith.addi %mul3A_68, %add3A_93 : i32
      %dma_wait3A_95 = arith.constant 0 : i32
      %dma_wait3A_96 = tpu.memref_slice %arg7[%add3A_94, %dma_wait3A_95] : memref<80x128xi32, #tpu.memory_space<vmem>> -> memref<1x128xi32, #tpu.memory_space<vmem>>
      %dma_wait3A_97 = tpu.memref_squeeze %dma_wait3A_96 : memref<1x128xi32, #tpu.memory_space<vmem>> -> memref<128xi32, #tpu.memory_space<vmem>>
      %dma_wait3A_98 = arith.constant 0 : i32
      %dma_wait3A_99 = arith.constant 0 : i32
      %dma_wait3A_100 = tpu.memref_slice %arg2[%dma_wait3A_98, %dma_wait3A_99] : memref<10112x128xf32, #tpu.memory_space<hbm>> -> memref<10112x128xf32, #tpu.memory_space<hbm>>
      tpu.wait_indirect_dma semaphore(%arg14 : memref<!tpu.dma_semaphore, #tpu.memory_space<semaphore_mem>>) src(%dma_wait3A_100 : memref<10112x128xf32, #tpu.memory_space<hbm>>) dst(%arg9 : memref<128x128xf32, #tpu.memory_space<vmem>>)
      %dma_wait3A_101 = arith.constant 0 : i32
      %dma_wait3A_102 = arith.constant 0 : i32
      %dma_wait3A_103 = tpu.memref_slice %arg4[%add3A, %dma_wait3A_101, %dma_wait3A_102] : memref<32x80x128xi32, #tpu.memory_space<hbm>> -> memref<1x80x128xi32, #tpu.memory_space<hbm>>
      %dma_wait3A_104 = tpu.memref_squeeze %dma_wait3A_103 : memref<1x80x128xi32, #tpu.memory_space<hbm>> -> memref<80x128xi32, #tpu.memory_space<hbm>>
      %dma_wait3A_105 = arith.constant 0 : i32
      %dma_wait3A_106 = tpu.memref_slice %dma_wait3A_104[%add3A_94, %dma_wait3A_105] : memref<80x128xi32, #tpu.memory_space<hbm>> -> memref<1x128xi32, #tpu.memory_space<hbm>>
      %dma_wait3A_107 = tpu.memref_squeeze %dma_wait3A_106 : memref<1x128xi32, #tpu.memory_space<hbm>> -> memref<128xi32, #tpu.memory_space<hbm>>
      %dma_wait3A_108 = arith.constant 0 : i32
      %dma_wait3A_109 = arith.constant 0 : i32
      %dma_wait3A_110 = tpu.memref_slice %arg4[%add3A, %dma_wait3A_108, %dma_wait3A_109] : memref<32x80x128xi32, #tpu.memory_space<hbm>> -> memref<1x80x128xi32, #tpu.memory_space<hbm>>
      %dma_wait3A_111 = tpu.memref_squeeze %dma_wait3A_110 : memref<1x80x128xi32, #tpu.memory_space<hbm>> -> memref<80x128xi32, #tpu.memory_space<hbm>>
      %dma_wait3A_112 = arith.constant 0 : i32
      %dma_wait3A_113 = tpu.memref_slice %dma_wait3A_111[%add3A_94, %dma_wait3A_112] : memref<80x128xi32, #tpu.memory_space<hbm>> -> memref<1x128xi32, #tpu.memory_space<hbm>>
      %dma_wait3A_114 = tpu.memref_squeeze %dma_wait3A_113 : memref<1x128xi32, #tpu.memory_space<hbm>> -> memref<128xi32, #tpu.memory_space<hbm>>
      tpu.wait_dma2 semaphore(%arg18 : memref<!tpu.dma_semaphore, #tpu.memory_space<semaphore_mem>>) src(%dma_wait3A_114 : memref<128xi32, #tpu.memory_space<hbm>>) dst(%arg11 : memref<128xi32, #tpu.memory_space<vmem>>)
      %dma_start3A_115 = arith.constant 0 : i32
      %dma_start3A_116 = arith.constant 0 : i32
      %dma_start3A_117 = tpu.memref_slice %arg12[%dma_start3A_115, %dma_start3A_116] : memref<10016x128xf32, #tpu.memory_space<vmem_shared>> -> memref<10016x128xf32, #tpu.memory_space<vmem_shared>>
      tpu.enqueue_indirect_dma source(%arg9 : memref<128x128xf32, #tpu.memory_space<vmem>>) target(%dma_start3A_117 : memref<10016x128xf32, #tpu.memory_space<vmem_shared>>) offsets(%arg11 : memref<128xi32, #tpu.memory_space<vmem>>) semaphore(%arg16 : memref<!tpu.dma_semaphore, #tpu.memory_space<semaphore_mem>>) {add = true}
      %add3A_118 = arith.constant 0 : i32
      %add3A_119 = arith.addi %mul3A_68, %add3A_118 : i32
      %dma_wait3A_120 = arith.constant 0 : i32
      %dma_wait3A_121 = arith.constant 0 : i32
      %dma_wait3A_122 = tpu.memref_slice %arg12[%dma_wait3A_120, %dma_wait3A_121] : memref<10016x128xf32, #tpu.memory_space<vmem_shared>> -> memref<10016x128xf32, #tpu.memory_space<vmem_shared>>
      tpu.wait_indirect_dma semaphore(%arg15 : memref<!tpu.dma_semaphore, #tpu.memory_space<semaphore_mem>>) src(%arg8 : memref<128x128xf32, #tpu.memory_space<vmem>>) dst(%dma_wait3A_122 : memref<10016x128xf32, #tpu.memory_space<vmem_shared>>)
      %add3A_123 = arith.constant 2 : i32
      %add3A_124 = arith.addi %add3A_119, %add3A_123 : i32
      %lt3A_125 = arith.constant 80 : i32
      %lt3A_126 = arith.cmpi slt, %add3A_124, %lt3A_125 : i32
      %convert_element_type3A_127 = arith.extui %lt3A_126 : i1 to i32
      %cond3A_128 = arith.constant 0 : i32
      %cond3A_129 = arith.cmpi ne, %convert_element_type3A_127, %cond3A_128 : i32
      scf.if %cond3A_129 {
        %dma_start3A_142 = arith.constant 0 : i32
        %dma_start3A_143 = tpu.memref_slice %arg7[%add3A_124, %dma_start3A_142] : memref<80x128xi32, #tpu.memory_space<vmem>> -> memref<1x128xi32, #tpu.memory_space<vmem>>
        %dma_start3A_144 = tpu.memref_squeeze %dma_start3A_143 : memref<1x128xi32, #tpu.memory_space<vmem>> -> memref<128xi32, #tpu.memory_space<vmem>>
        %dma_start3A_145 = arith.constant 0 : i32
        %dma_start3A_146 = arith.constant 0 : i32
        %dma_start3A_147 = tpu.memref_slice %arg2[%dma_start3A_145, %dma_start3A_146] : memref<10112x128xf32, #tpu.memory_space<hbm>> -> memref<10112x128xf32, #tpu.memory_space<hbm>>
        tpu.enqueue_indirect_dma source(%dma_start3A_147 : memref<10112x128xf32, #tpu.memory_space<hbm>>) target(%arg8 : memref<128x128xf32, #tpu.memory_space<vmem>>) offsets(%dma_start3A_144 : memref<128xi32, #tpu.memory_space<vmem>>) semaphore(%arg13 : memref<!tpu.dma_semaphore, #tpu.memory_space<semaphore_mem>>)
        %dma_start3A_148 = arith.constant 0 : i32
        %dma_start3A_149 = arith.constant 0 : i32
        %dma_start3A_150 = tpu.memref_slice %arg4[%add3A, %dma_start3A_148, %dma_start3A_149] : memref<32x80x128xi32, #tpu.memory_space<hbm>> -> memref<1x80x128xi32, #tpu.memory_space<hbm>>
        %dma_start3A_151 = tpu.memref_squeeze %dma_start3A_150 : memref<1x80x128xi32, #tpu.memory_space<hbm>> -> memref<80x128xi32, #tpu.memory_space<hbm>>
        %dma_start3A_152 = arith.constant 0 : i32
        %dma_start3A_153 = tpu.memref_slice %dma_start3A_151[%add3A_124, %dma_start3A_152] : memref<80x128xi32, #tpu.memory_space<hbm>> -> memref<1x128xi32, #tpu.memory_space<hbm>>
        %dma_start3A_154 = tpu.memref_squeeze %dma_start3A_153 : memref<1x128xi32, #tpu.memory_space<hbm>> -> memref<128xi32, #tpu.memory_space<hbm>>
        %dma_start3A_155 = arith.constant 0 : i32
        %dma_start3A_156 = arith.constant 0 : i32
        %dma_start3A_157 = tpu.memref_slice %arg4[%add3A, %dma_start3A_155, %dma_start3A_156] : memref<32x80x128xi32, #tpu.memory_space<hbm>> -> memref<1x80x128xi32, #tpu.memory_space<hbm>>
        %dma_start3A_158 = tpu.memref_squeeze %dma_start3A_157 : memref<1x80x128xi32, #tpu.memory_space<hbm>> -> memref<80x128xi32, #tpu.memory_space<hbm>>
        %dma_start3A_159 = arith.constant 0 : i32
        %dma_start3A_160 = tpu.memref_slice %dma_start3A_158[%add3A_124, %dma_start3A_159] : memref<80x128xi32, #tpu.memory_space<hbm>> -> memref<1x128xi32, #tpu.memory_space<hbm>>
        %dma_start3A_161 = tpu.memref_squeeze %dma_start3A_160 : memref<1x128xi32, #tpu.memory_space<hbm>> -> memref<128xi32, #tpu.memory_space<hbm>>
        tpu.enqueue_dma source(%dma_start3A_161 : memref<128xi32, #tpu.memory_space<hbm>>) target(%arg10 : memref<128xi32, #tpu.memory_space<vmem>>) target_semaphore(%arg17 : memref<!tpu.dma_semaphore, #tpu.memory_space<semaphore_mem>>)
      } else {
      }
      %add3A_130 = arith.constant 1 : i32
      %add3A_131 = arith.addi %mul3A_68, %add3A_130 : i32
      %dma_wait3A_132 = arith.constant 0 : i32
      %dma_wait3A_133 = arith.constant 0 : i32
      %dma_wait3A_134 = tpu.memref_slice %arg12[%dma_wait3A_132, %dma_wait3A_133] : memref<10016x128xf32, #tpu.memory_space<vmem_shared>> -> memref<10016x128xf32, #tpu.memory_space<vmem_shared>>
      tpu.wait_indirect_dma semaphore(%arg16 : memref<!tpu.dma_semaphore, #tpu.memory_space<semaphore_mem>>) src(%arg9 : memref<128x128xf32, #tpu.memory_space<vmem>>) dst(%dma_wait3A_134 : memref<10016x128xf32, #tpu.memory_space<vmem_shared>>)
      %add3A_135 = arith.constant 2 : i32
      %add3A_136 = arith.addi %add3A_131, %add3A_135 : i32
      %lt3A_137 = arith.constant 80 : i32
      %lt3A_138 = arith.cmpi slt, %add3A_136, %lt3A_137 : i32
      %convert_element_type3A_139 = arith.extui %lt3A_138 : i1 to i32
      %cond3A_140 = arith.constant 0 : i32
      %cond3A_141 = arith.cmpi ne, %convert_element_type3A_139, %cond3A_140 : i32
      scf.if %cond3A_141 {
        %dma_start3A_142 = arith.constant 0 : i32
        %dma_start3A_143 = tpu.memref_slice %arg7[%add3A_136, %dma_start3A_142] : memref<80x128xi32, #tpu.memory_space<vmem>> -> memref<1x128xi32, #tpu.memory_space<vmem>>
        %dma_start3A_144 = tpu.memref_squeeze %dma_start3A_143 : memref<1x128xi32, #tpu.memory_space<vmem>> -> memref<128xi32, #tpu.memory_space<vmem>>
        %dma_start3A_145 = arith.constant 0 : i32
        %dma_start3A_146 = arith.constant 0 : i32
        %dma_start3A_147 = tpu.memref_slice %arg2[%dma_start3A_145, %dma_start3A_146] : memref<10112x128xf32, #tpu.memory_space<hbm>> -> memref<10112x128xf32, #tpu.memory_space<hbm>>
        tpu.enqueue_indirect_dma source(%dma_start3A_147 : memref<10112x128xf32, #tpu.memory_space<hbm>>) target(%arg9 : memref<128x128xf32, #tpu.memory_space<vmem>>) offsets(%dma_start3A_144 : memref<128xi32, #tpu.memory_space<vmem>>) semaphore(%arg14 : memref<!tpu.dma_semaphore, #tpu.memory_space<semaphore_mem>>)
        %dma_start3A_148 = arith.constant 0 : i32
        %dma_start3A_149 = arith.constant 0 : i32
        %dma_start3A_150 = tpu.memref_slice %arg4[%add3A, %dma_start3A_148, %dma_start3A_149] : memref<32x80x128xi32, #tpu.memory_space<hbm>> -> memref<1x80x128xi32, #tpu.memory_space<hbm>>
        %dma_start3A_151 = tpu.memref_squeeze %dma_start3A_150 : memref<1x80x128xi32, #tpu.memory_space<hbm>> -> memref<80x128xi32, #tpu.memory_space<hbm>>
        %dma_start3A_152 = arith.constant 0 : i32
        %dma_start3A_153 = tpu.memref_slice %dma_start3A_151[%add3A_136, %dma_start3A_152] : memref<80x128xi32, #tpu.memory_space<hbm>> -> memref<1x128xi32, #tpu.memory_space<hbm>>
        %dma_start3A_154 = tpu.memref_squeeze %dma_start3A_153 : memref<1x128xi32, #tpu.memory_space<hbm>> -> memref<128xi32, #tpu.memory_space<hbm>>
        %dma_start3A_155 = arith.constant 0 : i32
        %dma_start3A_156 = arith.constant 0 : i32
        %dma_start3A_157 = tpu.memref_slice %arg4[%add3A, %dma_start3A_155, %dma_start3A_156] : memref<32x80x128xi32, #tpu.memory_space<hbm>> -> memref<1x80x128xi32, #tpu.memory_space<hbm>>
        %dma_start3A_158 = tpu.memref_squeeze %dma_start3A_157 : memref<1x80x128xi32, #tpu.memory_space<hbm>> -> memref<80x128xi32, #tpu.memory_space<hbm>>
        %dma_start3A_159 = arith.constant 0 : i32
        %dma_start3A_160 = tpu.memref_slice %dma_start3A_158[%add3A_136, %dma_start3A_159] : memref<80x128xi32, #tpu.memory_space<hbm>> -> memref<1x128xi32, #tpu.memory_space<hbm>>
        %dma_start3A_161 = tpu.memref_squeeze %dma_start3A_160 : memref<1x128xi32, #tpu.memory_space<hbm>> -> memref<128xi32, #tpu.memory_space<hbm>>
        tpu.enqueue_dma source(%dma_start3A_161 : memref<128xi32, #tpu.memory_space<hbm>>) target(%arg11 : memref<128xi32, #tpu.memory_space<vmem>>) target_semaphore(%arg18 : memref<!tpu.dma_semaphore, #tpu.memory_space<semaphore_mem>>)
      } else {
      }
    }
    %scan3A_54 = arith.constant 40 : i32
    %barrier3A_55 = arith.constant 0 : index
    tpu.barrier barrier_id(%barrier3A_55)
    %lt3A_56 = arith.constant 15 : i32
    %lt3A_57 = arith.cmpi slt, %arg1, %lt3A_56 : i32
    %convert_element_type3A_58 = arith.extui %lt3A_57 : i1 to i32
    %cond3A_59 = arith.constant 0 : i32
    %cond3A_60 = arith.cmpi ne, %convert_element_type3A_58, %cond3A_59 : i32
    scf.if %cond3A_60 {
      %mul3A_66 = arith.constant 632 : i32
      %mul3A_67 = arith.muli %arg1, %mul3A_66 : i32
      %mul3A_68 = arith.constant 632 : i32
      %mul3A_69 = arith.muli %arg1, %mul3A_68 : i32
      "tpu.region"() ({
        %run_scoped3A = tpu.sem_alloc : memref<!tpu.dma_semaphore, #tpu.memory_space<semaphore_mem>>
        %dma_start3A_70 = arith.constant 0 : i32
        %dma_start3A_71 = arith.constant 0 : i32
        %dma_start3A_72 = tpu.memref_slice %arg6[%arg0, %dma_start3A_70, %dma_start3A_71] : memref<2x10112x128xf32, #tpu.memory_space<hbm>> -> memref<1x10112x128xf32, #tpu.memory_space<hbm>>
        %dma_start3A_73 = tpu.memref_squeeze %dma_start3A_72 : memref<1x10112x128xf32, #tpu.memory_space<hbm>> -> memref<10112x128xf32, #tpu.memory_space<hbm>>
        %dma_start3A_74 = arith.constant 0 : i32
        %dma_start3A_75 = tpu.memref_slice %dma_start3A_73[%mul3A_69, %dma_start3A_74] : memref<10112x128xf32, #tpu.memory_space<hbm>> -> memref<632x128xf32, #tpu.memory_space<hbm>>
        %dma_start3A_76 = arith.constant 0 : i32
        %dma_start3A_77 = tpu.memref_slice %arg12[%mul3A_67, %dma_start3A_76] : memref<10016x128xf32, #tpu.memory_space<vmem_shared>> -> memref<632x128xf32, #tpu.memory_space<vmem_shared>>
        tpu.enqueue_dma source(%dma_start3A_77 : memref<632x128xf32, #tpu.memory_space<vmem_shared>>) target(%dma_start3A_75 : memref<632x128xf32, #tpu.memory_space<hbm>>) target_semaphore(%run_scoped3A : memref<!tpu.dma_semaphore, #tpu.memory_space<semaphore_mem>>)
        %dma_wait3A = arith.constant 0 : i32
        %dma_wait3A_78 = arith.constant 0 : i32
        %dma_wait3A_79 = tpu.memref_slice %arg6[%arg0, %dma_wait3A, %dma_wait3A_78] : memref<2x10112x128xf32, #tpu.memory_space<hbm>> -> memref<1x10112x128xf32, #tpu.memory_space<hbm>>
        %dma_wait3A_80 = tpu.memref_squeeze %dma_wait3A_79 : memref<1x10112x128xf32, #tpu.memory_space<hbm>> -> memref<10112x128xf32, #tpu.memory_space<hbm>>
        %dma_wait3A_81 = arith.constant 0 : i32
        %dma_wait3A_82 = tpu.memref_slice %dma_wait3A_80[%mul3A_69, %dma_wait3A_81] : memref<10112x128xf32, #tpu.memory_space<hbm>> -> memref<632x128xf32, #tpu.memory_space<hbm>>
        %dma_wait3A_83 = arith.constant 0 : i32
        %dma_wait3A_84 = tpu.memref_slice %arg12[%mul3A_67, %dma_wait3A_83] : memref<10016x128xf32, #tpu.memory_space<vmem_shared>> -> memref<632x128xf32, #tpu.memory_space<vmem_shared>>
        tpu.wait_dma2 semaphore(%run_scoped3A : memref<!tpu.dma_semaphore, #tpu.memory_space<semaphore_mem>>) src(%dma_wait3A_84 : memref<632x128xf32, #tpu.memory_space<vmem_shared>>) dst(%dma_wait3A_82 : memref<632x128xf32, #tpu.memory_space<hbm>>)
        tpu.yield
      }) : () -> ()
    } else {
    }
    %eq3A_61 = arith.constant 15 : i32
    %eq3A_62 = arith.cmpi eq, %arg1, %eq3A_61 : i32
    %convert_element_type3A_63 = arith.extui %eq3A_62 : i1 to i32
    %cond3A_64 = arith.constant 0 : i32
    %cond3A_65 = arith.cmpi ne, %convert_element_type3A_63, %cond3A_64 : i32
    scf.if %cond3A_65 {
      "tpu.region"() ({
        %run_scoped3A = tpu.sem_alloc : memref<!tpu.dma_semaphore, #tpu.memory_space<semaphore_mem>>
        %dma_start3A_66 = arith.constant 0 : i32
        %dma_start3A_67 = arith.constant 0 : i32
        %dma_start3A_68 = tpu.memref_slice %arg6[%arg0, %dma_start3A_66, %dma_start3A_67] : memref<2x10112x128xf32, #tpu.memory_space<hbm>> -> memref<1x10112x128xf32, #tpu.memory_space<hbm>>
        %dma_start3A_69 = tpu.memref_squeeze %dma_start3A_68 : memref<1x10112x128xf32, #tpu.memory_space<hbm>> -> memref<10112x128xf32, #tpu.memory_space<hbm>>
        %dma_start3A_70 = arith.constant 9480 : i32
        %dma_start3A_71 = arith.constant 0 : i32
        %dma_start3A_72 = tpu.memref_slice %dma_start3A_69[%dma_start3A_70, %dma_start3A_71] : memref<10112x128xf32, #tpu.memory_space<hbm>> -> memref<536x128xf32, #tpu.memory_space<hbm>>
        %dma_start3A_73 = arith.constant 9480 : i32
        %dma_start3A_74 = arith.constant 0 : i32
        %dma_start3A_75 = tpu.memref_slice %arg12[%dma_start3A_73, %dma_start3A_74] : memref<10016x128xf32, #tpu.memory_space<vmem_shared>> -> memref<536x128xf32, #tpu.memory_space<vmem_shared>>
        tpu.enqueue_dma source(%dma_start3A_75 : memref<536x128xf32, #tpu.memory_space<vmem_shared>>) target(%dma_start3A_72 : memref<536x128xf32, #tpu.memory_space<hbm>>) target_semaphore(%run_scoped3A : memref<!tpu.dma_semaphore, #tpu.memory_space<semaphore_mem>>)
        %dma_wait3A = arith.constant 0 : i32
        %dma_wait3A_76 = arith.constant 0 : i32
        %dma_wait3A_77 = tpu.memref_slice %arg6[%arg0, %dma_wait3A, %dma_wait3A_76] : memref<2x10112x128xf32, #tpu.memory_space<hbm>> -> memref<1x10112x128xf32, #tpu.memory_space<hbm>>
        %dma_wait3A_78 = tpu.memref_squeeze %dma_wait3A_77 : memref<1x10112x128xf32, #tpu.memory_space<hbm>> -> memref<10112x128xf32, #tpu.memory_space<hbm>>
        %dma_wait3A_79 = arith.constant 9480 : i32
        %dma_wait3A_80 = arith.constant 0 : i32
        %dma_wait3A_81 = tpu.memref_slice %dma_wait3A_78[%dma_wait3A_79, %dma_wait3A_80] : memref<10112x128xf32, #tpu.memory_space<hbm>> -> memref<536x128xf32, #tpu.memory_space<hbm>>
        %dma_wait3A_82 = arith.constant 9480 : i32
        %dma_wait3A_83 = arith.constant 0 : i32
        %dma_wait3A_84 = tpu.memref_slice %arg12[%dma_wait3A_82, %dma_wait3A_83] : memref<10016x128xf32, #tpu.memory_space<vmem_shared>> -> memref<536x128xf32, #tpu.memory_space<vmem_shared>>
        tpu.wait_dma2 semaphore(%run_scoped3A : memref<!tpu.dma_semaphore, #tpu.memory_space<semaphore_mem>>) src(%dma_wait3A_84 : memref<536x128xf32, #tpu.memory_space<vmem_shared>>) dst(%dma_wait3A_81 : memref<536x128xf32, #tpu.memory_space<hbm>>)
        tpu.yield
      }) : () -> ()
    } else {
    }
    return
  }
}

#map = affine_map<(d0, d1) -> (0, 0)>
#map1 = affine_map<(d0, d1) -> (0, 0, 0)>
module attributes {stable_mosaic.version = 14 : i64} {
  func.func @seg(%arg0: i32, %arg1: i32, %arg2: memref<10112x128xf32, #tpu.memory_space<hbm>>, %arg3: memref<32x80x128xi32, #tpu.memory_space<hbm>>, %arg4: memref<32x80x128xi32, #tpu.memory_space<hbm>>, %arg5: memref<10112x128xf32, #tpu.memory_space<hbm>>, %arg6: memref<2x10112x128xf32, #tpu.memory_space<hbm>>, %arg7: memref<80x128xi32, #tpu.memory_space<vmem>>, %arg8: memref<128x128xf32, #tpu.memory_space<vmem>>, %arg9: memref<128x128xf32, #tpu.memory_space<vmem>>, %arg10: memref<128xi32, #tpu.memory_space<vmem>>, %arg11: memref<128xi32, #tpu.memory_space<vmem>>, %arg12: memref<10016x128xf32, #tpu.memory_space<vmem_shared>>, %arg13: memref<!tpu.dma_semaphore, #tpu.memory_space<semaphore_mem>>, %arg14: memref<!tpu.dma_semaphore, #tpu.memory_space<semaphore_mem>>, %arg15: memref<!tpu.dma_semaphore, #tpu.memory_space<semaphore_mem>>, %arg16: memref<!tpu.dma_semaphore, #tpu.memory_space<semaphore_mem>>, %arg17: memref<!tpu.dma_semaphore, #tpu.memory_space<semaphore_mem>>, %arg18: memref<!tpu.dma_semaphore, #tpu.memory_space<semaphore_mem>>) attributes {dimension_semantics = [#tpu.dimension_semantics<core_parallel>, #tpu.dimension_semantics<subcore_parallel>], iteration_bounds = array<i64: 2, 16>, scalar_prefetch = 0 : i64, scratch_operands = 12 : i64, tpu.core_type = #tpu.core_type<sc_vector_subcore>, window_params = [{transform_indices = #map}, {transform_indices = #map1}, {transform_indices = #map1}, {transform_indices = #map}, {transform_indices = #map1}]} {
    %mul3A = arith.constant 2 : i32
    %mul3A_0 = arith.muli %arg1, %mul3A : i32
    %add3A = arith.addi %mul3A_0, %arg0 : i32
    "tpu.region"() ({
      %run_scoped3A = tpu.sem_alloc : memref<!tpu.dma_semaphore, #tpu.memory_space<semaphore_mem>>
      %dma_start3A_66 = arith.constant 0 : i32
      %dma_start3A_67 = arith.constant 0 : i32
      %dma_start3A_68 = tpu.memref_slice %arg3[%add3A, %dma_start3A_66, %dma_start3A_67] : memref<32x80x128xi32, #tpu.memory_space<hbm>> -> memref<1x80x128xi32, #tpu.memory_space<hbm>>
      %dma_start3A_69 = tpu.memref_squeeze %dma_start3A_68 : memref<1x80x128xi32, #tpu.memory_space<hbm>> -> memref<80x128xi32, #tpu.memory_space<hbm>>
      %dma_start3A_70 = arith.constant 0 : i32
      %dma_start3A_71 = arith.constant 0 : i32
      %dma_start3A_72 = tpu.memref_slice %arg3[%add3A, %dma_start3A_70, %dma_start3A_71] : memref<32x80x128xi32, #tpu.memory_space<hbm>> -> memref<1x80x128xi32, #tpu.memory_space<hbm>>
      %dma_start3A_73 = tpu.memref_squeeze %dma_start3A_72 : memref<1x80x128xi32, #tpu.memory_space<hbm>> -> memref<80x128xi32, #tpu.memory_space<hbm>>
      tpu.enqueue_dma source(%dma_start3A_73 : memref<80x128xi32, #tpu.memory_space<hbm>>) target(%arg7 : memref<80x128xi32, #tpu.memory_space<vmem>>) target_semaphore(%run_scoped3A : memref<!tpu.dma_semaphore, #tpu.memory_space<semaphore_mem>>)
      %dma_wait3A = arith.constant 0 : i32
      %dma_wait3A_74 = arith.constant 0 : i32
      %dma_wait3A_75 = tpu.memref_slice %arg3[%add3A, %dma_wait3A, %dma_wait3A_74] : memref<32x80x128xi32, #tpu.memory_space<hbm>> -> memref<1x80x128xi32, #tpu.memory_space<hbm>>
      %dma_wait3A_76 = tpu.memref_squeeze %dma_wait3A_75 : memref<1x80x128xi32, #tpu.memory_space<hbm>> -> memref<80x128xi32, #tpu.memory_space<hbm>>
      %dma_wait3A_77 = arith.constant 0 : i32
      %dma_wait3A_78 = arith.constant 0 : i32
      %dma_wait3A_79 = tpu.memref_slice %arg3[%add3A, %dma_wait3A_77, %dma_wait3A_78] : memref<32x80x128xi32, #tpu.memory_space<hbm>> -> memref<1x80x128xi32, #tpu.memory_space<hbm>>
      %dma_wait3A_80 = tpu.memref_squeeze %dma_wait3A_79 : memref<1x80x128xi32, #tpu.memory_space<hbm>> -> memref<80x128xi32, #tpu.memory_space<hbm>>
      tpu.wait_dma2 semaphore(%run_scoped3A : memref<!tpu.dma_semaphore, #tpu.memory_space<semaphore_mem>>) src(%dma_wait3A_80 : memref<80x128xi32, #tpu.memory_space<hbm>>) dst(%arg7 : memref<80x128xi32, #tpu.memory_space<vmem>>)
      tpu.yield
    }) : () -> ()
    %lt3A = arith.constant 15 : i32
    %lt3A_1 = arith.cmpi slt, %arg1, %lt3A : i32
    %convert_element_type3A = arith.extui %lt3A_1 : i1 to i32
    %cond3A = arith.constant 0 : i32
    %cond3A_2 = arith.cmpi ne, %convert_element_type3A, %cond3A : i32
    scf.if %cond3A_2 {
      %mul3A_66 = arith.constant 632 : i32
      %mul3A_67 = arith.muli %arg1, %mul3A_66 : i32
      %mul3A_68 = arith.constant 632 : i32
      %mul3A_69 = arith.muli %arg1, %mul3A_68 : i32
      "tpu.region"() ({
        %run_scoped3A = tpu.sem_alloc : memref<!tpu.dma_semaphore, #tpu.memory_space<semaphore_mem>>
        %dma_start3A_70 = arith.constant 0 : i32
        %dma_start3A_71 = tpu.memref_slice %arg12[%mul3A_69, %dma_start3A_70] : memref<10016x128xf32, #tpu.memory_space<vmem_shared>> -> memref<632x128xf32, #tpu.memory_space<vmem_shared>>
        %dma_start3A_72 = arith.constant 0 : i32
        %dma_start3A_73 = tpu.memref_slice %arg5[%mul3A_67, %dma_start3A_72] : memref<10112x128xf32, #tpu.memory_space<hbm>> -> memref<632x128xf32, #tpu.memory_space<hbm>>
        tpu.enqueue_dma source(%dma_start3A_73 : memref<632x128xf32, #tpu.memory_space<hbm>>) target(%dma_start3A_71 : memref<632x128xf32, #tpu.memory_space<vmem_shared>>) target_semaphore(%run_scoped3A : memref<!tpu.dma_semaphore, #tpu.memory_space<semaphore_mem>>)
        %dma_wait3A = arith.constant 0 : i32
        %dma_wait3A_74 = tpu.memref_slice %arg12[%mul3A_69, %dma_wait3A] : memref<10016x128xf32, #tpu.memory_space<vmem_shared>> -> memref<632x128xf32, #tpu.memory_space<vmem_shared>>
        %dma_wait3A_75 = arith.constant 0 : i32
        %dma_wait3A_76 = tpu.memref_slice %arg5[%mul3A_67, %dma_wait3A_75] : memref<10112x128xf32, #tpu.memory_space<hbm>> -> memref<632x128xf32, #tpu.memory_space<hbm>>
        tpu.wait_dma2 semaphore(%run_scoped3A : memref<!tpu.dma_semaphore, #tpu.memory_space<semaphore_mem>>) src(%dma_wait3A_76 : memref<632x128xf32, #tpu.memory_space<hbm>>) dst(%dma_wait3A_74 : memref<632x128xf32, #tpu.memory_space<vmem_shared>>)
        tpu.yield
      }) : () -> ()
    } else {
    }
    %eq3A = arith.constant 15 : i32
    %eq3A_3 = arith.cmpi eq, %arg1, %eq3A : i32
    %convert_element_type3A_4 = arith.extui %eq3A_3 : i1 to i32
    %cond3A_5 = arith.constant 0 : i32
    %cond3A_6 = arith.cmpi ne, %convert_element_type3A_4, %cond3A_5 : i32
    scf.if %cond3A_6 {
      "tpu.region"() ({
        %run_scoped3A = tpu.sem_alloc : memref<!tpu.dma_semaphore, #tpu.memory_space<semaphore_mem>>
        %dma_start3A_66 = arith.constant 9480 : i32
        %dma_start3A_67 = arith.constant 0 : i32
        %dma_start3A_68 = tpu.memref_slice %arg12[%dma_start3A_66, %dma_start3A_67] : memref<10016x128xf32, #tpu.memory_space<vmem_shared>> -> memref<536x128xf32, #tpu.memory_space<vmem_shared>>
        %dma_start3A_69 = arith.constant 9480 : i32
        %dma_start3A_70 = arith.constant 0 : i32
        %dma_start3A_71 = tpu.memref_slice %arg5[%dma_start3A_69, %dma_start3A_70] : memref<10112x128xf32, #tpu.memory_space<hbm>> -> memref<536x128xf32, #tpu.memory_space<hbm>>
        tpu.enqueue_dma source(%dma_start3A_71 : memref<536x128xf32, #tpu.memory_space<hbm>>) target(%dma_start3A_68 : memref<536x128xf32, #tpu.memory_space<vmem_shared>>) target_semaphore(%run_scoped3A : memref<!tpu.dma_semaphore, #tpu.memory_space<semaphore_mem>>)
        %dma_wait3A = arith.constant 9480 : i32
        %dma_wait3A_72 = arith.constant 0 : i32
        %dma_wait3A_73 = tpu.memref_slice %arg12[%dma_wait3A, %dma_wait3A_72] : memref<10016x128xf32, #tpu.memory_space<vmem_shared>> -> memref<536x128xf32, #tpu.memory_space<vmem_shared>>
        %dma_wait3A_74 = arith.constant 9480 : i32
        %dma_wait3A_75 = arith.constant 0 : i32
        %dma_wait3A_76 = tpu.memref_slice %arg5[%dma_wait3A_74, %dma_wait3A_75] : memref<10112x128xf32, #tpu.memory_space<hbm>> -> memref<536x128xf32, #tpu.memory_space<hbm>>
        tpu.wait_dma2 semaphore(%run_scoped3A : memref<!tpu.dma_semaphore, #tpu.memory_space<semaphore_mem>>) src(%dma_wait3A_76 : memref<536x128xf32, #tpu.memory_space<hbm>>) dst(%dma_wait3A_73 : memref<536x128xf32, #tpu.memory_space<vmem_shared>>)
        tpu.yield
      }) : () -> ()
    } else {
    }
    %barrier3A = arith.constant 0 : index
    tpu.barrier barrier_id(%barrier3A)
    %dma_start3A = arith.constant 0 : i32
    %dma_start3A_7 = arith.constant 0 : i32
    %dma_start3A_8 = tpu.memref_slice %arg7[%dma_start3A, %dma_start3A_7] : memref<80x128xi32, #tpu.memory_space<vmem>> -> memref<1x128xi32, #tpu.memory_space<vmem>>
    %dma_start3A_9 = tpu.memref_squeeze %dma_start3A_8 : memref<1x128xi32, #tpu.memory_space<vmem>> -> memref<128xi32, #tpu.memory_space<vmem>>
    %dma_start3A_10 = arith.constant 0 : i32
    %dma_start3A_11 = arith.constant 0 : i32
    %dma_start3A_12 = tpu.memref_slice %arg2[%dma_start3A_10, %dma_start3A_11] : memref<10112x128xf32, #tpu.memory_space<hbm>> -> memref<10112x128xf32, #tpu.memory_space<hbm>>
    tpu.enqueue_indirect_dma source(%dma_start3A_12 : memref<10112x128xf32, #tpu.memory_space<hbm>>) target(%arg8 : memref<128x128xf32, #tpu.memory_space<vmem>>) offsets(%dma_start3A_9 : memref<128xi32, #tpu.memory_space<vmem>>) semaphore(%arg13 : memref<!tpu.dma_semaphore, #tpu.memory_space<semaphore_mem>>)
    %dma_start3A_13 = arith.constant 0 : i32
    %dma_start3A_14 = arith.constant 0 : i32
    %dma_start3A_15 = arith.constant 0 : i32
    %dma_start3A_16 = tpu.memref_slice %arg4[%add3A, %dma_start3A_14, %dma_start3A_15] : memref<32x80x128xi32, #tpu.memory_space<hbm>> -> memref<1x80x128xi32, #tpu.memory_space<hbm>>
    %dma_start3A_17 = tpu.memref_squeeze %dma_start3A_16 : memref<1x80x128xi32, #tpu.memory_space<hbm>> -> memref<80x128xi32, #tpu.memory_space<hbm>>
    %dma_start3A_18 = arith.constant 0 : i32
    %dma_start3A_19 = tpu.memref_slice %dma_start3A_17[%dma_start3A_13, %dma_start3A_18] : memref<80x128xi32, #tpu.memory_space<hbm>> -> memref<1x128xi32, #tpu.memory_space<hbm>>
    %dma_start3A_20 = tpu.memref_squeeze %dma_start3A_19 : memref<1x128xi32, #tpu.memory_space<hbm>> -> memref<128xi32, #tpu.memory_space<hbm>>
    %dma_start3A_21 = arith.constant 0 : i32
    %dma_start3A_22 = arith.constant 0 : i32
    %dma_start3A_23 = tpu.memref_slice %arg4[%add3A, %dma_start3A_21, %dma_start3A_22] : memref<32x80x128xi32, #tpu.memory_space<hbm>> -> memref<1x80x128xi32, #tpu.memory_space<hbm>>
    %dma_start3A_24 = tpu.memref_squeeze %dma_start3A_23 : memref<1x80x128xi32, #tpu.memory_space<hbm>> -> memref<80x128xi32, #tpu.memory_space<hbm>>
    %dma_start3A_25 = arith.constant 0 : i32
    %dma_start3A_26 = tpu.memref_slice %dma_start3A_24[%dma_start3A_13, %dma_start3A_25] : memref<80x128xi32, #tpu.memory_space<hbm>> -> memref<1x128xi32, #tpu.memory_space<hbm>>
    %dma_start3A_27 = tpu.memref_squeeze %dma_start3A_26 : memref<1x128xi32, #tpu.memory_space<hbm>> -> memref<128xi32, #tpu.memory_space<hbm>>
    tpu.enqueue_dma source(%dma_start3A_27 : memref<128xi32, #tpu.memory_space<hbm>>) target(%arg10 : memref<128xi32, #tpu.memory_space<vmem>>) target_semaphore(%arg17 : memref<!tpu.dma_semaphore, #tpu.memory_space<semaphore_mem>>)
    %dma_start3A_28 = arith.constant 1 : i32
    %dma_start3A_29 = arith.constant 0 : i32
    %dma_start3A_30 = tpu.memref_slice %arg7[%dma_start3A_28, %dma_start3A_29] : memref<80x128xi32, #tpu.memory_space<vmem>> -> memref<1x128xi32, #tpu.memory_space<vmem>>
    %dma_start3A_31 = tpu.memref_squeeze %dma_start3A_30 : memref<1x128xi32, #tpu.memory_space<vmem>> -> memref<128xi32, #tpu.memory_space<vmem>>
    %dma_start3A_32 = arith.constant 0 : i32
    %dma_start3A_33 = arith.constant 0 : i32
    %dma_start3A_34 = tpu.memref_slice %arg2[%dma_start3A_32, %dma_start3A_33] : memref<10112x128xf32, #tpu.memory_space<hbm>> -> memref<10112x128xf32, #tpu.memory_space<hbm>>
    tpu.enqueue_indirect_dma source(%dma_start3A_34 : memref<10112x128xf32, #tpu.memory_space<hbm>>) target(%arg9 : memref<128x128xf32, #tpu.memory_space<vmem>>) offsets(%dma_start3A_31 : memref<128xi32, #tpu.memory_space<vmem>>) semaphore(%arg14 : memref<!tpu.dma_semaphore, #tpu.memory_space<semaphore_mem>>)
    %dma_start3A_35 = arith.constant 1 : i32
    %dma_start3A_36 = arith.constant 0 : i32
    %dma_start3A_37 = arith.constant 0 : i32
    %dma_start3A_38 = tpu.memref_slice %arg4[%add3A, %dma_start3A_36, %dma_start3A_37] : memref<32x80x128xi32, #tpu.memory_space<hbm>> -> memref<1x80x128xi32, #tpu.memory_space<hbm>>
    %dma_start3A_39 = tpu.memref_squeeze %dma_start3A_38 : memref<1x80x128xi32, #tpu.memory_space<hbm>> -> memref<80x128xi32, #tpu.memory_space<hbm>>
    %dma_start3A_40 = arith.constant 0 : i32
    %dma_start3A_41 = tpu.memref_slice %dma_start3A_39[%dma_start3A_35, %dma_start3A_40] : memref<80x128xi32, #tpu.memory_space<hbm>> -> memref<1x128xi32, #tpu.memory_space<hbm>>
    %dma_start3A_42 = tpu.memref_squeeze %dma_start3A_41 : memref<1x128xi32, #tpu.memory_space<hbm>> -> memref<128xi32, #tpu.memory_space<hbm>>
    %dma_start3A_43 = arith.constant 0 : i32
    %dma_start3A_44 = arith.constant 0 : i32
    %dma_start3A_45 = tpu.memref_slice %arg4[%add3A, %dma_start3A_43, %dma_start3A_44] : memref<32x80x128xi32, #tpu.memory_space<hbm>> -> memref<1x80x128xi32, #tpu.memory_space<hbm>>
    %dma_start3A_46 = tpu.memref_squeeze %dma_start3A_45 : memref<1x80x128xi32, #tpu.memory_space<hbm>> -> memref<80x128xi32, #tpu.memory_space<hbm>>
    %dma_start3A_47 = arith.constant 0 : i32
    %dma_start3A_48 = tpu.memref_slice %dma_start3A_46[%dma_start3A_35, %dma_start3A_47] : memref<80x128xi32, #tpu.memory_space<hbm>> -> memref<1x128xi32, #tpu.memory_space<hbm>>
    %dma_start3A_49 = tpu.memref_squeeze %dma_start3A_48 : memref<1x128xi32, #tpu.memory_space<hbm>> -> memref<128xi32, #tpu.memory_space<hbm>>
    tpu.enqueue_dma source(%dma_start3A_49 : memref<128xi32, #tpu.memory_space<hbm>>) target(%arg11 : memref<128xi32, #tpu.memory_space<vmem>>) target_semaphore(%arg18 : memref<!tpu.dma_semaphore, #tpu.memory_space<semaphore_mem>>)
    %scan3A = arith.constant 0 : i32
    %scan3A_50 = arith.constant 0 : i32
    %scan3A_51 = arith.constant 40 : i32
    %scan3A_52 = arith.addi %scan3A_50, %scan3A_51 : i32
    %scan3A_53 = arith.constant 1 : i32
    scf.for %scan3A_66 = %scan3A_50 to %scan3A_52 step %scan3A_53  : i32 {
      %mul3A_67 = arith.constant 2 : i32
      %mul3A_68 = arith.muli %scan3A_66, %mul3A_67 : i32
      %add3A_69 = arith.constant 0 : i32
      %add3A_70 = arith.addi %mul3A_68, %add3A_69 : i32
      %dma_wait3A = arith.constant 0 : i32
      %dma_wait3A_71 = tpu.memref_slice %arg7[%add3A_70, %dma_wait3A] : memref<80x128xi32, #tpu.memory_space<vmem>> -> memref<1x128xi32, #tpu.memory_space<vmem>>
      %dma_wait3A_72 = tpu.memref_squeeze %dma_wait3A_71 : memref<1x128xi32, #tpu.memory_space<vmem>> -> memref<128xi32, #tpu.memory_space<vmem>>
      %dma_wait3A_73 = arith.constant 0 : i32
      %dma_wait3A_74 = arith.constant 0 : i32
      %dma_wait3A_75 = tpu.memref_slice %arg2[%dma_wait3A_73, %dma_wait3A_74] : memref<10112x128xf32, #tpu.memory_space<hbm>> -> memref<10112x128xf32, #tpu.memory_space<hbm>>
      tpu.wait_indirect_dma semaphore(%arg13 : memref<!tpu.dma_semaphore, #tpu.memory_space<semaphore_mem>>) src(%dma_wait3A_75 : memref<10112x128xf32, #tpu.memory_space<hbm>>) dst(%arg8 : memref<128x128xf32, #tpu.memory_space<vmem>>)
      %dma_wait3A_76 = arith.constant 0 : i32
      %dma_wait3A_77 = arith.constant 0 : i32
      %dma_wait3A_78 = tpu.memref_slice %arg4[%add3A, %dma_wait3A_76, %dma_wait3A_77] : memref<32x80x128xi32, #tpu.memory_space<hbm>> -> memref<1x80x128xi32, #tpu.memory_space<hbm>>
      %dma_wait3A_79 = tpu.memref_squeeze %dma_wait3A_78 : memref<1x80x128xi32, #tpu.memory_space<hbm>> -> memref<80x128xi32, #tpu.memory_space<hbm>>
      %dma_wait3A_80 = arith.constant 0 : i32
      %dma_wait3A_81 = tpu.memref_slice %dma_wait3A_79[%add3A_70, %dma_wait3A_80] : memref<80x128xi32, #tpu.memory_space<hbm>> -> memref<1x128xi32, #tpu.memory_space<hbm>>
      %dma_wait3A_82 = tpu.memref_squeeze %dma_wait3A_81 : memref<1x128xi32, #tpu.memory_space<hbm>> -> memref<128xi32, #tpu.memory_space<hbm>>
      %dma_wait3A_83 = arith.constant 0 : i32
      %dma_wait3A_84 = arith.constant 0 : i32
      %dma_wait3A_85 = tpu.memref_slice %arg4[%add3A, %dma_wait3A_83, %dma_wait3A_84] : memref<32x80x128xi32, #tpu.memory_space<hbm>> -> memref<1x80x128xi32, #tpu.memory_space<hbm>>
      %dma_wait3A_86 = tpu.memref_squeeze %dma_wait3A_85 : memref<1x80x128xi32, #tpu.memory_space<hbm>> -> memref<80x128xi32, #tpu.memory_space<hbm>>
      %dma_wait3A_87 = arith.constant 0 : i32
      %dma_wait3A_88 = tpu.memref_slice %dma_wait3A_86[%add3A_70, %dma_wait3A_87] : memref<80x128xi32, #tpu.memory_space<hbm>> -> memref<1x128xi32, #tpu.memory_space<hbm>>
      %dma_wait3A_89 = tpu.memref_squeeze %dma_wait3A_88 : memref<1x128xi32, #tpu.memory_space<hbm>> -> memref<128xi32, #tpu.memory_space<hbm>>
      tpu.wait_dma2 semaphore(%arg17 : memref<!tpu.dma_semaphore, #tpu.memory_space<semaphore_mem>>) src(%dma_wait3A_89 : memref<128xi32, #tpu.memory_space<hbm>>) dst(%arg10 : memref<128xi32, #tpu.memory_space<vmem>>)
      %dma_start3A_90 = arith.constant 0 : i32
      %dma_start3A_91 = arith.constant 0 : i32
      %dma_start3A_92 = tpu.memref_slice %arg12[%dma_start3A_90, %dma_start3A_91] : memref<10016x128xf32, #tpu.memory_space<vmem_shared>> -> memref<10016x128xf32, #tpu.memory_space<vmem_shared>>
      tpu.enqueue_indirect_dma source(%arg8 : memref<128x128xf32, #tpu.memory_space<vmem>>) target(%dma_start3A_92 : memref<10016x128xf32, #tpu.memory_space<vmem_shared>>) offsets(%arg10 : memref<128xi32, #tpu.memory_space<vmem>>) semaphore(%arg15 : memref<!tpu.dma_semaphore, #tpu.memory_space<semaphore_mem>>) {add = true}
      %add3A_93 = arith.constant 1 : i32
      %add3A_94 = arith.addi %mul3A_68, %add3A_93 : i32
      %dma_wait3A_95 = arith.constant 0 : i32
      %dma_wait3A_96 = tpu.memref_slice %arg7[%add3A_94, %dma_wait3A_95] : memref<80x128xi32, #tpu.memory_space<vmem>> -> memref<1x128xi32, #tpu.memory_space<vmem>>
      %dma_wait3A_97 = tpu.memref_squeeze %dma_wait3A_96 : memref<1x128xi32, #tpu.memory_space<vmem>> -> memref<128xi32, #tpu.memory_space<vmem>>
      %dma_wait3A_98 = arith.constant 0 : i32
      %dma_wait3A_99 = arith.constant 0 : i32
      %dma_wait3A_100 = tpu.memref_slice %arg2[%dma_wait3A_98, %dma_wait3A_99] : memref<10112x128xf32, #tpu.memory_space<hbm>> -> memref<10112x128xf32, #tpu.memory_space<hbm>>
      tpu.wait_indirect_dma semaphore(%arg14 : memref<!tpu.dma_semaphore, #tpu.memory_space<semaphore_mem>>) src(%dma_wait3A_100 : memref<10112x128xf32, #tpu.memory_space<hbm>>) dst(%arg9 : memref<128x128xf32, #tpu.memory_space<vmem>>)
      %dma_wait3A_101 = arith.constant 0 : i32
      %dma_wait3A_102 = arith.constant 0 : i32
      %dma_wait3A_103 = tpu.memref_slice %arg4[%add3A, %dma_wait3A_101, %dma_wait3A_102] : memref<32x80x128xi32, #tpu.memory_space<hbm>> -> memref<1x80x128xi32, #tpu.memory_space<hbm>>
      %dma_wait3A_104 = tpu.memref_squeeze %dma_wait3A_103 : memref<1x80x128xi32, #tpu.memory_space<hbm>> -> memref<80x128xi32, #tpu.memory_space<hbm>>
      %dma_wait3A_105 = arith.constant 0 : i32
      %dma_wait3A_106 = tpu.memref_slice %dma_wait3A_104[%add3A_94, %dma_wait3A_105] : memref<80x128xi32, #tpu.memory_space<hbm>> -> memref<1x128xi32, #tpu.memory_space<hbm>>
      %dma_wait3A_107 = tpu.memref_squeeze %dma_wait3A_106 : memref<1x128xi32, #tpu.memory_space<hbm>> -> memref<128xi32, #tpu.memory_space<hbm>>
      %dma_wait3A_108 = arith.constant 0 : i32
      %dma_wait3A_109 = arith.constant 0 : i32
      %dma_wait3A_110 = tpu.memref_slice %arg4[%add3A, %dma_wait3A_108, %dma_wait3A_109] : memref<32x80x128xi32, #tpu.memory_space<hbm>> -> memref<1x80x128xi32, #tpu.memory_space<hbm>>
      %dma_wait3A_111 = tpu.memref_squeeze %dma_wait3A_110 : memref<1x80x128xi32, #tpu.memory_space<hbm>> -> memref<80x128xi32, #tpu.memory_space<hbm>>
      %dma_wait3A_112 = arith.constant 0 : i32
      %dma_wait3A_113 = tpu.memref_slice %dma_wait3A_111[%add3A_94, %dma_wait3A_112] : memref<80x128xi32, #tpu.memory_space<hbm>> -> memref<1x128xi32, #tpu.memory_space<hbm>>
      %dma_wait3A_114 = tpu.memref_squeeze %dma_wait3A_113 : memref<1x128xi32, #tpu.memory_space<hbm>> -> memref<128xi32, #tpu.memory_space<hbm>>
      tpu.wait_dma2 semaphore(%arg18 : memref<!tpu.dma_semaphore, #tpu.memory_space<semaphore_mem>>) src(%dma_wait3A_114 : memref<128xi32, #tpu.memory_space<hbm>>) dst(%arg11 : memref<128xi32, #tpu.memory_space<vmem>>)
      %dma_start3A_115 = arith.constant 0 : i32
      %dma_start3A_116 = arith.constant 0 : i32
      %dma_start3A_117 = tpu.memref_slice %arg12[%dma_start3A_115, %dma_start3A_116] : memref<10016x128xf32, #tpu.memory_space<vmem_shared>> -> memref<10016x128xf32, #tpu.memory_space<vmem_shared>>
      tpu.enqueue_indirect_dma source(%arg9 : memref<128x128xf32, #tpu.memory_space<vmem>>) target(%dma_start3A_117 : memref<10016x128xf32, #tpu.memory_space<vmem_shared>>) offsets(%arg11 : memref<128xi32, #tpu.memory_space<vmem>>) semaphore(%arg16 : memref<!tpu.dma_semaphore, #tpu.memory_space<semaphore_mem>>) {add = true}
      %add3A_118 = arith.constant 0 : i32
      %add3A_119 = arith.addi %mul3A_68, %add3A_118 : i32
      %dma_wait3A_120 = arith.constant 0 : i32
      %dma_wait3A_121 = arith.constant 0 : i32
      %dma_wait3A_122 = tpu.memref_slice %arg12[%dma_wait3A_120, %dma_wait3A_121] : memref<10016x128xf32, #tpu.memory_space<vmem_shared>> -> memref<10016x128xf32, #tpu.memory_space<vmem_shared>>
      tpu.wait_indirect_dma semaphore(%arg15 : memref<!tpu.dma_semaphore, #tpu.memory_space<semaphore_mem>>) src(%arg8 : memref<128x128xf32, #tpu.memory_space<vmem>>) dst(%dma_wait3A_122 : memref<10016x128xf32, #tpu.memory_space<vmem_shared>>)
      %add3A_123 = arith.constant 2 : i32
      %add3A_124 = arith.addi %add3A_119, %add3A_123 : i32
      %lt3A_125 = arith.constant 80 : i32
      %lt3A_126 = arith.cmpi slt, %add3A_124, %lt3A_125 : i32
      %convert_element_type3A_127 = arith.extui %lt3A_126 : i1 to i32
      %cond3A_128 = arith.constant 0 : i32
      %cond3A_129 = arith.cmpi ne, %convert_element_type3A_127, %cond3A_128 : i32
      scf.if %cond3A_129 {
        %dma_start3A_142 = arith.constant 0 : i32
        %dma_start3A_143 = tpu.memref_slice %arg7[%add3A_124, %dma_start3A_142] : memref<80x128xi32, #tpu.memory_space<vmem>> -> memref<1x128xi32, #tpu.memory_space<vmem>>
        %dma_start3A_144 = tpu.memref_squeeze %dma_start3A_143 : memref<1x128xi32, #tpu.memory_space<vmem>> -> memref<128xi32, #tpu.memory_space<vmem>>
        %dma_start3A_145 = arith.constant 0 : i32
        %dma_start3A_146 = arith.constant 0 : i32
        %dma_start3A_147 = tpu.memref_slice %arg2[%dma_start3A_145, %dma_start3A_146] : memref<10112x128xf32, #tpu.memory_space<hbm>> -> memref<10112x128xf32, #tpu.memory_space<hbm>>
        tpu.enqueue_indirect_dma source(%dma_start3A_147 : memref<10112x128xf32, #tpu.memory_space<hbm>>) target(%arg8 : memref<128x128xf32, #tpu.memory_space<vmem>>) offsets(%dma_start3A_144 : memref<128xi32, #tpu.memory_space<vmem>>) semaphore(%arg13 : memref<!tpu.dma_semaphore, #tpu.memory_space<semaphore_mem>>)
        %dma_start3A_148 = arith.constant 0 : i32
        %dma_start3A_149 = arith.constant 0 : i32
        %dma_start3A_150 = tpu.memref_slice %arg4[%add3A, %dma_start3A_148, %dma_start3A_149] : memref<32x80x128xi32, #tpu.memory_space<hbm>> -> memref<1x80x128xi32, #tpu.memory_space<hbm>>
        %dma_start3A_151 = tpu.memref_squeeze %dma_start3A_150 : memref<1x80x128xi32, #tpu.memory_space<hbm>> -> memref<80x128xi32, #tpu.memory_space<hbm>>
        %dma_start3A_152 = arith.constant 0 : i32
        %dma_start3A_153 = tpu.memref_slice %dma_start3A_151[%add3A_124, %dma_start3A_152] : memref<80x128xi32, #tpu.memory_space<hbm>> -> memref<1x128xi32, #tpu.memory_space<hbm>>
        %dma_start3A_154 = tpu.memref_squeeze %dma_start3A_153 : memref<1x128xi32, #tpu.memory_space<hbm>> -> memref<128xi32, #tpu.memory_space<hbm>>
        %dma_start3A_155 = arith.constant 0 : i32
        %dma_start3A_156 = arith.constant 0 : i32
        %dma_start3A_157 = tpu.memref_slice %arg4[%add3A, %dma_start3A_155, %dma_start3A_156] : memref<32x80x128xi32, #tpu.memory_space<hbm>> -> memref<1x80x128xi32, #tpu.memory_space<hbm>>
        %dma_start3A_158 = tpu.memref_squeeze %dma_start3A_157 : memref<1x80x128xi32, #tpu.memory_space<hbm>> -> memref<80x128xi32, #tpu.memory_space<hbm>>
        %dma_start3A_159 = arith.constant 0 : i32
        %dma_start3A_160 = tpu.memref_slice %dma_start3A_158[%add3A_124, %dma_start3A_159] : memref<80x128xi32, #tpu.memory_space<hbm>> -> memref<1x128xi32, #tpu.memory_space<hbm>>
        %dma_start3A_161 = tpu.memref_squeeze %dma_start3A_160 : memref<1x128xi32, #tpu.memory_space<hbm>> -> memref<128xi32, #tpu.memory_space<hbm>>
        tpu.enqueue_dma source(%dma_start3A_161 : memref<128xi32, #tpu.memory_space<hbm>>) target(%arg10 : memref<128xi32, #tpu.memory_space<vmem>>) target_semaphore(%arg17 : memref<!tpu.dma_semaphore, #tpu.memory_space<semaphore_mem>>)
      } else {
      }
      %add3A_130 = arith.constant 1 : i32
      %add3A_131 = arith.addi %mul3A_68, %add3A_130 : i32
      %dma_wait3A_132 = arith.constant 0 : i32
      %dma_wait3A_133 = arith.constant 0 : i32
      %dma_wait3A_134 = tpu.memref_slice %arg12[%dma_wait3A_132, %dma_wait3A_133] : memref<10016x128xf32, #tpu.memory_space<vmem_shared>> -> memref<10016x128xf32, #tpu.memory_space<vmem_shared>>
      tpu.wait_indirect_dma semaphore(%arg16 : memref<!tpu.dma_semaphore, #tpu.memory_space<semaphore_mem>>) src(%arg9 : memref<128x128xf32, #tpu.memory_space<vmem>>) dst(%dma_wait3A_134 : memref<10016x128xf32, #tpu.memory_space<vmem_shared>>)
      %add3A_135 = arith.constant 2 : i32
      %add3A_136 = arith.addi %add3A_131, %add3A_135 : i32
      %lt3A_137 = arith.constant 80 : i32
      %lt3A_138 = arith.cmpi slt, %add3A_136, %lt3A_137 : i32
      %convert_element_type3A_139 = arith.extui %lt3A_138 : i1 to i32
      %cond3A_140 = arith.constant 0 : i32
      %cond3A_141 = arith.cmpi ne, %convert_element_type3A_139, %cond3A_140 : i32
      scf.if %cond3A_141 {
        %dma_start3A_142 = arith.constant 0 : i32
        %dma_start3A_143 = tpu.memref_slice %arg7[%add3A_136, %dma_start3A_142] : memref<80x128xi32, #tpu.memory_space<vmem>> -> memref<1x128xi32, #tpu.memory_space<vmem>>
        %dma_start3A_144 = tpu.memref_squeeze %dma_start3A_143 : memref<1x128xi32, #tpu.memory_space<vmem>> -> memref<128xi32, #tpu.memory_space<vmem>>
        %dma_start3A_145 = arith.constant 0 : i32
        %dma_start3A_146 = arith.constant 0 : i32
        %dma_start3A_147 = tpu.memref_slice %arg2[%dma_start3A_145, %dma_start3A_146] : memref<10112x128xf32, #tpu.memory_space<hbm>> -> memref<10112x128xf32, #tpu.memory_space<hbm>>
        tpu.enqueue_indirect_dma source(%dma_start3A_147 : memref<10112x128xf32, #tpu.memory_space<hbm>>) target(%arg9 : memref<128x128xf32, #tpu.memory_space<vmem>>) offsets(%dma_start3A_144 : memref<128xi32, #tpu.memory_space<vmem>>) semaphore(%arg14 : memref<!tpu.dma_semaphore, #tpu.memory_space<semaphore_mem>>)
        %dma_start3A_148 = arith.constant 0 : i32
        %dma_start3A_149 = arith.constant 0 : i32
        %dma_start3A_150 = tpu.memref_slice %arg4[%add3A, %dma_start3A_148, %dma_start3A_149] : memref<32x80x128xi32, #tpu.memory_space<hbm>> -> memref<1x80x128xi32, #tpu.memory_space<hbm>>
        %dma_start3A_151 = tpu.memref_squeeze %dma_start3A_150 : memref<1x80x128xi32, #tpu.memory_space<hbm>> -> memref<80x128xi32, #tpu.memory_space<hbm>>
        %dma_start3A_152 = arith.constant 0 : i32
        %dma_start3A_153 = tpu.memref_slice %dma_start3A_151[%add3A_136, %dma_start3A_152] : memref<80x128xi32, #tpu.memory_space<hbm>> -> memref<1x128xi32, #tpu.memory_space<hbm>>
        %dma_start3A_154 = tpu.memref_squeeze %dma_start3A_153 : memref<1x128xi32, #tpu.memory_space<hbm>> -> memref<128xi32, #tpu.memory_space<hbm>>
        %dma_start3A_155 = arith.constant 0 : i32
        %dma_start3A_156 = arith.constant 0 : i32
        %dma_start3A_157 = tpu.memref_slice %arg4[%add3A, %dma_start3A_155, %dma_start3A_156] : memref<32x80x128xi32, #tpu.memory_space<hbm>> -> memref<1x80x128xi32, #tpu.memory_space<hbm>>
        %dma_start3A_158 = tpu.memref_squeeze %dma_start3A_157 : memref<1x80x128xi32, #tpu.memory_space<hbm>> -> memref<80x128xi32, #tpu.memory_space<hbm>>
        %dma_start3A_159 = arith.constant 0 : i32
        %dma_start3A_160 = tpu.memref_slice %dma_start3A_158[%add3A_136, %dma_start3A_159] : memref<80x128xi32, #tpu.memory_space<hbm>> -> memref<1x128xi32, #tpu.memory_space<hbm>>
        %dma_start3A_161 = tpu.memref_squeeze %dma_start3A_160 : memref<1x128xi32, #tpu.memory_space<hbm>> -> memref<128xi32, #tpu.memory_space<hbm>>
        tpu.enqueue_dma source(%dma_start3A_161 : memref<128xi32, #tpu.memory_space<hbm>>) target(%arg11 : memref<128xi32, #tpu.memory_space<vmem>>) target_semaphore(%arg18 : memref<!tpu.dma_semaphore, #tpu.memory_space<semaphore_mem>>)
      } else {
      }
    }
    %scan3A_54 = arith.constant 40 : i32
    %barrier3A_55 = arith.constant 0 : index
    tpu.barrier barrier_id(%barrier3A_55)
    %lt3A_56 = arith.constant 15 : i32
    %lt3A_57 = arith.cmpi slt, %arg1, %lt3A_56 : i32
    %convert_element_type3A_58 = arith.extui %lt3A_57 : i1 to i32
    %cond3A_59 = arith.constant 0 : i32
    %cond3A_60 = arith.cmpi ne, %convert_element_type3A_58, %cond3A_59 : i32
    scf.if %cond3A_60 {
      %mul3A_66 = arith.constant 632 : i32
      %mul3A_67 = arith.muli %arg1, %mul3A_66 : i32
      %mul3A_68 = arith.constant 632 : i32
      %mul3A_69 = arith.muli %arg1, %mul3A_68 : i32
      "tpu.region"() ({
        %run_scoped3A = tpu.sem_alloc : memref<!tpu.dma_semaphore, #tpu.memory_space<semaphore_mem>>
        %dma_start3A_70 = arith.constant 0 : i32
        %dma_start3A_71 = arith.constant 0 : i32
        %dma_start3A_72 = tpu.memref_slice %arg6[%arg0, %dma_start3A_70, %dma_start3A_71] : memref<2x10112x128xf32, #tpu.memory_space<hbm>> -> memref<1x10112x128xf32, #tpu.memory_space<hbm>>
        %dma_start3A_73 = tpu.memref_squeeze %dma_start3A_72 : memref<1x10112x128xf32, #tpu.memory_space<hbm>> -> memref<10112x128xf32, #tpu.memory_space<hbm>>
        %dma_start3A_74 = arith.constant 0 : i32
        %dma_start3A_75 = tpu.memref_slice %dma_start3A_73[%mul3A_69, %dma_start3A_74] : memref<10112x128xf32, #tpu.memory_space<hbm>> -> memref<632x128xf32, #tpu.memory_space<hbm>>
        %dma_start3A_76 = arith.constant 0 : i32
        %dma_start3A_77 = tpu.memref_slice %arg12[%mul3A_67, %dma_start3A_76] : memref<10016x128xf32, #tpu.memory_space<vmem_shared>> -> memref<632x128xf32, #tpu.memory_space<vmem_shared>>
        tpu.enqueue_dma source(%dma_start3A_77 : memref<632x128xf32, #tpu.memory_space<vmem_shared>>) target(%dma_start3A_75 : memref<632x128xf32, #tpu.memory_space<hbm>>) target_semaphore(%run_scoped3A : memref<!tpu.dma_semaphore, #tpu.memory_space<semaphore_mem>>)
        %dma_wait3A = arith.constant 0 : i32
        %dma_wait3A_78 = arith.constant 0 : i32
        %dma_wait3A_79 = tpu.memref_slice %arg6[%arg0, %dma_wait3A, %dma_wait3A_78] : memref<2x10112x128xf32, #tpu.memory_space<hbm>> -> memref<1x10112x128xf32, #tpu.memory_space<hbm>>
        %dma_wait3A_80 = tpu.memref_squeeze %dma_wait3A_79 : memref<1x10112x128xf32, #tpu.memory_space<hbm>> -> memref<10112x128xf32, #tpu.memory_space<hbm>>
        %dma_wait3A_81 = arith.constant 0 : i32
        %dma_wait3A_82 = tpu.memref_slice %dma_wait3A_80[%mul3A_69, %dma_wait3A_81] : memref<10112x128xf32, #tpu.memory_space<hbm>> -> memref<632x128xf32, #tpu.memory_space<hbm>>
        %dma_wait3A_83 = arith.constant 0 : i32
        %dma_wait3A_84 = tpu.memref_slice %arg12[%mul3A_67, %dma_wait3A_83] : memref<10016x128xf32, #tpu.memory_space<vmem_shared>> -> memref<632x128xf32, #tpu.memory_space<vmem_shared>>
        tpu.wait_dma2 semaphore(%run_scoped3A : memref<!tpu.dma_semaphore, #tpu.memory_space<semaphore_mem>>) src(%dma_wait3A_84 : memref<632x128xf32, #tpu.memory_space<vmem_shared>>) dst(%dma_wait3A_82 : memref<632x128xf32, #tpu.memory_space<hbm>>)
        tpu.yield
      }) : () -> ()
    } else {
    }
    %eq3A_61 = arith.constant 15 : i32
    %eq3A_62 = arith.cmpi eq, %arg1, %eq3A_61 : i32
    %convert_element_type3A_63 = arith.extui %eq3A_62 : i1 to i32
    %cond3A_64 = arith.constant 0 : i32
    %cond3A_65 = arith.cmpi ne, %convert_element_type3A_63, %cond3A_64 : i32
    scf.if %cond3A_65 {
      "tpu.region"() ({
        %run_scoped3A = tpu.sem_alloc : memref<!tpu.dma_semaphore, #tpu.memory_space<semaphore_mem>>
        %dma_start3A_66 = arith.constant 0 : i32
        %dma_start3A_67 = arith.constant 0 : i32
        %dma_start3A_68 = tpu.memref_slice %arg6[%arg0, %dma_start3A_66, %dma_start3A_67] : memref<2x10112x128xf32, #tpu.memory_space<hbm>> -> memref<1x10112x128xf32, #tpu.memory_space<hbm>>
        %dma_start3A_69 = tpu.memref_squeeze %dma_start3A_68 : memref<1x10112x128xf32, #tpu.memory_space<hbm>> -> memref<10112x128xf32, #tpu.memory_space<hbm>>
        %dma_start3A_70 = arith.constant 9480 : i32
        %dma_start3A_71 = arith.constant 0 : i32
        %dma_start3A_72 = tpu.memref_slice %dma_start3A_69[%dma_start3A_70, %dma_start3A_71] : memref<10112x128xf32, #tpu.memory_space<hbm>> -> memref<536x128xf32, #tpu.memory_space<hbm>>
        %dma_start3A_73 = arith.constant 9480 : i32
        %dma_start3A_74 = arith.constant 0 : i32
        %dma_start3A_75 = tpu.memref_slice %arg12[%dma_start3A_73, %dma_start3A_74] : memref<10016x128xf32, #tpu.memory_space<vmem_shared>> -> memref<536x128xf32, #tpu.memory_space<vmem_shared>>
        tpu.enqueue_dma source(%dma_start3A_75 : memref<536x128xf32, #tpu.memory_space<vmem_shared>>) target(%dma_start3A_72 : memref<536x128xf32, #tpu.memory_space<hbm>>) target_semaphore(%run_scoped3A : memref<!tpu.dma_semaphore, #tpu.memory_space<semaphore_mem>>)
        %dma_wait3A = arith.constant 0 : i32
        %dma_wait3A_76 = arith.constant 0 : i32
        %dma_wait3A_77 = tpu.memref_slice %arg6[%arg0, %dma_wait3A, %dma_wait3A_76] : memref<2x10112x128xf32, #tpu.memory_space<hbm>> -> memref<1x10112x128xf32, #tpu.memory_space<hbm>>
        %dma_wait3A_78 = tpu.memref_squeeze %dma_wait3A_77 : memref<1x10112x128xf32, #tpu.memory_space<hbm>> -> memref<10112x128xf32, #tpu.memory_space<hbm>>
        %dma_wait3A_79 = arith.constant 9480 : i32
        %dma_wait3A_80 = arith.constant 0 : i32
        %dma_wait3A_81 = tpu.memref_slice %dma_wait3A_78[%dma_wait3A_79, %dma_wait3A_80] : memref<10112x128xf32, #tpu.memory_space<hbm>> -> memref<536x128xf32, #tpu.memory_space<hbm>>
        %dma_wait3A_82 = arith.constant 9480 : i32
        %dma_wait3A_83 = arith.constant 0 : i32
        %dma_wait3A_84 = tpu.memref_slice %arg12[%dma_wait3A_82, %dma_wait3A_83] : memref<10016x128xf32, #tpu.memory_space<vmem_shared>> -> memref<536x128xf32, #tpu.memory_space<vmem_shared>>
        tpu.wait_dma2 semaphore(%run_scoped3A : memref<!tpu.dma_semaphore, #tpu.memory_space<semaphore_mem>>) src(%dma_wait3A_84 : memref<536x128xf32, #tpu.memory_space<vmem_shared>>) dst(%dma_wait3A_81 : memref<536x128xf32, #tpu.memory_space<hbm>>)
        tpu.yield
      }) : () -> ()
    } else {
    }
    return
  }
}

#map = affine_map<(d0, d1) -> (0, 0)>
#map1 = affine_map<(d0, d1) -> (0, 0, 0)>
module attributes {stable_mosaic.version = 14 : i64} {
  func.func @seg(%arg0: i32, %arg1: i32, %arg2: memref<10112x128xf32, #tpu.memory_space<hbm>>, %arg3: memref<32x80x128xi32, #tpu.memory_space<hbm>>, %arg4: memref<32x80x128xi32, #tpu.memory_space<hbm>>, %arg5: memref<10112x128xf32, #tpu.memory_space<hbm>>, %arg6: memref<2x10112x128xf32, #tpu.memory_space<hbm>>, %arg7: memref<80x128xi32, #tpu.memory_space<vmem>>, %arg8: memref<128x128xf32, #tpu.memory_space<vmem>>, %arg9: memref<128x128xf32, #tpu.memory_space<vmem>>, %arg10: memref<128xi32, #tpu.memory_space<vmem>>, %arg11: memref<128xi32, #tpu.memory_space<vmem>>, %arg12: memref<10016x128xf32, #tpu.memory_space<vmem_shared>>, %arg13: memref<!tpu.dma_semaphore, #tpu.memory_space<semaphore_mem>>, %arg14: memref<!tpu.dma_semaphore, #tpu.memory_space<semaphore_mem>>, %arg15: memref<!tpu.dma_semaphore, #tpu.memory_space<semaphore_mem>>, %arg16: memref<!tpu.dma_semaphore, #tpu.memory_space<semaphore_mem>>, %arg17: memref<!tpu.dma_semaphore, #tpu.memory_space<semaphore_mem>>, %arg18: memref<!tpu.dma_semaphore, #tpu.memory_space<semaphore_mem>>) attributes {dimension_semantics = [#tpu.dimension_semantics<core_parallel>, #tpu.dimension_semantics<subcore_parallel>], iteration_bounds = array<i64: 2, 16>, scalar_prefetch = 0 : i64, scratch_operands = 12 : i64, tpu.core_type = #tpu.core_type<sc_vector_subcore>, window_params = [{transform_indices = #map}, {transform_indices = #map1}, {transform_indices = #map1}, {transform_indices = #map}, {transform_indices = #map1}]} {
    %mul3A = arith.constant 2 : i32
    %mul3A_0 = arith.muli %arg1, %mul3A : i32
    %add3A = arith.addi %mul3A_0, %arg0 : i32
    "tpu.region"() ({
      %run_scoped3A = tpu.sem_alloc : memref<!tpu.dma_semaphore, #tpu.memory_space<semaphore_mem>>
      %dma_start3A_66 = arith.constant 0 : i32
      %dma_start3A_67 = arith.constant 0 : i32
      %dma_start3A_68 = tpu.memref_slice %arg3[%add3A, %dma_start3A_66, %dma_start3A_67] : memref<32x80x128xi32, #tpu.memory_space<hbm>> -> memref<1x80x128xi32, #tpu.memory_space<hbm>>
      %dma_start3A_69 = tpu.memref_squeeze %dma_start3A_68 : memref<1x80x128xi32, #tpu.memory_space<hbm>> -> memref<80x128xi32, #tpu.memory_space<hbm>>
      %dma_start3A_70 = arith.constant 0 : i32
      %dma_start3A_71 = arith.constant 0 : i32
      %dma_start3A_72 = tpu.memref_slice %arg3[%add3A, %dma_start3A_70, %dma_start3A_71] : memref<32x80x128xi32, #tpu.memory_space<hbm>> -> memref<1x80x128xi32, #tpu.memory_space<hbm>>
      %dma_start3A_73 = tpu.memref_squeeze %dma_start3A_72 : memref<1x80x128xi32, #tpu.memory_space<hbm>> -> memref<80x128xi32, #tpu.memory_space<hbm>>
      tpu.enqueue_dma source(%dma_start3A_73 : memref<80x128xi32, #tpu.memory_space<hbm>>) target(%arg7 : memref<80x128xi32, #tpu.memory_space<vmem>>) target_semaphore(%run_scoped3A : memref<!tpu.dma_semaphore, #tpu.memory_space<semaphore_mem>>)
      %dma_wait3A = arith.constant 0 : i32
      %dma_wait3A_74 = arith.constant 0 : i32
      %dma_wait3A_75 = tpu.memref_slice %arg3[%add3A, %dma_wait3A, %dma_wait3A_74] : memref<32x80x128xi32, #tpu.memory_space<hbm>> -> memref<1x80x128xi32, #tpu.memory_space<hbm>>
      %dma_wait3A_76 = tpu.memref_squeeze %dma_wait3A_75 : memref<1x80x128xi32, #tpu.memory_space<hbm>> -> memref<80x128xi32, #tpu.memory_space<hbm>>
      %dma_wait3A_77 = arith.constant 0 : i32
      %dma_wait3A_78 = arith.constant 0 : i32
      %dma_wait3A_79 = tpu.memref_slice %arg3[%add3A, %dma_wait3A_77, %dma_wait3A_78] : memref<32x80x128xi32, #tpu.memory_space<hbm>> -> memref<1x80x128xi32, #tpu.memory_space<hbm>>
      %dma_wait3A_80 = tpu.memref_squeeze %dma_wait3A_79 : memref<1x80x128xi32, #tpu.memory_space<hbm>> -> memref<80x128xi32, #tpu.memory_space<hbm>>
      tpu.wait_dma2 semaphore(%run_scoped3A : memref<!tpu.dma_semaphore, #tpu.memory_space<semaphore_mem>>) src(%dma_wait3A_80 : memref<80x128xi32, #tpu.memory_space<hbm>>) dst(%arg7 : memref<80x128xi32, #tpu.memory_space<vmem>>)
      tpu.yield
    }) : () -> ()
    %lt3A = arith.constant 15 : i32
    %lt3A_1 = arith.cmpi slt, %arg1, %lt3A : i32
    %convert_element_type3A = arith.extui %lt3A_1 : i1 to i32
    %cond3A = arith.constant 0 : i32
    %cond3A_2 = arith.cmpi ne, %convert_element_type3A, %cond3A : i32
    scf.if %cond3A_2 {
      %mul3A_66 = arith.constant 632 : i32
      %mul3A_67 = arith.muli %arg1, %mul3A_66 : i32
      %mul3A_68 = arith.constant 632 : i32
      %mul3A_69 = arith.muli %arg1, %mul3A_68 : i32
      "tpu.region"() ({
        %run_scoped3A = tpu.sem_alloc : memref<!tpu.dma_semaphore, #tpu.memory_space<semaphore_mem>>
        %dma_start3A_70 = arith.constant 0 : i32
        %dma_start3A_71 = tpu.memref_slice %arg12[%mul3A_69, %dma_start3A_70] : memref<10016x128xf32, #tpu.memory_space<vmem_shared>> -> memref<632x128xf32, #tpu.memory_space<vmem_shared>>
        %dma_start3A_72 = arith.constant 0 : i32
        %dma_start3A_73 = tpu.memref_slice %arg5[%mul3A_67, %dma_start3A_72] : memref<10112x128xf32, #tpu.memory_space<hbm>> -> memref<632x128xf32, #tpu.memory_space<hbm>>
        tpu.enqueue_dma source(%dma_start3A_73 : memref<632x128xf32, #tpu.memory_space<hbm>>) target(%dma_start3A_71 : memref<632x128xf32, #tpu.memory_space<vmem_shared>>) target_semaphore(%run_scoped3A : memref<!tpu.dma_semaphore, #tpu.memory_space<semaphore_mem>>)
        %dma_wait3A = arith.constant 0 : i32
        %dma_wait3A_74 = tpu.memref_slice %arg12[%mul3A_69, %dma_wait3A] : memref<10016x128xf32, #tpu.memory_space<vmem_shared>> -> memref<632x128xf32, #tpu.memory_space<vmem_shared>>
        %dma_wait3A_75 = arith.constant 0 : i32
        %dma_wait3A_76 = tpu.memref_slice %arg5[%mul3A_67, %dma_wait3A_75] : memref<10112x128xf32, #tpu.memory_space<hbm>> -> memref<632x128xf32, #tpu.memory_space<hbm>>
        tpu.wait_dma2 semaphore(%run_scoped3A : memref<!tpu.dma_semaphore, #tpu.memory_space<semaphore_mem>>) src(%dma_wait3A_76 : memref<632x128xf32, #tpu.memory_space<hbm>>) dst(%dma_wait3A_74 : memref<632x128xf32, #tpu.memory_space<vmem_shared>>)
        tpu.yield
      }) : () -> ()
    } else {
    }
    %eq3A = arith.constant 15 : i32
    %eq3A_3 = arith.cmpi eq, %arg1, %eq3A : i32
    %convert_element_type3A_4 = arith.extui %eq3A_3 : i1 to i32
    %cond3A_5 = arith.constant 0 : i32
    %cond3A_6 = arith.cmpi ne, %convert_element_type3A_4, %cond3A_5 : i32
    scf.if %cond3A_6 {
      "tpu.region"() ({
        %run_scoped3A = tpu.sem_alloc : memref<!tpu.dma_semaphore, #tpu.memory_space<semaphore_mem>>
        %dma_start3A_66 = arith.constant 9480 : i32
        %dma_start3A_67 = arith.constant 0 : i32
        %dma_start3A_68 = tpu.memref_slice %arg12[%dma_start3A_66, %dma_start3A_67] : memref<10016x128xf32, #tpu.memory_space<vmem_shared>> -> memref<536x128xf32, #tpu.memory_space<vmem_shared>>
        %dma_start3A_69 = arith.constant 9480 : i32
        %dma_start3A_70 = arith.constant 0 : i32
        %dma_start3A_71 = tpu.memref_slice %arg5[%dma_start3A_69, %dma_start3A_70] : memref<10112x128xf32, #tpu.memory_space<hbm>> -> memref<536x128xf32, #tpu.memory_space<hbm>>
        tpu.enqueue_dma source(%dma_start3A_71 : memref<536x128xf32, #tpu.memory_space<hbm>>) target(%dma_start3A_68 : memref<536x128xf32, #tpu.memory_space<vmem_shared>>) target_semaphore(%run_scoped3A : memref<!tpu.dma_semaphore, #tpu.memory_space<semaphore_mem>>)
        %dma_wait3A = arith.constant 9480 : i32
        %dma_wait3A_72 = arith.constant 0 : i32
        %dma_wait3A_73 = tpu.memref_slice %arg12[%dma_wait3A, %dma_wait3A_72] : memref<10016x128xf32, #tpu.memory_space<vmem_shared>> -> memref<536x128xf32, #tpu.memory_space<vmem_shared>>
        %dma_wait3A_74 = arith.constant 9480 : i32
        %dma_wait3A_75 = arith.constant 0 : i32
        %dma_wait3A_76 = tpu.memref_slice %arg5[%dma_wait3A_74, %dma_wait3A_75] : memref<10112x128xf32, #tpu.memory_space<hbm>> -> memref<536x128xf32, #tpu.memory_space<hbm>>
        tpu.wait_dma2 semaphore(%run_scoped3A : memref<!tpu.dma_semaphore, #tpu.memory_space<semaphore_mem>>) src(%dma_wait3A_76 : memref<536x128xf32, #tpu.memory_space<hbm>>) dst(%dma_wait3A_73 : memref<536x128xf32, #tpu.memory_space<vmem_shared>>)
        tpu.yield
      }) : () -> ()
    } else {
    }
    %barrier3A = arith.constant 0 : index
    tpu.barrier barrier_id(%barrier3A)
    %dma_start3A = arith.constant 0 : i32
    %dma_start3A_7 = arith.constant 0 : i32
    %dma_start3A_8 = tpu.memref_slice %arg7[%dma_start3A, %dma_start3A_7] : memref<80x128xi32, #tpu.memory_space<vmem>> -> memref<1x128xi32, #tpu.memory_space<vmem>>
    %dma_start3A_9 = tpu.memref_squeeze %dma_start3A_8 : memref<1x128xi32, #tpu.memory_space<vmem>> -> memref<128xi32, #tpu.memory_space<vmem>>
    %dma_start3A_10 = arith.constant 0 : i32
    %dma_start3A_11 = arith.constant 0 : i32
    %dma_start3A_12 = tpu.memref_slice %arg2[%dma_start3A_10, %dma_start3A_11] : memref<10112x128xf32, #tpu.memory_space<hbm>> -> memref<10112x128xf32, #tpu.memory_space<hbm>>
    tpu.enqueue_indirect_dma source(%dma_start3A_12 : memref<10112x128xf32, #tpu.memory_space<hbm>>) target(%arg8 : memref<128x128xf32, #tpu.memory_space<vmem>>) offsets(%dma_start3A_9 : memref<128xi32, #tpu.memory_space<vmem>>) semaphore(%arg13 : memref<!tpu.dma_semaphore, #tpu.memory_space<semaphore_mem>>)
    %dma_start3A_13 = arith.constant 0 : i32
    %dma_start3A_14 = arith.constant 0 : i32
    %dma_start3A_15 = arith.constant 0 : i32
    %dma_start3A_16 = tpu.memref_slice %arg4[%add3A, %dma_start3A_14, %dma_start3A_15] : memref<32x80x128xi32, #tpu.memory_space<hbm>> -> memref<1x80x128xi32, #tpu.memory_space<hbm>>
    %dma_start3A_17 = tpu.memref_squeeze %dma_start3A_16 : memref<1x80x128xi32, #tpu.memory_space<hbm>> -> memref<80x128xi32, #tpu.memory_space<hbm>>
    %dma_start3A_18 = arith.constant 0 : i32
    %dma_start3A_19 = tpu.memref_slice %dma_start3A_17[%dma_start3A_13, %dma_start3A_18] : memref<80x128xi32, #tpu.memory_space<hbm>> -> memref<1x128xi32, #tpu.memory_space<hbm>>
    %dma_start3A_20 = tpu.memref_squeeze %dma_start3A_19 : memref<1x128xi32, #tpu.memory_space<hbm>> -> memref<128xi32, #tpu.memory_space<hbm>>
    %dma_start3A_21 = arith.constant 0 : i32
    %dma_start3A_22 = arith.constant 0 : i32
    %dma_start3A_23 = tpu.memref_slice %arg4[%add3A, %dma_start3A_21, %dma_start3A_22] : memref<32x80x128xi32, #tpu.memory_space<hbm>> -> memref<1x80x128xi32, #tpu.memory_space<hbm>>
    %dma_start3A_24 = tpu.memref_squeeze %dma_start3A_23 : memref<1x80x128xi32, #tpu.memory_space<hbm>> -> memref<80x128xi32, #tpu.memory_space<hbm>>
    %dma_start3A_25 = arith.constant 0 : i32
    %dma_start3A_26 = tpu.memref_slice %dma_start3A_24[%dma_start3A_13, %dma_start3A_25] : memref<80x128xi32, #tpu.memory_space<hbm>> -> memref<1x128xi32, #tpu.memory_space<hbm>>
    %dma_start3A_27 = tpu.memref_squeeze %dma_start3A_26 : memref<1x128xi32, #tpu.memory_space<hbm>> -> memref<128xi32, #tpu.memory_space<hbm>>
    tpu.enqueue_dma source(%dma_start3A_27 : memref<128xi32, #tpu.memory_space<hbm>>) target(%arg10 : memref<128xi32, #tpu.memory_space<vmem>>) target_semaphore(%arg17 : memref<!tpu.dma_semaphore, #tpu.memory_space<semaphore_mem>>)
    %dma_start3A_28 = arith.constant 1 : i32
    %dma_start3A_29 = arith.constant 0 : i32
    %dma_start3A_30 = tpu.memref_slice %arg7[%dma_start3A_28, %dma_start3A_29] : memref<80x128xi32, #tpu.memory_space<vmem>> -> memref<1x128xi32, #tpu.memory_space<vmem>>
    %dma_start3A_31 = tpu.memref_squeeze %dma_start3A_30 : memref<1x128xi32, #tpu.memory_space<vmem>> -> memref<128xi32, #tpu.memory_space<vmem>>
    %dma_start3A_32 = arith.constant 0 : i32
    %dma_start3A_33 = arith.constant 0 : i32
    %dma_start3A_34 = tpu.memref_slice %arg2[%dma_start3A_32, %dma_start3A_33] : memref<10112x128xf32, #tpu.memory_space<hbm>> -> memref<10112x128xf32, #tpu.memory_space<hbm>>
    tpu.enqueue_indirect_dma source(%dma_start3A_34 : memref<10112x128xf32, #tpu.memory_space<hbm>>) target(%arg9 : memref<128x128xf32, #tpu.memory_space<vmem>>) offsets(%dma_start3A_31 : memref<128xi32, #tpu.memory_space<vmem>>) semaphore(%arg14 : memref<!tpu.dma_semaphore, #tpu.memory_space<semaphore_mem>>)
    %dma_start3A_35 = arith.constant 1 : i32
    %dma_start3A_36 = arith.constant 0 : i32
    %dma_start3A_37 = arith.constant 0 : i32
    %dma_start3A_38 = tpu.memref_slice %arg4[%add3A, %dma_start3A_36, %dma_start3A_37] : memref<32x80x128xi32, #tpu.memory_space<hbm>> -> memref<1x80x128xi32, #tpu.memory_space<hbm>>
    %dma_start3A_39 = tpu.memref_squeeze %dma_start3A_38 : memref<1x80x128xi32, #tpu.memory_space<hbm>> -> memref<80x128xi32, #tpu.memory_space<hbm>>
    %dma_start3A_40 = arith.constant 0 : i32
    %dma_start3A_41 = tpu.memref_slice %dma_start3A_39[%dma_start3A_35, %dma_start3A_40] : memref<80x128xi32, #tpu.memory_space<hbm>> -> memref<1x128xi32, #tpu.memory_space<hbm>>
    %dma_start3A_42 = tpu.memref_squeeze %dma_start3A_41 : memref<1x128xi32, #tpu.memory_space<hbm>> -> memref<128xi32, #tpu.memory_space<hbm>>
    %dma_start3A_43 = arith.constant 0 : i32
    %dma_start3A_44 = arith.constant 0 : i32
    %dma_start3A_45 = tpu.memref_slice %arg4[%add3A, %dma_start3A_43, %dma_start3A_44] : memref<32x80x128xi32, #tpu.memory_space<hbm>> -> memref<1x80x128xi32, #tpu.memory_space<hbm>>
    %dma_start3A_46 = tpu.memref_squeeze %dma_start3A_45 : memref<1x80x128xi32, #tpu.memory_space<hbm>> -> memref<80x128xi32, #tpu.memory_space<hbm>>
    %dma_start3A_47 = arith.constant 0 : i32
    %dma_start3A_48 = tpu.memref_slice %dma_start3A_46[%dma_start3A_35, %dma_start3A_47] : memref<80x128xi32, #tpu.memory_space<hbm>> -> memref<1x128xi32, #tpu.memory_space<hbm>>
    %dma_start3A_49 = tpu.memref_squeeze %dma_start3A_48 : memref<1x128xi32, #tpu.memory_space<hbm>> -> memref<128xi32, #tpu.memory_space<hbm>>
    tpu.enqueue_dma source(%dma_start3A_49 : memref<128xi32, #tpu.memory_space<hbm>>) target(%arg11 : memref<128xi32, #tpu.memory_space<vmem>>) target_semaphore(%arg18 : memref<!tpu.dma_semaphore, #tpu.memory_space<semaphore_mem>>)
    %scan3A = arith.constant 0 : i32
    %scan3A_50 = arith.constant 0 : i32
    %scan3A_51 = arith.constant 40 : i32
    %scan3A_52 = arith.addi %scan3A_50, %scan3A_51 : i32
    %scan3A_53 = arith.constant 1 : i32
    scf.for %scan3A_66 = %scan3A_50 to %scan3A_52 step %scan3A_53  : i32 {
      %mul3A_67 = arith.constant 2 : i32
      %mul3A_68 = arith.muli %scan3A_66, %mul3A_67 : i32
      %add3A_69 = arith.constant 0 : i32
      %add3A_70 = arith.addi %mul3A_68, %add3A_69 : i32
      %dma_wait3A = arith.constant 0 : i32
      %dma_wait3A_71 = tpu.memref_slice %arg7[%add3A_70, %dma_wait3A] : memref<80x128xi32, #tpu.memory_space<vmem>> -> memref<1x128xi32, #tpu.memory_space<vmem>>
      %dma_wait3A_72 = tpu.memref_squeeze %dma_wait3A_71 : memref<1x128xi32, #tpu.memory_space<vmem>> -> memref<128xi32, #tpu.memory_space<vmem>>
      %dma_wait3A_73 = arith.constant 0 : i32
      %dma_wait3A_74 = arith.constant 0 : i32
      %dma_wait3A_75 = tpu.memref_slice %arg2[%dma_wait3A_73, %dma_wait3A_74] : memref<10112x128xf32, #tpu.memory_space<hbm>> -> memref<10112x128xf32, #tpu.memory_space<hbm>>
      tpu.wait_indirect_dma semaphore(%arg13 : memref<!tpu.dma_semaphore, #tpu.memory_space<semaphore_mem>>) src(%dma_wait3A_75 : memref<10112x128xf32, #tpu.memory_space<hbm>>) dst(%arg8 : memref<128x128xf32, #tpu.memory_space<vmem>>)
      %dma_wait3A_76 = arith.constant 0 : i32
      %dma_wait3A_77 = arith.constant 0 : i32
      %dma_wait3A_78 = tpu.memref_slice %arg4[%add3A, %dma_wait3A_76, %dma_wait3A_77] : memref<32x80x128xi32, #tpu.memory_space<hbm>> -> memref<1x80x128xi32, #tpu.memory_space<hbm>>
      %dma_wait3A_79 = tpu.memref_squeeze %dma_wait3A_78 : memref<1x80x128xi32, #tpu.memory_space<hbm>> -> memref<80x128xi32, #tpu.memory_space<hbm>>
      %dma_wait3A_80 = arith.constant 0 : i32
      %dma_wait3A_81 = tpu.memref_slice %dma_wait3A_79[%add3A_70, %dma_wait3A_80] : memref<80x128xi32, #tpu.memory_space<hbm>> -> memref<1x128xi32, #tpu.memory_space<hbm>>
      %dma_wait3A_82 = tpu.memref_squeeze %dma_wait3A_81 : memref<1x128xi32, #tpu.memory_space<hbm>> -> memref<128xi32, #tpu.memory_space<hbm>>
      %dma_wait3A_83 = arith.constant 0 : i32
      %dma_wait3A_84 = arith.constant 0 : i32
      %dma_wait3A_85 = tpu.memref_slice %arg4[%add3A, %dma_wait3A_83, %dma_wait3A_84] : memref<32x80x128xi32, #tpu.memory_space<hbm>> -> memref<1x80x128xi32, #tpu.memory_space<hbm>>
      %dma_wait3A_86 = tpu.memref_squeeze %dma_wait3A_85 : memref<1x80x128xi32, #tpu.memory_space<hbm>> -> memref<80x128xi32, #tpu.memory_space<hbm>>
      %dma_wait3A_87 = arith.constant 0 : i32
      %dma_wait3A_88 = tpu.memref_slice %dma_wait3A_86[%add3A_70, %dma_wait3A_87] : memref<80x128xi32, #tpu.memory_space<hbm>> -> memref<1x128xi32, #tpu.memory_space<hbm>>
      %dma_wait3A_89 = tpu.memref_squeeze %dma_wait3A_88 : memref<1x128xi32, #tpu.memory_space<hbm>> -> memref<128xi32, #tpu.memory_space<hbm>>
      tpu.wait_dma2 semaphore(%arg17 : memref<!tpu.dma_semaphore, #tpu.memory_space<semaphore_mem>>) src(%dma_wait3A_89 : memref<128xi32, #tpu.memory_space<hbm>>) dst(%arg10 : memref<128xi32, #tpu.memory_space<vmem>>)
      %dma_start3A_90 = arith.constant 0 : i32
      %dma_start3A_91 = arith.constant 0 : i32
      %dma_start3A_92 = tpu.memref_slice %arg12[%dma_start3A_90, %dma_start3A_91] : memref<10016x128xf32, #tpu.memory_space<vmem_shared>> -> memref<10016x128xf32, #tpu.memory_space<vmem_shared>>
      tpu.enqueue_indirect_dma source(%arg8 : memref<128x128xf32, #tpu.memory_space<vmem>>) target(%dma_start3A_92 : memref<10016x128xf32, #tpu.memory_space<vmem_shared>>) offsets(%arg10 : memref<128xi32, #tpu.memory_space<vmem>>) semaphore(%arg15 : memref<!tpu.dma_semaphore, #tpu.memory_space<semaphore_mem>>) {add = true}
      %add3A_93 = arith.constant 1 : i32
      %add3A_94 = arith.addi %mul3A_68, %add3A_93 : i32
      %dma_wait3A_95 = arith.constant 0 : i32
      %dma_wait3A_96 = tpu.memref_slice %arg7[%add3A_94, %dma_wait3A_95] : memref<80x128xi32, #tpu.memory_space<vmem>> -> memref<1x128xi32, #tpu.memory_space<vmem>>
      %dma_wait3A_97 = tpu.memref_squeeze %dma_wait3A_96 : memref<1x128xi32, #tpu.memory_space<vmem>> -> memref<128xi32, #tpu.memory_space<vmem>>
      %dma_wait3A_98 = arith.constant 0 : i32
      %dma_wait3A_99 = arith.constant 0 : i32
      %dma_wait3A_100 = tpu.memref_slice %arg2[%dma_wait3A_98, %dma_wait3A_99] : memref<10112x128xf32, #tpu.memory_space<hbm>> -> memref<10112x128xf32, #tpu.memory_space<hbm>>
      tpu.wait_indirect_dma semaphore(%arg14 : memref<!tpu.dma_semaphore, #tpu.memory_space<semaphore_mem>>) src(%dma_wait3A_100 : memref<10112x128xf32, #tpu.memory_space<hbm>>) dst(%arg9 : memref<128x128xf32, #tpu.memory_space<vmem>>)
      %dma_wait3A_101 = arith.constant 0 : i32
      %dma_wait3A_102 = arith.constant 0 : i32
      %dma_wait3A_103 = tpu.memref_slice %arg4[%add3A, %dma_wait3A_101, %dma_wait3A_102] : memref<32x80x128xi32, #tpu.memory_space<hbm>> -> memref<1x80x128xi32, #tpu.memory_space<hbm>>
      %dma_wait3A_104 = tpu.memref_squeeze %dma_wait3A_103 : memref<1x80x128xi32, #tpu.memory_space<hbm>> -> memref<80x128xi32, #tpu.memory_space<hbm>>
      %dma_wait3A_105 = arith.constant 0 : i32
      %dma_wait3A_106 = tpu.memref_slice %dma_wait3A_104[%add3A_94, %dma_wait3A_105] : memref<80x128xi32, #tpu.memory_space<hbm>> -> memref<1x128xi32, #tpu.memory_space<hbm>>
      %dma_wait3A_107 = tpu.memref_squeeze %dma_wait3A_106 : memref<1x128xi32, #tpu.memory_space<hbm>> -> memref<128xi32, #tpu.memory_space<hbm>>
      %dma_wait3A_108 = arith.constant 0 : i32
      %dma_wait3A_109 = arith.constant 0 : i32
      %dma_wait3A_110 = tpu.memref_slice %arg4[%add3A, %dma_wait3A_108, %dma_wait3A_109] : memref<32x80x128xi32, #tpu.memory_space<hbm>> -> memref<1x80x128xi32, #tpu.memory_space<hbm>>
      %dma_wait3A_111 = tpu.memref_squeeze %dma_wait3A_110 : memref<1x80x128xi32, #tpu.memory_space<hbm>> -> memref<80x128xi32, #tpu.memory_space<hbm>>
      %dma_wait3A_112 = arith.constant 0 : i32
      %dma_wait3A_113 = tpu.memref_slice %dma_wait3A_111[%add3A_94, %dma_wait3A_112] : memref<80x128xi32, #tpu.memory_space<hbm>> -> memref<1x128xi32, #tpu.memory_space<hbm>>
      %dma_wait3A_114 = tpu.memref_squeeze %dma_wait3A_113 : memref<1x128xi32, #tpu.memory_space<hbm>> -> memref<128xi32, #tpu.memory_space<hbm>>
      tpu.wait_dma2 semaphore(%arg18 : memref<!tpu.dma_semaphore, #tpu.memory_space<semaphore_mem>>) src(%dma_wait3A_114 : memref<128xi32, #tpu.memory_space<hbm>>) dst(%arg11 : memref<128xi32, #tpu.memory_space<vmem>>)
      %dma_start3A_115 = arith.constant 0 : i32
      %dma_start3A_116 = arith.constant 0 : i32
      %dma_start3A_117 = tpu.memref_slice %arg12[%dma_start3A_115, %dma_start3A_116] : memref<10016x128xf32, #tpu.memory_space<vmem_shared>> -> memref<10016x128xf32, #tpu.memory_space<vmem_shared>>
      tpu.enqueue_indirect_dma source(%arg9 : memref<128x128xf32, #tpu.memory_space<vmem>>) target(%dma_start3A_117 : memref<10016x128xf32, #tpu.memory_space<vmem_shared>>) offsets(%arg11 : memref<128xi32, #tpu.memory_space<vmem>>) semaphore(%arg16 : memref<!tpu.dma_semaphore, #tpu.memory_space<semaphore_mem>>) {add = true}
      %add3A_118 = arith.constant 0 : i32
      %add3A_119 = arith.addi %mul3A_68, %add3A_118 : i32
      %dma_wait3A_120 = arith.constant 0 : i32
      %dma_wait3A_121 = arith.constant 0 : i32
      %dma_wait3A_122 = tpu.memref_slice %arg12[%dma_wait3A_120, %dma_wait3A_121] : memref<10016x128xf32, #tpu.memory_space<vmem_shared>> -> memref<10016x128xf32, #tpu.memory_space<vmem_shared>>
      tpu.wait_indirect_dma semaphore(%arg15 : memref<!tpu.dma_semaphore, #tpu.memory_space<semaphore_mem>>) src(%arg8 : memref<128x128xf32, #tpu.memory_space<vmem>>) dst(%dma_wait3A_122 : memref<10016x128xf32, #tpu.memory_space<vmem_shared>>)
      %add3A_123 = arith.constant 2 : i32
      %add3A_124 = arith.addi %add3A_119, %add3A_123 : i32
      %lt3A_125 = arith.constant 80 : i32
      %lt3A_126 = arith.cmpi slt, %add3A_124, %lt3A_125 : i32
      %convert_element_type3A_127 = arith.extui %lt3A_126 : i1 to i32
      %cond3A_128 = arith.constant 0 : i32
      %cond3A_129 = arith.cmpi ne, %convert_element_type3A_127, %cond3A_128 : i32
      scf.if %cond3A_129 {
        %dma_start3A_142 = arith.constant 0 : i32
        %dma_start3A_143 = tpu.memref_slice %arg7[%add3A_124, %dma_start3A_142] : memref<80x128xi32, #tpu.memory_space<vmem>> -> memref<1x128xi32, #tpu.memory_space<vmem>>
        %dma_start3A_144 = tpu.memref_squeeze %dma_start3A_143 : memref<1x128xi32, #tpu.memory_space<vmem>> -> memref<128xi32, #tpu.memory_space<vmem>>
        %dma_start3A_145 = arith.constant 0 : i32
        %dma_start3A_146 = arith.constant 0 : i32
        %dma_start3A_147 = tpu.memref_slice %arg2[%dma_start3A_145, %dma_start3A_146] : memref<10112x128xf32, #tpu.memory_space<hbm>> -> memref<10112x128xf32, #tpu.memory_space<hbm>>
        tpu.enqueue_indirect_dma source(%dma_start3A_147 : memref<10112x128xf32, #tpu.memory_space<hbm>>) target(%arg8 : memref<128x128xf32, #tpu.memory_space<vmem>>) offsets(%dma_start3A_144 : memref<128xi32, #tpu.memory_space<vmem>>) semaphore(%arg13 : memref<!tpu.dma_semaphore, #tpu.memory_space<semaphore_mem>>)
        %dma_start3A_148 = arith.constant 0 : i32
        %dma_start3A_149 = arith.constant 0 : i32
        %dma_start3A_150 = tpu.memref_slice %arg4[%add3A, %dma_start3A_148, %dma_start3A_149] : memref<32x80x128xi32, #tpu.memory_space<hbm>> -> memref<1x80x128xi32, #tpu.memory_space<hbm>>
        %dma_start3A_151 = tpu.memref_squeeze %dma_start3A_150 : memref<1x80x128xi32, #tpu.memory_space<hbm>> -> memref<80x128xi32, #tpu.memory_space<hbm>>
        %dma_start3A_152 = arith.constant 0 : i32
        %dma_start3A_153 = tpu.memref_slice %dma_start3A_151[%add3A_124, %dma_start3A_152] : memref<80x128xi32, #tpu.memory_space<hbm>> -> memref<1x128xi32, #tpu.memory_space<hbm>>
        %dma_start3A_154 = tpu.memref_squeeze %dma_start3A_153 : memref<1x128xi32, #tpu.memory_space<hbm>> -> memref<128xi32, #tpu.memory_space<hbm>>
        %dma_start3A_155 = arith.constant 0 : i32
        %dma_start3A_156 = arith.constant 0 : i32
        %dma_start3A_157 = tpu.memref_slice %arg4[%add3A, %dma_start3A_155, %dma_start3A_156] : memref<32x80x128xi32, #tpu.memory_space<hbm>> -> memref<1x80x128xi32, #tpu.memory_space<hbm>>
        %dma_start3A_158 = tpu.memref_squeeze %dma_start3A_157 : memref<1x80x128xi32, #tpu.memory_space<hbm>> -> memref<80x128xi32, #tpu.memory_space<hbm>>
        %dma_start3A_159 = arith.constant 0 : i32
        %dma_start3A_160 = tpu.memref_slice %dma_start3A_158[%add3A_124, %dma_start3A_159] : memref<80x128xi32, #tpu.memory_space<hbm>> -> memref<1x128xi32, #tpu.memory_space<hbm>>
        %dma_start3A_161 = tpu.memref_squeeze %dma_start3A_160 : memref<1x128xi32, #tpu.memory_space<hbm>> -> memref<128xi32, #tpu.memory_space<hbm>>
        tpu.enqueue_dma source(%dma_start3A_161 : memref<128xi32, #tpu.memory_space<hbm>>) target(%arg10 : memref<128xi32, #tpu.memory_space<vmem>>) target_semaphore(%arg17 : memref<!tpu.dma_semaphore, #tpu.memory_space<semaphore_mem>>)
      } else {
      }
      %add3A_130 = arith.constant 1 : i32
      %add3A_131 = arith.addi %mul3A_68, %add3A_130 : i32
      %dma_wait3A_132 = arith.constant 0 : i32
      %dma_wait3A_133 = arith.constant 0 : i32
      %dma_wait3A_134 = tpu.memref_slice %arg12[%dma_wait3A_132, %dma_wait3A_133] : memref<10016x128xf32, #tpu.memory_space<vmem_shared>> -> memref<10016x128xf32, #tpu.memory_space<vmem_shared>>
      tpu.wait_indirect_dma semaphore(%arg16 : memref<!tpu.dma_semaphore, #tpu.memory_space<semaphore_mem>>) src(%arg9 : memref<128x128xf32, #tpu.memory_space<vmem>>) dst(%dma_wait3A_134 : memref<10016x128xf32, #tpu.memory_space<vmem_shared>>)
      %add3A_135 = arith.constant 2 : i32
      %add3A_136 = arith.addi %add3A_131, %add3A_135 : i32
      %lt3A_137 = arith.constant 80 : i32
      %lt3A_138 = arith.cmpi slt, %add3A_136, %lt3A_137 : i32
      %convert_element_type3A_139 = arith.extui %lt3A_138 : i1 to i32
      %cond3A_140 = arith.constant 0 : i32
      %cond3A_141 = arith.cmpi ne, %convert_element_type3A_139, %cond3A_140 : i32
      scf.if %cond3A_141 {
        %dma_start3A_142 = arith.constant 0 : i32
        %dma_start3A_143 = tpu.memref_slice %arg7[%add3A_136, %dma_start3A_142] : memref<80x128xi32, #tpu.memory_space<vmem>> -> memref<1x128xi32, #tpu.memory_space<vmem>>
        %dma_start3A_144 = tpu.memref_squeeze %dma_start3A_143 : memref<1x128xi32, #tpu.memory_space<vmem>> -> memref<128xi32, #tpu.memory_space<vmem>>
        %dma_start3A_145 = arith.constant 0 : i32
        %dma_start3A_146 = arith.constant 0 : i32
        %dma_start3A_147 = tpu.memref_slice %arg2[%dma_start3A_145, %dma_start3A_146] : memref<10112x128xf32, #tpu.memory_space<hbm>> -> memref<10112x128xf32, #tpu.memory_space<hbm>>
        tpu.enqueue_indirect_dma source(%dma_start3A_147 : memref<10112x128xf32, #tpu.memory_space<hbm>>) target(%arg9 : memref<128x128xf32, #tpu.memory_space<vmem>>) offsets(%dma_start3A_144 : memref<128xi32, #tpu.memory_space<vmem>>) semaphore(%arg14 : memref<!tpu.dma_semaphore, #tpu.memory_space<semaphore_mem>>)
        %dma_start3A_148 = arith.constant 0 : i32
        %dma_start3A_149 = arith.constant 0 : i32
        %dma_start3A_150 = tpu.memref_slice %arg4[%add3A, %dma_start3A_148, %dma_start3A_149] : memref<32x80x128xi32, #tpu.memory_space<hbm>> -> memref<1x80x128xi32, #tpu.memory_space<hbm>>
        %dma_start3A_151 = tpu.memref_squeeze %dma_start3A_150 : memref<1x80x128xi32, #tpu.memory_space<hbm>> -> memref<80x128xi32, #tpu.memory_space<hbm>>
        %dma_start3A_152 = arith.constant 0 : i32
        %dma_start3A_153 = tpu.memref_slice %dma_start3A_151[%add3A_136, %dma_start3A_152] : memref<80x128xi32, #tpu.memory_space<hbm>> -> memref<1x128xi32, #tpu.memory_space<hbm>>
        %dma_start3A_154 = tpu.memref_squeeze %dma_start3A_153 : memref<1x128xi32, #tpu.memory_space<hbm>> -> memref<128xi32, #tpu.memory_space<hbm>>
        %dma_start3A_155 = arith.constant 0 : i32
        %dma_start3A_156 = arith.constant 0 : i32
        %dma_start3A_157 = tpu.memref_slice %arg4[%add3A, %dma_start3A_155, %dma_start3A_156] : memref<32x80x128xi32, #tpu.memory_space<hbm>> -> memref<1x80x128xi32, #tpu.memory_space<hbm>>
        %dma_start3A_158 = tpu.memref_squeeze %dma_start3A_157 : memref<1x80x128xi32, #tpu.memory_space<hbm>> -> memref<80x128xi32, #tpu.memory_space<hbm>>
        %dma_start3A_159 = arith.constant 0 : i32
        %dma_start3A_160 = tpu.memref_slice %dma_start3A_158[%add3A_136, %dma_start3A_159] : memref<80x128xi32, #tpu.memory_space<hbm>> -> memref<1x128xi32, #tpu.memory_space<hbm>>
        %dma_start3A_161 = tpu.memref_squeeze %dma_start3A_160 : memref<1x128xi32, #tpu.memory_space<hbm>> -> memref<128xi32, #tpu.memory_space<hbm>>
        tpu.enqueue_dma source(%dma_start3A_161 : memref<128xi32, #tpu.memory_space<hbm>>) target(%arg11 : memref<128xi32, #tpu.memory_space<vmem>>) target_semaphore(%arg18 : memref<!tpu.dma_semaphore, #tpu.memory_space<semaphore_mem>>)
      } else {
      }
    }
    %scan3A_54 = arith.constant 40 : i32
    %barrier3A_55 = arith.constant 0 : index
    tpu.barrier barrier_id(%barrier3A_55)
    %lt3A_56 = arith.constant 15 : i32
    %lt3A_57 = arith.cmpi slt, %arg1, %lt3A_56 : i32
    %convert_element_type3A_58 = arith.extui %lt3A_57 : i1 to i32
    %cond3A_59 = arith.constant 0 : i32
    %cond3A_60 = arith.cmpi ne, %convert_element_type3A_58, %cond3A_59 : i32
    scf.if %cond3A_60 {
      %mul3A_66 = arith.constant 632 : i32
      %mul3A_67 = arith.muli %arg1, %mul3A_66 : i32
      %mul3A_68 = arith.constant 632 : i32
      %mul3A_69 = arith.muli %arg1, %mul3A_68 : i32
      "tpu.region"() ({
        %run_scoped3A = tpu.sem_alloc : memref<!tpu.dma_semaphore, #tpu.memory_space<semaphore_mem>>
        %dma_start3A_70 = arith.constant 0 : i32
        %dma_start3A_71 = arith.constant 0 : i32
        %dma_start3A_72 = tpu.memref_slice %arg6[%arg0, %dma_start3A_70, %dma_start3A_71] : memref<2x10112x128xf32, #tpu.memory_space<hbm>> -> memref<1x10112x128xf32, #tpu.memory_space<hbm>>
        %dma_start3A_73 = tpu.memref_squeeze %dma_start3A_72 : memref<1x10112x128xf32, #tpu.memory_space<hbm>> -> memref<10112x128xf32, #tpu.memory_space<hbm>>
        %dma_start3A_74 = arith.constant 0 : i32
        %dma_start3A_75 = tpu.memref_slice %dma_start3A_73[%mul3A_69, %dma_start3A_74] : memref<10112x128xf32, #tpu.memory_space<hbm>> -> memref<632x128xf32, #tpu.memory_space<hbm>>
        %dma_start3A_76 = arith.constant 0 : i32
        %dma_start3A_77 = tpu.memref_slice %arg12[%mul3A_67, %dma_start3A_76] : memref<10016x128xf32, #tpu.memory_space<vmem_shared>> -> memref<632x128xf32, #tpu.memory_space<vmem_shared>>
        tpu.enqueue_dma source(%dma_start3A_77 : memref<632x128xf32, #tpu.memory_space<vmem_shared>>) target(%dma_start3A_75 : memref<632x128xf32, #tpu.memory_space<hbm>>) target_semaphore(%run_scoped3A : memref<!tpu.dma_semaphore, #tpu.memory_space<semaphore_mem>>)
        %dma_wait3A = arith.constant 0 : i32
        %dma_wait3A_78 = arith.constant 0 : i32
        %dma_wait3A_79 = tpu.memref_slice %arg6[%arg0, %dma_wait3A, %dma_wait3A_78] : memref<2x10112x128xf32, #tpu.memory_space<hbm>> -> memref<1x10112x128xf32, #tpu.memory_space<hbm>>
        %dma_wait3A_80 = tpu.memref_squeeze %dma_wait3A_79 : memref<1x10112x128xf32, #tpu.memory_space<hbm>> -> memref<10112x128xf32, #tpu.memory_space<hbm>>
        %dma_wait3A_81 = arith.constant 0 : i32
        %dma_wait3A_82 = tpu.memref_slice %dma_wait3A_80[%mul3A_69, %dma_wait3A_81] : memref<10112x128xf32, #tpu.memory_space<hbm>> -> memref<632x128xf32, #tpu.memory_space<hbm>>
        %dma_wait3A_83 = arith.constant 0 : i32
        %dma_wait3A_84 = tpu.memref_slice %arg12[%mul3A_67, %dma_wait3A_83] : memref<10016x128xf32, #tpu.memory_space<vmem_shared>> -> memref<632x128xf32, #tpu.memory_space<vmem_shared>>
        tpu.wait_dma2 semaphore(%run_scoped3A : memref<!tpu.dma_semaphore, #tpu.memory_space<semaphore_mem>>) src(%dma_wait3A_84 : memref<632x128xf32, #tpu.memory_space<vmem_shared>>) dst(%dma_wait3A_82 : memref<632x128xf32, #tpu.memory_space<hbm>>)
        tpu.yield
      }) : () -> ()
    } else {
    }
    %eq3A_61 = arith.constant 15 : i32
    %eq3A_62 = arith.cmpi eq, %arg1, %eq3A_61 : i32
    %convert_element_type3A_63 = arith.extui %eq3A_62 : i1 to i32
    %cond3A_64 = arith.constant 0 : i32
    %cond3A_65 = arith.cmpi ne, %convert_element_type3A_63, %cond3A_64 : i32
    scf.if %cond3A_65 {
      "tpu.region"() ({
        %run_scoped3A = tpu.sem_alloc : memref<!tpu.dma_semaphore, #tpu.memory_space<semaphore_mem>>
        %dma_start3A_66 = arith.constant 0 : i32
        %dma_start3A_67 = arith.constant 0 : i32
        %dma_start3A_68 = tpu.memref_slice %arg6[%arg0, %dma_start3A_66, %dma_start3A_67] : memref<2x10112x128xf32, #tpu.memory_space<hbm>> -> memref<1x10112x128xf32, #tpu.memory_space<hbm>>
        %dma_start3A_69 = tpu.memref_squeeze %dma_start3A_68 : memref<1x10112x128xf32, #tpu.memory_space<hbm>> -> memref<10112x128xf32, #tpu.memory_space<hbm>>
        %dma_start3A_70 = arith.constant 9480 : i32
        %dma_start3A_71 = arith.constant 0 : i32
        %dma_start3A_72 = tpu.memref_slice %dma_start3A_69[%dma_start3A_70, %dma_start3A_71] : memref<10112x128xf32, #tpu.memory_space<hbm>> -> memref<536x128xf32, #tpu.memory_space<hbm>>
        %dma_start3A_73 = arith.constant 9480 : i32
        %dma_start3A_74 = arith.constant 0 : i32
        %dma_start3A_75 = tpu.memref_slice %arg12[%dma_start3A_73, %dma_start3A_74] : memref<10016x128xf32, #tpu.memory_space<vmem_shared>> -> memref<536x128xf32, #tpu.memory_space<vmem_shared>>
        tpu.enqueue_dma source(%dma_start3A_75 : memref<536x128xf32, #tpu.memory_space<vmem_shared>>) target(%dma_start3A_72 : memref<536x128xf32, #tpu.memory_space<hbm>>) target_semaphore(%run_scoped3A : memref<!tpu.dma_semaphore, #tpu.memory_space<semaphore_mem>>)
        %dma_wait3A = arith.constant 0 : i32
        %dma_wait3A_76 = arith.constant 0 : i32
        %dma_wait3A_77 = tpu.memref_slice %arg6[%arg0, %dma_wait3A, %dma_wait3A_76] : memref<2x10112x128xf32, #tpu.memory_space<hbm>> -> memref<1x10112x128xf32, #tpu.memory_space<hbm>>
        %dma_wait3A_78 = tpu.memref_squeeze %dma_wait3A_77 : memref<1x10112x128xf32, #tpu.memory_space<hbm>> -> memref<10112x128xf32, #tpu.memory_space<hbm>>
        %dma_wait3A_79 = arith.constant 9480 : i32
        %dma_wait3A_80 = arith.constant 0 : i32
        %dma_wait3A_81 = tpu.memref_slice %dma_wait3A_78[%dma_wait3A_79, %dma_wait3A_80] : memref<10112x128xf32, #tpu.memory_space<hbm>> -> memref<536x128xf32, #tpu.memory_space<hbm>>
        %dma_wait3A_82 = arith.constant 9480 : i32
        %dma_wait3A_83 = arith.constant 0 : i32
        %dma_wait3A_84 = tpu.memref_slice %arg12[%dma_wait3A_82, %dma_wait3A_83] : memref<10016x128xf32, #tpu.memory_space<vmem_shared>> -> memref<536x128xf32, #tpu.memory_space<vmem_shared>>
        tpu.wait_dma2 semaphore(%run_scoped3A : memref<!tpu.dma_semaphore, #tpu.memory_space<semaphore_mem>>) src(%dma_wait3A_84 : memref<536x128xf32, #tpu.memory_space<vmem_shared>>) dst(%dma_wait3A_81 : memref<536x128xf32, #tpu.memory_space<hbm>>)
        tpu.yield
      }) : () -> ()
    } else {
    }
    return
  }
}

#map = affine_map<(d0, d1) -> (0, 0)>
#map1 = affine_map<(d0, d1) -> (0, 0, 0)>
module attributes {stable_mosaic.version = 14 : i64} {
  func.func @seg(%arg0: i32, %arg1: i32, %arg2: memref<10112x128xf32, #tpu.memory_space<hbm>>, %arg3: memref<32x80x128xi32, #tpu.memory_space<hbm>>, %arg4: memref<32x80x128xi32, #tpu.memory_space<hbm>>, %arg5: memref<10112x128xf32, #tpu.memory_space<hbm>>, %arg6: memref<2x10112x128xf32, #tpu.memory_space<hbm>>, %arg7: memref<80x128xi32, #tpu.memory_space<vmem>>, %arg8: memref<128x128xf32, #tpu.memory_space<vmem>>, %arg9: memref<128x128xf32, #tpu.memory_space<vmem>>, %arg10: memref<128xi32, #tpu.memory_space<vmem>>, %arg11: memref<128xi32, #tpu.memory_space<vmem>>, %arg12: memref<10016x128xf32, #tpu.memory_space<vmem_shared>>, %arg13: memref<!tpu.dma_semaphore, #tpu.memory_space<semaphore_mem>>, %arg14: memref<!tpu.dma_semaphore, #tpu.memory_space<semaphore_mem>>, %arg15: memref<!tpu.dma_semaphore, #tpu.memory_space<semaphore_mem>>, %arg16: memref<!tpu.dma_semaphore, #tpu.memory_space<semaphore_mem>>, %arg17: memref<!tpu.dma_semaphore, #tpu.memory_space<semaphore_mem>>, %arg18: memref<!tpu.dma_semaphore, #tpu.memory_space<semaphore_mem>>) attributes {dimension_semantics = [#tpu.dimension_semantics<core_parallel>, #tpu.dimension_semantics<subcore_parallel>], iteration_bounds = array<i64: 2, 16>, scalar_prefetch = 0 : i64, scratch_operands = 12 : i64, tpu.core_type = #tpu.core_type<sc_vector_subcore>, window_params = [{transform_indices = #map}, {transform_indices = #map1}, {transform_indices = #map1}, {transform_indices = #map}, {transform_indices = #map1}]} {
    %mul3A = arith.constant 2 : i32
    %mul3A_0 = arith.muli %arg1, %mul3A : i32
    %add3A = arith.addi %mul3A_0, %arg0 : i32
    "tpu.region"() ({
      %run_scoped3A = tpu.sem_alloc : memref<!tpu.dma_semaphore, #tpu.memory_space<semaphore_mem>>
      %dma_start3A_66 = arith.constant 0 : i32
      %dma_start3A_67 = arith.constant 0 : i32
      %dma_start3A_68 = tpu.memref_slice %arg3[%add3A, %dma_start3A_66, %dma_start3A_67] : memref<32x80x128xi32, #tpu.memory_space<hbm>> -> memref<1x80x128xi32, #tpu.memory_space<hbm>>
      %dma_start3A_69 = tpu.memref_squeeze %dma_start3A_68 : memref<1x80x128xi32, #tpu.memory_space<hbm>> -> memref<80x128xi32, #tpu.memory_space<hbm>>
      %dma_start3A_70 = arith.constant 0 : i32
      %dma_start3A_71 = arith.constant 0 : i32
      %dma_start3A_72 = tpu.memref_slice %arg3[%add3A, %dma_start3A_70, %dma_start3A_71] : memref<32x80x128xi32, #tpu.memory_space<hbm>> -> memref<1x80x128xi32, #tpu.memory_space<hbm>>
      %dma_start3A_73 = tpu.memref_squeeze %dma_start3A_72 : memref<1x80x128xi32, #tpu.memory_space<hbm>> -> memref<80x128xi32, #tpu.memory_space<hbm>>
      tpu.enqueue_dma source(%dma_start3A_73 : memref<80x128xi32, #tpu.memory_space<hbm>>) target(%arg7 : memref<80x128xi32, #tpu.memory_space<vmem>>) target_semaphore(%run_scoped3A : memref<!tpu.dma_semaphore, #tpu.memory_space<semaphore_mem>>)
      %dma_wait3A = arith.constant 0 : i32
      %dma_wait3A_74 = arith.constant 0 : i32
      %dma_wait3A_75 = tpu.memref_slice %arg3[%add3A, %dma_wait3A, %dma_wait3A_74] : memref<32x80x128xi32, #tpu.memory_space<hbm>> -> memref<1x80x128xi32, #tpu.memory_space<hbm>>
      %dma_wait3A_76 = tpu.memref_squeeze %dma_wait3A_75 : memref<1x80x128xi32, #tpu.memory_space<hbm>> -> memref<80x128xi32, #tpu.memory_space<hbm>>
      %dma_wait3A_77 = arith.constant 0 : i32
      %dma_wait3A_78 = arith.constant 0 : i32
      %dma_wait3A_79 = tpu.memref_slice %arg3[%add3A, %dma_wait3A_77, %dma_wait3A_78] : memref<32x80x128xi32, #tpu.memory_space<hbm>> -> memref<1x80x128xi32, #tpu.memory_space<hbm>>
      %dma_wait3A_80 = tpu.memref_squeeze %dma_wait3A_79 : memref<1x80x128xi32, #tpu.memory_space<hbm>> -> memref<80x128xi32, #tpu.memory_space<hbm>>
      tpu.wait_dma2 semaphore(%run_scoped3A : memref<!tpu.dma_semaphore, #tpu.memory_space<semaphore_mem>>) src(%dma_wait3A_80 : memref<80x128xi32, #tpu.memory_space<hbm>>) dst(%arg7 : memref<80x128xi32, #tpu.memory_space<vmem>>)
      tpu.yield
    }) : () -> ()
    %lt3A = arith.constant 15 : i32
    %lt3A_1 = arith.cmpi slt, %arg1, %lt3A : i32
    %convert_element_type3A = arith.extui %lt3A_1 : i1 to i32
    %cond3A = arith.constant 0 : i32
    %cond3A_2 = arith.cmpi ne, %convert_element_type3A, %cond3A : i32
    scf.if %cond3A_2 {
      %mul3A_66 = arith.constant 632 : i32
      %mul3A_67 = arith.muli %arg1, %mul3A_66 : i32
      %mul3A_68 = arith.constant 632 : i32
      %mul3A_69 = arith.muli %arg1, %mul3A_68 : i32
      "tpu.region"() ({
        %run_scoped3A = tpu.sem_alloc : memref<!tpu.dma_semaphore, #tpu.memory_space<semaphore_mem>>
        %dma_start3A_70 = arith.constant 0 : i32
        %dma_start3A_71 = tpu.memref_slice %arg12[%mul3A_69, %dma_start3A_70] : memref<10016x128xf32, #tpu.memory_space<vmem_shared>> -> memref<632x128xf32, #tpu.memory_space<vmem_shared>>
        %dma_start3A_72 = arith.constant 0 : i32
        %dma_start3A_73 = tpu.memref_slice %arg5[%mul3A_67, %dma_start3A_72] : memref<10112x128xf32, #tpu.memory_space<hbm>> -> memref<632x128xf32, #tpu.memory_space<hbm>>
        tpu.enqueue_dma source(%dma_start3A_73 : memref<632x128xf32, #tpu.memory_space<hbm>>) target(%dma_start3A_71 : memref<632x128xf32, #tpu.memory_space<vmem_shared>>) target_semaphore(%run_scoped3A : memref<!tpu.dma_semaphore, #tpu.memory_space<semaphore_mem>>)
        %dma_wait3A = arith.constant 0 : i32
        %dma_wait3A_74 = tpu.memref_slice %arg12[%mul3A_69, %dma_wait3A] : memref<10016x128xf32, #tpu.memory_space<vmem_shared>> -> memref<632x128xf32, #tpu.memory_space<vmem_shared>>
        %dma_wait3A_75 = arith.constant 0 : i32
        %dma_wait3A_76 = tpu.memref_slice %arg5[%mul3A_67, %dma_wait3A_75] : memref<10112x128xf32, #tpu.memory_space<hbm>> -> memref<632x128xf32, #tpu.memory_space<hbm>>
        tpu.wait_dma2 semaphore(%run_scoped3A : memref<!tpu.dma_semaphore, #tpu.memory_space<semaphore_mem>>) src(%dma_wait3A_76 : memref<632x128xf32, #tpu.memory_space<hbm>>) dst(%dma_wait3A_74 : memref<632x128xf32, #tpu.memory_space<vmem_shared>>)
        tpu.yield
      }) : () -> ()
    } else {
    }
    %eq3A = arith.constant 15 : i32
    %eq3A_3 = arith.cmpi eq, %arg1, %eq3A : i32
    %convert_element_type3A_4 = arith.extui %eq3A_3 : i1 to i32
    %cond3A_5 = arith.constant 0 : i32
    %cond3A_6 = arith.cmpi ne, %convert_element_type3A_4, %cond3A_5 : i32
    scf.if %cond3A_6 {
      "tpu.region"() ({
        %run_scoped3A = tpu.sem_alloc : memref<!tpu.dma_semaphore, #tpu.memory_space<semaphore_mem>>
        %dma_start3A_66 = arith.constant 9480 : i32
        %dma_start3A_67 = arith.constant 0 : i32
        %dma_start3A_68 = tpu.memref_slice %arg12[%dma_start3A_66, %dma_start3A_67] : memref<10016x128xf32, #tpu.memory_space<vmem_shared>> -> memref<536x128xf32, #tpu.memory_space<vmem_shared>>
        %dma_start3A_69 = arith.constant 9480 : i32
        %dma_start3A_70 = arith.constant 0 : i32
        %dma_start3A_71 = tpu.memref_slice %arg5[%dma_start3A_69, %dma_start3A_70] : memref<10112x128xf32, #tpu.memory_space<hbm>> -> memref<536x128xf32, #tpu.memory_space<hbm>>
        tpu.enqueue_dma source(%dma_start3A_71 : memref<536x128xf32, #tpu.memory_space<hbm>>) target(%dma_start3A_68 : memref<536x128xf32, #tpu.memory_space<vmem_shared>>) target_semaphore(%run_scoped3A : memref<!tpu.dma_semaphore, #tpu.memory_space<semaphore_mem>>)
        %dma_wait3A = arith.constant 9480 : i32
        %dma_wait3A_72 = arith.constant 0 : i32
        %dma_wait3A_73 = tpu.memref_slice %arg12[%dma_wait3A, %dma_wait3A_72] : memref<10016x128xf32, #tpu.memory_space<vmem_shared>> -> memref<536x128xf32, #tpu.memory_space<vmem_shared>>
        %dma_wait3A_74 = arith.constant 9480 : i32
        %dma_wait3A_75 = arith.constant 0 : i32
        %dma_wait3A_76 = tpu.memref_slice %arg5[%dma_wait3A_74, %dma_wait3A_75] : memref<10112x128xf32, #tpu.memory_space<hbm>> -> memref<536x128xf32, #tpu.memory_space<hbm>>
        tpu.wait_dma2 semaphore(%run_scoped3A : memref<!tpu.dma_semaphore, #tpu.memory_space<semaphore_mem>>) src(%dma_wait3A_76 : memref<536x128xf32, #tpu.memory_space<hbm>>) dst(%dma_wait3A_73 : memref<536x128xf32, #tpu.memory_space<vmem_shared>>)
        tpu.yield
      }) : () -> ()
    } else {
    }
    %barrier3A = arith.constant 0 : index
    tpu.barrier barrier_id(%barrier3A)
    %dma_start3A = arith.constant 0 : i32
    %dma_start3A_7 = arith.constant 0 : i32
    %dma_start3A_8 = tpu.memref_slice %arg7[%dma_start3A, %dma_start3A_7] : memref<80x128xi32, #tpu.memory_space<vmem>> -> memref<1x128xi32, #tpu.memory_space<vmem>>
    %dma_start3A_9 = tpu.memref_squeeze %dma_start3A_8 : memref<1x128xi32, #tpu.memory_space<vmem>> -> memref<128xi32, #tpu.memory_space<vmem>>
    %dma_start3A_10 = arith.constant 0 : i32
    %dma_start3A_11 = arith.constant 0 : i32
    %dma_start3A_12 = tpu.memref_slice %arg2[%dma_start3A_10, %dma_start3A_11] : memref<10112x128xf32, #tpu.memory_space<hbm>> -> memref<10112x128xf32, #tpu.memory_space<hbm>>
    tpu.enqueue_indirect_dma source(%dma_start3A_12 : memref<10112x128xf32, #tpu.memory_space<hbm>>) target(%arg8 : memref<128x128xf32, #tpu.memory_space<vmem>>) offsets(%dma_start3A_9 : memref<128xi32, #tpu.memory_space<vmem>>) semaphore(%arg13 : memref<!tpu.dma_semaphore, #tpu.memory_space<semaphore_mem>>)
    %dma_start3A_13 = arith.constant 0 : i32
    %dma_start3A_14 = arith.constant 0 : i32
    %dma_start3A_15 = arith.constant 0 : i32
    %dma_start3A_16 = tpu.memref_slice %arg4[%add3A, %dma_start3A_14, %dma_start3A_15] : memref<32x80x128xi32, #tpu.memory_space<hbm>> -> memref<1x80x128xi32, #tpu.memory_space<hbm>>
    %dma_start3A_17 = tpu.memref_squeeze %dma_start3A_16 : memref<1x80x128xi32, #tpu.memory_space<hbm>> -> memref<80x128xi32, #tpu.memory_space<hbm>>
    %dma_start3A_18 = arith.constant 0 : i32
    %dma_start3A_19 = tpu.memref_slice %dma_start3A_17[%dma_start3A_13, %dma_start3A_18] : memref<80x128xi32, #tpu.memory_space<hbm>> -> memref<1x128xi32, #tpu.memory_space<hbm>>
    %dma_start3A_20 = tpu.memref_squeeze %dma_start3A_19 : memref<1x128xi32, #tpu.memory_space<hbm>> -> memref<128xi32, #tpu.memory_space<hbm>>
    %dma_start3A_21 = arith.constant 0 : i32
    %dma_start3A_22 = arith.constant 0 : i32
    %dma_start3A_23 = tpu.memref_slice %arg4[%add3A, %dma_start3A_21, %dma_start3A_22] : memref<32x80x128xi32, #tpu.memory_space<hbm>> -> memref<1x80x128xi32, #tpu.memory_space<hbm>>
    %dma_start3A_24 = tpu.memref_squeeze %dma_start3A_23 : memref<1x80x128xi32, #tpu.memory_space<hbm>> -> memref<80x128xi32, #tpu.memory_space<hbm>>
    %dma_start3A_25 = arith.constant 0 : i32
    %dma_start3A_26 = tpu.memref_slice %dma_start3A_24[%dma_start3A_13, %dma_start3A_25] : memref<80x128xi32, #tpu.memory_space<hbm>> -> memref<1x128xi32, #tpu.memory_space<hbm>>
    %dma_start3A_27 = tpu.memref_squeeze %dma_start3A_26 : memref<1x128xi32, #tpu.memory_space<hbm>> -> memref<128xi32, #tpu.memory_space<hbm>>
    tpu.enqueue_dma source(%dma_start3A_27 : memref<128xi32, #tpu.memory_space<hbm>>) target(%arg10 : memref<128xi32, #tpu.memory_space<vmem>>) target_semaphore(%arg17 : memref<!tpu.dma_semaphore, #tpu.memory_space<semaphore_mem>>)
    %dma_start3A_28 = arith.constant 1 : i32
    %dma_start3A_29 = arith.constant 0 : i32
    %dma_start3A_30 = tpu.memref_slice %arg7[%dma_start3A_28, %dma_start3A_29] : memref<80x128xi32, #tpu.memory_space<vmem>> -> memref<1x128xi32, #tpu.memory_space<vmem>>
    %dma_start3A_31 = tpu.memref_squeeze %dma_start3A_30 : memref<1x128xi32, #tpu.memory_space<vmem>> -> memref<128xi32, #tpu.memory_space<vmem>>
    %dma_start3A_32 = arith.constant 0 : i32
    %dma_start3A_33 = arith.constant 0 : i32
    %dma_start3A_34 = tpu.memref_slice %arg2[%dma_start3A_32, %dma_start3A_33] : memref<10112x128xf32, #tpu.memory_space<hbm>> -> memref<10112x128xf32, #tpu.memory_space<hbm>>
    tpu.enqueue_indirect_dma source(%dma_start3A_34 : memref<10112x128xf32, #tpu.memory_space<hbm>>) target(%arg9 : memref<128x128xf32, #tpu.memory_space<vmem>>) offsets(%dma_start3A_31 : memref<128xi32, #tpu.memory_space<vmem>>) semaphore(%arg14 : memref<!tpu.dma_semaphore, #tpu.memory_space<semaphore_mem>>)
    %dma_start3A_35 = arith.constant 1 : i32
    %dma_start3A_36 = arith.constant 0 : i32
    %dma_start3A_37 = arith.constant 0 : i32
    %dma_start3A_38 = tpu.memref_slice %arg4[%add3A, %dma_start3A_36, %dma_start3A_37] : memref<32x80x128xi32, #tpu.memory_space<hbm>> -> memref<1x80x128xi32, #tpu.memory_space<hbm>>
    %dma_start3A_39 = tpu.memref_squeeze %dma_start3A_38 : memref<1x80x128xi32, #tpu.memory_space<hbm>> -> memref<80x128xi32, #tpu.memory_space<hbm>>
    %dma_start3A_40 = arith.constant 0 : i32
    %dma_start3A_41 = tpu.memref_slice %dma_start3A_39[%dma_start3A_35, %dma_start3A_40] : memref<80x128xi32, #tpu.memory_space<hbm>> -> memref<1x128xi32, #tpu.memory_space<hbm>>
    %dma_start3A_42 = tpu.memref_squeeze %dma_start3A_41 : memref<1x128xi32, #tpu.memory_space<hbm>> -> memref<128xi32, #tpu.memory_space<hbm>>
    %dma_start3A_43 = arith.constant 0 : i32
    %dma_start3A_44 = arith.constant 0 : i32
    %dma_start3A_45 = tpu.memref_slice %arg4[%add3A, %dma_start3A_43, %dma_start3A_44] : memref<32x80x128xi32, #tpu.memory_space<hbm>> -> memref<1x80x128xi32, #tpu.memory_space<hbm>>
    %dma_start3A_46 = tpu.memref_squeeze %dma_start3A_45 : memref<1x80x128xi32, #tpu.memory_space<hbm>> -> memref<80x128xi32, #tpu.memory_space<hbm>>
    %dma_start3A_47 = arith.constant 0 : i32
    %dma_start3A_48 = tpu.memref_slice %dma_start3A_46[%dma_start3A_35, %dma_start3A_47] : memref<80x128xi32, #tpu.memory_space<hbm>> -> memref<1x128xi32, #tpu.memory_space<hbm>>
    %dma_start3A_49 = tpu.memref_squeeze %dma_start3A_48 : memref<1x128xi32, #tpu.memory_space<hbm>> -> memref<128xi32, #tpu.memory_space<hbm>>
    tpu.enqueue_dma source(%dma_start3A_49 : memref<128xi32, #tpu.memory_space<hbm>>) target(%arg11 : memref<128xi32, #tpu.memory_space<vmem>>) target_semaphore(%arg18 : memref<!tpu.dma_semaphore, #tpu.memory_space<semaphore_mem>>)
    %scan3A = arith.constant 0 : i32
    %scan3A_50 = arith.constant 0 : i32
    %scan3A_51 = arith.constant 40 : i32
    %scan3A_52 = arith.addi %scan3A_50, %scan3A_51 : i32
    %scan3A_53 = arith.constant 1 : i32
    scf.for %scan3A_66 = %scan3A_50 to %scan3A_52 step %scan3A_53  : i32 {
      %mul3A_67 = arith.constant 2 : i32
      %mul3A_68 = arith.muli %scan3A_66, %mul3A_67 : i32
      %add3A_69 = arith.constant 0 : i32
      %add3A_70 = arith.addi %mul3A_68, %add3A_69 : i32
      %dma_wait3A = arith.constant 0 : i32
      %dma_wait3A_71 = tpu.memref_slice %arg7[%add3A_70, %dma_wait3A] : memref<80x128xi32, #tpu.memory_space<vmem>> -> memref<1x128xi32, #tpu.memory_space<vmem>>
      %dma_wait3A_72 = tpu.memref_squeeze %dma_wait3A_71 : memref<1x128xi32, #tpu.memory_space<vmem>> -> memref<128xi32, #tpu.memory_space<vmem>>
      %dma_wait3A_73 = arith.constant 0 : i32
      %dma_wait3A_74 = arith.constant 0 : i32
      %dma_wait3A_75 = tpu.memref_slice %arg2[%dma_wait3A_73, %dma_wait3A_74] : memref<10112x128xf32, #tpu.memory_space<hbm>> -> memref<10112x128xf32, #tpu.memory_space<hbm>>
      tpu.wait_indirect_dma semaphore(%arg13 : memref<!tpu.dma_semaphore, #tpu.memory_space<semaphore_mem>>) src(%dma_wait3A_75 : memref<10112x128xf32, #tpu.memory_space<hbm>>) dst(%arg8 : memref<128x128xf32, #tpu.memory_space<vmem>>)
      %dma_wait3A_76 = arith.constant 0 : i32
      %dma_wait3A_77 = arith.constant 0 : i32
      %dma_wait3A_78 = tpu.memref_slice %arg4[%add3A, %dma_wait3A_76, %dma_wait3A_77] : memref<32x80x128xi32, #tpu.memory_space<hbm>> -> memref<1x80x128xi32, #tpu.memory_space<hbm>>
      %dma_wait3A_79 = tpu.memref_squeeze %dma_wait3A_78 : memref<1x80x128xi32, #tpu.memory_space<hbm>> -> memref<80x128xi32, #tpu.memory_space<hbm>>
      %dma_wait3A_80 = arith.constant 0 : i32
      %dma_wait3A_81 = tpu.memref_slice %dma_wait3A_79[%add3A_70, %dma_wait3A_80] : memref<80x128xi32, #tpu.memory_space<hbm>> -> memref<1x128xi32, #tpu.memory_space<hbm>>
      %dma_wait3A_82 = tpu.memref_squeeze %dma_wait3A_81 : memref<1x128xi32, #tpu.memory_space<hbm>> -> memref<128xi32, #tpu.memory_space<hbm>>
      %dma_wait3A_83 = arith.constant 0 : i32
      %dma_wait3A_84 = arith.constant 0 : i32
      %dma_wait3A_85 = tpu.memref_slice %arg4[%add3A, %dma_wait3A_83, %dma_wait3A_84] : memref<32x80x128xi32, #tpu.memory_space<hbm>> -> memref<1x80x128xi32, #tpu.memory_space<hbm>>
      %dma_wait3A_86 = tpu.memref_squeeze %dma_wait3A_85 : memref<1x80x128xi32, #tpu.memory_space<hbm>> -> memref<80x128xi32, #tpu.memory_space<hbm>>
      %dma_wait3A_87 = arith.constant 0 : i32
      %dma_wait3A_88 = tpu.memref_slice %dma_wait3A_86[%add3A_70, %dma_wait3A_87] : memref<80x128xi32, #tpu.memory_space<hbm>> -> memref<1x128xi32, #tpu.memory_space<hbm>>
      %dma_wait3A_89 = tpu.memref_squeeze %dma_wait3A_88 : memref<1x128xi32, #tpu.memory_space<hbm>> -> memref<128xi32, #tpu.memory_space<hbm>>
      tpu.wait_dma2 semaphore(%arg17 : memref<!tpu.dma_semaphore, #tpu.memory_space<semaphore_mem>>) src(%dma_wait3A_89 : memref<128xi32, #tpu.memory_space<hbm>>) dst(%arg10 : memref<128xi32, #tpu.memory_space<vmem>>)
      %dma_start3A_90 = arith.constant 0 : i32
      %dma_start3A_91 = arith.constant 0 : i32
      %dma_start3A_92 = tpu.memref_slice %arg12[%dma_start3A_90, %dma_start3A_91] : memref<10016x128xf32, #tpu.memory_space<vmem_shared>> -> memref<10016x128xf32, #tpu.memory_space<vmem_shared>>
      tpu.enqueue_indirect_dma source(%arg8 : memref<128x128xf32, #tpu.memory_space<vmem>>) target(%dma_start3A_92 : memref<10016x128xf32, #tpu.memory_space<vmem_shared>>) offsets(%arg10 : memref<128xi32, #tpu.memory_space<vmem>>) semaphore(%arg15 : memref<!tpu.dma_semaphore, #tpu.memory_space<semaphore_mem>>) {add = true}
      %add3A_93 = arith.constant 1 : i32
      %add3A_94 = arith.addi %mul3A_68, %add3A_93 : i32
      %dma_wait3A_95 = arith.constant 0 : i32
      %dma_wait3A_96 = tpu.memref_slice %arg7[%add3A_94, %dma_wait3A_95] : memref<80x128xi32, #tpu.memory_space<vmem>> -> memref<1x128xi32, #tpu.memory_space<vmem>>
      %dma_wait3A_97 = tpu.memref_squeeze %dma_wait3A_96 : memref<1x128xi32, #tpu.memory_space<vmem>> -> memref<128xi32, #tpu.memory_space<vmem>>
      %dma_wait3A_98 = arith.constant 0 : i32
      %dma_wait3A_99 = arith.constant 0 : i32
      %dma_wait3A_100 = tpu.memref_slice %arg2[%dma_wait3A_98, %dma_wait3A_99] : memref<10112x128xf32, #tpu.memory_space<hbm>> -> memref<10112x128xf32, #tpu.memory_space<hbm>>
      tpu.wait_indirect_dma semaphore(%arg14 : memref<!tpu.dma_semaphore, #tpu.memory_space<semaphore_mem>>) src(%dma_wait3A_100 : memref<10112x128xf32, #tpu.memory_space<hbm>>) dst(%arg9 : memref<128x128xf32, #tpu.memory_space<vmem>>)
      %dma_wait3A_101 = arith.constant 0 : i32
      %dma_wait3A_102 = arith.constant 0 : i32
      %dma_wait3A_103 = tpu.memref_slice %arg4[%add3A, %dma_wait3A_101, %dma_wait3A_102] : memref<32x80x128xi32, #tpu.memory_space<hbm>> -> memref<1x80x128xi32, #tpu.memory_space<hbm>>
      %dma_wait3A_104 = tpu.memref_squeeze %dma_wait3A_103 : memref<1x80x128xi32, #tpu.memory_space<hbm>> -> memref<80x128xi32, #tpu.memory_space<hbm>>
      %dma_wait3A_105 = arith.constant 0 : i32
      %dma_wait3A_106 = tpu.memref_slice %dma_wait3A_104[%add3A_94, %dma_wait3A_105] : memref<80x128xi32, #tpu.memory_space<hbm>> -> memref<1x128xi32, #tpu.memory_space<hbm>>
      %dma_wait3A_107 = tpu.memref_squeeze %dma_wait3A_106 : memref<1x128xi32, #tpu.memory_space<hbm>> -> memref<128xi32, #tpu.memory_space<hbm>>
      %dma_wait3A_108 = arith.constant 0 : i32
      %dma_wait3A_109 = arith.constant 0 : i32
      %dma_wait3A_110 = tpu.memref_slice %arg4[%add3A, %dma_wait3A_108, %dma_wait3A_109] : memref<32x80x128xi32, #tpu.memory_space<hbm>> -> memref<1x80x128xi32, #tpu.memory_space<hbm>>
      %dma_wait3A_111 = tpu.memref_squeeze %dma_wait3A_110 : memref<1x80x128xi32, #tpu.memory_space<hbm>> -> memref<80x128xi32, #tpu.memory_space<hbm>>
      %dma_wait3A_112 = arith.constant 0 : i32
      %dma_wait3A_113 = tpu.memref_slice %dma_wait3A_111[%add3A_94, %dma_wait3A_112] : memref<80x128xi32, #tpu.memory_space<hbm>> -> memref<1x128xi32, #tpu.memory_space<hbm>>
      %dma_wait3A_114 = tpu.memref_squeeze %dma_wait3A_113 : memref<1x128xi32, #tpu.memory_space<hbm>> -> memref<128xi32, #tpu.memory_space<hbm>>
      tpu.wait_dma2 semaphore(%arg18 : memref<!tpu.dma_semaphore, #tpu.memory_space<semaphore_mem>>) src(%dma_wait3A_114 : memref<128xi32, #tpu.memory_space<hbm>>) dst(%arg11 : memref<128xi32, #tpu.memory_space<vmem>>)
      %dma_start3A_115 = arith.constant 0 : i32
      %dma_start3A_116 = arith.constant 0 : i32
      %dma_start3A_117 = tpu.memref_slice %arg12[%dma_start3A_115, %dma_start3A_116] : memref<10016x128xf32, #tpu.memory_space<vmem_shared>> -> memref<10016x128xf32, #tpu.memory_space<vmem_shared>>
      tpu.enqueue_indirect_dma source(%arg9 : memref<128x128xf32, #tpu.memory_space<vmem>>) target(%dma_start3A_117 : memref<10016x128xf32, #tpu.memory_space<vmem_shared>>) offsets(%arg11 : memref<128xi32, #tpu.memory_space<vmem>>) semaphore(%arg16 : memref<!tpu.dma_semaphore, #tpu.memory_space<semaphore_mem>>) {add = true}
      %add3A_118 = arith.constant 0 : i32
      %add3A_119 = arith.addi %mul3A_68, %add3A_118 : i32
      %dma_wait3A_120 = arith.constant 0 : i32
      %dma_wait3A_121 = arith.constant 0 : i32
      %dma_wait3A_122 = tpu.memref_slice %arg12[%dma_wait3A_120, %dma_wait3A_121] : memref<10016x128xf32, #tpu.memory_space<vmem_shared>> -> memref<10016x128xf32, #tpu.memory_space<vmem_shared>>
      tpu.wait_indirect_dma semaphore(%arg15 : memref<!tpu.dma_semaphore, #tpu.memory_space<semaphore_mem>>) src(%arg8 : memref<128x128xf32, #tpu.memory_space<vmem>>) dst(%dma_wait3A_122 : memref<10016x128xf32, #tpu.memory_space<vmem_shared>>)
      %add3A_123 = arith.constant 2 : i32
      %add3A_124 = arith.addi %add3A_119, %add3A_123 : i32
      %lt3A_125 = arith.constant 80 : i32
      %lt3A_126 = arith.cmpi slt, %add3A_124, %lt3A_125 : i32
      %convert_element_type3A_127 = arith.extui %lt3A_126 : i1 to i32
      %cond3A_128 = arith.constant 0 : i32
      %cond3A_129 = arith.cmpi ne, %convert_element_type3A_127, %cond3A_128 : i32
      scf.if %cond3A_129 {
        %dma_start3A_142 = arith.constant 0 : i32
        %dma_start3A_143 = tpu.memref_slice %arg7[%add3A_124, %dma_start3A_142] : memref<80x128xi32, #tpu.memory_space<vmem>> -> memref<1x128xi32, #tpu.memory_space<vmem>>
        %dma_start3A_144 = tpu.memref_squeeze %dma_start3A_143 : memref<1x128xi32, #tpu.memory_space<vmem>> -> memref<128xi32, #tpu.memory_space<vmem>>
        %dma_start3A_145 = arith.constant 0 : i32
        %dma_start3A_146 = arith.constant 0 : i32
        %dma_start3A_147 = tpu.memref_slice %arg2[%dma_start3A_145, %dma_start3A_146] : memref<10112x128xf32, #tpu.memory_space<hbm>> -> memref<10112x128xf32, #tpu.memory_space<hbm>>
        tpu.enqueue_indirect_dma source(%dma_start3A_147 : memref<10112x128xf32, #tpu.memory_space<hbm>>) target(%arg8 : memref<128x128xf32, #tpu.memory_space<vmem>>) offsets(%dma_start3A_144 : memref<128xi32, #tpu.memory_space<vmem>>) semaphore(%arg13 : memref<!tpu.dma_semaphore, #tpu.memory_space<semaphore_mem>>)
        %dma_start3A_148 = arith.constant 0 : i32
        %dma_start3A_149 = arith.constant 0 : i32
        %dma_start3A_150 = tpu.memref_slice %arg4[%add3A, %dma_start3A_148, %dma_start3A_149] : memref<32x80x128xi32, #tpu.memory_space<hbm>> -> memref<1x80x128xi32, #tpu.memory_space<hbm>>
        %dma_start3A_151 = tpu.memref_squeeze %dma_start3A_150 : memref<1x80x128xi32, #tpu.memory_space<hbm>> -> memref<80x128xi32, #tpu.memory_space<hbm>>
        %dma_start3A_152 = arith.constant 0 : i32
        %dma_start3A_153 = tpu.memref_slice %dma_start3A_151[%add3A_124, %dma_start3A_152] : memref<80x128xi32, #tpu.memory_space<hbm>> -> memref<1x128xi32, #tpu.memory_space<hbm>>
        %dma_start3A_154 = tpu.memref_squeeze %dma_start3A_153 : memref<1x128xi32, #tpu.memory_space<hbm>> -> memref<128xi32, #tpu.memory_space<hbm>>
        %dma_start3A_155 = arith.constant 0 : i32
        %dma_start3A_156 = arith.constant 0 : i32
        %dma_start3A_157 = tpu.memref_slice %arg4[%add3A, %dma_start3A_155, %dma_start3A_156] : memref<32x80x128xi32, #tpu.memory_space<hbm>> -> memref<1x80x128xi32, #tpu.memory_space<hbm>>
        %dma_start3A_158 = tpu.memref_squeeze %dma_start3A_157 : memref<1x80x128xi32, #tpu.memory_space<hbm>> -> memref<80x128xi32, #tpu.memory_space<hbm>>
        %dma_start3A_159 = arith.constant 0 : i32
        %dma_start3A_160 = tpu.memref_slice %dma_start3A_158[%add3A_124, %dma_start3A_159] : memref<80x128xi32, #tpu.memory_space<hbm>> -> memref<1x128xi32, #tpu.memory_space<hbm>>
        %dma_start3A_161 = tpu.memref_squeeze %dma_start3A_160 : memref<1x128xi32, #tpu.memory_space<hbm>> -> memref<128xi32, #tpu.memory_space<hbm>>
        tpu.enqueue_dma source(%dma_start3A_161 : memref<128xi32, #tpu.memory_space<hbm>>) target(%arg10 : memref<128xi32, #tpu.memory_space<vmem>>) target_semaphore(%arg17 : memref<!tpu.dma_semaphore, #tpu.memory_space<semaphore_mem>>)
      } else {
      }
      %add3A_130 = arith.constant 1 : i32
      %add3A_131 = arith.addi %mul3A_68, %add3A_130 : i32
      %dma_wait3A_132 = arith.constant 0 : i32
      %dma_wait3A_133 = arith.constant 0 : i32
      %dma_wait3A_134 = tpu.memref_slice %arg12[%dma_wait3A_132, %dma_wait3A_133] : memref<10016x128xf32, #tpu.memory_space<vmem_shared>> -> memref<10016x128xf32, #tpu.memory_space<vmem_shared>>
      tpu.wait_indirect_dma semaphore(%arg16 : memref<!tpu.dma_semaphore, #tpu.memory_space<semaphore_mem>>) src(%arg9 : memref<128x128xf32, #tpu.memory_space<vmem>>) dst(%dma_wait3A_134 : memref<10016x128xf32, #tpu.memory_space<vmem_shared>>)
      %add3A_135 = arith.constant 2 : i32
      %add3A_136 = arith.addi %add3A_131, %add3A_135 : i32
      %lt3A_137 = arith.constant 80 : i32
      %lt3A_138 = arith.cmpi slt, %add3A_136, %lt3A_137 : i32
      %convert_element_type3A_139 = arith.extui %lt3A_138 : i1 to i32
      %cond3A_140 = arith.constant 0 : i32
      %cond3A_141 = arith.cmpi ne, %convert_element_type3A_139, %cond3A_140 : i32
      scf.if %cond3A_141 {
        %dma_start3A_142 = arith.constant 0 : i32
        %dma_start3A_143 = tpu.memref_slice %arg7[%add3A_136, %dma_start3A_142] : memref<80x128xi32, #tpu.memory_space<vmem>> -> memref<1x128xi32, #tpu.memory_space<vmem>>
        %dma_start3A_144 = tpu.memref_squeeze %dma_start3A_143 : memref<1x128xi32, #tpu.memory_space<vmem>> -> memref<128xi32, #tpu.memory_space<vmem>>
        %dma_start3A_145 = arith.constant 0 : i32
        %dma_start3A_146 = arith.constant 0 : i32
        %dma_start3A_147 = tpu.memref_slice %arg2[%dma_start3A_145, %dma_start3A_146] : memref<10112x128xf32, #tpu.memory_space<hbm>> -> memref<10112x128xf32, #tpu.memory_space<hbm>>
        tpu.enqueue_indirect_dma source(%dma_start3A_147 : memref<10112x128xf32, #tpu.memory_space<hbm>>) target(%arg9 : memref<128x128xf32, #tpu.memory_space<vmem>>) offsets(%dma_start3A_144 : memref<128xi32, #tpu.memory_space<vmem>>) semaphore(%arg14 : memref<!tpu.dma_semaphore, #tpu.memory_space<semaphore_mem>>)
        %dma_start3A_148 = arith.constant 0 : i32
        %dma_start3A_149 = arith.constant 0 : i32
        %dma_start3A_150 = tpu.memref_slice %arg4[%add3A, %dma_start3A_148, %dma_start3A_149] : memref<32x80x128xi32, #tpu.memory_space<hbm>> -> memref<1x80x128xi32, #tpu.memory_space<hbm>>
        %dma_start3A_151 = tpu.memref_squeeze %dma_start3A_150 : memref<1x80x128xi32, #tpu.memory_space<hbm>> -> memref<80x128xi32, #tpu.memory_space<hbm>>
        %dma_start3A_152 = arith.constant 0 : i32
        %dma_start3A_153 = tpu.memref_slice %dma_start3A_151[%add3A_136, %dma_start3A_152] : memref<80x128xi32, #tpu.memory_space<hbm>> -> memref<1x128xi32, #tpu.memory_space<hbm>>
        %dma_start3A_154 = tpu.memref_squeeze %dma_start3A_153 : memref<1x128xi32, #tpu.memory_space<hbm>> -> memref<128xi32, #tpu.memory_space<hbm>>
        %dma_start3A_155 = arith.constant 0 : i32
        %dma_start3A_156 = arith.constant 0 : i32
        %dma_start3A_157 = tpu.memref_slice %arg4[%add3A, %dma_start3A_155, %dma_start3A_156] : memref<32x80x128xi32, #tpu.memory_space<hbm>> -> memref<1x80x128xi32, #tpu.memory_space<hbm>>
        %dma_start3A_158 = tpu.memref_squeeze %dma_start3A_157 : memref<1x80x128xi32, #tpu.memory_space<hbm>> -> memref<80x128xi32, #tpu.memory_space<hbm>>
        %dma_start3A_159 = arith.constant 0 : i32
        %dma_start3A_160 = tpu.memref_slice %dma_start3A_158[%add3A_136, %dma_start3A_159] : memref<80x128xi32, #tpu.memory_space<hbm>> -> memref<1x128xi32, #tpu.memory_space<hbm>>
        %dma_start3A_161 = tpu.memref_squeeze %dma_start3A_160 : memref<1x128xi32, #tpu.memory_space<hbm>> -> memref<128xi32, #tpu.memory_space<hbm>>
        tpu.enqueue_dma source(%dma_start3A_161 : memref<128xi32, #tpu.memory_space<hbm>>) target(%arg11 : memref<128xi32, #tpu.memory_space<vmem>>) target_semaphore(%arg18 : memref<!tpu.dma_semaphore, #tpu.memory_space<semaphore_mem>>)
      } else {
      }
    }
    %scan3A_54 = arith.constant 40 : i32
    %barrier3A_55 = arith.constant 0 : index
    tpu.barrier barrier_id(%barrier3A_55)
    %lt3A_56 = arith.constant 15 : i32
    %lt3A_57 = arith.cmpi slt, %arg1, %lt3A_56 : i32
    %convert_element_type3A_58 = arith.extui %lt3A_57 : i1 to i32
    %cond3A_59 = arith.constant 0 : i32
    %cond3A_60 = arith.cmpi ne, %convert_element_type3A_58, %cond3A_59 : i32
    scf.if %cond3A_60 {
      %mul3A_66 = arith.constant 632 : i32
      %mul3A_67 = arith.muli %arg1, %mul3A_66 : i32
      %mul3A_68 = arith.constant 632 : i32
      %mul3A_69 = arith.muli %arg1, %mul3A_68 : i32
      "tpu.region"() ({
        %run_scoped3A = tpu.sem_alloc : memref<!tpu.dma_semaphore, #tpu.memory_space<semaphore_mem>>
        %dma_start3A_70 = arith.constant 0 : i32
        %dma_start3A_71 = arith.constant 0 : i32
        %dma_start3A_72 = tpu.memref_slice %arg6[%arg0, %dma_start3A_70, %dma_start3A_71] : memref<2x10112x128xf32, #tpu.memory_space<hbm>> -> memref<1x10112x128xf32, #tpu.memory_space<hbm>>
        %dma_start3A_73 = tpu.memref_squeeze %dma_start3A_72 : memref<1x10112x128xf32, #tpu.memory_space<hbm>> -> memref<10112x128xf32, #tpu.memory_space<hbm>>
        %dma_start3A_74 = arith.constant 0 : i32
        %dma_start3A_75 = tpu.memref_slice %dma_start3A_73[%mul3A_69, %dma_start3A_74] : memref<10112x128xf32, #tpu.memory_space<hbm>> -> memref<632x128xf32, #tpu.memory_space<hbm>>
        %dma_start3A_76 = arith.constant 0 : i32
        %dma_start3A_77 = tpu.memref_slice %arg12[%mul3A_67, %dma_start3A_76] : memref<10016x128xf32, #tpu.memory_space<vmem_shared>> -> memref<632x128xf32, #tpu.memory_space<vmem_shared>>
        tpu.enqueue_dma source(%dma_start3A_77 : memref<632x128xf32, #tpu.memory_space<vmem_shared>>) target(%dma_start3A_75 : memref<632x128xf32, #tpu.memory_space<hbm>>) target_semaphore(%run_scoped3A : memref<!tpu.dma_semaphore, #tpu.memory_space<semaphore_mem>>)
        %dma_wait3A = arith.constant 0 : i32
        %dma_wait3A_78 = arith.constant 0 : i32
        %dma_wait3A_79 = tpu.memref_slice %arg6[%arg0, %dma_wait3A, %dma_wait3A_78] : memref<2x10112x128xf32, #tpu.memory_space<hbm>> -> memref<1x10112x128xf32, #tpu.memory_space<hbm>>
        %dma_wait3A_80 = tpu.memref_squeeze %dma_wait3A_79 : memref<1x10112x128xf32, #tpu.memory_space<hbm>> -> memref<10112x128xf32, #tpu.memory_space<hbm>>
        %dma_wait3A_81 = arith.constant 0 : i32
        %dma_wait3A_82 = tpu.memref_slice %dma_wait3A_80[%mul3A_69, %dma_wait3A_81] : memref<10112x128xf32, #tpu.memory_space<hbm>> -> memref<632x128xf32, #tpu.memory_space<hbm>>
        %dma_wait3A_83 = arith.constant 0 : i32
        %dma_wait3A_84 = tpu.memref_slice %arg12[%mul3A_67, %dma_wait3A_83] : memref<10016x128xf32, #tpu.memory_space<vmem_shared>> -> memref<632x128xf32, #tpu.memory_space<vmem_shared>>
        tpu.wait_dma2 semaphore(%run_scoped3A : memref<!tpu.dma_semaphore, #tpu.memory_space<semaphore_mem>>) src(%dma_wait3A_84 : memref<632x128xf32, #tpu.memory_space<vmem_shared>>) dst(%dma_wait3A_82 : memref<632x128xf32, #tpu.memory_space<hbm>>)
        tpu.yield
      }) : () -> ()
    } else {
    }
    %eq3A_61 = arith.constant 15 : i32
    %eq3A_62 = arith.cmpi eq, %arg1, %eq3A_61 : i32
    %convert_element_type3A_63 = arith.extui %eq3A_62 : i1 to i32
    %cond3A_64 = arith.constant 0 : i32
    %cond3A_65 = arith.cmpi ne, %convert_element_type3A_63, %cond3A_64 : i32
    scf.if %cond3A_65 {
      "tpu.region"() ({
        %run_scoped3A = tpu.sem_alloc : memref<!tpu.dma_semaphore, #tpu.memory_space<semaphore_mem>>
        %dma_start3A_66 = arith.constant 0 : i32
        %dma_start3A_67 = arith.constant 0 : i32
        %dma_start3A_68 = tpu.memref_slice %arg6[%arg0, %dma_start3A_66, %dma_start3A_67] : memref<2x10112x128xf32, #tpu.memory_space<hbm>> -> memref<1x10112x128xf32, #tpu.memory_space<hbm>>
        %dma_start3A_69 = tpu.memref_squeeze %dma_start3A_68 : memref<1x10112x128xf32, #tpu.memory_space<hbm>> -> memref<10112x128xf32, #tpu.memory_space<hbm>>
        %dma_start3A_70 = arith.constant 9480 : i32
        %dma_start3A_71 = arith.constant 0 : i32
        %dma_start3A_72 = tpu.memref_slice %dma_start3A_69[%dma_start3A_70, %dma_start3A_71] : memref<10112x128xf32, #tpu.memory_space<hbm>> -> memref<536x128xf32, #tpu.memory_space<hbm>>
        %dma_start3A_73 = arith.constant 9480 : i32
        %dma_start3A_74 = arith.constant 0 : i32
        %dma_start3A_75 = tpu.memref_slice %arg12[%dma_start3A_73, %dma_start3A_74] : memref<10016x128xf32, #tpu.memory_space<vmem_shared>> -> memref<536x128xf32, #tpu.memory_space<vmem_shared>>
        tpu.enqueue_dma source(%dma_start3A_75 : memref<536x128xf32, #tpu.memory_space<vmem_shared>>) target(%dma_start3A_72 : memref<536x128xf32, #tpu.memory_space<hbm>>) target_semaphore(%run_scoped3A : memref<!tpu.dma_semaphore, #tpu.memory_space<semaphore_mem>>)
        %dma_wait3A = arith.constant 0 : i32
        %dma_wait3A_76 = arith.constant 0 : i32
        %dma_wait3A_77 = tpu.memref_slice %arg6[%arg0, %dma_wait3A, %dma_wait3A_76] : memref<2x10112x128xf32, #tpu.memory_space<hbm>> -> memref<1x10112x128xf32, #tpu.memory_space<hbm>>
        %dma_wait3A_78 = tpu.memref_squeeze %dma_wait3A_77 : memref<1x10112x128xf32, #tpu.memory_space<hbm>> -> memref<10112x128xf32, #tpu.memory_space<hbm>>
        %dma_wait3A_79 = arith.constant 9480 : i32
        %dma_wait3A_80 = arith.constant 0 : i32
        %dma_wait3A_81 = tpu.memref_slice %dma_wait3A_78[%dma_wait3A_79, %dma_wait3A_80] : memref<10112x128xf32, #tpu.memory_space<hbm>> -> memref<536x128xf32, #tpu.memory_space<hbm>>
        %dma_wait3A_82 = arith.constant 9480 : i32
        %dma_wait3A_83 = arith.constant 0 : i32
        %dma_wait3A_84 = tpu.memref_slice %arg12[%dma_wait3A_82, %dma_wait3A_83] : memref<10016x128xf32, #tpu.memory_space<vmem_shared>> -> memref<536x128xf32, #tpu.memory_space<vmem_shared>>
        tpu.wait_dma2 semaphore(%run_scoped3A : memref<!tpu.dma_semaphore, #tpu.memory_space<semaphore_mem>>) src(%dma_wait3A_84 : memref<536x128xf32, #tpu.memory_space<vmem_shared>>) dst(%dma_wait3A_81 : memref<536x128xf32, #tpu.memory_space<hbm>>)
        tpu.yield
      }) : () -> ()
    } else {
    }
    return
  }
}

#map = affine_map<(d0, d1) -> (0, 0)>
#map1 = affine_map<(d0, d1) -> (0, 0, 0)>
module attributes {stable_mosaic.version = 14 : i64} {
  func.func @seg(%arg0: i32, %arg1: i32, %arg2: memref<10112x128xf32, #tpu.memory_space<hbm>>, %arg3: memref<32x80x128xi32, #tpu.memory_space<hbm>>, %arg4: memref<32x80x128xi32, #tpu.memory_space<hbm>>, %arg5: memref<10112x128xf32, #tpu.memory_space<hbm>>, %arg6: memref<2x10112x128xf32, #tpu.memory_space<hbm>>, %arg7: memref<80x128xi32, #tpu.memory_space<vmem>>, %arg8: memref<128x128xf32, #tpu.memory_space<vmem>>, %arg9: memref<128x128xf32, #tpu.memory_space<vmem>>, %arg10: memref<128xi32, #tpu.memory_space<vmem>>, %arg11: memref<128xi32, #tpu.memory_space<vmem>>, %arg12: memref<10016x128xf32, #tpu.memory_space<vmem_shared>>, %arg13: memref<!tpu.dma_semaphore, #tpu.memory_space<semaphore_mem>>, %arg14: memref<!tpu.dma_semaphore, #tpu.memory_space<semaphore_mem>>, %arg15: memref<!tpu.dma_semaphore, #tpu.memory_space<semaphore_mem>>, %arg16: memref<!tpu.dma_semaphore, #tpu.memory_space<semaphore_mem>>, %arg17: memref<!tpu.dma_semaphore, #tpu.memory_space<semaphore_mem>>, %arg18: memref<!tpu.dma_semaphore, #tpu.memory_space<semaphore_mem>>) attributes {dimension_semantics = [#tpu.dimension_semantics<core_parallel>, #tpu.dimension_semantics<subcore_parallel>], iteration_bounds = array<i64: 2, 16>, scalar_prefetch = 0 : i64, scratch_operands = 12 : i64, tpu.core_type = #tpu.core_type<sc_vector_subcore>, window_params = [{transform_indices = #map}, {transform_indices = #map1}, {transform_indices = #map1}, {transform_indices = #map}, {transform_indices = #map1}]} {
    %mul3A = arith.constant 2 : i32
    %mul3A_0 = arith.muli %arg1, %mul3A : i32
    %add3A = arith.addi %mul3A_0, %arg0 : i32
    "tpu.region"() ({
      %run_scoped3A = tpu.sem_alloc : memref<!tpu.dma_semaphore, #tpu.memory_space<semaphore_mem>>
      %dma_start3A_66 = arith.constant 0 : i32
      %dma_start3A_67 = arith.constant 0 : i32
      %dma_start3A_68 = tpu.memref_slice %arg3[%add3A, %dma_start3A_66, %dma_start3A_67] : memref<32x80x128xi32, #tpu.memory_space<hbm>> -> memref<1x80x128xi32, #tpu.memory_space<hbm>>
      %dma_start3A_69 = tpu.memref_squeeze %dma_start3A_68 : memref<1x80x128xi32, #tpu.memory_space<hbm>> -> memref<80x128xi32, #tpu.memory_space<hbm>>
      %dma_start3A_70 = arith.constant 0 : i32
      %dma_start3A_71 = arith.constant 0 : i32
      %dma_start3A_72 = tpu.memref_slice %arg3[%add3A, %dma_start3A_70, %dma_start3A_71] : memref<32x80x128xi32, #tpu.memory_space<hbm>> -> memref<1x80x128xi32, #tpu.memory_space<hbm>>
      %dma_start3A_73 = tpu.memref_squeeze %dma_start3A_72 : memref<1x80x128xi32, #tpu.memory_space<hbm>> -> memref<80x128xi32, #tpu.memory_space<hbm>>
      tpu.enqueue_dma source(%dma_start3A_73 : memref<80x128xi32, #tpu.memory_space<hbm>>) target(%arg7 : memref<80x128xi32, #tpu.memory_space<vmem>>) target_semaphore(%run_scoped3A : memref<!tpu.dma_semaphore, #tpu.memory_space<semaphore_mem>>)
      %dma_wait3A = arith.constant 0 : i32
      %dma_wait3A_74 = arith.constant 0 : i32
      %dma_wait3A_75 = tpu.memref_slice %arg3[%add3A, %dma_wait3A, %dma_wait3A_74] : memref<32x80x128xi32, #tpu.memory_space<hbm>> -> memref<1x80x128xi32, #tpu.memory_space<hbm>>
      %dma_wait3A_76 = tpu.memref_squeeze %dma_wait3A_75 : memref<1x80x128xi32, #tpu.memory_space<hbm>> -> memref<80x128xi32, #tpu.memory_space<hbm>>
      %dma_wait3A_77 = arith.constant 0 : i32
      %dma_wait3A_78 = arith.constant 0 : i32
      %dma_wait3A_79 = tpu.memref_slice %arg3[%add3A, %dma_wait3A_77, %dma_wait3A_78] : memref<32x80x128xi32, #tpu.memory_space<hbm>> -> memref<1x80x128xi32, #tpu.memory_space<hbm>>
      %dma_wait3A_80 = tpu.memref_squeeze %dma_wait3A_79 : memref<1x80x128xi32, #tpu.memory_space<hbm>> -> memref<80x128xi32, #tpu.memory_space<hbm>>
      tpu.wait_dma2 semaphore(%run_scoped3A : memref<!tpu.dma_semaphore, #tpu.memory_space<semaphore_mem>>) src(%dma_wait3A_80 : memref<80x128xi32, #tpu.memory_space<hbm>>) dst(%arg7 : memref<80x128xi32, #tpu.memory_space<vmem>>)
      tpu.yield
    }) : () -> ()
    %lt3A = arith.constant 15 : i32
    %lt3A_1 = arith.cmpi slt, %arg1, %lt3A : i32
    %convert_element_type3A = arith.extui %lt3A_1 : i1 to i32
    %cond3A = arith.constant 0 : i32
    %cond3A_2 = arith.cmpi ne, %convert_element_type3A, %cond3A : i32
    scf.if %cond3A_2 {
      %mul3A_66 = arith.constant 632 : i32
      %mul3A_67 = arith.muli %arg1, %mul3A_66 : i32
      %mul3A_68 = arith.constant 632 : i32
      %mul3A_69 = arith.muli %arg1, %mul3A_68 : i32
      "tpu.region"() ({
        %run_scoped3A = tpu.sem_alloc : memref<!tpu.dma_semaphore, #tpu.memory_space<semaphore_mem>>
        %dma_start3A_70 = arith.constant 0 : i32
        %dma_start3A_71 = tpu.memref_slice %arg12[%mul3A_69, %dma_start3A_70] : memref<10016x128xf32, #tpu.memory_space<vmem_shared>> -> memref<632x128xf32, #tpu.memory_space<vmem_shared>>
        %dma_start3A_72 = arith.constant 0 : i32
        %dma_start3A_73 = tpu.memref_slice %arg5[%mul3A_67, %dma_start3A_72] : memref<10112x128xf32, #tpu.memory_space<hbm>> -> memref<632x128xf32, #tpu.memory_space<hbm>>
        tpu.enqueue_dma source(%dma_start3A_73 : memref<632x128xf32, #tpu.memory_space<hbm>>) target(%dma_start3A_71 : memref<632x128xf32, #tpu.memory_space<vmem_shared>>) target_semaphore(%run_scoped3A : memref<!tpu.dma_semaphore, #tpu.memory_space<semaphore_mem>>)
        %dma_wait3A = arith.constant 0 : i32
        %dma_wait3A_74 = tpu.memref_slice %arg12[%mul3A_69, %dma_wait3A] : memref<10016x128xf32, #tpu.memory_space<vmem_shared>> -> memref<632x128xf32, #tpu.memory_space<vmem_shared>>
        %dma_wait3A_75 = arith.constant 0 : i32
        %dma_wait3A_76 = tpu.memref_slice %arg5[%mul3A_67, %dma_wait3A_75] : memref<10112x128xf32, #tpu.memory_space<hbm>> -> memref<632x128xf32, #tpu.memory_space<hbm>>
        tpu.wait_dma2 semaphore(%run_scoped3A : memref<!tpu.dma_semaphore, #tpu.memory_space<semaphore_mem>>) src(%dma_wait3A_76 : memref<632x128xf32, #tpu.memory_space<hbm>>) dst(%dma_wait3A_74 : memref<632x128xf32, #tpu.memory_space<vmem_shared>>)
        tpu.yield
      }) : () -> ()
    } else {
    }
    %eq3A = arith.constant 15 : i32
    %eq3A_3 = arith.cmpi eq, %arg1, %eq3A : i32
    %convert_element_type3A_4 = arith.extui %eq3A_3 : i1 to i32
    %cond3A_5 = arith.constant 0 : i32
    %cond3A_6 = arith.cmpi ne, %convert_element_type3A_4, %cond3A_5 : i32
    scf.if %cond3A_6 {
      "tpu.region"() ({
        %run_scoped3A = tpu.sem_alloc : memref<!tpu.dma_semaphore, #tpu.memory_space<semaphore_mem>>
        %dma_start3A_66 = arith.constant 9480 : i32
        %dma_start3A_67 = arith.constant 0 : i32
        %dma_start3A_68 = tpu.memref_slice %arg12[%dma_start3A_66, %dma_start3A_67] : memref<10016x128xf32, #tpu.memory_space<vmem_shared>> -> memref<536x128xf32, #tpu.memory_space<vmem_shared>>
        %dma_start3A_69 = arith.constant 9480 : i32
        %dma_start3A_70 = arith.constant 0 : i32
        %dma_start3A_71 = tpu.memref_slice %arg5[%dma_start3A_69, %dma_start3A_70] : memref<10112x128xf32, #tpu.memory_space<hbm>> -> memref<536x128xf32, #tpu.memory_space<hbm>>
        tpu.enqueue_dma source(%dma_start3A_71 : memref<536x128xf32, #tpu.memory_space<hbm>>) target(%dma_start3A_68 : memref<536x128xf32, #tpu.memory_space<vmem_shared>>) target_semaphore(%run_scoped3A : memref<!tpu.dma_semaphore, #tpu.memory_space<semaphore_mem>>)
        %dma_wait3A = arith.constant 9480 : i32
        %dma_wait3A_72 = arith.constant 0 : i32
        %dma_wait3A_73 = tpu.memref_slice %arg12[%dma_wait3A, %dma_wait3A_72] : memref<10016x128xf32, #tpu.memory_space<vmem_shared>> -> memref<536x128xf32, #tpu.memory_space<vmem_shared>>
        %dma_wait3A_74 = arith.constant 9480 : i32
        %dma_wait3A_75 = arith.constant 0 : i32
        %dma_wait3A_76 = tpu.memref_slice %arg5[%dma_wait3A_74, %dma_wait3A_75] : memref<10112x128xf32, #tpu.memory_space<hbm>> -> memref<536x128xf32, #tpu.memory_space<hbm>>
        tpu.wait_dma2 semaphore(%run_scoped3A : memref<!tpu.dma_semaphore, #tpu.memory_space<semaphore_mem>>) src(%dma_wait3A_76 : memref<536x128xf32, #tpu.memory_space<hbm>>) dst(%dma_wait3A_73 : memref<536x128xf32, #tpu.memory_space<vmem_shared>>)
        tpu.yield
      }) : () -> ()
    } else {
    }
    %barrier3A = arith.constant 0 : index
    tpu.barrier barrier_id(%barrier3A)
    %dma_start3A = arith.constant 0 : i32
    %dma_start3A_7 = arith.constant 0 : i32
    %dma_start3A_8 = tpu.memref_slice %arg7[%dma_start3A, %dma_start3A_7] : memref<80x128xi32, #tpu.memory_space<vmem>> -> memref<1x128xi32, #tpu.memory_space<vmem>>
    %dma_start3A_9 = tpu.memref_squeeze %dma_start3A_8 : memref<1x128xi32, #tpu.memory_space<vmem>> -> memref<128xi32, #tpu.memory_space<vmem>>
    %dma_start3A_10 = arith.constant 0 : i32
    %dma_start3A_11 = arith.constant 0 : i32
    %dma_start3A_12 = tpu.memref_slice %arg2[%dma_start3A_10, %dma_start3A_11] : memref<10112x128xf32, #tpu.memory_space<hbm>> -> memref<10112x128xf32, #tpu.memory_space<hbm>>
    tpu.enqueue_indirect_dma source(%dma_start3A_12 : memref<10112x128xf32, #tpu.memory_space<hbm>>) target(%arg8 : memref<128x128xf32, #tpu.memory_space<vmem>>) offsets(%dma_start3A_9 : memref<128xi32, #tpu.memory_space<vmem>>) semaphore(%arg13 : memref<!tpu.dma_semaphore, #tpu.memory_space<semaphore_mem>>)
    %dma_start3A_13 = arith.constant 0 : i32
    %dma_start3A_14 = arith.constant 0 : i32
    %dma_start3A_15 = arith.constant 0 : i32
    %dma_start3A_16 = tpu.memref_slice %arg4[%add3A, %dma_start3A_14, %dma_start3A_15] : memref<32x80x128xi32, #tpu.memory_space<hbm>> -> memref<1x80x128xi32, #tpu.memory_space<hbm>>
    %dma_start3A_17 = tpu.memref_squeeze %dma_start3A_16 : memref<1x80x128xi32, #tpu.memory_space<hbm>> -> memref<80x128xi32, #tpu.memory_space<hbm>>
    %dma_start3A_18 = arith.constant 0 : i32
    %dma_start3A_19 = tpu.memref_slice %dma_start3A_17[%dma_start3A_13, %dma_start3A_18] : memref<80x128xi32, #tpu.memory_space<hbm>> -> memref<1x128xi32, #tpu.memory_space<hbm>>
    %dma_start3A_20 = tpu.memref_squeeze %dma_start3A_19 : memref<1x128xi32, #tpu.memory_space<hbm>> -> memref<128xi32, #tpu.memory_space<hbm>>
    %dma_start3A_21 = arith.constant 0 : i32
    %dma_start3A_22 = arith.constant 0 : i32
    %dma_start3A_23 = tpu.memref_slice %arg4[%add3A, %dma_start3A_21, %dma_start3A_22] : memref<32x80x128xi32, #tpu.memory_space<hbm>> -> memref<1x80x128xi32, #tpu.memory_space<hbm>>
    %dma_start3A_24 = tpu.memref_squeeze %dma_start3A_23 : memref<1x80x128xi32, #tpu.memory_space<hbm>> -> memref<80x128xi32, #tpu.memory_space<hbm>>
    %dma_start3A_25 = arith.constant 0 : i32
    %dma_start3A_26 = tpu.memref_slice %dma_start3A_24[%dma_start3A_13, %dma_start3A_25] : memref<80x128xi32, #tpu.memory_space<hbm>> -> memref<1x128xi32, #tpu.memory_space<hbm>>
    %dma_start3A_27 = tpu.memref_squeeze %dma_start3A_26 : memref<1x128xi32, #tpu.memory_space<hbm>> -> memref<128xi32, #tpu.memory_space<hbm>>
    tpu.enqueue_dma source(%dma_start3A_27 : memref<128xi32, #tpu.memory_space<hbm>>) target(%arg10 : memref<128xi32, #tpu.memory_space<vmem>>) target_semaphore(%arg17 : memref<!tpu.dma_semaphore, #tpu.memory_space<semaphore_mem>>)
    %dma_start3A_28 = arith.constant 1 : i32
    %dma_start3A_29 = arith.constant 0 : i32
    %dma_start3A_30 = tpu.memref_slice %arg7[%dma_start3A_28, %dma_start3A_29] : memref<80x128xi32, #tpu.memory_space<vmem>> -> memref<1x128xi32, #tpu.memory_space<vmem>>
    %dma_start3A_31 = tpu.memref_squeeze %dma_start3A_30 : memref<1x128xi32, #tpu.memory_space<vmem>> -> memref<128xi32, #tpu.memory_space<vmem>>
    %dma_start3A_32 = arith.constant 0 : i32
    %dma_start3A_33 = arith.constant 0 : i32
    %dma_start3A_34 = tpu.memref_slice %arg2[%dma_start3A_32, %dma_start3A_33] : memref<10112x128xf32, #tpu.memory_space<hbm>> -> memref<10112x128xf32, #tpu.memory_space<hbm>>
    tpu.enqueue_indirect_dma source(%dma_start3A_34 : memref<10112x128xf32, #tpu.memory_space<hbm>>) target(%arg9 : memref<128x128xf32, #tpu.memory_space<vmem>>) offsets(%dma_start3A_31 : memref<128xi32, #tpu.memory_space<vmem>>) semaphore(%arg14 : memref<!tpu.dma_semaphore, #tpu.memory_space<semaphore_mem>>)
    %dma_start3A_35 = arith.constant 1 : i32
    %dma_start3A_36 = arith.constant 0 : i32
    %dma_start3A_37 = arith.constant 0 : i32
    %dma_start3A_38 = tpu.memref_slice %arg4[%add3A, %dma_start3A_36, %dma_start3A_37] : memref<32x80x128xi32, #tpu.memory_space<hbm>> -> memref<1x80x128xi32, #tpu.memory_space<hbm>>
    %dma_start3A_39 = tpu.memref_squeeze %dma_start3A_38 : memref<1x80x128xi32, #tpu.memory_space<hbm>> -> memref<80x128xi32, #tpu.memory_space<hbm>>
    %dma_start3A_40 = arith.constant 0 : i32
    %dma_start3A_41 = tpu.memref_slice %dma_start3A_39[%dma_start3A_35, %dma_start3A_40] : memref<80x128xi32, #tpu.memory_space<hbm>> -> memref<1x128xi32, #tpu.memory_space<hbm>>
    %dma_start3A_42 = tpu.memref_squeeze %dma_start3A_41 : memref<1x128xi32, #tpu.memory_space<hbm>> -> memref<128xi32, #tpu.memory_space<hbm>>
    %dma_start3A_43 = arith.constant 0 : i32
    %dma_start3A_44 = arith.constant 0 : i32
    %dma_start3A_45 = tpu.memref_slice %arg4[%add3A, %dma_start3A_43, %dma_start3A_44] : memref<32x80x128xi32, #tpu.memory_space<hbm>> -> memref<1x80x128xi32, #tpu.memory_space<hbm>>
    %dma_start3A_46 = tpu.memref_squeeze %dma_start3A_45 : memref<1x80x128xi32, #tpu.memory_space<hbm>> -> memref<80x128xi32, #tpu.memory_space<hbm>>
    %dma_start3A_47 = arith.constant 0 : i32
    %dma_start3A_48 = tpu.memref_slice %dma_start3A_46[%dma_start3A_35, %dma_start3A_47] : memref<80x128xi32, #tpu.memory_space<hbm>> -> memref<1x128xi32, #tpu.memory_space<hbm>>
    %dma_start3A_49 = tpu.memref_squeeze %dma_start3A_48 : memref<1x128xi32, #tpu.memory_space<hbm>> -> memref<128xi32, #tpu.memory_space<hbm>>
    tpu.enqueue_dma source(%dma_start3A_49 : memref<128xi32, #tpu.memory_space<hbm>>) target(%arg11 : memref<128xi32, #tpu.memory_space<vmem>>) target_semaphore(%arg18 : memref<!tpu.dma_semaphore, #tpu.memory_space<semaphore_mem>>)
    %scan3A = arith.constant 0 : i32
    %scan3A_50 = arith.constant 0 : i32
    %scan3A_51 = arith.constant 40 : i32
    %scan3A_52 = arith.addi %scan3A_50, %scan3A_51 : i32
    %scan3A_53 = arith.constant 1 : i32
    scf.for %scan3A_66 = %scan3A_50 to %scan3A_52 step %scan3A_53  : i32 {
      %mul3A_67 = arith.constant 2 : i32
      %mul3A_68 = arith.muli %scan3A_66, %mul3A_67 : i32
      %add3A_69 = arith.constant 0 : i32
      %add3A_70 = arith.addi %mul3A_68, %add3A_69 : i32
      %dma_wait3A = arith.constant 0 : i32
      %dma_wait3A_71 = tpu.memref_slice %arg7[%add3A_70, %dma_wait3A] : memref<80x128xi32, #tpu.memory_space<vmem>> -> memref<1x128xi32, #tpu.memory_space<vmem>>
      %dma_wait3A_72 = tpu.memref_squeeze %dma_wait3A_71 : memref<1x128xi32, #tpu.memory_space<vmem>> -> memref<128xi32, #tpu.memory_space<vmem>>
      %dma_wait3A_73 = arith.constant 0 : i32
      %dma_wait3A_74 = arith.constant 0 : i32
      %dma_wait3A_75 = tpu.memref_slice %arg2[%dma_wait3A_73, %dma_wait3A_74] : memref<10112x128xf32, #tpu.memory_space<hbm>> -> memref<10112x128xf32, #tpu.memory_space<hbm>>
      tpu.wait_indirect_dma semaphore(%arg13 : memref<!tpu.dma_semaphore, #tpu.memory_space<semaphore_mem>>) src(%dma_wait3A_75 : memref<10112x128xf32, #tpu.memory_space<hbm>>) dst(%arg8 : memref<128x128xf32, #tpu.memory_space<vmem>>)
      %dma_wait3A_76 = arith.constant 0 : i32
      %dma_wait3A_77 = arith.constant 0 : i32
      %dma_wait3A_78 = tpu.memref_slice %arg4[%add3A, %dma_wait3A_76, %dma_wait3A_77] : memref<32x80x128xi32, #tpu.memory_space<hbm>> -> memref<1x80x128xi32, #tpu.memory_space<hbm>>
      %dma_wait3A_79 = tpu.memref_squeeze %dma_wait3A_78 : memref<1x80x128xi32, #tpu.memory_space<hbm>> -> memref<80x128xi32, #tpu.memory_space<hbm>>
      %dma_wait3A_80 = arith.constant 0 : i32
      %dma_wait3A_81 = tpu.memref_slice %dma_wait3A_79[%add3A_70, %dma_wait3A_80] : memref<80x128xi32, #tpu.memory_space<hbm>> -> memref<1x128xi32, #tpu.memory_space<hbm>>
      %dma_wait3A_82 = tpu.memref_squeeze %dma_wait3A_81 : memref<1x128xi32, #tpu.memory_space<hbm>> -> memref<128xi32, #tpu.memory_space<hbm>>
      %dma_wait3A_83 = arith.constant 0 : i32
      %dma_wait3A_84 = arith.constant 0 : i32
      %dma_wait3A_85 = tpu.memref_slice %arg4[%add3A, %dma_wait3A_83, %dma_wait3A_84] : memref<32x80x128xi32, #tpu.memory_space<hbm>> -> memref<1x80x128xi32, #tpu.memory_space<hbm>>
      %dma_wait3A_86 = tpu.memref_squeeze %dma_wait3A_85 : memref<1x80x128xi32, #tpu.memory_space<hbm>> -> memref<80x128xi32, #tpu.memory_space<hbm>>
      %dma_wait3A_87 = arith.constant 0 : i32
      %dma_wait3A_88 = tpu.memref_slice %dma_wait3A_86[%add3A_70, %dma_wait3A_87] : memref<80x128xi32, #tpu.memory_space<hbm>> -> memref<1x128xi32, #tpu.memory_space<hbm>>
      %dma_wait3A_89 = tpu.memref_squeeze %dma_wait3A_88 : memref<1x128xi32, #tpu.memory_space<hbm>> -> memref<128xi32, #tpu.memory_space<hbm>>
      tpu.wait_dma2 semaphore(%arg17 : memref<!tpu.dma_semaphore, #tpu.memory_space<semaphore_mem>>) src(%dma_wait3A_89 : memref<128xi32, #tpu.memory_space<hbm>>) dst(%arg10 : memref<128xi32, #tpu.memory_space<vmem>>)
      %dma_start3A_90 = arith.constant 0 : i32
      %dma_start3A_91 = arith.constant 0 : i32
      %dma_start3A_92 = tpu.memref_slice %arg12[%dma_start3A_90, %dma_start3A_91] : memref<10016x128xf32, #tpu.memory_space<vmem_shared>> -> memref<10016x128xf32, #tpu.memory_space<vmem_shared>>
      tpu.enqueue_indirect_dma source(%arg8 : memref<128x128xf32, #tpu.memory_space<vmem>>) target(%dma_start3A_92 : memref<10016x128xf32, #tpu.memory_space<vmem_shared>>) offsets(%arg10 : memref<128xi32, #tpu.memory_space<vmem>>) semaphore(%arg15 : memref<!tpu.dma_semaphore, #tpu.memory_space<semaphore_mem>>) {add = true}
      %add3A_93 = arith.constant 1 : i32
      %add3A_94 = arith.addi %mul3A_68, %add3A_93 : i32
      %dma_wait3A_95 = arith.constant 0 : i32
      %dma_wait3A_96 = tpu.memref_slice %arg7[%add3A_94, %dma_wait3A_95] : memref<80x128xi32, #tpu.memory_space<vmem>> -> memref<1x128xi32, #tpu.memory_space<vmem>>
      %dma_wait3A_97 = tpu.memref_squeeze %dma_wait3A_96 : memref<1x128xi32, #tpu.memory_space<vmem>> -> memref<128xi32, #tpu.memory_space<vmem>>
      %dma_wait3A_98 = arith.constant 0 : i32
      %dma_wait3A_99 = arith.constant 0 : i32
      %dma_wait3A_100 = tpu.memref_slice %arg2[%dma_wait3A_98, %dma_wait3A_99] : memref<10112x128xf32, #tpu.memory_space<hbm>> -> memref<10112x128xf32, #tpu.memory_space<hbm>>
      tpu.wait_indirect_dma semaphore(%arg14 : memref<!tpu.dma_semaphore, #tpu.memory_space<semaphore_mem>>) src(%dma_wait3A_100 : memref<10112x128xf32, #tpu.memory_space<hbm>>) dst(%arg9 : memref<128x128xf32, #tpu.memory_space<vmem>>)
      %dma_wait3A_101 = arith.constant 0 : i32
      %dma_wait3A_102 = arith.constant 0 : i32
      %dma_wait3A_103 = tpu.memref_slice %arg4[%add3A, %dma_wait3A_101, %dma_wait3A_102] : memref<32x80x128xi32, #tpu.memory_space<hbm>> -> memref<1x80x128xi32, #tpu.memory_space<hbm>>
      %dma_wait3A_104 = tpu.memref_squeeze %dma_wait3A_103 : memref<1x80x128xi32, #tpu.memory_space<hbm>> -> memref<80x128xi32, #tpu.memory_space<hbm>>
      %dma_wait3A_105 = arith.constant 0 : i32
      %dma_wait3A_106 = tpu.memref_slice %dma_wait3A_104[%add3A_94, %dma_wait3A_105] : memref<80x128xi32, #tpu.memory_space<hbm>> -> memref<1x128xi32, #tpu.memory_space<hbm>>
      %dma_wait3A_107 = tpu.memref_squeeze %dma_wait3A_106 : memref<1x128xi32, #tpu.memory_space<hbm>> -> memref<128xi32, #tpu.memory_space<hbm>>
      %dma_wait3A_108 = arith.constant 0 : i32
      %dma_wait3A_109 = arith.constant 0 : i32
      %dma_wait3A_110 = tpu.memref_slice %arg4[%add3A, %dma_wait3A_108, %dma_wait3A_109] : memref<32x80x128xi32, #tpu.memory_space<hbm>> -> memref<1x80x128xi32, #tpu.memory_space<hbm>>
      %dma_wait3A_111 = tpu.memref_squeeze %dma_wait3A_110 : memref<1x80x128xi32, #tpu.memory_space<hbm>> -> memref<80x128xi32, #tpu.memory_space<hbm>>
      %dma_wait3A_112 = arith.constant 0 : i32
      %dma_wait3A_113 = tpu.memref_slice %dma_wait3A_111[%add3A_94, %dma_wait3A_112] : memref<80x128xi32, #tpu.memory_space<hbm>> -> memref<1x128xi32, #tpu.memory_space<hbm>>
      %dma_wait3A_114 = tpu.memref_squeeze %dma_wait3A_113 : memref<1x128xi32, #tpu.memory_space<hbm>> -> memref<128xi32, #tpu.memory_space<hbm>>
      tpu.wait_dma2 semaphore(%arg18 : memref<!tpu.dma_semaphore, #tpu.memory_space<semaphore_mem>>) src(%dma_wait3A_114 : memref<128xi32, #tpu.memory_space<hbm>>) dst(%arg11 : memref<128xi32, #tpu.memory_space<vmem>>)
      %dma_start3A_115 = arith.constant 0 : i32
      %dma_start3A_116 = arith.constant 0 : i32
      %dma_start3A_117 = tpu.memref_slice %arg12[%dma_start3A_115, %dma_start3A_116] : memref<10016x128xf32, #tpu.memory_space<vmem_shared>> -> memref<10016x128xf32, #tpu.memory_space<vmem_shared>>
      tpu.enqueue_indirect_dma source(%arg9 : memref<128x128xf32, #tpu.memory_space<vmem>>) target(%dma_start3A_117 : memref<10016x128xf32, #tpu.memory_space<vmem_shared>>) offsets(%arg11 : memref<128xi32, #tpu.memory_space<vmem>>) semaphore(%arg16 : memref<!tpu.dma_semaphore, #tpu.memory_space<semaphore_mem>>) {add = true}
      %add3A_118 = arith.constant 0 : i32
      %add3A_119 = arith.addi %mul3A_68, %add3A_118 : i32
      %dma_wait3A_120 = arith.constant 0 : i32
      %dma_wait3A_121 = arith.constant 0 : i32
      %dma_wait3A_122 = tpu.memref_slice %arg12[%dma_wait3A_120, %dma_wait3A_121] : memref<10016x128xf32, #tpu.memory_space<vmem_shared>> -> memref<10016x128xf32, #tpu.memory_space<vmem_shared>>
      tpu.wait_indirect_dma semaphore(%arg15 : memref<!tpu.dma_semaphore, #tpu.memory_space<semaphore_mem>>) src(%arg8 : memref<128x128xf32, #tpu.memory_space<vmem>>) dst(%dma_wait3A_122 : memref<10016x128xf32, #tpu.memory_space<vmem_shared>>)
      %add3A_123 = arith.constant 2 : i32
      %add3A_124 = arith.addi %add3A_119, %add3A_123 : i32
      %lt3A_125 = arith.constant 80 : i32
      %lt3A_126 = arith.cmpi slt, %add3A_124, %lt3A_125 : i32
      %convert_element_type3A_127 = arith.extui %lt3A_126 : i1 to i32
      %cond3A_128 = arith.constant 0 : i32
      %cond3A_129 = arith.cmpi ne, %convert_element_type3A_127, %cond3A_128 : i32
      scf.if %cond3A_129 {
        %dma_start3A_142 = arith.constant 0 : i32
        %dma_start3A_143 = tpu.memref_slice %arg7[%add3A_124, %dma_start3A_142] : memref<80x128xi32, #tpu.memory_space<vmem>> -> memref<1x128xi32, #tpu.memory_space<vmem>>
        %dma_start3A_144 = tpu.memref_squeeze %dma_start3A_143 : memref<1x128xi32, #tpu.memory_space<vmem>> -> memref<128xi32, #tpu.memory_space<vmem>>
        %dma_start3A_145 = arith.constant 0 : i32
        %dma_start3A_146 = arith.constant 0 : i32
        %dma_start3A_147 = tpu.memref_slice %arg2[%dma_start3A_145, %dma_start3A_146] : memref<10112x128xf32, #tpu.memory_space<hbm>> -> memref<10112x128xf32, #tpu.memory_space<hbm>>
        tpu.enqueue_indirect_dma source(%dma_start3A_147 : memref<10112x128xf32, #tpu.memory_space<hbm>>) target(%arg8 : memref<128x128xf32, #tpu.memory_space<vmem>>) offsets(%dma_start3A_144 : memref<128xi32, #tpu.memory_space<vmem>>) semaphore(%arg13 : memref<!tpu.dma_semaphore, #tpu.memory_space<semaphore_mem>>)
        %dma_start3A_148 = arith.constant 0 : i32
        %dma_start3A_149 = arith.constant 0 : i32
        %dma_start3A_150 = tpu.memref_slice %arg4[%add3A, %dma_start3A_148, %dma_start3A_149] : memref<32x80x128xi32, #tpu.memory_space<hbm>> -> memref<1x80x128xi32, #tpu.memory_space<hbm>>
        %dma_start3A_151 = tpu.memref_squeeze %dma_start3A_150 : memref<1x80x128xi32, #tpu.memory_space<hbm>> -> memref<80x128xi32, #tpu.memory_space<hbm>>
        %dma_start3A_152 = arith.constant 0 : i32
        %dma_start3A_153 = tpu.memref_slice %dma_start3A_151[%add3A_124, %dma_start3A_152] : memref<80x128xi32, #tpu.memory_space<hbm>> -> memref<1x128xi32, #tpu.memory_space<hbm>>
        %dma_start3A_154 = tpu.memref_squeeze %dma_start3A_153 : memref<1x128xi32, #tpu.memory_space<hbm>> -> memref<128xi32, #tpu.memory_space<hbm>>
        %dma_start3A_155 = arith.constant 0 : i32
        %dma_start3A_156 = arith.constant 0 : i32
        %dma_start3A_157 = tpu.memref_slice %arg4[%add3A, %dma_start3A_155, %dma_start3A_156] : memref<32x80x128xi32, #tpu.memory_space<hbm>> -> memref<1x80x128xi32, #tpu.memory_space<hbm>>
        %dma_start3A_158 = tpu.memref_squeeze %dma_start3A_157 : memref<1x80x128xi32, #tpu.memory_space<hbm>> -> memref<80x128xi32, #tpu.memory_space<hbm>>
        %dma_start3A_159 = arith.constant 0 : i32
        %dma_start3A_160 = tpu.memref_slice %dma_start3A_158[%add3A_124, %dma_start3A_159] : memref<80x128xi32, #tpu.memory_space<hbm>> -> memref<1x128xi32, #tpu.memory_space<hbm>>
        %dma_start3A_161 = tpu.memref_squeeze %dma_start3A_160 : memref<1x128xi32, #tpu.memory_space<hbm>> -> memref<128xi32, #tpu.memory_space<hbm>>
        tpu.enqueue_dma source(%dma_start3A_161 : memref<128xi32, #tpu.memory_space<hbm>>) target(%arg10 : memref<128xi32, #tpu.memory_space<vmem>>) target_semaphore(%arg17 : memref<!tpu.dma_semaphore, #tpu.memory_space<semaphore_mem>>)
      } else {
      }
      %add3A_130 = arith.constant 1 : i32
      %add3A_131 = arith.addi %mul3A_68, %add3A_130 : i32
      %dma_wait3A_132 = arith.constant 0 : i32
      %dma_wait3A_133 = arith.constant 0 : i32
      %dma_wait3A_134 = tpu.memref_slice %arg12[%dma_wait3A_132, %dma_wait3A_133] : memref<10016x128xf32, #tpu.memory_space<vmem_shared>> -> memref<10016x128xf32, #tpu.memory_space<vmem_shared>>
      tpu.wait_indirect_dma semaphore(%arg16 : memref<!tpu.dma_semaphore, #tpu.memory_space<semaphore_mem>>) src(%arg9 : memref<128x128xf32, #tpu.memory_space<vmem>>) dst(%dma_wait3A_134 : memref<10016x128xf32, #tpu.memory_space<vmem_shared>>)
      %add3A_135 = arith.constant 2 : i32
      %add3A_136 = arith.addi %add3A_131, %add3A_135 : i32
      %lt3A_137 = arith.constant 80 : i32
      %lt3A_138 = arith.cmpi slt, %add3A_136, %lt3A_137 : i32
      %convert_element_type3A_139 = arith.extui %lt3A_138 : i1 to i32
      %cond3A_140 = arith.constant 0 : i32
      %cond3A_141 = arith.cmpi ne, %convert_element_type3A_139, %cond3A_140 : i32
      scf.if %cond3A_141 {
        %dma_start3A_142 = arith.constant 0 : i32
        %dma_start3A_143 = tpu.memref_slice %arg7[%add3A_136, %dma_start3A_142] : memref<80x128xi32, #tpu.memory_space<vmem>> -> memref<1x128xi32, #tpu.memory_space<vmem>>
        %dma_start3A_144 = tpu.memref_squeeze %dma_start3A_143 : memref<1x128xi32, #tpu.memory_space<vmem>> -> memref<128xi32, #tpu.memory_space<vmem>>
        %dma_start3A_145 = arith.constant 0 : i32
        %dma_start3A_146 = arith.constant 0 : i32
        %dma_start3A_147 = tpu.memref_slice %arg2[%dma_start3A_145, %dma_start3A_146] : memref<10112x128xf32, #tpu.memory_space<hbm>> -> memref<10112x128xf32, #tpu.memory_space<hbm>>
        tpu.enqueue_indirect_dma source(%dma_start3A_147 : memref<10112x128xf32, #tpu.memory_space<hbm>>) target(%arg9 : memref<128x128xf32, #tpu.memory_space<vmem>>) offsets(%dma_start3A_144 : memref<128xi32, #tpu.memory_space<vmem>>) semaphore(%arg14 : memref<!tpu.dma_semaphore, #tpu.memory_space<semaphore_mem>>)
        %dma_start3A_148 = arith.constant 0 : i32
        %dma_start3A_149 = arith.constant 0 : i32
        %dma_start3A_150 = tpu.memref_slice %arg4[%add3A, %dma_start3A_148, %dma_start3A_149] : memref<32x80x128xi32, #tpu.memory_space<hbm>> -> memref<1x80x128xi32, #tpu.memory_space<hbm>>
        %dma_start3A_151 = tpu.memref_squeeze %dma_start3A_150 : memref<1x80x128xi32, #tpu.memory_space<hbm>> -> memref<80x128xi32, #tpu.memory_space<hbm>>
        %dma_start3A_152 = arith.constant 0 : i32
        %dma_start3A_153 = tpu.memref_slice %dma_start3A_151[%add3A_136, %dma_start3A_152] : memref<80x128xi32, #tpu.memory_space<hbm>> -> memref<1x128xi32, #tpu.memory_space<hbm>>
        %dma_start3A_154 = tpu.memref_squeeze %dma_start3A_153 : memref<1x128xi32, #tpu.memory_space<hbm>> -> memref<128xi32, #tpu.memory_space<hbm>>
        %dma_start3A_155 = arith.constant 0 : i32
        %dma_start3A_156 = arith.constant 0 : i32
        %dma_start3A_157 = tpu.memref_slice %arg4[%add3A, %dma_start3A_155, %dma_start3A_156] : memref<32x80x128xi32, #tpu.memory_space<hbm>> -> memref<1x80x128xi32, #tpu.memory_space<hbm>>
        %dma_start3A_158 = tpu.memref_squeeze %dma_start3A_157 : memref<1x80x128xi32, #tpu.memory_space<hbm>> -> memref<80x128xi32, #tpu.memory_space<hbm>>
        %dma_start3A_159 = arith.constant 0 : i32
        %dma_start3A_160 = tpu.memref_slice %dma_start3A_158[%add3A_136, %dma_start3A_159] : memref<80x128xi32, #tpu.memory_space<hbm>> -> memref<1x128xi32, #tpu.memory_space<hbm>>
        %dma_start3A_161 = tpu.memref_squeeze %dma_start3A_160 : memref<1x128xi32, #tpu.memory_space<hbm>> -> memref<128xi32, #tpu.memory_space<hbm>>
        tpu.enqueue_dma source(%dma_start3A_161 : memref<128xi32, #tpu.memory_space<hbm>>) target(%arg11 : memref<128xi32, #tpu.memory_space<vmem>>) target_semaphore(%arg18 : memref<!tpu.dma_semaphore, #tpu.memory_space<semaphore_mem>>)
      } else {
      }
    }
    %scan3A_54 = arith.constant 40 : i32
    %barrier3A_55 = arith.constant 0 : index
    tpu.barrier barrier_id(%barrier3A_55)
    %lt3A_56 = arith.constant 15 : i32
    %lt3A_57 = arith.cmpi slt, %arg1, %lt3A_56 : i32
    %convert_element_type3A_58 = arith.extui %lt3A_57 : i1 to i32
    %cond3A_59 = arith.constant 0 : i32
    %cond3A_60 = arith.cmpi ne, %convert_element_type3A_58, %cond3A_59 : i32
    scf.if %cond3A_60 {
      %mul3A_66 = arith.constant 632 : i32
      %mul3A_67 = arith.muli %arg1, %mul3A_66 : i32
      %mul3A_68 = arith.constant 632 : i32
      %mul3A_69 = arith.muli %arg1, %mul3A_68 : i32
      "tpu.region"() ({
        %run_scoped3A = tpu.sem_alloc : memref<!tpu.dma_semaphore, #tpu.memory_space<semaphore_mem>>
        %dma_start3A_70 = arith.constant 0 : i32
        %dma_start3A_71 = arith.constant 0 : i32
        %dma_start3A_72 = tpu.memref_slice %arg6[%arg0, %dma_start3A_70, %dma_start3A_71] : memref<2x10112x128xf32, #tpu.memory_space<hbm>> -> memref<1x10112x128xf32, #tpu.memory_space<hbm>>
        %dma_start3A_73 = tpu.memref_squeeze %dma_start3A_72 : memref<1x10112x128xf32, #tpu.memory_space<hbm>> -> memref<10112x128xf32, #tpu.memory_space<hbm>>
        %dma_start3A_74 = arith.constant 0 : i32
        %dma_start3A_75 = tpu.memref_slice %dma_start3A_73[%mul3A_69, %dma_start3A_74] : memref<10112x128xf32, #tpu.memory_space<hbm>> -> memref<632x128xf32, #tpu.memory_space<hbm>>
        %dma_start3A_76 = arith.constant 0 : i32
        %dma_start3A_77 = tpu.memref_slice %arg12[%mul3A_67, %dma_start3A_76] : memref<10016x128xf32, #tpu.memory_space<vmem_shared>> -> memref<632x128xf32, #tpu.memory_space<vmem_shared>>
        tpu.enqueue_dma source(%dma_start3A_77 : memref<632x128xf32, #tpu.memory_space<vmem_shared>>) target(%dma_start3A_75 : memref<632x128xf32, #tpu.memory_space<hbm>>) target_semaphore(%run_scoped3A : memref<!tpu.dma_semaphore, #tpu.memory_space<semaphore_mem>>)
        %dma_wait3A = arith.constant 0 : i32
        %dma_wait3A_78 = arith.constant 0 : i32
        %dma_wait3A_79 = tpu.memref_slice %arg6[%arg0, %dma_wait3A, %dma_wait3A_78] : memref<2x10112x128xf32, #tpu.memory_space<hbm>> -> memref<1x10112x128xf32, #tpu.memory_space<hbm>>
        %dma_wait3A_80 = tpu.memref_squeeze %dma_wait3A_79 : memref<1x10112x128xf32, #tpu.memory_space<hbm>> -> memref<10112x128xf32, #tpu.memory_space<hbm>>
        %dma_wait3A_81 = arith.constant 0 : i32
        %dma_wait3A_82 = tpu.memref_slice %dma_wait3A_80[%mul3A_69, %dma_wait3A_81] : memref<10112x128xf32, #tpu.memory_space<hbm>> -> memref<632x128xf32, #tpu.memory_space<hbm>>
        %dma_wait3A_83 = arith.constant 0 : i32
        %dma_wait3A_84 = tpu.memref_slice %arg12[%mul3A_67, %dma_wait3A_83] : memref<10016x128xf32, #tpu.memory_space<vmem_shared>> -> memref<632x128xf32, #tpu.memory_space<vmem_shared>>
        tpu.wait_dma2 semaphore(%run_scoped3A : memref<!tpu.dma_semaphore, #tpu.memory_space<semaphore_mem>>) src(%dma_wait3A_84 : memref<632x128xf32, #tpu.memory_space<vmem_shared>>) dst(%dma_wait3A_82 : memref<632x128xf32, #tpu.memory_space<hbm>>)
        tpu.yield
      }) : () -> ()
    } else {
    }
    %eq3A_61 = arith.constant 15 : i32
    %eq3A_62 = arith.cmpi eq, %arg1, %eq3A_61 : i32
    %convert_element_type3A_63 = arith.extui %eq3A_62 : i1 to i32
    %cond3A_64 = arith.constant 0 : i32
    %cond3A_65 = arith.cmpi ne, %convert_element_type3A_63, %cond3A_64 : i32
    scf.if %cond3A_65 {
      "tpu.region"() ({
        %run_scoped3A = tpu.sem_alloc : memref<!tpu.dma_semaphore, #tpu.memory_space<semaphore_mem>>
        %dma_start3A_66 = arith.constant 0 : i32
        %dma_start3A_67 = arith.constant 0 : i32
        %dma_start3A_68 = tpu.memref_slice %arg6[%arg0, %dma_start3A_66, %dma_start3A_67] : memref<2x10112x128xf32, #tpu.memory_space<hbm>> -> memref<1x10112x128xf32, #tpu.memory_space<hbm>>
        %dma_start3A_69 = tpu.memref_squeeze %dma_start3A_68 : memref<1x10112x128xf32, #tpu.memory_space<hbm>> -> memref<10112x128xf32, #tpu.memory_space<hbm>>
        %dma_start3A_70 = arith.constant 9480 : i32
        %dma_start3A_71 = arith.constant 0 : i32
        %dma_start3A_72 = tpu.memref_slice %dma_start3A_69[%dma_start3A_70, %dma_start3A_71] : memref<10112x128xf32, #tpu.memory_space<hbm>> -> memref<536x128xf32, #tpu.memory_space<hbm>>
        %dma_start3A_73 = arith.constant 9480 : i32
        %dma_start3A_74 = arith.constant 0 : i32
        %dma_start3A_75 = tpu.memref_slice %arg12[%dma_start3A_73, %dma_start3A_74] : memref<10016x128xf32, #tpu.memory_space<vmem_shared>> -> memref<536x128xf32, #tpu.memory_space<vmem_shared>>
        tpu.enqueue_dma source(%dma_start3A_75 : memref<536x128xf32, #tpu.memory_space<vmem_shared>>) target(%dma_start3A_72 : memref<536x128xf32, #tpu.memory_space<hbm>>) target_semaphore(%run_scoped3A : memref<!tpu.dma_semaphore, #tpu.memory_space<semaphore_mem>>)
        %dma_wait3A = arith.constant 0 : i32
        %dma_wait3A_76 = arith.constant 0 : i32
        %dma_wait3A_77 = tpu.memref_slice %arg6[%arg0, %dma_wait3A, %dma_wait3A_76] : memref<2x10112x128xf32, #tpu.memory_space<hbm>> -> memref<1x10112x128xf32, #tpu.memory_space<hbm>>
        %dma_wait3A_78 = tpu.memref_squeeze %dma_wait3A_77 : memref<1x10112x128xf32, #tpu.memory_space<hbm>> -> memref<10112x128xf32, #tpu.memory_space<hbm>>
        %dma_wait3A_79 = arith.constant 9480 : i32
        %dma_wait3A_80 = arith.constant 0 : i32
        %dma_wait3A_81 = tpu.memref_slice %dma_wait3A_78[%dma_wait3A_79, %dma_wait3A_80] : memref<10112x128xf32, #tpu.memory_space<hbm>> -> memref<536x128xf32, #tpu.memory_space<hbm>>
        %dma_wait3A_82 = arith.constant 9480 : i32
        %dma_wait3A_83 = arith.constant 0 : i32
        %dma_wait3A_84 = tpu.memref_slice %arg12[%dma_wait3A_82, %dma_wait3A_83] : memref<10016x128xf32, #tpu.memory_space<vmem_shared>> -> memref<536x128xf32, #tpu.memory_space<vmem_shared>>
        tpu.wait_dma2 semaphore(%run_scoped3A : memref<!tpu.dma_semaphore, #tpu.memory_space<semaphore_mem>>) src(%dma_wait3A_84 : memref<536x128xf32, #tpu.memory_space<vmem_shared>>) dst(%dma_wait3A_81 : memref<536x128xf32, #tpu.memory_space<hbm>>)
        tpu.yield
      }) : () -> ()
    } else {
    }
    return
  }
}

module attributes {stable_mosaic.version = 14 : i64} {
  func.func @_pre_body(%arg0: i32, %arg1: memref<1264x128xf32, #tpu.memory_space<vmem>>, %arg2: memref<2x1264x128xf32, #tpu.memory_space<vmem>>, %arg3: memref<128x128xf32, #tpu.memory_space<vmem>>, %arg4: memref<1264x128xf32, #tpu.memory_space<vmem>>, %arg5: memref<1264x16xf32, #tpu.memory_space<vmem>>) attributes {dimension_semantics = [#tpu.dimension_semantics<arbitrary>], iteration_bounds = array<i64: 8>, scalar_prefetch = 0 : i64, scratch_operands = 0 : i64, tpu.core_type = #tpu.core_type<tc>, window_params = [{transform_indices = @transform_0, window_bounds = array<i64: 1264, 128>}, {transform_indices = @transform_1, window_bounds = array<i64: 2, 1264, 128>}, {pipeline_mode = #tpu.pipeline_mode<synchronous>, transform_indices = @transform_2, window_bounds = array<i64: 128, 128>}, {transform_indices = @transform_3, window_bounds = array<i64: 1264, 128>}, {transform_indices = @transform_4, window_bounds = array<i64: 1264, 16>}]} {
    %get3A = arith.constant 0 : index
    %get3A_0 = arith.constant 0 : index
    %get3A_1 = arith.constant 0 : index
    %get3A_2 = vector.load %arg2[%get3A, %get3A_0, %get3A_1] : memref<2x1264x128xf32, #tpu.memory_space<vmem>>, vector<1x1264x1xf32>
    %get3A_3 = vector.shape_cast %get3A_2 : vector<1x1264x1xf32> to vector<1264x1xf32>
    %get3A_4 = arith.constant 1 : index
    %get3A_5 = arith.constant 0 : index
    %get3A_6 = arith.constant 0 : index
    %get3A_7 = vector.load %arg2[%get3A_4, %get3A_5, %get3A_6] : memref<2x1264x128xf32, #tpu.memory_space<vmem>>, vector<1x1264x1xf32>
    %get3A_8 = vector.shape_cast %get3A_7 : vector<1x1264x1xf32> to vector<1264x1xf32>
    %add3A = arith.addf %get3A_3, %get3A_8 : vector<1264x1xf32>
    %add3A_9 = arith.constant 1.000000e+00 : f32
    %add3A_10 = vector.broadcast %add3A_9 : f32 to vector<1264x1xf32>
    %add3A_11 = arith.addf %add3A, %add3A_10 : vector<1264x1xf32>
    %rsqrt3A = math.rsqrt %add3A_11 : vector<1264x1xf32>
    %get3A_12 = arith.constant 0 : index
    %get3A_13 = arith.constant 0 : index
    %get3A_14 = vector.load %arg1[%get3A_12, %get3A_13] : memref<1264x128xf32, #tpu.memory_space<vmem>>, vector<1264x128xf32>
    %get3A_15 = arith.constant 0 : index
    %get3A_16 = arith.constant 0 : index
    %get3A_17 = vector.load %arg3[%get3A_15, %get3A_16] : memref<128x128xf32, #tpu.memory_space<vmem>>, vector<128x128xf32>
    %dot_general3A = arith.constant dense<0.000000e+00> : vector<1264x128xf32>
    %dot_general3A_18 = tpu.matmul %get3A_14, %get3A_17, %dot_general3A {dimension_numbers = #tpu.dot_dimension_numbers<[1], [0], [0], [1], [0, 0, 1, 1], [], []>, transpose_lhs_hint = false} : vector<1264x128xf32>, vector<128x128xf32>, vector<1264x128xf32> -> vector<1264x128xf32>
    %mul3A = vector.broadcast %rsqrt3A : vector<1264x1xf32> to vector<1264x128xf32>
    %mul3A_19 = arith.mulf %dot_general3A_18, %mul3A : vector<1264x128xf32>
    %swap3A = arith.constant 0 : index
    %swap3A_20 = arith.constant 0 : index
    %swap3A_21 = vector.load %arg4[%swap3A, %swap3A_20] : memref<1264x128xf32, #tpu.memory_space<vmem>>, vector<1264x128xf32>
    tpu.vector_store %arg4[%swap3A, %swap3A_20], %mul3A_19 {strides = array<i32>} : memref<1264x128xf32, #tpu.memory_space<vmem>>, vector<1264x128xf32>,
    %broadcast_in_dim3A = vector.shape_cast %rsqrt3A : vector<1264x1xf32> to vector<1264x1xf32>
    %broadcast_in_dim3A_22 = vector.broadcast %broadcast_in_dim3A : vector<1264x1xf32> to vector<1264x16xf32>
    %swap3A_23 = arith.constant 0 : index
    %swap3A_24 = arith.constant 0 : index
    %swap3A_25 = vector.load %arg5[%swap3A_23, %swap3A_24] : memref<1264x16xf32, #tpu.memory_space<vmem>>, vector<1264x16xf32>
    tpu.vector_store %arg5[%swap3A_23, %swap3A_24], %broadcast_in_dim3A_22 {strides = array<i32>} : memref<1264x16xf32, #tpu.memory_space<vmem>>, vector<1264x16xf32>,
    return
  }
  func.func @transform_0(%arg0: i32) -> (i32, i32) {
    %c0_i32 = arith.constant 0 : i32
    %c0_i32_0 = arith.constant 0 : i32
    return %arg0, %c0_i32 : i32, i32
  }
  func.func @transform_1(%arg0: i32) -> (i32, i32, i32) {
    %c0_i32 = arith.constant 0 : i32
    %c0_i32_0 = arith.constant 0 : i32
    %c0_i32_1 = arith.constant 0 : i32
    return %c0_i32, %arg0, %c0_i32_0 : i32, i32, i32
  }
  func.func @transform_2(%arg0: i32) -> (i32, i32) {
    %c0_i32 = arith.constant 0 : i32
    %c0_i32_0 = arith.constant 0 : i32
    %c0_i32_1 = arith.constant 0 : i32
    return %c0_i32, %c0_i32_0 : i32, i32
  }
  func.func @transform_3(%arg0: i32) -> (i32, i32) {
    %c0_i32 = arith.constant 0 : i32
    %c0_i32_0 = arith.constant 0 : i32
    return %arg0, %c0_i32 : i32, i32
  }
  func.func @transform_4(%arg0: i32) -> (i32, i32) {
    %c0_i32 = arith.constant 0 : i32
    %c0_i32_0 = arith.constant 0 : i32
    return %arg0, %c0_i32 : i32, i32
  }
}

module attributes {stable_mosaic.version = 14 : i64} {
  func.func @body(%arg0: i32, %arg1: memref<2x1264x128xf32, #tpu.memory_space<vmem>>, %arg2: memref<1264x128xf32, #tpu.memory_space<vmem>>, %arg3: memref<1264x16xf32, #tpu.memory_space<vmem>>, %arg4: memref<1x128xf32, #tpu.memory_space<vmem>>, %arg5: memref<128x128xf32, #tpu.memory_space<vmem>>, %arg6: memref<1264x128xf32, #tpu.memory_space<vmem>>) attributes {dimension_semantics = [#tpu.dimension_semantics<arbitrary>], iteration_bounds = array<i64: 8>, scalar_prefetch = 0 : i64, scratch_operands = 0 : i64, tpu.core_type = #tpu.core_type<tc>, window_params = [{transform_indices = @transform_0, window_bounds = array<i64: 2, 1264, 128>}, {transform_indices = @transform_1, window_bounds = array<i64: 1264, 128>}, {transform_indices = @transform_2, window_bounds = array<i64: 1264, 16>}, {pipeline_mode = #tpu.pipeline_mode<synchronous>, transform_indices = @transform_3, window_bounds = array<i64: 1, 128>}, {pipeline_mode = #tpu.pipeline_mode<synchronous>, transform_indices = @transform_4, window_bounds = array<i64: 128, 128>}, {transform_indices = @transform_5, window_bounds = array<i64: 1264, 128>}]} {
    %get3A = arith.constant 0 : index
    %get3A_0 = arith.constant 0 : index
    %get3A_1 = vector.load %arg3[%get3A, %get3A_0] : memref<1264x16xf32, #tpu.memory_space<vmem>>, vector<1264x1xf32>
    %get3A_2 = arith.constant 0 : index
    %get3A_3 = arith.constant 0 : index
    %get3A_4 = arith.constant 0 : index
    %get3A_5 = vector.load %arg1[%get3A_2, %get3A_3, %get3A_4] : memref<2x1264x128xf32, #tpu.memory_space<vmem>>, vector<1x1264x128xf32>
    %get3A_6 = vector.shape_cast %get3A_5 : vector<1x1264x128xf32> to vector<1264x128xf32>
    %get3A_7 = arith.constant 1 : index
    %get3A_8 = arith.constant 0 : index
    %get3A_9 = arith.constant 0 : index
    %get3A_10 = vector.load %arg1[%get3A_7, %get3A_8, %get3A_9] : memref<2x1264x128xf32, #tpu.memory_space<vmem>>, vector<1x1264x128xf32>
    %get3A_11 = vector.shape_cast %get3A_10 : vector<1x1264x128xf32> to vector<1264x128xf32>
    %add3A = arith.addf %get3A_6, %get3A_11 : vector<1264x128xf32>
    %get3A_12 = arith.constant 0 : index
    %get3A_13 = arith.constant 0 : index
    %get3A_14 = vector.load %arg2[%get3A_12, %get3A_13] : memref<1264x128xf32, #tpu.memory_space<vmem>>, vector<1264x128xf32>
    %add3A_15 = arith.addf %add3A, %get3A_14 : vector<1264x128xf32>
    %mul3A = vector.broadcast %get3A_1 : vector<1264x1xf32> to vector<1264x128xf32>
    %mul3A_16 = arith.mulf %mul3A, %add3A_15 : vector<1264x128xf32>
    %get3A_17 = arith.constant 0 : index
    %get3A_18 = arith.constant 0 : index
    %get3A_19 = vector.load %arg4[%get3A_17, %get3A_18] : memref<1x128xf32, #tpu.memory_space<vmem>>, vector<1x128xf32>
    %add3A_20 = vector.broadcast %get3A_19 : vector<1x128xf32> to vector<1264x128xf32>
    %add3A_21 = arith.addf %mul3A_16, %add3A_20 : vector<1264x128xf32>
    %max3A = arith.constant 0.000000e+00 : f32
    %max3A_22 = vector.broadcast %max3A : f32 to vector<1264x128xf32>
    %max3A_23 = arith.maximumf %add3A_21, %max3A_22 : vector<1264x128xf32>
    %get3A_24 = arith.constant 0 : index
    %get3A_25 = arith.constant 0 : index
    %get3A_26 = vector.load %arg5[%get3A_24, %get3A_25] : memref<128x128xf32, #tpu.memory_space<vmem>>, vector<128x128xf32>
    %dot_general3A = arith.constant dense<0.000000e+00> : vector<1264x128xf32>
    %dot_general3A_27 = tpu.matmul %max3A_23, %get3A_26, %dot_general3A {dimension_numbers = #tpu.dot_dimension_numbers<[1], [0], [0], [1], [0, 0, 1, 1], [], []>, transpose_lhs_hint = false} : vector<1264x128xf32>, vector<128x128xf32>, vector<1264x128xf32> -> vector<1264x128xf32>
    %mul3A_28 = vector.broadcast %get3A_1 : vector<1264x1xf32> to vector<1264x128xf32>
    %mul3A_29 = arith.mulf %mul3A_28, %dot_general3A_27 : vector<1264x128xf32>
    %swap3A = arith.constant 0 : index
    %swap3A_30 = arith.constant 0 : index
    %swap3A_31 = vector.load %arg6[%swap3A, %swap3A_30] : memref<1264x128xf32, #tpu.memory_space<vmem>>, vector<1264x128xf32>
    tpu.vector_store %arg6[%swap3A, %swap3A_30], %mul3A_29 {strides = array<i32>} : memref<1264x128xf32, #tpu.memory_space<vmem>>, vector<1264x128xf32>,
    return
  }
  func.func @transform_0(%arg0: i32) -> (i32, i32, i32) {
    %c0_i32 = arith.constant 0 : i32
    %c0_i32_0 = arith.constant 0 : i32
    %c0_i32_1 = arith.constant 0 : i32
    return %c0_i32, %arg0, %c0_i32_0 : i32, i32, i32
  }
  func.func @transform_1(%arg0: i32) -> (i32, i32) {
    %c0_i32 = arith.constant 0 : i32
    %c0_i32_0 = arith.constant 0 : i32
    return %arg0, %c0_i32 : i32, i32
  }
  func.func @transform_2(%arg0: i32) -> (i32, i32) {
    %c0_i32 = arith.constant 0 : i32
    %c0_i32_0 = arith.constant 0 : i32
    return %arg0, %c0_i32 : i32, i32
  }
  func.func @transform_3(%arg0: i32) -> (i32, i32) {
    %c0_i32 = arith.constant 0 : i32
    %c0_i32_0 = arith.constant 0 : i32
    %c0_i32_1 = arith.constant 0 : i32
    return %c0_i32, %c0_i32_0 : i32, i32
  }
  func.func @transform_4(%arg0: i32) -> (i32, i32) {
    %c0_i32 = arith.constant 0 : i32
    %c0_i32_0 = arith.constant 0 : i32
    %c0_i32_1 = arith.constant 0 : i32
    return %c0_i32, %c0_i32_0 : i32, i32
  }
  func.func @transform_5(%arg0: i32) -> (i32, i32) {
    %c0_i32 = arith.constant 0 : i32
    %c0_i32_0 = arith.constant 0 : i32
    return %arg0, %c0_i32 : i32, i32
  }
}

module attributes {stable_mosaic.version = 14 : i64} {
  func.func @body(%arg0: i32, %arg1: memref<2x1264x128xf32, #tpu.memory_space<vmem>>, %arg2: memref<1264x128xf32, #tpu.memory_space<vmem>>, %arg3: memref<1264x16xf32, #tpu.memory_space<vmem>>, %arg4: memref<1x128xf32, #tpu.memory_space<vmem>>, %arg5: memref<128x128xf32, #tpu.memory_space<vmem>>, %arg6: memref<1264x128xf32, #tpu.memory_space<vmem>>, %arg7: memref<1264x128xf32, #tpu.memory_space<vmem>>) attributes {dimension_semantics = [#tpu.dimension_semantics<arbitrary>], iteration_bounds = array<i64: 8>, scalar_prefetch = 0 : i64, scratch_operands = 0 : i64, tpu.core_type = #tpu.core_type<tc>, window_params = [{transform_indices = @transform_0, window_bounds = array<i64: 2, 1264, 128>}, {transform_indices = @transform_1, window_bounds = array<i64: 1264, 128>}, {transform_indices = @transform_2, window_bounds = array<i64: 1264, 16>}, {pipeline_mode = #tpu.pipeline_mode<synchronous>, transform_indices = @transform_3, window_bounds = array<i64: 1, 128>}, {pipeline_mode = #tpu.pipeline_mode<synchronous>, transform_indices = @transform_4, window_bounds = array<i64: 128, 128>}, {transform_indices = @transform_5, window_bounds = array<i64: 1264, 128>}, {transform_indices = @transform_6, window_bounds = array<i64: 1264, 128>}]} {
    %get3A = arith.constant 0 : index
    %get3A_0 = arith.constant 0 : index
    %get3A_1 = vector.load %arg3[%get3A, %get3A_0] : memref<1264x16xf32, #tpu.memory_space<vmem>>, vector<1264x1xf32>
    %get3A_2 = arith.constant 0 : index
    %get3A_3 = arith.constant 0 : index
    %get3A_4 = arith.constant 0 : index
    %get3A_5 = vector.load %arg1[%get3A_2, %get3A_3, %get3A_4] : memref<2x1264x128xf32, #tpu.memory_space<vmem>>, vector<1x1264x128xf32>
    %get3A_6 = vector.shape_cast %get3A_5 : vector<1x1264x128xf32> to vector<1264x128xf32>
    %get3A_7 = arith.constant 1 : index
    %get3A_8 = arith.constant 0 : index
    %get3A_9 = arith.constant 0 : index
    %get3A_10 = vector.load %arg1[%get3A_7, %get3A_8, %get3A_9] : memref<2x1264x128xf32, #tpu.memory_space<vmem>>, vector<1x1264x128xf32>
    %get3A_11 = vector.shape_cast %get3A_10 : vector<1x1264x128xf32> to vector<1264x128xf32>
    %add3A = arith.addf %get3A_6, %get3A_11 : vector<1264x128xf32>
    %get3A_12 = arith.constant 0 : index
    %get3A_13 = arith.constant 0 : index
    %get3A_14 = vector.load %arg2[%get3A_12, %get3A_13] : memref<1264x128xf32, #tpu.memory_space<vmem>>, vector<1264x128xf32>
    %add3A_15 = arith.addf %add3A, %get3A_14 : vector<1264x128xf32>
    %mul3A = vector.broadcast %get3A_1 : vector<1264x1xf32> to vector<1264x128xf32>
    %mul3A_16 = arith.mulf %mul3A, %add3A_15 : vector<1264x128xf32>
    %get3A_17 = arith.constant 0 : index
    %get3A_18 = arith.constant 0 : index
    %get3A_19 = vector.load %arg4[%get3A_17, %get3A_18] : memref<1x128xf32, #tpu.memory_space<vmem>>, vector<1x128xf32>
    %add3A_20 = vector.broadcast %get3A_19 : vector<1x128xf32> to vector<1264x128xf32>
    %add3A_21 = arith.addf %mul3A_16, %add3A_20 : vector<1264x128xf32>
    %max3A = arith.constant 0.000000e+00 : f32
    %max3A_22 = vector.broadcast %max3A : f32 to vector<1264x128xf32>
    %max3A_23 = arith.maximumf %add3A_21, %max3A_22 : vector<1264x128xf32>
    %get3A_24 = arith.constant 0 : index
    %get3A_25 = arith.constant 0 : index
    %get3A_26 = vector.load %arg5[%get3A_24, %get3A_25] : memref<128x128xf32, #tpu.memory_space<vmem>>, vector<128x128xf32>
    %dot_general3A = arith.constant dense<0.000000e+00> : vector<1264x128xf32>
    %dot_general3A_27 = tpu.matmul %max3A_23, %get3A_26, %dot_general3A {dimension_numbers = #tpu.dot_dimension_numbers<[1], [0], [0], [1], [0, 0, 1, 1], [], []>, transpose_lhs_hint = false} : vector<1264x128xf32>, vector<128x128xf32>, vector<1264x128xf32> -> vector<1264x128xf32>
    %mul3A_28 = vector.broadcast %get3A_1 : vector<1264x1xf32> to vector<1264x128xf32>
    %mul3A_29 = arith.mulf %mul3A_28, %dot_general3A_27 : vector<1264x128xf32>
    %swap3A = arith.constant 0 : index
    %swap3A_30 = arith.constant 0 : index
    %swap3A_31 = vector.load %arg6[%swap3A, %swap3A_30] : memref<1264x128xf32, #tpu.memory_space<vmem>>, vector<1264x128xf32>
    tpu.vector_store %arg6[%swap3A, %swap3A_30], %mul3A_29 {strides = array<i32>} : memref<1264x128xf32, #tpu.memory_space<vmem>>, vector<1264x128xf32>,
    %swap3A_32 = arith.constant 0 : index
    %swap3A_33 = arith.constant 0 : index
    %swap3A_34 = vector.load %arg7[%swap3A_32, %swap3A_33] : memref<1264x128xf32, #tpu.memory_space<vmem>>, vector<1264x128xf32>
    tpu.vector_store %arg7[%swap3A_32, %swap3A_33], %max3A_23 {strides = array<i32>} : memref<1264x128xf32, #tpu.memory_space<vmem>>, vector<1264x128xf32>,
    return
  }
  func.func @transform_0(%arg0: i32) -> (i32, i32, i32) {
    %c0_i32 = arith.constant 0 : i32
    %c0_i32_0 = arith.constant 0 : i32
    %c0_i32_1 = arith.constant 0 : i32
    return %c0_i32, %arg0, %c0_i32_0 : i32, i32, i32
  }
  func.func @transform_1(%arg0: i32) -> (i32, i32) {
    %c0_i32 = arith.constant 0 : i32
    %c0_i32_0 = arith.constant 0 : i32
    return %arg0, %c0_i32 : i32, i32
  }
  func.func @transform_2(%arg0: i32) -> (i32, i32) {
    %c0_i32 = arith.constant 0 : i32
    %c0_i32_0 = arith.constant 0 : i32
    return %arg0, %c0_i32 : i32, i32
  }
  func.func @transform_3(%arg0: i32) -> (i32, i32) {
    %c0_i32 = arith.constant 0 : i32
    %c0_i32_0 = arith.constant 0 : i32
    %c0_i32_1 = arith.constant 0 : i32
    return %c0_i32, %c0_i32_0 : i32, i32
  }
  func.func @transform_4(%arg0: i32) -> (i32, i32) {
    %c0_i32 = arith.constant 0 : i32
    %c0_i32_0 = arith.constant 0 : i32
    %c0_i32_1 = arith.constant 0 : i32
    return %c0_i32, %c0_i32_0 : i32, i32
  }
  func.func @transform_5(%arg0: i32) -> (i32, i32) {
    %c0_i32 = arith.constant 0 : i32
    %c0_i32_0 = arith.constant 0 : i32
    return %arg0, %c0_i32 : i32, i32
  }
  func.func @transform_6(%arg0: i32) -> (i32, i32) {
    %c0_i32 = arith.constant 0 : i32
    %c0_i32_0 = arith.constant 0 : i32
    return %arg0, %c0_i32 : i32, i32
  }
}

module attributes {stable_mosaic.version = 14 : i64} {
  func.func @body(%arg0: i32, %arg1: memref<2x1264x128xf32, #tpu.memory_space<vmem>>, %arg2: memref<1264x128xf32, #tpu.memory_space<vmem>>, %arg3: memref<1264x16xf32, #tpu.memory_space<vmem>>, %arg4: memref<1x128xf32, #tpu.memory_space<vmem>>, %arg5: memref<128x128xf32, #tpu.memory_space<vmem>>, %arg6: memref<1264x128xf32, #tpu.memory_space<vmem>>, %arg7: memref<128x128xf32, #tpu.memory_space<vmem>>, %arg8: memref<1264x128xf32, #tpu.memory_space<vmem>>) attributes {dimension_semantics = [#tpu.dimension_semantics<arbitrary>], iteration_bounds = array<i64: 8>, scalar_prefetch = 0 : i64, scratch_operands = 0 : i64, tpu.core_type = #tpu.core_type<tc>, window_params = [{transform_indices = @transform_0, window_bounds = array<i64: 2, 1264, 128>}, {transform_indices = @transform_1, window_bounds = array<i64: 1264, 128>}, {transform_indices = @transform_2, window_bounds = array<i64: 1264, 16>}, {pipeline_mode = #tpu.pipeline_mode<synchronous>, transform_indices = @transform_3, window_bounds = array<i64: 1, 128>}, {pipeline_mode = #tpu.pipeline_mode<synchronous>, transform_indices = @transform_4, window_bounds = array<i64: 128, 128>}, {transform_indices = @transform_5, window_bounds = array<i64: 1264, 128>}, {pipeline_mode = #tpu.pipeline_mode<synchronous>, transform_indices = @transform_6, window_bounds = array<i64: 128, 128>}, {transform_indices = @transform_7, window_bounds = array<i64: 1264, 128>}]} {
    %get3A = arith.constant 0 : index
    %get3A_0 = arith.constant 0 : index
    %get3A_1 = vector.load %arg3[%get3A, %get3A_0] : memref<1264x16xf32, #tpu.memory_space<vmem>>, vector<1264x1xf32>
    %get3A_2 = arith.constant 0 : index
    %get3A_3 = arith.constant 0 : index
    %get3A_4 = arith.constant 0 : index
    %get3A_5 = vector.load %arg1[%get3A_2, %get3A_3, %get3A_4] : memref<2x1264x128xf32, #tpu.memory_space<vmem>>, vector<1x1264x128xf32>
    %get3A_6 = vector.shape_cast %get3A_5 : vector<1x1264x128xf32> to vector<1264x128xf32>
    %get3A_7 = arith.constant 1 : index
    %get3A_8 = arith.constant 0 : index
    %get3A_9 = arith.constant 0 : index
    %get3A_10 = vector.load %arg1[%get3A_7, %get3A_8, %get3A_9] : memref<2x1264x128xf32, #tpu.memory_space<vmem>>, vector<1x1264x128xf32>
    %get3A_11 = vector.shape_cast %get3A_10 : vector<1x1264x128xf32> to vector<1264x128xf32>
    %add3A = arith.addf %get3A_6, %get3A_11 : vector<1264x128xf32>
    %get3A_12 = arith.constant 0 : index
    %get3A_13 = arith.constant 0 : index
    %get3A_14 = vector.load %arg2[%get3A_12, %get3A_13] : memref<1264x128xf32, #tpu.memory_space<vmem>>, vector<1264x128xf32>
    %add3A_15 = arith.addf %add3A, %get3A_14 : vector<1264x128xf32>
    %mul3A = vector.broadcast %get3A_1 : vector<1264x1xf32> to vector<1264x128xf32>
    %mul3A_16 = arith.mulf %mul3A, %add3A_15 : vector<1264x128xf32>
    %get3A_17 = arith.constant 0 : index
    %get3A_18 = arith.constant 0 : index
    %get3A_19 = vector.load %arg4[%get3A_17, %get3A_18] : memref<1x128xf32, #tpu.memory_space<vmem>>, vector<1x128xf32>
    %add3A_20 = vector.broadcast %get3A_19 : vector<1x128xf32> to vector<1264x128xf32>
    %add3A_21 = arith.addf %mul3A_16, %add3A_20 : vector<1264x128xf32>
    %max3A = arith.constant 0.000000e+00 : f32
    %max3A_22 = vector.broadcast %max3A : f32 to vector<1264x128xf32>
    %max3A_23 = arith.maximumf %add3A_21, %max3A_22 : vector<1264x128xf32>
    %get3A_24 = arith.constant 0 : index
    %get3A_25 = arith.constant 0 : index
    %get3A_26 = vector.load %arg5[%get3A_24, %get3A_25] : memref<128x128xf32, #tpu.memory_space<vmem>>, vector<128x128xf32>
    %dot_general3A = arith.constant dense<0.000000e+00> : vector<1264x128xf32>
    %dot_general3A_27 = tpu.matmul %max3A_23, %get3A_26, %dot_general3A {dimension_numbers = #tpu.dot_dimension_numbers<[1], [0], [0], [1], [0, 0, 1, 1], [], []>, transpose_lhs_hint = false} : vector<1264x128xf32>, vector<128x128xf32>, vector<1264x128xf32> -> vector<1264x128xf32>
    %get3A_28 = arith.constant 0 : index
    %get3A_29 = arith.constant 0 : index
    %get3A_30 = vector.load %arg6[%get3A_28, %get3A_29] : memref<1264x128xf32, #tpu.memory_space<vmem>>, vector<1264x128xf32>
    %get3A_31 = arith.constant 0 : index
    %get3A_32 = arith.constant 0 : index
    %get3A_33 = vector.load %arg7[%get3A_31, %get3A_32] : memref<128x128xf32, #tpu.memory_space<vmem>>, vector<128x128xf32>
    %dot_general3A_34 = arith.constant dense<0.000000e+00> : vector<1264x128xf32>
    %dot_general3A_35 = tpu.matmul %get3A_30, %get3A_33, %dot_general3A_34 {dimension_numbers = #tpu.dot_dimension_numbers<[1], [0], [0], [1], [0, 0, 1, 1], [], []>, transpose_lhs_hint = false} : vector<1264x128xf32>, vector<128x128xf32>, vector<1264x128xf32> -> vector<1264x128xf32>
    %add3A_36 = arith.addf %dot_general3A_27, %dot_general3A_35 : vector<1264x128xf32>
    %mul3A_37 = vector.broadcast %get3A_1 : vector<1264x1xf32> to vector<1264x128xf32>
    %mul3A_38 = arith.mulf %mul3A_37, %add3A_36 : vector<1264x128xf32>
    %swap3A = arith.constant 0 : index
    %swap3A_39 = arith.constant 0 : index
    %swap3A_40 = vector.load %arg8[%swap3A, %swap3A_39] : memref<1264x128xf32, #tpu.memory_space<vmem>>, vector<1264x128xf32>
    tpu.vector_store %arg8[%swap3A, %swap3A_39], %mul3A_38 {strides = array<i32>} : memref<1264x128xf32, #tpu.memory_space<vmem>>, vector<1264x128xf32>,
    return
  }
  func.func @transform_0(%arg0: i32) -> (i32, i32, i32) {
    %c0_i32 = arith.constant 0 : i32
    %c0_i32_0 = arith.constant 0 : i32
    %c0_i32_1 = arith.constant 0 : i32
    return %c0_i32, %arg0, %c0_i32_0 : i32, i32, i32
  }
  func.func @transform_1(%arg0: i32) -> (i32, i32) {
    %c0_i32 = arith.constant 0 : i32
    %c0_i32_0 = arith.constant 0 : i32
    return %arg0, %c0_i32 : i32, i32
  }
  func.func @transform_2(%arg0: i32) -> (i32, i32) {
    %c0_i32 = arith.constant 0 : i32
    %c0_i32_0 = arith.constant 0 : i32
    return %arg0, %c0_i32 : i32, i32
  }
  func.func @transform_3(%arg0: i32) -> (i32, i32) {
    %c0_i32 = arith.constant 0 : i32
    %c0_i32_0 = arith.constant 0 : i32
    %c0_i32_1 = arith.constant 0 : i32
    return %c0_i32, %c0_i32_0 : i32, i32
  }
  func.func @transform_4(%arg0: i32) -> (i32, i32) {
    %c0_i32 = arith.constant 0 : i32
    %c0_i32_0 = arith.constant 0 : i32
    %c0_i32_1 = arith.constant 0 : i32
    return %c0_i32, %c0_i32_0 : i32, i32
  }
  func.func @transform_5(%arg0: i32) -> (i32, i32) {
    %c0_i32 = arith.constant 0 : i32
    %c0_i32_0 = arith.constant 0 : i32
    return %arg0, %c0_i32 : i32, i32
  }
  func.func @transform_6(%arg0: i32) -> (i32, i32) {
    %c0_i32 = arith.constant 0 : i32
    %c0_i32_0 = arith.constant 0 : i32
    %c0_i32_1 = arith.constant 0 : i32
    return %c0_i32, %c0_i32_0 : i32, i32
  }
  func.func @transform_7(%arg0: i32) -> (i32, i32) {
    %c0_i32 = arith.constant 0 : i32
    %c0_i32_0 = arith.constant 0 : i32
    return %arg0, %c0_i32 : i32, i32
  }
}

module attributes {stable_mosaic.version = 14 : i64} {
  func.func @_final_body(%arg0: i32, %arg1: memref<2x1264x128xf32, #tpu.memory_space<vmem>>, %arg2: memref<1264x128xf32, #tpu.memory_space<vmem>>, %arg3: memref<1264x16xf32, #tpu.memory_space<vmem>>, %arg4: memref<1x128xf32, #tpu.memory_space<vmem>>, %arg5: memref<1264x128xf32, #tpu.memory_space<vmem>>) attributes {dimension_semantics = [#tpu.dimension_semantics<arbitrary>], iteration_bounds = array<i64: 8>, scalar_prefetch = 0 : i64, scratch_operands = 0 : i64, tpu.core_type = #tpu.core_type<tc>, window_params = [{transform_indices = @transform_0, window_bounds = array<i64: 2, 1264, 128>}, {transform_indices = @transform_1, window_bounds = array<i64: 1264, 128>}, {transform_indices = @transform_2, window_bounds = array<i64: 1264, 16>}, {pipeline_mode = #tpu.pipeline_mode<synchronous>, transform_indices = @transform_3, window_bounds = array<i64: 1, 128>}, {transform_indices = @transform_4, window_bounds = array<i64: 1264, 128>}]} {
    %get3A = arith.constant 0 : index
    %get3A_0 = arith.constant 0 : index
    %get3A_1 = vector.load %arg3[%get3A, %get3A_0] : memref<1264x16xf32, #tpu.memory_space<vmem>>, vector<1264x1xf32>
    %get3A_2 = arith.constant 0 : index
    %get3A_3 = arith.constant 0 : index
    %get3A_4 = arith.constant 0 : index
    %get3A_5 = vector.load %arg1[%get3A_2, %get3A_3, %get3A_4] : memref<2x1264x128xf32, #tpu.memory_space<vmem>>, vector<1x1264x128xf32>
    %get3A_6 = vector.shape_cast %get3A_5 : vector<1x1264x128xf32> to vector<1264x128xf32>
    %get3A_7 = arith.constant 1 : index
    %get3A_8 = arith.constant 0 : index
    %get3A_9 = arith.constant 0 : index
    %get3A_10 = vector.load %arg1[%get3A_7, %get3A_8, %get3A_9] : memref<2x1264x128xf32, #tpu.memory_space<vmem>>, vector<1x1264x128xf32>
    %get3A_11 = vector.shape_cast %get3A_10 : vector<1x1264x128xf32> to vector<1264x128xf32>
    %add3A = arith.addf %get3A_6, %get3A_11 : vector<1264x128xf32>
    %get3A_12 = arith.constant 0 : index
    %get3A_13 = arith.constant 0 : index
    %get3A_14 = vector.load %arg2[%get3A_12, %get3A_13] : memref<1264x128xf32, #tpu.memory_space<vmem>>, vector<1264x128xf32>
    %add3A_15 = arith.addf %add3A, %get3A_14 : vector<1264x128xf32>
    %mul3A = vector.broadcast %get3A_1 : vector<1264x1xf32> to vector<1264x128xf32>
    %mul3A_16 = arith.mulf %mul3A, %add3A_15 : vector<1264x128xf32>
    %get3A_17 = arith.constant 0 : index
    %get3A_18 = arith.constant 0 : index
    %get3A_19 = vector.load %arg4[%get3A_17, %get3A_18] : memref<1x128xf32, #tpu.memory_space<vmem>>, vector<1x128xf32>
    %add3A_20 = vector.broadcast %get3A_19 : vector<1x128xf32> to vector<1264x128xf32>
    %add3A_21 = arith.addf %mul3A_16, %add3A_20 : vector<1264x128xf32>
    %swap3A = arith.constant 0 : index
    %swap3A_22 = arith.constant 0 : index
    %swap3A_23 = vector.load %arg5[%swap3A, %swap3A_22] : memref<1264x128xf32, #tpu.memory_space<vmem>>, vector<1264x128xf32>
    tpu.vector_store %arg5[%swap3A, %swap3A_22], %add3A_21 {strides = array<i32>} : memref<1264x128xf32, #tpu.memory_space<vmem>>, vector<1264x128xf32>,
    return
  }
  func.func @transform_0(%arg0: i32) -> (i32, i32, i32) {
    %c0_i32 = arith.constant 0 : i32
    %c0_i32_0 = arith.constant 0 : i32
    %c0_i32_1 = arith.constant 0 : i32
    return %c0_i32, %arg0, %c0_i32_0 : i32, i32, i32
  }
  func.func @transform_1(%arg0: i32) -> (i32, i32) {
    %c0_i32 = arith.constant 0 : i32
    %c0_i32_0 = arith.constant 0 : i32
    return %arg0, %c0_i32 : i32, i32
  }
  func.func @transform_2(%arg0: i32) -> (i32, i32) {
    %c0_i32 = arith.constant 0 : i32
    %c0_i32_0 = arith.constant 0 : i32
    return %arg0, %c0_i32 : i32, i32
  }
  func.func @transform_3(%arg0: i32) -> (i32, i32) {
    %c0_i32 = arith.constant 0 : i32
    %c0_i32_0 = arith.constant 0 : i32
    %c0_i32_1 = arith.constant 0 : i32
    return %c0_i32, %c0_i32_0 : i32, i32
  }
  func.func @transform_4(%arg0: i32) -> (i32, i32) {
    %c0_i32 = arith.constant 0 : i32
    %c0_i32_0 = arith.constant 0 : i32
    return %arg0, %c0_i32 : i32, i32
  }
}

</mosaic_0001>

<sc_bundles>
// kernel: kernel.18.cloned.1.call-start
scs
__scs_entry_jumppad:
0x0: {  	(pc) =	sbr.rel $0x88, $3  }
0x1: {  	(tag) =	ssettag $0x0;
	lr =	simm.s32 $0x1  }
0x2: {  	[smem:$0x3F91] =	sst lr;
	_ =	strace $0xD0000000  }
0x3: {  	_ = 	snop  }
0x4: {  	_ = 	snop  }
0x5: {  	_ = 	snop  }
0x6: {  	_ = 	snop  }
0x7: {  	_ = 	snop  }
__scs_overlays_trampoline_lowered:
0x8: {  	[smem:$0x3FA0] =	sst s0  }
0x9: {  	[smem:$0x3FA1] =	sst s1  }
0xa: {  	[smem:$0x3FA2] =	sst s2  }
0xb: {  	[smem:$0x3FA3] =	sst s3  }
0xc: {  	[smem:$0x3FA4] =	sst s4  }
0xd: {  	[smem:$0x3FA5] =	sst s5  }
0xe: {  	[smem:$0x3FA6] =	sst s6  }
0xf: {  	[smem:$0x3FA7] =	sst s7  }
0x10: {  	[smem:$0x3FA8] =	sst s8  }
0x11: {  	[smem:$0x3FA9] =	sst s9;
	s0 =	simm.s32 @!p0 $0x0  }
0x12: {  	s1 =	sld [smem:$0x3F8F];
	s0 =	simm.s32 @p0 $0x1  }
0x13: {  	[smem:$0x3FAA] =	sst s0;
	s0 =	simm.s32 @!p1 $0x0  }
0x14: {  	s2 =	sld [smem:$0x3F8E];
	s0 =	simm.s32 @p1 $0x1  }
0x15: {  	[smem:$0x3FAB] =	sst s0;
	s0 =	simm.s32 @!p2 $0x0  }
0x16: {  	s3 =	sld [smem:$0x3FDB];
	s0 =	simm.s32 @p2 $0x1  }
0x17: {  	s4 =	simm.s32 $0x1BF5;
	[smem:$0x3FAD] =	sst s0  }
0x18: {  	s0 =	sld [smem:$0x3F90];
	_ =	swait.ge [sflag:s4], $0x0  }
0x19: {  	s7 =	sld [smem:$0x3F91]  }
0x1a: {  	s8 =	sadd.s32 $0xFFFFE003, lr  }
0x1b: {  	s9 =	sadd.s32 $0xFFFFFEF7, lr;
	s5 =	simm.s32 $0xFFFFFFFF;
	p2 =	slt.u32 s8, $0xFFFFF086  }
0x1c: {  	p1 =	slt.u32 s9, $0xF7A;
	s5 =	simm.s32 @!p2 $0x0  }
0x1d: {  	s5 =	simm.s32 @p1 $0x1;
	p0 =	seq.s32 s7, s2  }
0x1e: {  	s7 =	smul.u32 @!p0 $0xF7A, s2;
	p2 =	seq.s32 @!p0 s5, $0x0  }
0x1f: {  	s9 =	smul.u32 $0xF7A, s1;
	s8 =	simm.s32 @!p0 $0x1BF5;
	p2 =	por !p2, p0  }
0x20: {  	[sflag:s8] =	ssyncset.s32 @!p0 $0xFFFFF086;
	s6 =	sadd.s32 @!p0 s3, s7;
	s7 =	simm.s32 @!p0 $0x108  }
0x21: {  	s3 =	sadd.s32 s3, s9;
	s6 =	sadd.s32 @!p0 $0x88, s6;
	s7 =	simm.s32 @p2 $0x1082  }
0x22: {  	[simem:s7], [sflag:s8] =	dma.local @!p0 [hbm:s6], $0xF7A  }
0x23: {  	s9 =	sor.u32 $0xD0000000, s2;
	s6 =	simm.s32 $0x108;
	_ =	swait.ge @!p0 [sflag:s8], $0x0  }
0x24: {  	s3 =	sadd.s32 $0x88, s3;
	s6 =	simm.s32 @!p1 $0x1082;
	[sflag:s4] =	ssyncset.s32 $0xFFFFF086  }
0x25: {  	[simem:s6], [sflag:s4] =	dma.local [hbm:s3], $0xF7A  }
0x26: {  	[smem:$0x3F91] =	sst s1;
	(tag) =	ssettag s2;
	_ =	strace s9  }
0x27: {  	s1 =	sld [smem:$0x3FA1]  }
0x28: {  	s2 =	sld [smem:$0x3FA2]  }
0x29: {  	s4 =	sld [smem:$0x3FA4]  }
0x2a: {  	p0 =	seq.s32 s5, $0x0;
	s5 =	sld [smem:$0x3FA5]  }
0x2b: {  	s6 =	sld [smem:$0x3FA6]  }
0x2c: {  	s7 =	sld [smem:$0x3FA7]  }
0x2d: {  	s3 =	simm.s32 $0x108;
	s8 =	sld [smem:$0x3FA8]  }
0x2e: {  	s3 =	simm.s32 @!p0 $0x1082;
	s9 =	sld [smem:$0x3FA9]  }
0x2f: {  	lr =	sadd.s32 s0, s3;
	s0 =	sld [smem:$0x3FA0]  }
0x30: {  	s3 =	sld [smem:$0x3FA3]  }
0x31: {  	[smem:$0x3FAC] =	sst s10  }
0x32: {  	s10 =	sld [smem:$0x3FAA];
	_ =	sdelay $0x3  }
0x33: {  	p0 =	seq.s32 s10, $0x1;
	s10 =	sld [smem:$0x3FAC];
	_ =	sdelay $0x3  }
0x34: {  	[smem:$0x3FAC] =	sst s10  }
0x35: {  	s10 =	sld [smem:$0x3FAB];
	_ =	sdelay $0x3  }
0x36: {  	p1 =	seq.s32 s10, $0x1;
	s10 =	sld [smem:$0x3FAC];
	_ =	sdelay $0x3  }
0x37: {  	[smem:$0x3FAC] =	sst s10  }
0x38: {  	s10 =	sld [smem:$0x3FAD]  }
0x39: {  	_ = 	snop;
	(pc) =	sbr.ind lr, $3  }
0x3a: {  	_ = 	snop  }
0x3b: {  	_ = 	snop  }
0x3c: {  	p2 =	seq.s32 s10, $0x1;
	s10 =	sld [smem:$0x3FAC]  }
0x3d: {  	_ =	shalt  }
0x3e: {  	_ =	shalt  }
0x3f: {  	_ =	shalt  }
0x40: {  	_ =	shalt  }
0x41: {  	_ =	shalt  }
0x42: {  	_ =	shalt  }
0x43: {  	_ =	shalt  }
0x44: {  	_ =	shalt  }
0x45: {  	_ =	shalt  }
0x46: {  	_ =	shalt  }
0x47: {  	_ =	shalt  }
0x48: {  	_ =	shalt  }
0x49: {  	_ =	shalt  }
0x4a: {  	_ =	shalt  }
0x4b: {  	_ =	shalt  }
0x4c: {  	_ =	shalt  }
0x4d: {  	_ =	shalt  }
0x4e: {  	_ =	shalt  }
0x4f: {  	_ =	shalt  }
0x50: {  	_ =	shalt  }
0x51: {  	_ =	shalt  }
0x52: {  	_ =	shalt  }
0x53: {  	_ =	shalt  }
0x54: {  	_ =	shalt  }
0x55: {  	_ =	shalt  }
0x56: {  	_ =	shalt  }
0x57: {  	_ =	shalt  }
0x58: {  	_ =	shalt  }
0x59: {  	_ =	shalt  }
0x5a: {  	_ =	shalt  }
0x5b: {  	_ =	shalt  }
0x5c: {  	_ =	shalt  }
0x5d: {  	_ =	shalt  }
0x5e: {  	_ =	shalt  }
0x5f: {  	_ =	shalt  }
0x60: {  	_ =	shalt  }
0x61: {  	_ =	shalt  }
0x62: {  	_ =	shalt  }
0x63: {  	_ =	shalt  }
0x64: {  	_ =	shalt  }
0x65: {  	_ =	shalt  }
0x66: {  	_ =	shalt  }
0x67: {  	_ =	shalt  }
0x68: {  	_ =	shalt  }
0x69: {  	_ =	shalt  }
0x6a: {  	_ =	shalt  }
0x6b: {  	_ =	shalt  }
0x6c: {  	_ =	shalt  }
0x6d: {  	_ =	shalt  }
0x6e: {  	_ =	shalt  }
0x6f: {  	_ =	shalt  }
0x70: {  	_ =	shalt  }
0x71: {  	_ =	shalt  }
0x72: {  	_ =	shalt  }
0x73: {  	_ =	shalt  }
0x74: {  	_ =	shalt  }
0x75: {  	_ =	shalt  }
0x76: {  	_ =	shalt  }
0x77: {  	_ =	shalt  }
0x78: {  	_ =	shalt  }
0x79: {  	_ =	shalt  }
0x7a: {  	_ =	shalt  }
0x7b: {  	_ =	shalt  }
0x7c: {  	_ =	shalt  }
0x7d: {  	_ =	shalt  }
0x7e: {  	_ =	shalt  }
0x7f: {  	_ =	shalt  }
0x80: {  	_ =	shalt  }
0x81: {  	_ =	shalt  }
0x82: {  	_ =	shalt  }
0x83: {  	_ =	shalt  }
0x84: {  	_ =	shalt  }
0x85: {  	_ =	shalt  }
0x86: {  	_ =	shalt  }
0x87: {  	_ =	shalt  }
.Lfunc_end0:
.L_simem_size_0:
called_computation_lowered:
.L_overlay_start_0:
0x88: {  	s2 =	sld [smem:$0x3FD9]  }
0x89: {  	s3 =	sld [smem:$0x3FFE];
	_ =	sdelay $0x1  }
0x8a: {  	s1 =	srdreg.scid  }
0x8b: {  	s0 =	sand.u32 $0x1, s1  }
0x8c: {  	s17 =	sshll.u32 s0, $0xA;
	s2 =	sadd.s32 s3, s2  }
0x8d: {  	s2 =	sadd.s32 s2, s17  }
0x8e: {  	[smem:$0x3FB8] =	sst s2  }
0x8f: {  	_ = 	snop  }
0x90: {  	s2 =	sld [smem:$0x3FD0];
	(tm) =	ssettm $0x1  }
0x91: {  	s18 =	sld [smem:$0x3FFB];
	_ =	sdelay $0x3  }
0x92: {  	_ =	strace s18  }
0x93: {  	s3 =	sld [smem:$0x3FFC];
	_ =	sdelay $0x3  }
0x94: {  	_ =	strace s3  }
0x95: {  	s3 =	sld [smem:$0x3FFD];
	_ =	sdelay $0x3  }
0x96: {  	_ =	strace s3  }
0x97: {  	_ =	strace $0x8FFFFFFF  }
0x98: {  	s19 =	sld [smem:$0x3FDB];
	_ =	sdelay $0x1  }
0x99: {  	s4 =	simm.s32 $_scs_section_size  }
0x9a: {  	s5 =	simm.s32 $_size__tile_overlayer_lowered;
	s6 =	simm.s32 $_tile_overlayer_lowered  }
0x9b: {  	s22 =	simm.s32 $0x1BFF;
	s21 =	sshll.u32 s6, $0x1;
	s3 =	sadd.s32 s4, s19  }
0x9c: {  	s7 =	simm.s32 $0x0;
	s20 =	sshll.u32 s5, $0x1;
	s5 =	sadd.s32 s21, s3  }
0x9d: {  	[timem:s7], [sflag:s22] =	dma.local [hbm:s5], s20  }
0x9e: {  	_ =	swait.ge [sflag:s22], s20  }
0x9f: {  	s4 =	ssub.s32 $0x0, s20;
	[sflag:s22] =	ssyncset.done $0x0  }
0xa0: {  	[sflag:s22] =	ssyncadd.s32 s4;
	_ =	sdelay $0x1  }
0xa1: {  	s23 =	simm.s32 $0x1B8B  }
0xa2: {  	_ =	swait.ge [sflag:s23], $0x1  }
0xa3: {  	[sflag:s23] =	ssyncset.done $0x0  }
0xa4: {  	s25 =	simm.s32 $0x1B8E;
	s24 =	sld [smem:$0x3FFE];
	[sflag:s23] =	ssyncadd.s32 $0xFFFFFFFF  }
0xa5: {  	s26 =	simm.s32 $execute0_lowered;
	[smem:$0x3FD2] =	sst s25  }
0xa6: {  	s5 =	sshll.u32 s26, $0x1;
	_ =	strace $0x80000046;
	[dreg:$0x1] =	wrdreg $0xFFFFFFFF  }
0xa7: {  	s28 =	simm.s32 $_size_execute0_lowered;
	s3 =	sadd.s32 s3, s5;
	[dreg:$0x0] =	wrdreg $0x0  }
0xa8: {  	s5 =	sshll.u32 s28, $0x1;
	[dreg:$0x2] =	wrdreg s3  }
0xa9: {  	[dreg:$0x3] =	wrdreg s5  }
0xaa: {  	[dreg:$0x4] =	wrdreg $0xC0  }
0xab: {  	_ =	task [dreg:s7], $0x5FFFF  }
0xac: {  	[dreg:$0x1] =	wrdreg $0xFFFFFFFF  }
0xad: {  	[dreg:$0x0] =	wrdreg $0x60  }
0xae: {  	[dreg:$0x2] =	wrdreg s2  }
0xaf: {  	[dreg:$0x3] =	wrdreg s24  }
0xb0: {  	[dreg:$0x4] =	wrdreg $0x41000  }
0xb1: {  	[dreg:$0x5] =	wrdreg $0x9  }
0xb2: {  	_ =	task.clear_ibuf [dreg:s7], $0x6FFFF;
	_ =	strace $0x90000046  }
0xb3: {  	s29 =	simm.s32 $0x9;
	_ =	strace $0x80000048  }
0xb4: {  	_ =	swait.ge [sflag:s29], $0x1  }
0xb5: {  	[sflag:s29] =	ssyncadd.s32 $0xFFFFFFFF  }
0xb6: {  	_ =	strace $0x90000048  }
0xb7: {  	_ =	sfence  }
0xb8: {  	s30 =	sld [smem:$0x0];
	_ =	sdelay $0x2  }
0xb9: {  	s31 =	sshll.u32 s1, $0xD;
	s1 =	sshrl.u32 s1, $0x2  }
0xba: {  	s3 =	sand.u32 $0x4000, s31;
	s1 =	sadd.s32 s1, s30  }
0xbb: {  	s0 =	sor.u32 s3, s0;
	s1 =	sshll.u32 s1, $0x11  }
0xbc: {  	s0 =	sor.u32 s1, s0  }
0xbd: {  	s0 =	sadd.s32 $0x8F2B, s0  }
0xbe: {  	[sflag:s0] =	ssyncadd.remote.s32 $0x1  }
0xbf: {  	_ =	sfence.sel $0xFFFF  }
0xc0: {  	[dreg:$0x0] =	wrdreg $0xFFFFFFFF;
	(pc) =	sbr.abs _section_cstart, $3  }
0xc1: {  	[dreg:$0x1] =	wrdreg $0xFFFFFFFF  }
0xc2: {  	_ =	task.clear_ibuf [dreg:s7], $0x2FFFF;
	_ =	strace $0x9FFFFFFF  }
0xc3: {  	(tm) =	ssettm $0x7FFFFFFF  }
tec
execute0_lowered:
.L_overlay_start_1:
0x0: {  	(tag) =	ssettag $0x1  }
0x1: {  	s7 =	rddreg [dreg:$0x0]  }
0x2: {  	s6 =	rddreg [dreg:$0x1]  }
0x3: {  	s2 =	rddreg [dreg:$0x2]  }
0x4: {  	s0 =	rddreg [dreg:$0x3]  }
0x5: {  	s3 =	simm.s32 $0x0;
	s1 =	stileid.u32;
	s4 =	srdreg.scid  }
0x6: {  	s15 =	simm.s32 $0x80;
	s16 =	simm.s32 $0x3;
	s17 =	simm.s32 $0x4  }
0x7: {  	s18 =	simm.s32 $0x1;
	s19 =	simm.s32 $0x2;
	[smem:$0x7FF] =	sst s3  }
0x8: {  	s21 =	smul.u32 $0x2780, s1;
	s5 =	sand.u32 $0x1, s4;
	s4 =	sadd.s32 $0x2E200, s6  }
0x9: {  	s10 =	sshll.u32 s1, $0x1;
	s11 =	smul.u32 $0x4F000, s1;
	p0 =	seq.s32 s1, $0xF  }
0xa: {  	_ =	strace $0x80000047;
	s8 =	smul.u32 $0x27800, s5;
	s12 =	ssub.s32 $0x2, s5  }
0xb: {  	s5 =	sor.u32 s5, s10;
	s9 =	sadd.s32 s21, s6;
	s31 =	sshrl.u32 s12, $0x1  }
0xc: {  	s11 =	sshrl.u32 s11, $0x2;
	s13 =	smul.u32 $0x500, s5;
	s8 =	sadd.s32 s8, s6  }
0xd: {  	s10 =	ssub.s32 s12, s31;
	s14 =	sadd.s32 s11, s2;
	s5 =	sadd.s32 $0x6A00, s9  }
0xe: {  	s11 =	sadd.s32 $0x128400, s2;
	s6 =	sadd.s32 $0x2BA80, s6;
	s9 =	simm.s32 $0x100  }
0xf: {  	s12 =	sshll.u32 @!p0 s1, $0x6;
	s7 =	sadd.s32 s7, s13;
	s22 =	sadd.s32 $0x2EA00, s8  }
0x10: {  	s8 =	smax.u32 s10, $0x1;
	s10 =	simm.s32 $0x5;
	s11 =	sshrl.u32 @p0 s11, $0x3  }
0x11: {  	s12 =	sor.u32 @!p0 $0x1C05, s12;
	s13 =	sshrl.u32 @!p0 s14, $0x3;
	s14 =	sadd.s32 $0x10, s7  }
0x12: {  	s20 =	sadd.s32 @p0 $0x25080, s22;
	s21 =	sadd.s32 @!p0 s21, s22;
	s22 =	simm.s32 $0x0  }
.LBB2_1:
0x13: {  	[tilespmem:s9], [sflag:$0x5] =	stream.linear.gather [hbm4b:s4+s3], $0x4000, $0x38;
	[tilespmem:$0x17A00] =	vst v63  }
0x14: {  	_ =	swait.ge [sflag:s10], $0x4000  }
0x15: {  	[sflag:s10] =	ssyncset.done $0x0  }
0x16: {  	s23 =	simm.s32 @p0 $0x1FC5;
	[sflag:s10] =	ssyncadd.s32 $0xFFFFC000  }
0x17: {  	[spmem:s11], [sflag:s23] =	dma.local @p0 [hbm:s6], $0x2180  }
0x18: {  	s23 =	simm.s32 @p0 $0x5  }
0x19: {  	_ =	swait.ge @p0 [sflag:s23], $0x2180  }
0x1a: {  	[sflag:s23] =	ssyncset.done @p0 $0x0  }
0x1b: {  	[sflag:s23] =	ssyncadd.s32 @p0 $0xFFFFDE80;
	s23 =	simm.s32 @!p0 $0x5  }
0x1c: {  	[spmem:s13], [sflag:s12] =	dma.local @!p0 [hbm:s5], $0x2780  }
0x1d: {  	_ =	swait.ge @!p0 [sflag:s23], $0x2780  }
0x1e: {  	[sflag:s23] =	ssyncset.done @!p0 $0x0  }
0x1f: {  	[sflag:s23] =	ssyncadd.s32 @!p0 $0xFFFFD880  }
0x20: {  	[bflag:$0x0] =	sbarrier.arrive $0xFFFF  }
0x21: {  	[tilespmem:s3], [sflag:$0x3] =	stream.linear.gather [hbm4b:s7+s3], $0x80, $0x38;
	[tilespmem:$0x17A00] =	vst v63  }
0x22: {  	_ = 	snop  }
0x23: {  	[tilespmem:s15], [sflag:$0x4] =	stream.linear.gather [hbm4b:s14+s3], $0x80, $0x38;
	[tilespmem:$0x17A00] =	vst v63  }
0x24: {  	_ =	swait.ge [sflag:s16], $0x80  }
0x25: {  	[sflag:s16] =	ssyncset.done $0x0  }
0x26: {  	[sflag:s16] =	ssyncadd.s32 $0xFFFFFF80  }
0x27: {  	[spmem:s2] =	stream.indirect.scatter.add.f32 [tilespmem:s9], [sflag:$0x1], $0x80, s3, s15, $0xb8;
	[tilespmem:$0x17A00] =	vst v63  }
0x28: {  	_ =	swait.ge [sflag:s17], $0x80  }
0x29: {  	[sflag:s17] =	ssyncset.done $0x0  }
0x2a: {  	[sflag:s17] =	ssyncadd.s32 $0xFFFFFF80  }
0x2b: {  	[spmem:s2] =	stream.indirect.scatter.add.f32 [tilespmem:s9], [sflag:$0x2], $0x80, s15, s15, $0xb8;
	[tilespmem:$0x17A00] =	vst v63  }
0x2c: {  	_ =	swait.ge [sflag:s18], $0x4000  }
0x2d: {  	s24 =	sadd.s32 $0xFFFFFB20, s7;
	[sflag:s18] =	ssyncset.done $0x0  }
0x2e: {  	s31 =	sadd.s32 $0x500, s24;
	[sflag:s18] =	ssyncadd.s32 $0xFFFFC000  }
0x2f: {  	[tilespmem:s3], [sflag:$0x3] =	stream.linear.gather [hbm4b:s31+s3], $0x80, $0x38;
	[tilespmem:$0x17A00] =	vst v63  }
0x30: {  	_ =	swait.ge [sflag:s19], $0x4000  }
0x31: {  	[sflag:s19] =	ssyncset.done $0x0  }
0x32: {  	s24 =	sadd.s32 $0x510, s24;
	s23 =	simm.s32 $0xFFFFFB40;
	[sflag:s19] =	ssyncadd.s32 $0xFFFFC000  }
.LBB2_2:
0x33: {  	[tilespmem:s15], [sflag:$0x4] =	stream.linear.gather [hbm4b:s24+s3], $0x80, $0x38;
	[tilespmem:$0x17A00] =	vst v63  }
0x34: {  	s24 =	smov.u32 s23  }
0x35: {  	p1 =	sne.s32 s23, $0xFFFFFFE0;
	s23 =	sadd.s32 $0x20, s23;
	_ =	swait.ge [sflag:s16], $0x80  }
0x36: {  	[sflag:s16] =	ssyncset.done $0x0  }
0x37: {  	[sflag:s16] =	ssyncadd.s32 $0xFFFFFF80  }
0x38: {  	[spmem:s2] =	stream.indirect.scatter.add.f32 [tilespmem:s9], [sflag:$0x1], $0x80, s3, s15, $0xb8;
	[tilespmem:$0x17A00] =	vst v63  }
0x39: {  	_ =	swait.ge [sflag:s17], $0x80  }
0x3a: {  	[sflag:s17] =	ssyncset.done $0x0  }
0x3b: {  	[sflag:s17] =	ssyncadd.s32 $0xFFFFFF80  }
0x3c: {  	[spmem:s2] =	stream.indirect.scatter.add.f32 [tilespmem:s9], [sflag:$0x2], $0x80, s15, s15, $0xb8;
	[tilespmem:$0x17A00] =	vst v63  }
0x3d: {  	_ =	swait.ge [sflag:s18], $0x4000  }
0x3e: {  	s24 =	sadd.s32 s24, s7;
	[sflag:s18] =	ssyncset.done $0x0  }
.Ltmp0:
0x3f: {  	s25 =	sadd.s32 $0x500, s24;
	[sflag:s18] =	ssyncadd.s32 $0xFFFFC000;
	(pc) =	sbr.rel @p1 .LBB2_2-.Ltmp0, $4  }
0x40: {  	[tilespmem:s3], [sflag:$0x3] =	stream.linear.gather [hbm4b:s25+s3], $0x80, $0x38;
	[tilespmem:$0x17A00] =	vst v63  }
0x41: {  	_ =	swait.ge [sflag:s19], $0x4000  }
0x42: {  	[sflag:s19] =	ssyncset.done $0x0  }
0x43: {  	s24 =	sadd.s32 $0x510, s24;
	[sflag:s19] =	ssyncadd.s32 $0xFFFFC000  }
0x44: {  	[tilespmem:s15], [sflag:$0x4] =	stream.linear.gather [hbm4b:s24+s3], $0x80, $0x38;
	[tilespmem:$0x17A00] =	vst v63  }
0x45: {  	_ =	swait.ge [sflag:s16], $0x80  }
0x46: {  	[sflag:s16] =	ssyncset.done $0x0  }
0x47: {  	[sflag:s16] =	ssyncadd.s32 $0xFFFFFF80  }
0x48: {  	[spmem:s2] =	stream.indirect.scatter.add.f32 [tilespmem:s9], [sflag:$0x1], $0x80, s3, s15, $0xb8;
	[tilespmem:$0x17A00] =	vst v63  }
0x49: {  	_ =	swait.ge [sflag:s17], $0x80  }
0x4a: {  	[sflag:s17] =	ssyncset.done $0x0  }
0x4b: {  	[sflag:s17] =	ssyncadd.s32 $0xFFFFFF80  }
0x4c: {  	[spmem:s2] =	stream.indirect.scatter.add.f32 [tilespmem:s9], [sflag:$0x2], $0x80, s15, s15, $0xb8;
	[tilespmem:$0x17A00] =	vst v63  }
0x4d: {  	_ =	swait.ge [sflag:s18], $0x4000  }
0x4e: {  	[sflag:s18] =	ssyncset.done $0x0  }
0x4f: {  	[sflag:s18] =	ssyncadd.s32 $0xFFFFC000  }
0x50: {  	_ =	swait.ge [sflag:s19], $0x4000  }
0x51: {  	[sflag:s19] =	ssyncset.done $0x0  }
0x52: {  	[sflag:s19] =	ssyncadd.s32 $0xFFFFC000  }
0x53: {  	s23 =	simm.s32 @p0 $0x1FC5;
	[bflag:$0x0] =	sbarrier.arrive $0xFFFF  }
0x54: {  	[hbm:s20], [sflag:s23] =	dma.local @p0 [spmem:s11], $0x2180  }
0x55: {  	s23 =	simm.s32 @p0 $0x5  }
0x56: {  	s22 =	sadd.s32 $0x1, s22;
	_ =	swait.ge @p0 [sflag:s23], $0x2180  }
0x57: {  	p1 =	sne.s32 s22, s8;
	[sflag:s23] =	ssyncset.done @p0 $0x0  }
.Ltmp1:
0x58: {  	[sflag:s23] =	ssyncadd.s32 @p0 $0xFFFFDE80;
	s23 =	simm.s32 @!p0 $0x5;
	(pc) =	sbr.rel @p1 .LBB2_1-.Ltmp1, $4  }
0x59: {  	[hbm:s21], [sflag:s12] =	dma.local @!p0 [spmem:s13], $0x2780  }
0x5a: {  	_ =	swait.ge @!p0 [sflag:s23], $0x2780  }
0x5b: {  	[sflag:s23] =	ssyncset.done @!p0 $0x0  }
0x5c: {  	[sflag:s23] =	ssyncadd.s32 @!p0 $0xFFFFD880  }
0x5d: {  	_ =	sfence.sel $0x180000  }
0x5e: {  	[bflag:$0x0] =	sbarrier.arrive $0xFFFF  }
0x5f: {  	p0 =	sne.s32 s1, $0x0;
	_ =	strace $0x90000047  }
0x60: {  	s0 =	sadd.s32 @!p0 $0x100000, s0;
	[bflag:$0x2] =	sbarrier.arrive $0xFFFF  }
0x61: {  	[sflag:s0] =	ssyncadd.tile.s32 @!p0 $0x1;
	_ =	shalt  }
.Lfunc_end2:
_tile_overlayer_lowered:
.L_overlay_start_2:
0x62: {  	(tag) =	ssettag $0x2  }
0x63: {  	s0 =	rddreg [dreg:$0x0];
	s2 =	stileid.u32  }
0x64: {  	s1 =	rddreg [dreg:$0x1];
	p0 =	sne.s32 s2, $0x0  }
0x65: {  	s3 =	rddreg [dreg:$0x2];
	[bflag:$0x3] =	sbarrier.arrive $0xFFFF;
	s2 =	simm.s32 @!p0 $0x1C05  }
0x66: {  	[timem:s3], [sflag:s2] =	dma.local @!p0 [hbm:s0], s1  }
0x67: {  	s0 =	simm.s32 @!p0 $0x5  }
0x68: {  	_ =	swait.ge @!p0 [sflag:s0], s1  }
0x69: {  	s1 =	ssub.s32 @!p0 $0x0, s1;
	[sflag:s0] =	ssyncset.done @!p0 $0x0  }
0x6a: {  	[sflag:s0] =	ssyncadd.s32 @!p0 s1  }
0x6b: {  	[bflag:$0x3] =	sbarrier.arrive $0xFFFF  }
0x6c: {  	_ =	shalt  }

// kernel: kernel.21.cloned.1.call-start
scs
__scs_entry_jumppad:
0x0: {  	(pc) =	sbr.rel $0x88, $3  }
0x1: {  	(tag) =	ssettag $0x0;
	lr =	simm.s32 $0x1  }
0x2: {  	[smem:$0x3F91] =	sst lr;
	_ =	strace $0xD0000000  }
0x3: {  	_ = 	snop  }
0x4: {  	_ = 	snop  }
0x5: {  	_ = 	snop  }
0x6: {  	_ = 	snop  }
0x7: {  	_ = 	snop  }
__scs_overlays_trampoline_lowered:
0x8: {  	[smem:$0x3FA0] =	sst s0  }
0x9: {  	[smem:$0x3FA1] =	sst s1  }
0xa: {  	[smem:$0x3FA2] =	sst s2  }
0xb: {  	[smem:$0x3FA3] =	sst s3  }
0xc: {  	[smem:$0x3FA4] =	sst s4  }
0xd: {  	[smem:$0x3FA5] =	sst s5  }
0xe: {  	[smem:$0x3FA6] =	sst s6  }
0xf: {  	[smem:$0x3FA7] =	sst s7  }
0x10: {  	[smem:$0x3FA8] =	sst s8  }
0x11: {  	[smem:$0x3FA9] =	sst s9;
	s0 =	simm.s32 @!p0 $0x0  }
0x12: {  	s1 =	sld [smem:$0x3F8F];
	s0 =	simm.s32 @p0 $0x1  }
0x13: {  	[smem:$0x3FAA] =	sst s0;
	s0 =	simm.s32 @!p1 $0x0  }
0x14: {  	s2 =	sld [smem:$0x3F8E];
	s0 =	simm.s32 @p1 $0x1  }
0x15: {  	[smem:$0x3FAB] =	sst s0;
	s0 =	simm.s32 @!p2 $0x0  }
0x16: {  	s3 =	sld [smem:$0x3FDB];
	s0 =	simm.s32 @p2 $0x1  }
0x17: {  	s4 =	simm.s32 $0x1BF5;
	[smem:$0x3FAD] =	sst s0  }
0x18: {  	s0 =	sld [smem:$0x3F90];
	_ =	swait.ge [sflag:s4], $0x0  }
0x19: {  	s7 =	sld [smem:$0x3F91]  }
0x1a: {  	s8 =	sadd.s32 $0xFFFFE003, lr  }
0x1b: {  	s9 =	sadd.s32 $0xFFFFFEF7, lr;
	s5 =	simm.s32 $0xFFFFFFFF;
	p2 =	slt.u32 s8, $0xFFFFF086  }
0x1c: {  	p1 =	slt.u32 s9, $0xF7A;
	s5 =	simm.s32 @!p2 $0x0  }
0x1d: {  	s5 =	simm.s32 @p1 $0x1;
	p0 =	seq.s32 s7, s2  }
0x1e: {  	s7 =	smul.u32 @!p0 $0xF7A, s2;
	p2 =	seq.s32 @!p0 s5, $0x0  }
0x1f: {  	s9 =	smul.u32 $0xF7A, s1;
	s8 =	simm.s32 @!p0 $0x1BF5;
	p2 =	por !p2, p0  }
0x20: {  	[sflag:s8] =	ssyncset.s32 @!p0 $0xFFFFF086;
	s6 =	sadd.s32 @!p0 s3, s7;
	s7 =	simm.s32 @!p0 $0x108  }
0x21: {  	s3 =	sadd.s32 s3, s9;
	s6 =	sadd.s32 @!p0 $0x88, s6;
	s7 =	simm.s32 @p2 $0x1082  }
0x22: {  	[simem:s7], [sflag:s8] =	dma.local @!p0 [hbm:s6], $0xF7A  }
0x23: {  	s9 =	sor.u32 $0xD0000000, s2;
	s6 =	simm.s32 $0x108;
	_ =	swait.ge @!p0 [sflag:s8], $0x0  }
0x24: {  	s3 =	sadd.s32 $0x88, s3;
	s6 =	simm.s32 @!p1 $0x1082;
	[sflag:s4] =	ssyncset.s32 $0xFFFFF086  }
0x25: {  	[simem:s6], [sflag:s4] =	dma.local [hbm:s3], $0xF7A  }
0x26: {  	[smem:$0x3F91] =	sst s1;
	(tag) =	ssettag s2;
	_ =	strace s9  }
0x27: {  	s1 =	sld [smem:$0x3FA1]  }
0x28: {  	s2 =	sld [smem:$0x3FA2]  }
0x29: {  	s4 =	sld [smem:$0x3FA4]  }
0x2a: {  	p0 =	seq.s32 s5, $0x0;
	s5 =	sld [smem:$0x3FA5]  }
0x2b: {  	s6 =	sld [smem:$0x3FA6]  }
0x2c: {  	s7 =	sld [smem:$0x3FA7]  }
0x2d: {  	s3 =	simm.s32 $0x108;
	s8 =	sld [smem:$0x3FA8]  }
0x2e: {  	s3 =	simm.s32 @!p0 $0x1082;
	s9 =	sld [smem:$0x3FA9]  }
0x2f: {  	lr =	sadd.s32 s0, s3;
	s0 =	sld [smem:$0x3FA0]  }
0x30: {  	s3 =	sld [smem:$0x3FA3]  }
0x31: {  	[smem:$0x3FAC] =	sst s10  }
0x32: {  	s10 =	sld [smem:$0x3FAA];
	_ =	sdelay $0x3  }
0x33: {  	p0 =	seq.s32 s10, $0x1;
	s10 =	sld [smem:$0x3FAC];
	_ =	sdelay $0x3  }
0x34: {  	[smem:$0x3FAC] =	sst s10  }
0x35: {  	s10 =	sld [smem:$0x3FAB];
	_ =	sdelay $0x3  }
0x36: {  	p1 =	seq.s32 s10, $0x1;
	s10 =	sld [smem:$0x3FAC];
	_ =	sdelay $0x3  }
0x37: {  	[smem:$0x3FAC] =	sst s10  }
0x38: {  	s10 =	sld [smem:$0x3FAD]  }
0x39: {  	_ = 	snop;
	(pc) =	sbr.ind lr, $3  }
0x3a: {  	_ = 	snop  }
0x3b: {  	_ = 	snop  }
0x3c: {  	p2 =	seq.s32 s10, $0x1;
	s10 =	sld [smem:$0x3FAC]  }
0x3d: {  	_ =	shalt  }
0x3e: {  	_ =	shalt  }
0x3f: {  	_ =	shalt  }
0x40: {  	_ =	shalt  }
0x41: {  	_ =	shalt  }
0x42: {  	_ =	shalt  }
0x43: {  	_ =	shalt  }
0x44: {  	_ =	shalt  }
0x45: {  	_ =	shalt  }
0x46: {  	_ =	shalt  }
0x47: {  	_ =	shalt  }
0x48: {  	_ =	shalt  }
0x49: {  	_ =	shalt  }
0x4a: {  	_ =	shalt  }
0x4b: {  	_ =	shalt  }
0x4c: {  	_ =	shalt  }
0x4d: {  	_ =	shalt  }
0x4e: {  	_ =	shalt  }
0x4f: {  	_ =	shalt  }
0x50: {  	_ =	shalt  }
0x51: {  	_ =	shalt  }
0x52: {  	_ =	shalt  }
0x53: {  	_ =	shalt  }
0x54: {  	_ =	shalt  }
0x55: {  	_ =	shalt  }
0x56: {  	_ =	shalt  }
0x57: {  	_ =	shalt  }
0x58: {  	_ =	shalt  }
0x59: {  	_ =	shalt  }
0x5a: {  	_ =	shalt  }
0x5b: {  	_ =	shalt  }
0x5c: {  	_ =	shalt  }
0x5d: {  	_ =	shalt  }
0x5e: {  	_ =	shalt  }
0x5f: {  	_ =	shalt  }
0x60: {  	_ =	shalt  }
0x61: {  	_ =	shalt  }
0x62: {  	_ =	shalt  }
0x63: {  	_ =	shalt  }
0x64: {  	_ =	shalt  }
0x65: {  	_ =	shalt  }
0x66: {  	_ =	shalt  }
0x67: {  	_ =	shalt  }
0x68: {  	_ =	shalt  }
0x69: {  	_ =	shalt  }
0x6a: {  	_ =	shalt  }
0x6b: {  	_ =	shalt  }
0x6c: {  	_ =	shalt  }
0x6d: {  	_ =	shalt  }
0x6e: {  	_ =	shalt  }
0x6f: {  	_ =	shalt  }
0x70: {  	_ =	shalt  }
0x71: {  	_ =	shalt  }
0x72: {  	_ =	shalt  }
0x73: {  	_ =	shalt  }
0x74: {  	_ =	shalt  }
0x75: {  	_ =	shalt  }
0x76: {  	_ =	shalt  }
0x77: {  	_ =	shalt  }
0x78: {  	_ =	shalt  }
0x79: {  	_ =	shalt  }
0x7a: {  	_ =	shalt  }
0x7b: {  	_ =	shalt  }
0x7c: {  	_ =	shalt  }
0x7d: {  	_ =	shalt  }
0x7e: {  	_ =	shalt  }
0x7f: {  	_ =	shalt  }
0x80: {  	_ =	shalt  }
0x81: {  	_ =	shalt  }
0x82: {  	_ =	shalt  }
0x83: {  	_ =	shalt  }
0x84: {  	_ =	shalt  }
0x85: {  	_ =	shalt  }
0x86: {  	_ =	shalt  }
0x87: {  	_ =	shalt  }
.Lfunc_end0:
.L_simem_size_0:
called_computation.1_lowered:
.L_overlay_start_0:
0x88: {  	s2 =	sld [smem:$0x3FD9]  }
0x89: {  	s3 =	sld [smem:$0x3FFE];
	_ =	sdelay $0x1  }
0x8a: {  	s1 =	srdreg.scid  }
0x8b: {  	s0 =	sand.u32 $0x1, s1  }
0x8c: {  	s17 =	sshll.u32 s0, $0xA;
	s2 =	sadd.s32 s3, s2  }
0x8d: {  	s2 =	sadd.s32 s2, s17  }
0x8e: {  	[smem:$0x3FB8] =	sst s2  }
0x8f: {  	_ = 	snop  }
0x90: {  	s2 =	sld [smem:$0x3FD0];
	(tm) =	ssettm $0x1  }
0x91: {  	s18 =	sld [smem:$0x3FFB];
	_ =	sdelay $0x3  }
0x92: {  	_ =	strace s18  }
0x93: {  	s3 =	sld [smem:$0x3FFC];
	_ =	sdelay $0x3  }
0x94: {  	_ =	strace s3  }
0x95: {  	s3 =	sld [smem:$0x3FFD];
	_ =	sdelay $0x3  }
0x96: {  	_ =	strace s3  }
0x97: {  	_ =	strace $0x8FFFFFFF  }
0x98: {  	s19 =	sld [smem:$0x3FDB];
	_ =	sdelay $0x1  }
0x99: {  	s4 =	simm.s32 $_scs_section_size  }
0x9a: {  	s5 =	simm.s32 $_size__tile_overlayer_lowered;
	s6 =	simm.s32 $_tile_overlayer_lowered  }
0x9b: {  	s22 =	simm.s32 $0x1BFF;
	s21 =	sshll.u32 s6, $0x1;
	s3 =	sadd.s32 s4, s19  }
0x9c: {  	s7 =	simm.s32 $0x0;
	s20 =	sshll.u32 s5, $0x1;
	s5 =	sadd.s32 s21, s3  }
0x9d: {  	[timem:s7], [sflag:s22] =	dma.local [hbm:s5], s20  }
0x9e: {  	_ =	swait.ge [sflag:s22], s20  }
0x9f: {  	s4 =	ssub.s32 $0x0, s20;
	[sflag:s22] =	ssyncset.done $0x0  }
0xa0: {  	[sflag:s22] =	ssyncadd.s32 s4;
	_ =	sdelay $0x1  }
0xa1: {  	s23 =	simm.s32 $0x1B8B  }
0xa2: {  	_ =	swait.ge [sflag:s23], $0x1  }
0xa3: {  	[sflag:s23] =	ssyncset.done $0x0  }
0xa4: {  	s25 =	simm.s32 $0x1B8E;
	s24 =	sld [smem:$0x3FFE];
	[sflag:s23] =	ssyncadd.s32 $0xFFFFFFFF  }
0xa5: {  	s26 =	simm.s32 $execute0_lowered;
	[smem:$0x3FD2] =	sst s25  }
0xa6: {  	s5 =	sshll.u32 s26, $0x1;
	_ =	strace $0x80000049;
	[dreg:$0x1] =	wrdreg $0xFFFFFFFF  }
0xa7: {  	s28 =	simm.s32 $_size_execute0_lowered;
	s3 =	sadd.s32 s3, s5;
	[dreg:$0x0] =	wrdreg $0x0  }
0xa8: {  	s5 =	sshll.u32 s28, $0x1;
	[dreg:$0x2] =	wrdreg s3  }
0xa9: {  	[dreg:$0x3] =	wrdreg s5  }
0xaa: {  	[dreg:$0x4] =	wrdreg $0xC0  }
0xab: {  	_ =	task [dreg:s7], $0x5FFFF  }
0xac: {  	[dreg:$0x1] =	wrdreg $0xFFFFFFFF  }
0xad: {  	[dreg:$0x0] =	wrdreg $0x60  }
0xae: {  	[dreg:$0x2] =	wrdreg s24  }
0xaf: {  	[dreg:$0x3] =	wrdreg s2  }
0xb0: {  	[dreg:$0x4] =	wrdreg $0xA9000  }
0xb1: {  	[dreg:$0x5] =	wrdreg $0x9  }
0xb2: {  	_ =	task.clear_ibuf [dreg:s7], $0x6FFFF;
	_ =	strace $0x90000049  }
0xb3: {  	s29 =	simm.s32 $0x9;
	_ =	strace $0x8000004B  }
0xb4: {  	_ =	swait.ge [sflag:s29], $0x1  }
0xb5: {  	[sflag:s29] =	ssyncadd.s32 $0xFFFFFFFF  }
0xb6: {  	_ =	strace $0x9000004B  }
0xb7: {  	_ =	sfence  }
0xb8: {  	s30 =	sld [smem:$0x0];
	_ =	sdelay $0x2  }
0xb9: {  	s31 =	sshll.u32 s1, $0xD;
	s1 =	sshrl.u32 s1, $0x2  }
0xba: {  	s3 =	sand.u32 $0x4000, s31;
	s1 =	sadd.s32 s1, s30  }
0xbb: {  	s0 =	sor.u32 s3, s0;
	s1 =	sshll.u32 s1, $0x11  }
0xbc: {  	s0 =	sor.u32 s1, s0  }
0xbd: {  	s0 =	sadd.s32 $0x8F2B, s0  }
0xbe: {  	[sflag:s0] =	ssyncadd.remote.s32 $0x1  }
0xbf: {  	_ =	sfence.sel $0xFFFF  }
0xc0: {  	[dreg:$0x0] =	wrdreg $0xFFFFFFFF;
	(pc) =	sbr.abs _section_cstart, $3  }
0xc1: {  	[dreg:$0x1] =	wrdreg $0xFFFFFFFF  }
0xc2: {  	_ =	task.clear_ibuf [dreg:s7], $0x2FFFF;
	_ =	strace $0x9FFFFFFF  }
0xc3: {  	(tm) =	ssettm $0x7FFFFFFF  }
tec
execute0_lowered:
.L_overlay_start_1:
0x0: {  	(tag) =	ssettag $0x1  }
0x1: {  	s1 =	rddreg [dreg:$0x0];
	s2 =	srdreg.scid  }
0x2: {  	s0 =	stileid.u32;
	s9 =	rddreg [dreg:$0x1];
	s17 =	simm.s32 $0x2800  }
0x3: {  	s18 =	simm.s32 $0xA800;
	s19 =	simm.s32 $0x6800;
	s21 =	simm.s32 $0xA880  }
0x4: {  	s22 =	simm.s32 $0x1;
	s23 =	simm.s32 $0x5;
	s24 =	simm.s32 $0x2  }
0x5: {  	s25 =	simm.s32 $0x6;
	s26 =	simm.s32 $0x3;
	s28 =	simm.s32 $0x4  }
0x6: {  	s29 =	simm.s32 $0x0;
	s6 =	sand.u32 $0x1, s2;
	s3 =	sshll.u32 s0, $0x1  }
0x7: {  	s2 =	rddreg [dreg:$0x2];
	s5 =	sadd.s32 $0x2E200, s1;
	s8 =	smul.u32 $0x4F000, s0  }
0x8: {  	p0 =	seq.s32 s0, $0xF;
	s4 =	sor.u32 s6, s3;
	s7 =	smul.u32 $0x27800, s6  }
0x9: {  	s3 =	simm.s32 $0x0;
	s6 =	ssub.s32 $0x2, s6;
	s10 =	smul.u32 $0x500, s4  }
0xa: {  	s16 =	sadd.s32 $0x128400, s2;
	[smem:$0x7FF] =	sst s3;
	s4 =	smul.u32 $0x2780, s0  }
0xb: {  	s13 =	sshrl.u32 s6, $0x1;
	s31 =	sshrl.u32 s8, $0x2;
	s8 =	sadd.s32 $0x2BA80, s1  }
0xc: {  	_ =	strace $0x8000004A;
	s14 =	sadd.s32 s7, s1;
	s13 =	ssub.s32 s6, s13  }
0xd: {  	s15 =	sadd.s32 s31, s2;
	s11 =	sadd.s32 s10, s1;
	s12 =	sadd.s32 s4, s1  }
0xe: {  	s9 =	sadd.s32 s9, s10;
	s10 =	sadd.s32 $0xAF200, s14;
	s1 =	sshll.u32 @!p0 s0, $0x6  }
0xf: {  	s15 =	sshrl.u32 @!p0 s15, $0x3;
	s6 =	sadd.s32 $0xA5200, s11;
	s7 =	sadd.s32 $0x6A00, s12  }
0x10: {  	s11 =	smax.u32 s13, $0x1;
	s12 =	simm.s32 $0x7;
	s13 =	sshrl.u32 @p0 s16, $0x3  }
0x11: {  	s14 =	sor.u32 @!p0 $0x1C07, s1;
	s16 =	simm.s32 $0x80;
	s20 =	sadd.s32 $0x10, s9  }
.LBB2_1:
0x12: {  	[tilespmem:s3], [sflag:$0x7] =	stream.linear.gather [hbm4b:s6+s3], $0x2800, $0x38;
	[tilespmem:$0x1E200] =	vst v63  }
0x13: {  	_ =	swait.ge [sflag:s12], $0x2800  }
0x14: {  	[sflag:s12] =	ssyncset.done $0x0  }
0x15: {  	s1 =	simm.s32 @p0 $0x1FC7;
	[sflag:s12] =	ssyncadd.s32 $0xFFFFD800  }
0x16: {  	[spmem:s13], [sflag:s1] =	dma.local @p0 [hbm:s8], $0x2180  }
0x17: {  	s1 =	simm.s32 @p0 $0x7  }
0x18: {  	_ =	swait.ge @p0 [sflag:s1], $0x2180  }
0x19: {  	[sflag:s1] =	ssyncset.done @p0 $0x0  }
0x1a: {  	[sflag:s1] =	ssyncadd.s32 @p0 $0xFFFFDE80;
	s1 =	simm.s32 @!p0 $0x7  }
0x1b: {  	[spmem:s15], [sflag:s14] =	dma.local @!p0 [hbm:s7], $0x2780  }
0x1c: {  	_ =	swait.ge @!p0 [sflag:s1], $0x2780  }
0x1d: {  	[sflag:s1] =	ssyncset.done @!p0 $0x0  }
0x1e: {  	[sflag:s1] =	ssyncadd.s32 @!p0 $0xFFFFD880  }
0x1f: {  	[bflag:$0x0] =	sbarrier.arrive $0xFFFF  }
0x20: {  	[tilespmem:s17], [sflag:$0x1] =	stream.indirect.gather [hbm4b:s5+s16], $0x80, s3, s16, $0xb8;
	[tilespmem:$0x1E200] =	vst v63  }
0x21: {  	_ = 	snop  }
0x22: {  	[tilespmem:s18], [sflag:$0x5] =	stream.linear.gather [hbm4b:s9+s3], $0x80, $0x38;
	[tilespmem:$0x1E200] =	vst v63  }
0x23: {  	_ = 	snop  }
0x24: {  	[tilespmem:s19], [sflag:$0x2] =	stream.indirect.gather [hbm4b:s5+s16], $0x80, s16, s16, $0xb8;
	[tilespmem:$0x1E200] =	vst v63  }
0x25: {  	_ = 	snop  }
0x26: {  	[tilespmem:s21], [sflag:$0x6] =	stream.linear.gather [hbm4b:s20+s3], $0x80, $0x38;
	[tilespmem:$0x1E200] =	vst v63  }
0x27: {  	_ =	swait.ge [sflag:s22], $0x4000  }
0x28: {  	[sflag:s22] =	ssyncset.done $0x0  }
0x29: {  	[sflag:s22] =	ssyncadd.s32 $0xFFFFC000  }
0x2a: {  	_ =	swait.ge [sflag:s23], $0x80  }
0x2b: {  	[sflag:s23] =	ssyncset.done $0x0  }
0x2c: {  	[sflag:s23] =	ssyncadd.s32 $0xFFFFFF80  }
0x2d: {  	[spmem:s2] =	stream.indirect.scatter.add.f32 [tilespmem:s17], [sflag:$0x3], $0x80, s18, s16, $0xb8;
	[tilespmem:$0x1E200] =	vst v63  }
0x2e: {  	_ =	swait.ge [sflag:s24], $0x4000  }
0x2f: {  	[sflag:s24] =	ssyncset.done $0x0  }
0x30: {  	[sflag:s24] =	ssyncadd.s32 $0xFFFFC000  }
0x31: {  	_ =	swait.ge [sflag:s25], $0x80  }
0x32: {  	[sflag:s25] =	ssyncset.done $0x0  }
0x33: {  	[sflag:s25] =	ssyncadd.s32 $0xFFFFFF80  }
0x34: {  	[spmem:s2] =	stream.indirect.scatter.add.f32 [tilespmem:s19], [sflag:$0x4], $0x80, s21, s16, $0xb8;
	[tilespmem:$0x1E200] =	vst v63  }
0x35: {  	_ =	swait.ge [sflag:s26], $0x4000  }
0x36: {  	[sflag:s26] =	ssyncset.done $0x0  }
0x37: {  	s0 =	simm.s32 $0x100;
	s31 =	sadd.s32 $0xFFFFFB20, s9;
	[sflag:s26] =	ssyncadd.s32 $0xFFFFC000  }
0x38: {  	[tilespmem:s17], [sflag:$0x1] =	stream.indirect.gather [hbm4b:s5+s16], $0x80, s0, s16, $0xb8;
	[tilespmem:$0x1E200] =	vst v63  }
0x39: {  	s0 =	sadd.s32 $0x500, s31  }
0x3a: {  	[tilespmem:s18], [sflag:$0x5] =	stream.linear.gather [hbm4b:s0+s3], $0x80, $0x38;
	[tilespmem:$0x1E200] =	vst v63  }
0x3b: {  	_ =	swait.ge [sflag:s28], $0x4000  }
0x3c: {  	s30 =	simm.s32 $0xFFFFFB40;
	s1 =	sadd.s32 $0x510, s31;
	[sflag:s28] =	ssyncset.done $0x0  }
0x3d: {  	s31 =	simm.s32 $0x200;
	s0 =	simm.s32 $0x180;
	[sflag:s28] =	ssyncadd.s32 $0xFFFFC000  }
0x3e: {  	[tilespmem:s19], [sflag:$0x2] =	stream.indirect.gather [hbm4b:s5+s16], $0x80, s0, s16, $0xb8;
	[tilespmem:$0x1E200] =	vst v63  }
.LBB2_2:
0x3f: {  	[tilespmem:s21], [sflag:$0x6] =	stream.linear.gather [hbm4b:s1+s3], $0x80, $0x38;
	[tilespmem:$0x1E200] =	vst v63  }
0x40: {  	s1 =	smov.u32 s30  }
0x41: {  	p1 =	sne.s32 s30, $0xFFFFFFE0;
	s30 =	sadd.s32 $0x20, s30;
	_ =	swait.ge [sflag:s22], $0x4000  }
0x42: {  	[sflag:s22] =	ssyncset.done $0x0  }
0x43: {  	[sflag:s22] =	ssyncadd.s32 $0xFFFFC000  }
0x44: {  	_ =	swait.ge [sflag:s23], $0x80  }
0x45: {  	[sflag:s23] =	ssyncset.done $0x0  }
0x46: {  	[sflag:s23] =	ssyncadd.s32 $0xFFFFFF80  }
0x47: {  	[spmem:s2] =	stream.indirect.scatter.add.f32 [tilespmem:s17], [sflag:$0x3], $0x80, s18, s16, $0xb8;
	[tilespmem:$0x1E200] =	vst v63  }
0x48: {  	_ =	swait.ge [sflag:s24], $0x4000  }
0x49: {  	[sflag:s24] =	ssyncset.done $0x0  }
0x4a: {  	[sflag:s24] =	ssyncadd.s32 $0xFFFFC000  }
0x4b: {  	_ =	swait.ge [sflag:s25], $0x80  }
0x4c: {  	[sflag:s25] =	ssyncset.done $0x0  }
0x4d: {  	[sflag:s25] =	ssyncadd.s32 $0xFFFFFF80  }
0x4e: {  	[spmem:s2] =	stream.indirect.scatter.add.f32 [tilespmem:s19], [sflag:$0x4], $0x80, s21, s16, $0xb8;
	[tilespmem:$0x1E200] =	vst v63  }
0x4f: {  	_ =	swait.ge [sflag:s26], $0x4000  }
0x50: {  	[sflag:s26] =	ssyncset.done $0x0  }
0x51: {  	s1 =	sadd.s32 s1, s9;
	[sflag:s26] =	ssyncadd.s32 $0xFFFFC000  }
0x52: {  	[tilespmem:s17], [sflag:$0x1] =	stream.indirect.gather [hbm4b:s5+s16], $0x80, s31, s16, $0xb8;
	[tilespmem:$0x1E200] =	vst v63  }
0x53: {  	s0 =	sadd.s32 $0x500, s1  }
0x54: {  	[tilespmem:s18], [sflag:$0x5] =	stream.linear.gather [hbm4b:s0+s3], $0x80, $0x38;
	[tilespmem:$0x1E200] =	vst v63  }
.Ltmp0:
0x55: {  	_ =	swait.ge [sflag:s28], $0x4000;
	(pc) =	sbr.rel @p1 .LBB2_2-.Ltmp0, $4  }
0x56: {  	[sflag:s28] =	ssyncset.done $0x0  }
0x57: {  	s0 =	sadd.s32 $0x80, s31;
	[sflag:s28] =	ssyncadd.s32 $0xFFFFC000  }
0x58: {  	[tilespmem:s19], [sflag:$0x2] =	stream.indirect.gather [hbm4b:s5+s16], $0x80, s0, s16, $0xb8;
	[tilespmem:$0x1E200] =	vst v63  }
0x59: {  	s1 =	sadd.s32 $0x510, s1;
	s31 =	sadd.s32 $0x100, s31  }
0x5a: {  	[tilespmem:s21], [sflag:$0x6] =	stream.linear.gather [hbm4b:s1+s3], $0x80, $0x38;
	[tilespmem:$0x1E200] =	vst v63  }
0x5b: {  	_ =	swait.ge [sflag:s22], $0x4000  }
0x5c: {  	[sflag:s22] =	ssyncset.done $0x0  }
0x5d: {  	[sflag:s22] =	ssyncadd.s32 $0xFFFFC000  }
0x5e: {  	_ =	swait.ge [sflag:s23], $0x80  }
0x5f: {  	[sflag:s23] =	ssyncset.done $0x0  }
0x60: {  	[sflag:s23] =	ssyncadd.s32 $0xFFFFFF80  }
0x61: {  	[spmem:s2] =	stream.indirect.scatter.add.f32 [tilespmem:s17], [sflag:$0x3], $0x80, s18, s16, $0xb8;
	[tilespmem:$0x1E200] =	vst v63  }
0x62: {  	_ =	swait.ge [sflag:s24], $0x4000  }
0x63: {  	[sflag:s24] =	ssyncset.done $0x0  }
0x64: {  	[sflag:s24] =	ssyncadd.s32 $0xFFFFC000  }
0x65: {  	_ =	swait.ge [sflag:s25], $0x80  }
0x66: {  	[sflag:s25] =	ssyncset.done $0x0  }
0x67: {  	[sflag:s25] =	ssyncadd.s32 $0xFFFFFF80  }
0x68: {  	[spmem:s2] =	stream.indirect.scatter.add.f32 [tilespmem:s19], [sflag:$0x4], $0x80, s21, s16, $0xb8;
	[tilespmem:$0x1E200] =	vst v63  }
0x69: {  	_ =	swait.ge [sflag:s26], $0x4000  }
0x6a: {  	[sflag:s26] =	ssyncset.done $0x0  }
0x6b: {  	[sflag:s26] =	ssyncadd.s32 $0xFFFFC000  }
0x6c: {  	_ =	swait.ge [sflag:s28], $0x4000  }
0x6d: {  	[sflag:s28] =	ssyncset.done $0x0  }
0x6e: {  	[sflag:s28] =	ssyncadd.s32 $0xFFFFC000  }
0x6f: {  	s0 =	sadd.s32 @p0 $0x25080, s10;
	s1 =	simm.s32 @p0 $0x1FC7;
	[bflag:$0x0] =	sbarrier.arrive $0xFFFF  }
0x70: {  	[hbm:s0], [sflag:s1] =	dma.local @p0 [spmem:s13], $0x2180  }
0x71: {  	s0 =	simm.s32 @p0 $0x7  }
0x72: {  	_ =	swait.ge @p0 [sflag:s0], $0x2180  }
0x73: {  	s29 =	sadd.s32 $0x1, s29;
	[sflag:s0] =	ssyncset.done @p0 $0x0  }
0x74: {  	p1 =	sne.s32 s29, s11;
	[sflag:s0] =	ssyncadd.s32 @p0 $0xFFFFDE80;
	s0 =	sadd.s32 @!p0 s4, s10  }
0x75: {  	[hbm:s0], [sflag:s14] =	dma.local @!p0 [spmem:s15], $0x2780  }
.Ltmp1:
0x76: {  	_ = 	snop;
	(pc) =	sbr.rel @p1 .LBB2_1-.Ltmp1, $4  }
0x77: {  	s0 =	simm.s32 @!p0 $0x7  }
0x78: {  	_ =	swait.ge @!p0 [sflag:s0], $0x2780  }
0x79: {  	[sflag:s0] =	ssyncset.done @!p0 $0x0  }
0x7a: {  	[sflag:s0] =	ssyncadd.s32 @!p0 $0xFFFFD880  }
0x7b: {  	_ =	sfence.sel $0x180000  }
0x7c: {  	[bflag:$0x0] =	sbarrier.arrive $0xFFFF  }
0x7d: {  	_ =	strace $0x9000004A  }
0x7e: {  	s0 =	stileid.u32;
	[bflag:$0x2] =	sbarrier.arrive $0xFFFF  }
0x7f: {  	p0 =	sne.s32 s0, $0x0;
	s0 =	rddreg [dreg:$0x3]  }
0x80: {  	s0 =	sadd.s32 @!p0 $0x100000, s0  }
0x81: {  	[sflag:s0] =	ssyncadd.tile.s32 @!p0 $0x1;
	_ =	shalt  }
.Lfunc_end2:
_tile_overlayer_lowered:
.L_overlay_start_2:
0x82: {  	(tag) =	ssettag $0x2  }
0x83: {  	s0 =	rddreg [dreg:$0x0];
	s2 =	stileid.u32  }
0x84: {  	s1 =	rddreg [dreg:$0x1];
	p0 =	sne.s32 s2, $0x0  }
0x85: {  	s3 =	rddreg [dreg:$0x2];
	[bflag:$0x3] =	sbarrier.arrive $0xFFFF;
	s2 =	simm.s32 @!p0 $0x1C07  }
0x86: {  	[timem:s3], [sflag:s2] =	dma.local @!p0 [hbm:s0], s1  }
0x87: {  	s0 =	simm.s32 @!p0 $0x7  }
0x88: {  	_ =	swait.ge @!p0 [sflag:s0], s1  }
0x89: {  	s1 =	ssub.s32 @!p0 $0x0, s1;
	[sflag:s0] =	ssyncset.done @!p0 $0x0  }
0x8a: {  	[sflag:s0] =	ssyncadd.s32 @!p0 s1  }
0x8b: {  	[bflag:$0x3] =	sbarrier.arrive $0xFFFF  }
0x8c: {  	_ =	shalt  }

// kernel: kernel.24.cloned.1.call-start
scs
__scs_entry_jumppad:
0x0: {  	(pc) =	sbr.rel $0x88, $3  }
0x1: {  	(tag) =	ssettag $0x0;
	lr =	simm.s32 $0x1  }
0x2: {  	[smem:$0x3F91] =	sst lr;
	_ =	strace $0xD0000000  }
0x3: {  	_ = 	snop  }
0x4: {  	_ = 	snop  }
0x5: {  	_ = 	snop  }
0x6: {  	_ = 	snop  }
0x7: {  	_ = 	snop  }
__scs_overlays_trampoline_lowered:
0x8: {  	[smem:$0x3FA0] =	sst s0  }
0x9: {  	[smem:$0x3FA1] =	sst s1  }
0xa: {  	[smem:$0x3FA2] =	sst s2  }
0xb: {  	[smem:$0x3FA3] =	sst s3  }
0xc: {  	[smem:$0x3FA4] =	sst s4  }
0xd: {  	[smem:$0x3FA5] =	sst s5  }
0xe: {  	[smem:$0x3FA6] =	sst s6  }
0xf: {  	[smem:$0x3FA7] =	sst s7  }
0x10: {  	[smem:$0x3FA8] =	sst s8  }
0x11: {  	[smem:$0x3FA9] =	sst s9;
	s0 =	simm.s32 @!p0 $0x0  }
0x12: {  	s1 =	sld [smem:$0x3F8F];
	s0 =	simm.s32 @p0 $0x1  }
0x13: {  	[smem:$0x3FAA] =	sst s0;
	s0 =	simm.s32 @!p1 $0x0  }
0x14: {  	s2 =	sld [smem:$0x3F8E];
	s0 =	simm.s32 @p1 $0x1  }
0x15: {  	[smem:$0x3FAB] =	sst s0;
	s0 =	simm.s32 @!p2 $0x0  }
0x16: {  	s3 =	sld [smem:$0x3FDB];
	s0 =	simm.s32 @p2 $0x1  }
0x17: {  	s4 =	simm.s32 $0x1BF5;
	[smem:$0x3FAD] =	sst s0  }
0x18: {  	s0 =	sld [smem:$0x3F90];
	_ =	swait.ge [sflag:s4], $0x0  }
0x19: {  	s7 =	sld [smem:$0x3F91]  }
0x1a: {  	s8 =	sadd.s32 $0xFFFFE003, lr  }
0x1b: {  	s9 =	sadd.s32 $0xFFFFFEF7, lr;
	s5 =	simm.s32 $0xFFFFFFFF;
	p2 =	slt.u32 s8, $0xFFFFF086  }
0x1c: {  	p1 =	slt.u32 s9, $0xF7A;
	s5 =	simm.s32 @!p2 $0x0  }
0x1d: {  	s5 =	simm.s32 @p1 $0x1;
	p0 =	seq.s32 s7, s2  }
0x1e: {  	s7 =	smul.u32 @!p0 $0xF7A, s2;
	p2 =	seq.s32 @!p0 s5, $0x0  }
0x1f: {  	s9 =	smul.u32 $0xF7A, s1;
	s8 =	simm.s32 @!p0 $0x1BF5;
	p2 =	por !p2, p0  }
0x20: {  	[sflag:s8] =	ssyncset.s32 @!p0 $0xFFFFF086;
	s6 =	sadd.s32 @!p0 s3, s7;
	s7 =	simm.s32 @!p0 $0x108  }
0x21: {  	s3 =	sadd.s32 s3, s9;
	s6 =	sadd.s32 @!p0 $0x88, s6;
	s7 =	simm.s32 @p2 $0x1082  }
0x22: {  	[simem:s7], [sflag:s8] =	dma.local @!p0 [hbm:s6], $0xF7A  }
0x23: {  	s9 =	sor.u32 $0xD0000000, s2;
	s6 =	simm.s32 $0x108;
	_ =	swait.ge @!p0 [sflag:s8], $0x0  }
0x24: {  	s3 =	sadd.s32 $0x88, s3;
	s6 =	simm.s32 @!p1 $0x1082;
	[sflag:s4] =	ssyncset.s32 $0xFFFFF086  }
0x25: {  	[simem:s6], [sflag:s4] =	dma.local [hbm:s3], $0xF7A  }
0x26: {  	[smem:$0x3F91] =	sst s1;
	(tag) =	ssettag s2;
	_ =	strace s9  }
0x27: {  	s1 =	sld [smem:$0x3FA1]  }
0x28: {  	s2 =	sld [smem:$0x3FA2]  }
0x29: {  	s4 =	sld [smem:$0x3FA4]  }
0x2a: {  	p0 =	seq.s32 s5, $0x0;
	s5 =	sld [smem:$0x3FA5]  }
0x2b: {  	s6 =	sld [smem:$0x3FA6]  }
0x2c: {  	s7 =	sld [smem:$0x3FA7]  }
0x2d: {  	s3 =	simm.s32 $0x108;
	s8 =	sld [smem:$0x3FA8]  }
0x2e: {  	s3 =	simm.s32 @!p0 $0x1082;
	s9 =	sld [smem:$0x3FA9]  }
0x2f: {  	lr =	sadd.s32 s0, s3;
	s0 =	sld [smem:$0x3FA0]  }
0x30: {  	s3 =	sld [smem:$0x3FA3]  }
0x31: {  	[smem:$0x3FAC] =	sst s10  }
0x32: {  	s10 =	sld [smem:$0x3FAA];
	_ =	sdelay $0x3  }
0x33: {  	p0 =	seq.s32 s10, $0x1;
	s10 =	sld [smem:$0x3FAC];
	_ =	sdelay $0x3  }
0x34: {  	[smem:$0x3FAC] =	sst s10  }
0x35: {  	s10 =	sld [smem:$0x3FAB];
	_ =	sdelay $0x3  }
0x36: {  	p1 =	seq.s32 s10, $0x1;
	s10 =	sld [smem:$0x3FAC];
	_ =	sdelay $0x3  }
0x37: {  	[smem:$0x3FAC] =	sst s10  }
0x38: {  	s10 =	sld [smem:$0x3FAD]  }
0x39: {  	_ = 	snop;
	(pc) =	sbr.ind lr, $3  }
0x3a: {  	_ = 	snop  }
0x3b: {  	_ = 	snop  }
0x3c: {  	p2 =	seq.s32 s10, $0x1;
	s10 =	sld [smem:$0x3FAC]  }
0x3d: {  	_ =	shalt  }
0x3e: {  	_ =	shalt  }
0x3f: {  	_ =	shalt  }
0x40: {  	_ =	shalt  }
0x41: {  	_ =	shalt  }
0x42: {  	_ =	shalt  }
0x43: {  	_ =	shalt  }
0x44: {  	_ =	shalt  }
0x45: {  	_ =	shalt  }
0x46: {  	_ =	shalt  }
0x47: {  	_ =	shalt  }
0x48: {  	_ =	shalt  }
0x49: {  	_ =	shalt  }
0x4a: {  	_ =	shalt  }
0x4b: {  	_ =	shalt  }
0x4c: {  	_ =	shalt  }
0x4d: {  	_ =	shalt  }
0x4e: {  	_ =	shalt  }
0x4f: {  	_ =	shalt  }
0x50: {  	_ =	shalt  }
0x51: {  	_ =	shalt  }
0x52: {  	_ =	shalt  }
0x53: {  	_ =	shalt  }
0x54: {  	_ =	shalt  }
0x55: {  	_ =	shalt  }
0x56: {  	_ =	shalt  }
0x57: {  	_ =	shalt  }
0x58: {  	_ =	shalt  }
0x59: {  	_ =	shalt  }
0x5a: {  	_ =	shalt  }
0x5b: {  	_ =	shalt  }
0x5c: {  	_ =	shalt  }
0x5d: {  	_ =	shalt  }
0x5e: {  	_ =	shalt  }
0x5f: {  	_ =	shalt  }
0x60: {  	_ =	shalt  }
0x61: {  	_ =	shalt  }
0x62: {  	_ =	shalt  }
0x63: {  	_ =	shalt  }
0x64: {  	_ =	shalt  }
0x65: {  	_ =	shalt  }
0x66: {  	_ =	shalt  }
0x67: {  	_ =	shalt  }
0x68: {  	_ =	shalt  }
0x69: {  	_ =	shalt  }
0x6a: {  	_ =	shalt  }
0x6b: {  	_ =	shalt  }
0x6c: {  	_ =	shalt  }
0x6d: {  	_ =	shalt  }
0x6e: {  	_ =	shalt  }
0x6f: {  	_ =	shalt  }
0x70: {  	_ =	shalt  }
0x71: {  	_ =	shalt  }
0x72: {  	_ =	shalt  }
0x73: {  	_ =	shalt  }
0x74: {  	_ =	shalt  }
0x75: {  	_ =	shalt  }
0x76: {  	_ =	shalt  }
0x77: {  	_ =	shalt  }
0x78: {  	_ =	shalt  }
0x79: {  	_ =	shalt  }
0x7a: {  	_ =	shalt  }
0x7b: {  	_ =	shalt  }
0x7c: {  	_ =	shalt  }
0x7d: {  	_ =	shalt  }
0x7e: {  	_ =	shalt  }
0x7f: {  	_ =	shalt  }
0x80: {  	_ =	shalt  }
0x81: {  	_ =	shalt  }
0x82: {  	_ =	shalt  }
0x83: {  	_ =	shalt  }
0x84: {  	_ =	shalt  }
0x85: {  	_ =	shalt  }
0x86: {  	_ =	shalt  }
0x87: {  	_ =	shalt  }
.Lfunc_end0:
.L_simem_size_0:
called_computation.2_lowered:
.L_overlay_start_0:
0x88: {  	s2 =	sld [smem:$0x3FD9]  }
0x89: {  	s3 =	sld [smem:$0x3FFE];
	_ =	sdelay $0x1  }
0x8a: {  	s1 =	srdreg.scid  }
0x8b: {  	s0 =	sand.u32 $0x1, s1  }
0x8c: {  	s17 =	sshll.u32 s0, $0xA;
	s2 =	sadd.s32 s3, s2  }
0x8d: {  	s2 =	sadd.s32 s2, s17  }
0x8e: {  	[smem:$0x3FB8] =	sst s2  }
0x8f: {  	_ = 	snop  }
0x90: {  	s2 =	sld [smem:$0x3FD0];
	(tm) =	ssettm $0x1  }
0x91: {  	s18 =	sld [smem:$0x3FFB];
	_ =	sdelay $0x3  }
0x92: {  	_ =	strace s18  }
0x93: {  	s3 =	sld [smem:$0x3FFC];
	_ =	sdelay $0x3  }
0x94: {  	_ =	strace s3  }
0x95: {  	s3 =	sld [smem:$0x3FFD];
	_ =	sdelay $0x3  }
0x96: {  	_ =	strace s3  }
0x97: {  	_ =	strace $0x8FFFFFFF  }
0x98: {  	s19 =	sld [smem:$0x3FDB];
	_ =	sdelay $0x1  }
0x99: {  	s4 =	simm.s32 $_scs_section_size  }
0x9a: {  	s5 =	simm.s32 $_size__tile_overlayer_lowered;
	s6 =	simm.s32 $_tile_overlayer_lowered  }
0x9b: {  	s22 =	simm.s32 $0x1BFF;
	s21 =	sshll.u32 s6, $0x1;
	s3 =	sadd.s32 s4, s19  }
0x9c: {  	s7 =	simm.s32 $0x0;
	s20 =	sshll.u32 s5, $0x1;
	s5 =	sadd.s32 s21, s3  }
0x9d: {  	[timem:s7], [sflag:s22] =	dma.local [hbm:s5], s20  }
0x9e: {  	_ =	swait.ge [sflag:s22], s20  }
0x9f: {  	s4 =	ssub.s32 $0x0, s20;
	[sflag:s22] =	ssyncset.done $0x0  }
0xa0: {  	[sflag:s22] =	ssyncadd.s32 s4;
	_ =	sdelay $0x1  }
0xa1: {  	s23 =	simm.s32 $0x1B8B  }
0xa2: {  	_ =	swait.ge [sflag:s23], $0x1  }
0xa3: {  	[sflag:s23] =	ssyncset.done $0x0  }
0xa4: {  	s25 =	simm.s32 $0x1B8E;
	s24 =	sld [smem:$0x3FFE];
	[sflag:s23] =	ssyncadd.s32 $0xFFFFFFFF  }
0xa5: {  	s26 =	simm.s32 $execute0_lowered;
	[smem:$0x3FD2] =	sst s25  }
0xa6: {  	s5 =	sshll.u32 s26, $0x1;
	_ =	strace $0x8000004C;
	[dreg:$0x1] =	wrdreg $0xFFFFFFFF  }
0xa7: {  	s28 =	simm.s32 $_size_execute0_lowered;
	s3 =	sadd.s32 s3, s5;
	[dreg:$0x0] =	wrdreg $0x0  }
0xa8: {  	s5 =	sshll.u32 s28, $0x1;
	[dreg:$0x2] =	wrdreg s3  }
0xa9: {  	[dreg:$0x3] =	wrdreg s5  }
0xaa: {  	[dreg:$0x4] =	wrdreg $0xC0  }
0xab: {  	_ =	task [dreg:s7], $0x5FFFF  }
0xac: {  	[dreg:$0x1] =	wrdreg $0xFFFFFFFF  }
0xad: {  	[dreg:$0x0] =	wrdreg $0x60  }
0xae: {  	[dreg:$0x2] =	wrdreg s24  }
0xaf: {  	[dreg:$0x3] =	wrdreg s2  }
0xb0: {  	[dreg:$0x4] =	wrdreg $0xA9000  }
0xb1: {  	[dreg:$0x5] =	wrdreg $0x9  }
0xb2: {  	_ =	task.clear_ibuf [dreg:s7], $0x6FFFF;
	_ =	strace $0x9000004C  }
0xb3: {  	s29 =	simm.s32 $0x9;
	_ =	strace $0x8000004E  }
0xb4: {  	_ =	swait.ge [sflag:s29], $0x1  }
0xb5: {  	[sflag:s29] =	ssyncadd.s32 $0xFFFFFFFF  }
0xb6: {  	_ =	strace $0x9000004E  }
0xb7: {  	_ =	sfence  }
0xb8: {  	s30 =	sld [smem:$0x0];
	_ =	sdelay $0x2  }
0xb9: {  	s31 =	sshll.u32 s1, $0xD;
	s1 =	sshrl.u32 s1, $0x2  }
0xba: {  	s3 =	sand.u32 $0x4000, s31;
	s1 =	sadd.s32 s1, s30  }
0xbb: {  	s0 =	sor.u32 s3, s0;
	s1 =	sshll.u32 s1, $0x11  }
0xbc: {  	s0 =	sor.u32 s1, s0  }
0xbd: {  	s0 =	sadd.s32 $0x8F2B, s0  }
0xbe: {  	[sflag:s0] =	ssyncadd.remote.s32 $0x1  }
0xbf: {  	_ =	sfence.sel $0xFFFF  }
0xc0: {  	[dreg:$0x0] =	wrdreg $0xFFFFFFFF;
	(pc) =	sbr.abs _section_cstart, $3  }
0xc1: {  	[dreg:$0x1] =	wrdreg $0xFFFFFFFF  }
0xc2: {  	_ =	task.clear_ibuf [dreg:s7], $0x2FFFF;
	_ =	strace $0x9FFFFFFF  }
0xc3: {  	(tm) =	ssettm $0x7FFFFFFF  }
tec
execute0_lowered:
.L_overlay_start_1:
0x0: {  	(tag) =	ssettag $0x1  }
0x1: {  	s1 =	rddreg [dreg:$0x0];
	s2 =	srdreg.scid  }
0x2: {  	s0 =	stileid.u32;
	s9 =	rddreg [dreg:$0x1];
	s17 =	simm.s32 $0x2800  }
0x3: {  	s18 =	simm.s32 $0xA800;
	s19 =	simm.s32 $0x6800;
	s21 =	simm.s32 $0xA880  }
0x4: {  	s22 =	simm.s32 $0x1;
	s23 =	simm.s32 $0x5;
	s24 =	simm.s32 $0x2  }
0x5: {  	s25 =	simm.s32 $0x6;
	s26 =	simm.s32 $0x3;
	s28 =	simm.s32 $0x4  }
0x6: {  	s29 =	simm.s32 $0x0;
	s6 =	sand.u32 $0x1, s2;
	s3 =	sshll.u32 s0, $0x1  }
0x7: {  	s2 =	rddreg [dreg:$0x2];
	s5 =	sadd.s32 $0x2E200, s1;
	s8 =	smul.u32 $0x4F000, s0  }
0x8: {  	p0 =	seq.s32 s0, $0xF;
	s4 =	sor.u32 s6, s3;
	s7 =	smul.u32 $0x27800, s6  }
0x9: {  	s3 =	simm.s32 $0x0;
	s6 =	ssub.s32 $0x2, s6;
	s10 =	smul.u32 $0x500, s4  }
0xa: {  	s16 =	sadd.s32 $0x128400, s2;
	[smem:$0x7FF] =	sst s3;
	s4 =	smul.u32 $0x2780, s0  }
0xb: {  	s13 =	sshrl.u32 s6, $0x1;
	s31 =	sshrl.u32 s8, $0x2;
	s8 =	sadd.s32 $0x2BA80, s1  }
0xc: {  	_ =	strace $0x8000004D;
	s14 =	sadd.s32 s7, s1;
	s13 =	ssub.s32 s6, s13  }
0xd: {  	s15 =	sadd.s32 s31, s2;
	s11 =	sadd.s32 s10, s1;
	s12 =	sadd.s32 s4, s1  }
0xe: {  	s9 =	sadd.s32 s9, s10;
	s10 =	sadd.s32 $0xAF200, s14;
	s1 =	sshll.u32 @!p0 s0, $0x6  }
0xf: {  	s15 =	sshrl.u32 @!p0 s15, $0x3;
	s6 =	sadd.s32 $0xA5200, s11;
	s7 =	sadd.s32 $0x6A00, s12  }
0x10: {  	s11 =	smax.u32 s13, $0x1;
	s12 =	simm.s32 $0x7;
	s13 =	sshrl.u32 @p0 s16, $0x3  }
0x11: {  	s14 =	sor.u32 @!p0 $0x1C07, s1;
	s16 =	simm.s32 $0x80;
	s20 =	sadd.s32 $0x10, s9  }
.LBB2_1:
0x12: {  	[tilespmem:s3], [sflag:$0x7] =	stream.linear.gather [hbm4b:s6+s3], $0x2800, $0x38;
	[tilespmem:$0x1E200] =	vst v63  }
0x13: {  	_ =	swait.ge [sflag:s12], $0x2800  }
0x14: {  	[sflag:s12] =	ssyncset.done $0x0  }
0x15: {  	s1 =	simm.s32 @p0 $0x1FC7;
	[sflag:s12] =	ssyncadd.s32 $0xFFFFD800  }
0x16: {  	[spmem:s13], [sflag:s1] =	dma.local @p0 [hbm:s8], $0x2180  }
0x17: {  	s1 =	simm.s32 @p0 $0x7  }
0x18: {  	_ =	swait.ge @p0 [sflag:s1], $0x2180  }
0x19: {  	[sflag:s1] =	ssyncset.done @p0 $0x0  }
0x1a: {  	[sflag:s1] =	ssyncadd.s32 @p0 $0xFFFFDE80;
	s1 =	simm.s32 @!p0 $0x7  }
0x1b: {  	[spmem:s15], [sflag:s14] =	dma.local @!p0 [hbm:s7], $0x2780  }
0x1c: {  	_ =	swait.ge @!p0 [sflag:s1], $0x2780  }
0x1d: {  	[sflag:s1] =	ssyncset.done @!p0 $0x0  }
0x1e: {  	[sflag:s1] =	ssyncadd.s32 @!p0 $0xFFFFD880  }
0x1f: {  	[bflag:$0x0] =	sbarrier.arrive $0xFFFF  }
0x20: {  	[tilespmem:s17], [sflag:$0x1] =	stream.indirect.gather [hbm4b:s5+s16], $0x80, s3, s16, $0xb8;
	[tilespmem:$0x1E200] =	vst v63  }
0x21: {  	_ = 	snop  }
0x22: {  	[tilespmem:s18], [sflag:$0x5] =	stream.linear.gather [hbm4b:s9+s3], $0x80, $0x38;
	[tilespmem:$0x1E200] =	vst v63  }
0x23: {  	_ = 	snop  }
0x24: {  	[tilespmem:s19], [sflag:$0x2] =	stream.indirect.gather [hbm4b:s5+s16], $0x80, s16, s16, $0xb8;
	[tilespmem:$0x1E200] =	vst v63  }
0x25: {  	_ = 	snop  }
0x26: {  	[tilespmem:s21], [sflag:$0x6] =	stream.linear.gather [hbm4b:s20+s3], $0x80, $0x38;
	[tilespmem:$0x1E200] =	vst v63  }
0x27: {  	_ =	swait.ge [sflag:s22], $0x4000  }
0x28: {  	[sflag:s22] =	ssyncset.done $0x0  }
0x29: {  	[sflag:s22] =	ssyncadd.s32 $0xFFFFC000  }
0x2a: {  	_ =	swait.ge [sflag:s23], $0x80  }
0x2b: {  	[sflag:s23] =	ssyncset.done $0x0  }
0x2c: {  	[sflag:s23] =	ssyncadd.s32 $0xFFFFFF80  }
0x2d: {  	[spmem:s2] =	stream.indirect.scatter.add.f32 [tilespmem:s17], [sflag:$0x3], $0x80, s18, s16, $0xb8;
	[tilespmem:$0x1E200] =	vst v63  }
0x2e: {  	_ =	swait.ge [sflag:s24], $0x4000  }
0x2f: {  	[sflag:s24] =	ssyncset.done $0x0  }
0x30: {  	[sflag:s24] =	ssyncadd.s32 $0xFFFFC000  }
0x31: {  	_ =	swait.ge [sflag:s25], $0x80  }
0x32: {  	[sflag:s25] =	ssyncset.done $0x0  }
0x33: {  	[sflag:s25] =	ssyncadd.s32 $0xFFFFFF80  }
0x34: {  	[spmem:s2] =	stream.indirect.scatter.add.f32 [tilespmem:s19], [sflag:$0x4], $0x80, s21, s16, $0xb8;
	[tilespmem:$0x1E200] =	vst v63  }
0x35: {  	_ =	swait.ge [sflag:s26], $0x4000  }
0x36: {  	[sflag:s26] =	ssyncset.done $0x0  }
0x37: {  	s0 =	simm.s32 $0x100;
	s31 =	sadd.s32 $0xFFFFFB20, s9;
	[sflag:s26] =	ssyncadd.s32 $0xFFFFC000  }
0x38: {  	[tilespmem:s17], [sflag:$0x1] =	stream.indirect.gather [hbm4b:s5+s16], $0x80, s0, s16, $0xb8;
	[tilespmem:$0x1E200] =	vst v63  }
0x39: {  	s0 =	sadd.s32 $0x500, s31  }
0x3a: {  	[tilespmem:s18], [sflag:$0x5] =	stream.linear.gather [hbm4b:s0+s3], $0x80, $0x38;
	[tilespmem:$0x1E200] =	vst v63  }
0x3b: {  	_ =	swait.ge [sflag:s28], $0x4000  }
0x3c: {  	s30 =	simm.s32 $0xFFFFFB40;
	s1 =	sadd.s32 $0x510, s31;
	[sflag:s28] =	ssyncset.done $0x0  }
0x3d: {  	s31 =	simm.s32 $0x200;
	s0 =	simm.s32 $0x180;
	[sflag:s28] =	ssyncadd.s32 $0xFFFFC000  }
0x3e: {  	[tilespmem:s19], [sflag:$0x2] =	stream.indirect.gather [hbm4b:s5+s16], $0x80, s0, s16, $0xb8;
	[tilespmem:$0x1E200] =	vst v63  }
.LBB2_2:
0x3f: {  	[tilespmem:s21], [sflag:$0x6] =	stream.linear.gather [hbm4b:s1+s3], $0x80, $0x38;
	[tilespmem:$0x1E200] =	vst v63  }
0x40: {  	s1 =	smov.u32 s30  }
0x41: {  	p1 =	sne.s32 s30, $0xFFFFFFE0;
	s30 =	sadd.s32 $0x20, s30;
	_ =	swait.ge [sflag:s22], $0x4000  }
0x42: {  	[sflag:s22] =	ssyncset.done $0x0  }
0x43: {  	[sflag:s22] =	ssyncadd.s32 $0xFFFFC000  }
0x44: {  	_ =	swait.ge [sflag:s23], $0x80  }
0x45: {  	[sflag:s23] =	ssyncset.done $0x0  }
0x46: {  	[sflag:s23] =	ssyncadd.s32 $0xFFFFFF80  }
0x47: {  	[spmem:s2] =	stream.indirect.scatter.add.f32 [tilespmem:s17], [sflag:$0x3], $0x80, s18, s16, $0xb8;
	[tilespmem:$0x1E200] =	vst v63  }
0x48: {  	_ =	swait.ge [sflag:s24], $0x4000  }
0x49: {  	[sflag:s24] =	ssyncset.done $0x0  }
0x4a: {  	[sflag:s24] =	ssyncadd.s32 $0xFFFFC000  }
0x4b: {  	_ =	swait.ge [sflag:s25], $0x80  }
0x4c: {  	[sflag:s25] =	ssyncset.done $0x0  }
0x4d: {  	[sflag:s25] =	ssyncadd.s32 $0xFFFFFF80  }
0x4e: {  	[spmem:s2] =	stream.indirect.scatter.add.f32 [tilespmem:s19], [sflag:$0x4], $0x80, s21, s16, $0xb8;
	[tilespmem:$0x1E200] =	vst v63  }
0x4f: {  	_ =	swait.ge [sflag:s26], $0x4000  }
0x50: {  	[sflag:s26] =	ssyncset.done $0x0  }
0x51: {  	s1 =	sadd.s32 s1, s9;
	[sflag:s26] =	ssyncadd.s32 $0xFFFFC000  }
0x52: {  	[tilespmem:s17], [sflag:$0x1] =	stream.indirect.gather [hbm4b:s5+s16], $0x80, s31, s16, $0xb8;
	[tilespmem:$0x1E200] =	vst v63  }
0x53: {  	s0 =	sadd.s32 $0x500, s1  }
0x54: {  	[tilespmem:s18], [sflag:$0x5] =	stream.linear.gather [hbm4b:s0+s3], $0x80, $0x38;
	[tilespmem:$0x1E200] =	vst v63  }
.Ltmp0:
0x55: {  	_ =	swait.ge [sflag:s28], $0x4000;
	(pc) =	sbr.rel @p1 .LBB2_2-.Ltmp0, $4  }
0x56: {  	[sflag:s28] =	ssyncset.done $0x0  }
0x57: {  	s0 =	sadd.s32 $0x80, s31;
	[sflag:s28] =	ssyncadd.s32 $0xFFFFC000  }
0x58: {  	[tilespmem:s19], [sflag:$0x2] =	stream.indirect.gather [hbm4b:s5+s16], $0x80, s0, s16, $0xb8;
	[tilespmem:$0x1E200] =	vst v63  }
0x59: {  	s1 =	sadd.s32 $0x510, s1;
	s31 =	sadd.s32 $0x100, s31  }
0x5a: {  	[tilespmem:s21], [sflag:$0x6] =	stream.linear.gather [hbm4b:s1+s3], $0x80, $0x38;
	[tilespmem:$0x1E200] =	vst v63  }
0x5b: {  	_ =	swait.ge [sflag:s22], $0x4000  }
0x5c: {  	[sflag:s22] =	ssyncset.done $0x0  }
0x5d: {  	[sflag:s22] =	ssyncadd.s32 $0xFFFFC000  }
0x5e: {  	_ =	swait.ge [sflag:s23], $0x80  }
0x5f: {  	[sflag:s23] =	ssyncset.done $0x0  }
0x60: {  	[sflag:s23] =	ssyncadd.s32 $0xFFFFFF80  }
0x61: {  	[spmem:s2] =	stream.indirect.scatter.add.f32 [tilespmem:s17], [sflag:$0x3], $0x80, s18, s16, $0xb8;
	[tilespmem:$0x1E200] =	vst v63  }
0x62: {  	_ =	swait.ge [sflag:s24], $0x4000  }
0x63: {  	[sflag:s24] =	ssyncset.done $0x0  }
0x64: {  	[sflag:s24] =	ssyncadd.s32 $0xFFFFC000  }
0x65: {  	_ =	swait.ge [sflag:s25], $0x80  }
0x66: {  	[sflag:s25] =	ssyncset.done $0x0  }
0x67: {  	[sflag:s25] =	ssyncadd.s32 $0xFFFFFF80  }
0x68: {  	[spmem:s2] =	stream.indirect.scatter.add.f32 [tilespmem:s19], [sflag:$0x4], $0x80, s21, s16, $0xb8;
	[tilespmem:$0x1E200] =	vst v63  }
0x69: {  	_ =	swait.ge [sflag:s26], $0x4000  }
0x6a: {  	[sflag:s26] =	ssyncset.done $0x0  }
0x6b: {  	[sflag:s26] =	ssyncadd.s32 $0xFFFFC000  }
0x6c: {  	_ =	swait.ge [sflag:s28], $0x4000  }
0x6d: {  	[sflag:s28] =	ssyncset.done $0x0  }
0x6e: {  	[sflag:s28] =	ssyncadd.s32 $0xFFFFC000  }
0x6f: {  	s0 =	sadd.s32 @p0 $0x25080, s10;
	s1 =	simm.s32 @p0 $0x1FC7;
	[bflag:$0x0] =	sbarrier.arrive $0xFFFF  }
0x70: {  	[hbm:s0], [sflag:s1] =	dma.local @p0 [spmem:s13], $0x2180  }
0x71: {  	s0 =	simm.s32 @p0 $0x7  }
0x72: {  	_ =	swait.ge @p0 [sflag:s0], $0x2180  }
0x73: {  	s29 =	sadd.s32 $0x1, s29;
	[sflag:s0] =	ssyncset.done @p0 $0x0  }
0x74: {  	p1 =	sne.s32 s29, s11;
	[sflag:s0] =	ssyncadd.s32 @p0 $0xFFFFDE80;
	s0 =	sadd.s32 @!p0 s4, s10  }
0x75: {  	[hbm:s0], [sflag:s14] =	dma.local @!p0 [spmem:s15], $0x2780  }
.Ltmp1:
0x76: {  	_ = 	snop;
	(pc) =	sbr.rel @p1 .LBB2_1-.Ltmp1, $4  }
0x77: {  	s0 =	simm.s32 @!p0 $0x7  }
0x78: {  	_ =	swait.ge @!p0 [sflag:s0], $0x2780  }
0x79: {  	[sflag:s0] =	ssyncset.done @!p0 $0x0  }
0x7a: {  	[sflag:s0] =	ssyncadd.s32 @!p0 $0xFFFFD880  }
0x7b: {  	_ =	sfence.sel $0x180000  }
0x7c: {  	[bflag:$0x0] =	sbarrier.arrive $0xFFFF  }
0x7d: {  	_ =	strace $0x9000004D  }
0x7e: {  	s0 =	stileid.u32;
	[bflag:$0x2] =	sbarrier.arrive $0xFFFF  }
0x7f: {  	p0 =	sne.s32 s0, $0x0;
	s0 =	rddreg [dreg:$0x3]  }
0x80: {  	s0 =	sadd.s32 @!p0 $0x100000, s0  }
0x81: {  	[sflag:s0] =	ssyncadd.tile.s32 @!p0 $0x1;
	_ =	shalt  }
.Lfunc_end2:
_tile_overlayer_lowered:
.L_overlay_start_2:
0x82: {  	(tag) =	ssettag $0x2  }
0x83: {  	s0 =	rddreg [dreg:$0x0];
	s2 =	stileid.u32  }
0x84: {  	s1 =	rddreg [dreg:$0x1];
	p0 =	sne.s32 s2, $0x0  }
0x85: {  	s3 =	rddreg [dreg:$0x2];
	[bflag:$0x3] =	sbarrier.arrive $0xFFFF;
	s2 =	simm.s32 @!p0 $0x1C07  }
0x86: {  	[timem:s3], [sflag:s2] =	dma.local @!p0 [hbm:s0], s1  }
0x87: {  	s0 =	simm.s32 @!p0 $0x7  }
0x88: {  	_ =	swait.ge @!p0 [sflag:s0], s1  }
0x89: {  	s1 =	ssub.s32 @!p0 $0x0, s1;
	[sflag:s0] =	ssyncset.done @!p0 $0x0  }
0x8a: {  	[sflag:s0] =	ssyncadd.s32 @!p0 s1  }
0x8b: {  	[bflag:$0x3] =	sbarrier.arrive $0xFFFF  }
0x8c: {  	_ =	shalt  }

// kernel: kernel.27.cloned.1.call-start
scs
__scs_entry_jumppad:
0x0: {  	(pc) =	sbr.rel $0x88, $3  }
0x1: {  	(tag) =	ssettag $0x0;
	lr =	simm.s32 $0x1  }
0x2: {  	[smem:$0x3F91] =	sst lr;
	_ =	strace $0xD0000000  }
0x3: {  	_ = 	snop  }
0x4: {  	_ = 	snop  }
0x5: {  	_ = 	snop  }
0x6: {  	_ = 	snop  }
0x7: {  	_ = 	snop  }
__scs_overlays_trampoline_lowered:
0x8: {  	[smem:$0x3FA0] =	sst s0  }
0x9: {  	[smem:$0x3FA1] =	sst s1  }
0xa: {  	[smem:$0x3FA2] =	sst s2  }
0xb: {  	[smem:$0x3FA3] =	sst s3  }
0xc: {  	[smem:$0x3FA4] =	sst s4  }
0xd: {  	[smem:$0x3FA5] =	sst s5  }
0xe: {  	[smem:$0x3FA6] =	sst s6  }
0xf: {  	[smem:$0x3FA7] =	sst s7  }
0x10: {  	[smem:$0x3FA8] =	sst s8  }
0x11: {  	[smem:$0x3FA9] =	sst s9;
	s0 =	simm.s32 @!p0 $0x0  }
0x12: {  	s1 =	sld [smem:$0x3F8F];
	s0 =	simm.s32 @p0 $0x1  }
0x13: {  	[smem:$0x3FAA] =	sst s0;
	s0 =	simm.s32 @!p1 $0x0  }
0x14: {  	s2 =	sld [smem:$0x3F8E];
	s0 =	simm.s32 @p1 $0x1  }
0x15: {  	[smem:$0x3FAB] =	sst s0;
	s0 =	simm.s32 @!p2 $0x0  }
0x16: {  	s3 =	sld [smem:$0x3FDB];
	s0 =	simm.s32 @p2 $0x1  }
0x17: {  	s4 =	simm.s32 $0x1BF5;
	[smem:$0x3FAD] =	sst s0  }
0x18: {  	s0 =	sld [smem:$0x3F90];
	_ =	swait.ge [sflag:s4], $0x0  }
0x19: {  	s7 =	sld [smem:$0x3F91]  }
0x1a: {  	s8 =	sadd.s32 $0xFFFFE003, lr  }
0x1b: {  	s9 =	sadd.s32 $0xFFFFFEF7, lr;
	s5 =	simm.s32 $0xFFFFFFFF;
	p2 =	slt.u32 s8, $0xFFFFF086  }
0x1c: {  	p1 =	slt.u32 s9, $0xF7A;
	s5 =	simm.s32 @!p2 $0x0  }
0x1d: {  	s5 =	simm.s32 @p1 $0x1;
	p0 =	seq.s32 s7, s2  }
0x1e: {  	s7 =	smul.u32 @!p0 $0xF7A, s2;
	p2 =	seq.s32 @!p0 s5, $0x0  }
0x1f: {  	s9 =	smul.u32 $0xF7A, s1;
	s8 =	simm.s32 @!p0 $0x1BF5;
	p2 =	por !p2, p0  }
0x20: {  	[sflag:s8] =	ssyncset.s32 @!p0 $0xFFFFF086;
	s6 =	sadd.s32 @!p0 s3, s7;
	s7 =	simm.s32 @!p0 $0x108  }
0x21: {  	s3 =	sadd.s32 s3, s9;
	s6 =	sadd.s32 @!p0 $0x88, s6;
	s7 =	simm.s32 @p2 $0x1082  }
0x22: {  	[simem:s7], [sflag:s8] =	dma.local @!p0 [hbm:s6], $0xF7A  }
0x23: {  	s9 =	sor.u32 $0xD0000000, s2;
	s6 =	simm.s32 $0x108;
	_ =	swait.ge @!p0 [sflag:s8], $0x0  }
0x24: {  	s3 =	sadd.s32 $0x88, s3;
	s6 =	simm.s32 @!p1 $0x1082;
	[sflag:s4] =	ssyncset.s32 $0xFFFFF086  }
0x25: {  	[simem:s6], [sflag:s4] =	dma.local [hbm:s3], $0xF7A  }
0x26: {  	[smem:$0x3F91] =	sst s1;
	(tag) =	ssettag s2;
	_ =	strace s9  }
0x27: {  	s1 =	sld [smem:$0x3FA1]  }
0x28: {  	s2 =	sld [smem:$0x3FA2]  }
0x29: {  	s4 =	sld [smem:$0x3FA4]  }
0x2a: {  	p0 =	seq.s32 s5, $0x0;
	s5 =	sld [smem:$0x3FA5]  }
0x2b: {  	s6 =	sld [smem:$0x3FA6]  }
0x2c: {  	s7 =	sld [smem:$0x3FA7]  }
0x2d: {  	s3 =	simm.s32 $0x108;
	s8 =	sld [smem:$0x3FA8]  }
0x2e: {  	s3 =	simm.s32 @!p0 $0x1082;
	s9 =	sld [smem:$0x3FA9]  }
0x2f: {  	lr =	sadd.s32 s0, s3;
	s0 =	sld [smem:$0x3FA0]  }
0x30: {  	s3 =	sld [smem:$0x3FA3]  }
0x31: {  	[smem:$0x3FAC] =	sst s10  }
0x32: {  	s10 =	sld [smem:$0x3FAA];
	_ =	sdelay $0x3  }
0x33: {  	p0 =	seq.s32 s10, $0x1;
	s10 =	sld [smem:$0x3FAC];
	_ =	sdelay $0x3  }
0x34: {  	[smem:$0x3FAC] =	sst s10  }
0x35: {  	s10 =	sld [smem:$0x3FAB];
	_ =	sdelay $0x3  }
0x36: {  	p1 =	seq.s32 s10, $0x1;
	s10 =	sld [smem:$0x3FAC];
	_ =	sdelay $0x3  }
0x37: {  	[smem:$0x3FAC] =	sst s10  }
0x38: {  	s10 =	sld [smem:$0x3FAD]  }
0x39: {  	_ = 	snop;
	(pc) =	sbr.ind lr, $3  }
0x3a: {  	_ = 	snop  }
0x3b: {  	_ = 	snop  }
0x3c: {  	p2 =	seq.s32 s10, $0x1;
	s10 =	sld [smem:$0x3FAC]  }
0x3d: {  	_ =	shalt  }
0x3e: {  	_ =	shalt  }
0x3f: {  	_ =	shalt  }
0x40: {  	_ =	shalt  }
0x41: {  	_ =	shalt  }
0x42: {  	_ =	shalt  }
0x43: {  	_ =	shalt  }
0x44: {  	_ =	shalt  }
0x45: {  	_ =	shalt  }
0x46: {  	_ =	shalt  }
0x47: {  	_ =	shalt  }
0x48: {  	_ =	shalt  }
0x49: {  	_ =	shalt  }
0x4a: {  	_ =	shalt  }
0x4b: {  	_ =	shalt  }
0x4c: {  	_ =	shalt  }
0x4d: {  	_ =	shalt  }
0x4e: {  	_ =	shalt  }
0x4f: {  	_ =	shalt  }
0x50: {  	_ =	shalt  }
0x51: {  	_ =	shalt  }
0x52: {  	_ =	shalt  }
0x53: {  	_ =	shalt  }
0x54: {  	_ =	shalt  }
0x55: {  	_ =	shalt  }
0x56: {  	_ =	shalt  }
0x57: {  	_ =	shalt  }
0x58: {  	_ =	shalt  }
0x59: {  	_ =	shalt  }
0x5a: {  	_ =	shalt  }
0x5b: {  	_ =	shalt  }
0x5c: {  	_ =	shalt  }
0x5d: {  	_ =	shalt  }
0x5e: {  	_ =	shalt  }
0x5f: {  	_ =	shalt  }
0x60: {  	_ =	shalt  }
0x61: {  	_ =	shalt  }
0x62: {  	_ =	shalt  }
0x63: {  	_ =	shalt  }
0x64: {  	_ =	shalt  }
0x65: {  	_ =	shalt  }
0x66: {  	_ =	shalt  }
0x67: {  	_ =	shalt  }
0x68: {  	_ =	shalt  }
0x69: {  	_ =	shalt  }
0x6a: {  	_ =	shalt  }
0x6b: {  	_ =	shalt  }
0x6c: {  	_ =	shalt  }
0x6d: {  	_ =	shalt  }
0x6e: {  	_ =	shalt  }
0x6f: {  	_ =	shalt  }
0x70: {  	_ =	shalt  }
0x71: {  	_ =	shalt  }
0x72: {  	_ =	shalt  }
0x73: {  	_ =	shalt  }
0x74: {  	_ =	shalt  }
0x75: {  	_ =	shalt  }
0x76: {  	_ =	shalt  }
0x77: {  	_ =	shalt  }
0x78: {  	_ =	shalt  }
0x79: {  	_ =	shalt  }
0x7a: {  	_ =	shalt  }
0x7b: {  	_ =	shalt  }
0x7c: {  	_ =	shalt  }
0x7d: {  	_ =	shalt  }
0x7e: {  	_ =	shalt  }
0x7f: {  	_ =	shalt  }
0x80: {  	_ =	shalt  }
0x81: {  	_ =	shalt  }
0x82: {  	_ =	shalt  }
0x83: {  	_ =	shalt  }
0x84: {  	_ =	shalt  }
0x85: {  	_ =	shalt  }
0x86: {  	_ =	shalt  }
0x87: {  	_ =	shalt  }
.Lfunc_end0:
.L_simem_size_0:
called_computation.3_lowered:
.L_overlay_start_0:
0x88: {  	s2 =	sld [smem:$0x3FD9]  }
0x89: {  	s3 =	sld [smem:$0x3FFE];
	_ =	sdelay $0x1  }
0x8a: {  	s1 =	srdreg.scid  }
0x8b: {  	s0 =	sand.u32 $0x1, s1  }
0x8c: {  	s17 =	sshll.u32 s0, $0xA;
	s2 =	sadd.s32 s3, s2  }
0x8d: {  	s2 =	sadd.s32 s2, s17  }
0x8e: {  	[smem:$0x3FB8] =	sst s2  }
0x8f: {  	_ = 	snop  }
0x90: {  	s2 =	sld [smem:$0x3FD0];
	(tm) =	ssettm $0x1  }
0x91: {  	s18 =	sld [smem:$0x3FFB];
	_ =	sdelay $0x3  }
0x92: {  	_ =	strace s18  }
0x93: {  	s3 =	sld [smem:$0x3FFC];
	_ =	sdelay $0x3  }
0x94: {  	_ =	strace s3  }
0x95: {  	s3 =	sld [smem:$0x3FFD];
	_ =	sdelay $0x3  }
0x96: {  	_ =	strace s3  }
0x97: {  	_ =	strace $0x8FFFFFFF  }
0x98: {  	s19 =	sld [smem:$0x3FDB];
	_ =	sdelay $0x1  }
0x99: {  	s4 =	simm.s32 $_scs_section_size  }
0x9a: {  	s5 =	simm.s32 $_size__tile_overlayer_lowered;
	s6 =	simm.s32 $_tile_overlayer_lowered  }
0x9b: {  	s22 =	simm.s32 $0x1BFF;
	s21 =	sshll.u32 s6, $0x1;
	s3 =	sadd.s32 s4, s19  }
0x9c: {  	s7 =	simm.s32 $0x0;
	s20 =	sshll.u32 s5, $0x1;
	s5 =	sadd.s32 s21, s3  }
0x9d: {  	[timem:s7], [sflag:s22] =	dma.local [hbm:s5], s20  }
0x9e: {  	_ =	swait.ge [sflag:s22], s20  }
0x9f: {  	s4 =	ssub.s32 $0x0, s20;
	[sflag:s22] =	ssyncset.done $0x0  }
0xa0: {  	[sflag:s22] =	ssyncadd.s32 s4;
	_ =	sdelay $0x1  }
0xa1: {  	s23 =	simm.s32 $0x1B8B  }
0xa2: {  	_ =	swait.ge [sflag:s23], $0x1  }
0xa3: {  	[sflag:s23] =	ssyncset.done $0x0  }
0xa4: {  	s25 =	simm.s32 $0x1B8E;
	s24 =	sld [smem:$0x3FFE];
	[sflag:s23] =	ssyncadd.s32 $0xFFFFFFFF  }
0xa5: {  	s26 =	simm.s32 $execute0_lowered;
	[smem:$0x3FD2] =	sst s25  }
0xa6: {  	s5 =	sshll.u32 s26, $0x1;
	_ =	strace $0x8000004F;
	[dreg:$0x1] =	wrdreg $0xFFFFFFFF  }
0xa7: {  	s28 =	simm.s32 $_size_execute0_lowered;
	s3 =	sadd.s32 s3, s5;
	[dreg:$0x0] =	wrdreg $0x0  }
0xa8: {  	s5 =	sshll.u32 s28, $0x1;
	[dreg:$0x2] =	wrdreg s3  }
0xa9: {  	[dreg:$0x3] =	wrdreg s5  }
0xaa: {  	[dreg:$0x4] =	wrdreg $0xC0  }
0xab: {  	_ =	task [dreg:s7], $0x5FFFF  }
0xac: {  	[dreg:$0x1] =	wrdreg $0xFFFFFFFF  }
0xad: {  	[dreg:$0x0] =	wrdreg $0x60  }
0xae: {  	[dreg:$0x2] =	wrdreg s24  }
0xaf: {  	[dreg:$0x3] =	wrdreg s2  }
0xb0: {  	[dreg:$0x4] =	wrdreg $0xA9000  }
0xb1: {  	[dreg:$0x5] =	wrdreg $0x9  }
0xb2: {  	_ =	task.clear_ibuf [dreg:s7], $0x6FFFF;
	_ =	strace $0x9000004F  }
0xb3: {  	s29 =	simm.s32 $0x9;
	_ =	strace $0x80000051  }
0xb4: {  	_ =	swait.ge [sflag:s29], $0x1  }
0xb5: {  	[sflag:s29] =	ssyncadd.s32 $0xFFFFFFFF  }
0xb6: {  	_ =	strace $0x90000051  }
0xb7: {  	_ =	sfence  }
0xb8: {  	s30 =	sld [smem:$0x0];
	_ =	sdelay $0x2  }
0xb9: {  	s31 =	sshll.u32 s1, $0xD;
	s1 =	sshrl.u32 s1, $0x2  }
0xba: {  	s3 =	sand.u32 $0x4000, s31;
	s1 =	sadd.s32 s1, s30  }
0xbb: {  	s0 =	sor.u32 s3, s0;
	s1 =	sshll.u32 s1, $0x11  }
0xbc: {  	s0 =	sor.u32 s1, s0  }
0xbd: {  	s0 =	sadd.s32 $0x8F2B, s0  }
0xbe: {  	[sflag:s0] =	ssyncadd.remote.s32 $0x1  }
0xbf: {  	_ =	sfence.sel $0xFFFF  }
0xc0: {  	[dreg:$0x0] =	wrdreg $0xFFFFFFFF;
	(pc) =	sbr.abs _section_cstart, $3  }
0xc1: {  	[dreg:$0x1] =	wrdreg $0xFFFFFFFF  }
0xc2: {  	_ =	task.clear_ibuf [dreg:s7], $0x2FFFF;
	_ =	strace $0x9FFFFFFF  }
0xc3: {  	(tm) =	ssettm $0x7FFFFFFF  }
tec
execute0_lowered:
.L_overlay_start_1:
0x0: {  	(tag) =	ssettag $0x1  }
0x1: {  	s1 =	rddreg [dreg:$0x0];
	s2 =	srdreg.scid  }
0x2: {  	s0 =	stileid.u32;
	s9 =	rddreg [dreg:$0x1];
	s17 =	simm.s32 $0x2800  }
0x3: {  	s18 =	simm.s32 $0xA800;
	s19 =	simm.s32 $0x6800;
	s21 =	simm.s32 $0xA880  }
0x4: {  	s22 =	simm.s32 $0x1;
	s23 =	simm.s32 $0x5;
	s24 =	simm.s32 $0x2  }
0x5: {  	s25 =	simm.s32 $0x6;
	s26 =	simm.s32 $0x3;
	s28 =	simm.s32 $0x4  }
0x6: {  	s29 =	simm.s32 $0x0;
	s6 =	sand.u32 $0x1, s2;
	s3 =	sshll.u32 s0, $0x1  }
0x7: {  	s2 =	rddreg [dreg:$0x2];
	s5 =	sadd.s32 $0x2E200, s1;
	s8 =	smul.u32 $0x4F000, s0  }
0x8: {  	p0 =	seq.s32 s0, $0xF;
	s4 =	sor.u32 s6, s3;
	s7 =	smul.u32 $0x27800, s6  }
0x9: {  	s3 =	simm.s32 $0x0;
	s6 =	ssub.s32 $0x2, s6;
	s10 =	smul.u32 $0x500, s4  }
0xa: {  	s16 =	sadd.s32 $0x128400, s2;
	[smem:$0x7FF] =	sst s3;
	s4 =	smul.u32 $0x2780, s0  }
0xb: {  	s13 =	sshrl.u32 s6, $0x1;
	s31 =	sshrl.u32 s8, $0x2;
	s8 =	sadd.s32 $0x2BA80, s1  }
0xc: {  	_ =	strace $0x80000050;
	s14 =	sadd.s32 s7, s1;
	s13 =	ssub.s32 s6, s13  }
0xd: {  	s15 =	sadd.s32 s31, s2;
	s11 =	sadd.s32 s10, s1;
	s12 =	sadd.s32 s4, s1  }
0xe: {  	s9 =	sadd.s32 s9, s10;
	s10 =	sadd.s32 $0xAF200, s14;
	s1 =	sshll.u32 @!p0 s0, $0x6  }
0xf: {  	s15 =	sshrl.u32 @!p0 s15, $0x3;
	s6 =	sadd.s32 $0xA5200, s11;
	s7 =	sadd.s32 $0x6A00, s12  }
0x10: {  	s11 =	smax.u32 s13, $0x1;
	s12 =	simm.s32 $0x7;
	s13 =	sshrl.u32 @p0 s16, $0x3  }
0x11: {  	s14 =	sor.u32 @!p0 $0x1C07, s1;
	s16 =	simm.s32 $0x80;
	s20 =	sadd.s32 $0x10, s9  }
.LBB2_1:
0x12: {  	[tilespmem:s3], [sflag:$0x7] =	stream.linear.gather [hbm4b:s6+s3], $0x2800, $0x38;
	[tilespmem:$0x1E200] =	vst v63  }
0x13: {  	_ =	swait.ge [sflag:s12], $0x2800  }
0x14: {  	[sflag:s12] =	ssyncset.done $0x0  }
0x15: {  	s1 =	simm.s32 @p0 $0x1FC7;
	[sflag:s12] =	ssyncadd.s32 $0xFFFFD800  }
0x16: {  	[spmem:s13], [sflag:s1] =	dma.local @p0 [hbm:s8], $0x2180  }
0x17: {  	s1 =	simm.s32 @p0 $0x7  }
0x18: {  	_ =	swait.ge @p0 [sflag:s1], $0x2180  }
0x19: {  	[sflag:s1] =	ssyncset.done @p0 $0x0  }
0x1a: {  	[sflag:s1] =	ssyncadd.s32 @p0 $0xFFFFDE80;
	s1 =	simm.s32 @!p0 $0x7  }
0x1b: {  	[spmem:s15], [sflag:s14] =	dma.local @!p0 [hbm:s7], $0x2780  }
0x1c: {  	_ =	swait.ge @!p0 [sflag:s1], $0x2780  }
0x1d: {  	[sflag:s1] =	ssyncset.done @!p0 $0x0  }
0x1e: {  	[sflag:s1] =	ssyncadd.s32 @!p0 $0xFFFFD880  }
0x1f: {  	[bflag:$0x0] =	sbarrier.arrive $0xFFFF  }
0x20: {  	[tilespmem:s17], [sflag:$0x1] =	stream.indirect.gather [hbm4b:s5+s16], $0x80, s3, s16, $0xb8;
	[tilespmem:$0x1E200] =	vst v63  }
0x21: {  	_ = 	snop  }
0x22: {  	[tilespmem:s18], [sflag:$0x5] =	stream.linear.gather [hbm4b:s9+s3], $0x80, $0x38;
	[tilespmem:$0x1E200] =	vst v63  }
0x23: {  	_ = 	snop  }
0x24: {  	[tilespmem:s19], [sflag:$0x2] =	stream.indirect.gather [hbm4b:s5+s16], $0x80, s16, s16, $0xb8;
	[tilespmem:$0x1E200] =	vst v63  }
0x25: {  	_ = 	snop  }
0x26: {  	[tilespmem:s21], [sflag:$0x6] =	stream.linear.gather [hbm4b:s20+s3], $0x80, $0x38;
	[tilespmem:$0x1E200] =	vst v63  }
0x27: {  	_ =	swait.ge [sflag:s22], $0x4000  }
0x28: {  	[sflag:s22] =	ssyncset.done $0x0  }
0x29: {  	[sflag:s22] =	ssyncadd.s32 $0xFFFFC000  }
0x2a: {  	_ =	swait.ge [sflag:s23], $0x80  }
0x2b: {  	[sflag:s23] =	ssyncset.done $0x0  }
0x2c: {  	[sflag:s23] =	ssyncadd.s32 $0xFFFFFF80  }
0x2d: {  	[spmem:s2] =	stream.indirect.scatter.add.f32 [tilespmem:s17], [sflag:$0x3], $0x80, s18, s16, $0xb8;
	[tilespmem:$0x1E200] =	vst v63  }
0x2e: {  	_ =	swait.ge [sflag:s24], $0x4000  }
0x2f: {  	[sflag:s24] =	ssyncset.done $0x0  }
0x30: {  	[sflag:s24] =	ssyncadd.s32 $0xFFFFC000  }
0x31: {  	_ =	swait.ge [sflag:s25], $0x80  }
0x32: {  	[sflag:s25] =	ssyncset.done $0x0  }
0x33: {  	[sflag:s25] =	ssyncadd.s32 $0xFFFFFF80  }
0x34: {  	[spmem:s2] =	stream.indirect.scatter.add.f32 [tilespmem:s19], [sflag:$0x4], $0x80, s21, s16, $0xb8;
	[tilespmem:$0x1E200] =	vst v63  }
0x35: {  	_ =	swait.ge [sflag:s26], $0x4000  }
0x36: {  	[sflag:s26] =	ssyncset.done $0x0  }
0x37: {  	s0 =	simm.s32 $0x100;
	s31 =	sadd.s32 $0xFFFFFB20, s9;
	[sflag:s26] =	ssyncadd.s32 $0xFFFFC000  }
0x38: {  	[tilespmem:s17], [sflag:$0x1] =	stream.indirect.gather [hbm4b:s5+s16], $0x80, s0, s16, $0xb8;
	[tilespmem:$0x1E200] =	vst v63  }
0x39: {  	s0 =	sadd.s32 $0x500, s31  }
0x3a: {  	[tilespmem:s18], [sflag:$0x5] =	stream.linear.gather [hbm4b:s0+s3], $0x80, $0x38;
	[tilespmem:$0x1E200] =	vst v63  }
0x3b: {  	_ =	swait.ge [sflag:s28], $0x4000  }
0x3c: {  	s30 =	simm.s32 $0xFFFFFB40;
	s1 =	sadd.s32 $0x510, s31;
	[sflag:s28] =	ssyncset.done $0x0  }
0x3d: {  	s31 =	simm.s32 $0x200;
	s0 =	simm.s32 $0x180;
	[sflag:s28] =	ssyncadd.s32 $0xFFFFC000  }
0x3e: {  	[tilespmem:s19], [sflag:$0x2] =	stream.indirect.gather [hbm4b:s5+s16], $0x80, s0, s16, $0xb8;
	[tilespmem:$0x1E200] =	vst v63  }
.LBB2_2:
0x3f: {  	[tilespmem:s21], [sflag:$0x6] =	stream.linear.gather [hbm4b:s1+s3], $0x80, $0x38;
	[tilespmem:$0x1E200] =	vst v63  }
0x40: {  	s1 =	smov.u32 s30  }
0x41: {  	p1 =	sne.s32 s30, $0xFFFFFFE0;
	s30 =	sadd.s32 $0x20, s30;
	_ =	swait.ge [sflag:s22], $0x4000  }
0x42: {  	[sflag:s22] =	ssyncset.done $0x0  }
0x43: {  	[sflag:s22] =	ssyncadd.s32 $0xFFFFC000  }
0x44: {  	_ =	swait.ge [sflag:s23], $0x80  }
0x45: {  	[sflag:s23] =	ssyncset.done $0x0  }
0x46: {  	[sflag:s23] =	ssyncadd.s32 $0xFFFFFF80  }
0x47: {  	[spmem:s2] =	stream.indirect.scatter.add.f32 [tilespmem:s17], [sflag:$0x3], $0x80, s18, s16, $0xb8;
	[tilespmem:$0x1E200] =	vst v63  }
0x48: {  	_ =	swait.ge [sflag:s24], $0x4000  }
0x49: {  	[sflag:s24] =	ssyncset.done $0x0  }
0x4a: {  	[sflag:s24] =	ssyncadd.s32 $0xFFFFC000  }
0x4b: {  	_ =	swait.ge [sflag:s25], $0x80  }
0x4c: {  	[sflag:s25] =	ssyncset.done $0x0  }
0x4d: {  	[sflag:s25] =	ssyncadd.s32 $0xFFFFFF80  }
0x4e: {  	[spmem:s2] =	stream.indirect.scatter.add.f32 [tilespmem:s19], [sflag:$0x4], $0x80, s21, s16, $0xb8;
	[tilespmem:$0x1E200] =	vst v63  }
0x4f: {  	_ =	swait.ge [sflag:s26], $0x4000  }
0x50: {  	[sflag:s26] =	ssyncset.done $0x0  }
0x51: {  	s1 =	sadd.s32 s1, s9;
	[sflag:s26] =	ssyncadd.s32 $0xFFFFC000  }
0x52: {  	[tilespmem:s17], [sflag:$0x1] =	stream.indirect.gather [hbm4b:s5+s16], $0x80, s31, s16, $0xb8;
	[tilespmem:$0x1E200] =	vst v63  }
0x53: {  	s0 =	sadd.s32 $0x500, s1  }
0x54: {  	[tilespmem:s18], [sflag:$0x5] =	stream.linear.gather [hbm4b:s0+s3], $0x80, $0x38;
	[tilespmem:$0x1E200] =	vst v63  }
.Ltmp0:
0x55: {  	_ =	swait.ge [sflag:s28], $0x4000;
	(pc) =	sbr.rel @p1 .LBB2_2-.Ltmp0, $4  }
0x56: {  	[sflag:s28] =	ssyncset.done $0x0  }
0x57: {  	s0 =	sadd.s32 $0x80, s31;
	[sflag:s28] =	ssyncadd.s32 $0xFFFFC000  }
0x58: {  	[tilespmem:s19], [sflag:$0x2] =	stream.indirect.gather [hbm4b:s5+s16], $0x80, s0, s16, $0xb8;
	[tilespmem:$0x1E200] =	vst v63  }
0x59: {  	s1 =	sadd.s32 $0x510, s1;
	s31 =	sadd.s32 $0x100, s31  }
0x5a: {  	[tilespmem:s21], [sflag:$0x6] =	stream.linear.gather [hbm4b:s1+s3], $0x80, $0x38;
	[tilespmem:$0x1E200] =	vst v63  }
0x5b: {  	_ =	swait.ge [sflag:s22], $0x4000  }
0x5c: {  	[sflag:s22] =	ssyncset.done $0x0  }
0x5d: {  	[sflag:s22] =	ssyncadd.s32 $0xFFFFC000  }
0x5e: {  	_ =	swait.ge [sflag:s23], $0x80  }
0x5f: {  	[sflag:s23] =	ssyncset.done $0x0  }
0x60: {  	[sflag:s23] =	ssyncadd.s32 $0xFFFFFF80  }
0x61: {  	[spmem:s2] =	stream.indirect.scatter.add.f32 [tilespmem:s17], [sflag:$0x3], $0x80, s18, s16, $0xb8;
	[tilespmem:$0x1E200] =	vst v63  }
0x62: {  	_ =	swait.ge [sflag:s24], $0x4000  }
0x63: {  	[sflag:s24] =	ssyncset.done $0x0  }
0x64: {  	[sflag:s24] =	ssyncadd.s32 $0xFFFFC000  }
0x65: {  	_ =	swait.ge [sflag:s25], $0x80  }
0x66: {  	[sflag:s25] =	ssyncset.done $0x0  }
0x67: {  	[sflag:s25] =	ssyncadd.s32 $0xFFFFFF80  }
0x68: {  	[spmem:s2] =	stream.indirect.scatter.add.f32 [tilespmem:s19], [sflag:$0x4], $0x80, s21, s16, $0xb8;
	[tilespmem:$0x1E200] =	vst v63  }
0x69: {  	_ =	swait.ge [sflag:s26], $0x4000  }
0x6a: {  	[sflag:s26] =	ssyncset.done $0x0  }
0x6b: {  	[sflag:s26] =	ssyncadd.s32 $0xFFFFC000  }
0x6c: {  	_ =	swait.ge [sflag:s28], $0x4000  }
0x6d: {  	[sflag:s28] =	ssyncset.done $0x0  }
0x6e: {  	[sflag:s28] =	ssyncadd.s32 $0xFFFFC000  }
0x6f: {  	s0 =	sadd.s32 @p0 $0x25080, s10;
	s1 =	simm.s32 @p0 $0x1FC7;
	[bflag:$0x0] =	sbarrier.arrive $0xFFFF  }
0x70: {  	[hbm:s0], [sflag:s1] =	dma.local @p0 [spmem:s13], $0x2180  }
0x71: {  	s0 =	simm.s32 @p0 $0x7  }
0x72: {  	_ =	swait.ge @p0 [sflag:s0], $0x2180  }
0x73: {  	s29 =	sadd.s32 $0x1, s29;
	[sflag:s0] =	ssyncset.done @p0 $0x0  }
0x74: {  	p1 =	sne.s32 s29, s11;
	[sflag:s0] =	ssyncadd.s32 @p0 $0xFFFFDE80;
	s0 =	sadd.s32 @!p0 s4, s10  }
0x75: {  	[hbm:s0], [sflag:s14] =	dma.local @!p0 [spmem:s15], $0x2780  }
.Ltmp1:
0x76: {  	_ = 	snop;
	(pc) =	sbr.rel @p1 .LBB2_1-.Ltmp1, $4  }
0x77: {  	s0 =	simm.s32 @!p0 $0x7  }
0x78: {  	_ =	swait.ge @!p0 [sflag:s0], $0x2780  }
0x79: {  	[sflag:s0] =	ssyncset.done @!p0 $0x0  }
0x7a: {  	[sflag:s0] =	ssyncadd.s32 @!p0 $0xFFFFD880  }
0x7b: {  	_ =	sfence.sel $0x180000  }
0x7c: {  	[bflag:$0x0] =	sbarrier.arrive $0xFFFF  }
0x7d: {  	_ =	strace $0x90000050  }
0x7e: {  	s0 =	stileid.u32;
	[bflag:$0x2] =	sbarrier.arrive $0xFFFF  }
0x7f: {  	p0 =	sne.s32 s0, $0x0;
	s0 =	rddreg [dreg:$0x3]  }
0x80: {  	s0 =	sadd.s32 @!p0 $0x100000, s0  }
0x81: {  	[sflag:s0] =	ssyncadd.tile.s32 @!p0 $0x1;
	_ =	shalt  }
.Lfunc_end2:
_tile_overlayer_lowered:
.L_overlay_start_2:
0x82: {  	(tag) =	ssettag $0x2  }
0x83: {  	s0 =	rddreg [dreg:$0x0];
	s2 =	stileid.u32  }
0x84: {  	s1 =	rddreg [dreg:$0x1];
	p0 =	sne.s32 s2, $0x0  }
0x85: {  	s3 =	rddreg [dreg:$0x2];
	[bflag:$0x3] =	sbarrier.arrive $0xFFFF;
	s2 =	simm.s32 @!p0 $0x1C07  }
0x86: {  	[timem:s3], [sflag:s2] =	dma.local @!p0 [hbm:s0], s1  }
0x87: {  	s0 =	simm.s32 @!p0 $0x7  }
0x88: {  	_ =	swait.ge @!p0 [sflag:s0], s1  }
0x89: {  	s1 =	ssub.s32 @!p0 $0x0, s1;
	[sflag:s0] =	ssyncset.done @!p0 $0x0  }
0x8a: {  	[sflag:s0] =	ssyncadd.s32 @!p0 s1  }
0x8b: {  	[bflag:$0x3] =	sbarrier.arrive $0xFFFF  }
0x8c: {  	_ =	shalt  }

// kernel: kernel.30.cloned.1.call-start
scs
__scs_entry_jumppad:
0x0: {  	(pc) =	sbr.rel $0x88, $3  }
0x1: {  	(tag) =	ssettag $0x0;
	lr =	simm.s32 $0x1  }
0x2: {  	[smem:$0x3F91] =	sst lr;
	_ =	strace $0xD0000000  }
0x3: {  	_ = 	snop  }
0x4: {  	_ = 	snop  }
0x5: {  	_ = 	snop  }
0x6: {  	_ = 	snop  }
0x7: {  	_ = 	snop  }
__scs_overlays_trampoline_lowered:
0x8: {  	[smem:$0x3FA0] =	sst s0  }
0x9: {  	[smem:$0x3FA1] =	sst s1  }
0xa: {  	[smem:$0x3FA2] =	sst s2  }
0xb: {  	[smem:$0x3FA3] =	sst s3  }
0xc: {  	[smem:$0x3FA4] =	sst s4  }
0xd: {  	[smem:$0x3FA5] =	sst s5  }
0xe: {  	[smem:$0x3FA6] =	sst s6  }
0xf: {  	[smem:$0x3FA7] =	sst s7  }
0x10: {  	[smem:$0x3FA8] =	sst s8  }
0x11: {  	[smem:$0x3FA9] =	sst s9;
	s0 =	simm.s32 @!p0 $0x0  }
0x12: {  	s1 =	sld [smem:$0x3F8F];
	s0 =	simm.s32 @p0 $0x1  }
0x13: {  	[smem:$0x3FAA] =	sst s0;
	s0 =	simm.s32 @!p1 $0x0  }
0x14: {  	s2 =	sld [smem:$0x3F8E];
	s0 =	simm.s32 @p1 $0x1  }
0x15: {  	[smem:$0x3FAB] =	sst s0;
	s0 =	simm.s32 @!p2 $0x0  }
0x16: {  	s3 =	sld [smem:$0x3FDB];
	s0 =	simm.s32 @p2 $0x1  }
0x17: {  	s4 =	simm.s32 $0x1BF5;
	[smem:$0x3FAD] =	sst s0  }
0x18: {  	s0 =	sld [smem:$0x3F90];
	_ =	swait.ge [sflag:s4], $0x0  }
0x19: {  	s7 =	sld [smem:$0x3F91]  }
0x1a: {  	s8 =	sadd.s32 $0xFFFFE003, lr  }
0x1b: {  	s9 =	sadd.s32 $0xFFFFFEF7, lr;
	s5 =	simm.s32 $0xFFFFFFFF;
	p2 =	slt.u32 s8, $0xFFFFF086  }
0x1c: {  	p1 =	slt.u32 s9, $0xF7A;
	s5 =	simm.s32 @!p2 $0x0  }
0x1d: {  	s5 =	simm.s32 @p1 $0x1;
	p0 =	seq.s32 s7, s2  }
0x1e: {  	s7 =	smul.u32 @!p0 $0xF7A, s2;
	p2 =	seq.s32 @!p0 s5, $0x0  }
0x1f: {  	s9 =	smul.u32 $0xF7A, s1;
	s8 =	simm.s32 @!p0 $0x1BF5;
	p2 =	por !p2, p0  }
0x20: {  	[sflag:s8] =	ssyncset.s32 @!p0 $0xFFFFF086;
	s6 =	sadd.s32 @!p0 s3, s7;
	s7 =	simm.s32 @!p0 $0x108  }
0x21: {  	s3 =	sadd.s32 s3, s9;
	s6 =	sadd.s32 @!p0 $0x88, s6;
	s7 =	simm.s32 @p2 $0x1082  }
0x22: {  	[simem:s7], [sflag:s8] =	dma.local @!p0 [hbm:s6], $0xF7A  }
0x23: {  	s9 =	sor.u32 $0xD0000000, s2;
	s6 =	simm.s32 $0x108;
	_ =	swait.ge @!p0 [sflag:s8], $0x0  }
0x24: {  	s3 =	sadd.s32 $0x88, s3;
	s6 =	simm.s32 @!p1 $0x1082;
	[sflag:s4] =	ssyncset.s32 $0xFFFFF086  }
0x25: {  	[simem:s6], [sflag:s4] =	dma.local [hbm:s3], $0xF7A  }
0x26: {  	[smem:$0x3F91] =	sst s1;
	(tag) =	ssettag s2;
	_ =	strace s9  }
0x27: {  	s1 =	sld [smem:$0x3FA1]  }
0x28: {  	s2 =	sld [smem:$0x3FA2]  }
0x29: {  	s4 =	sld [smem:$0x3FA4]  }
0x2a: {  	p0 =	seq.s32 s5, $0x0;
	s5 =	sld [smem:$0x3FA5]  }
0x2b: {  	s6 =	sld [smem:$0x3FA6]  }
0x2c: {  	s7 =	sld [smem:$0x3FA7]  }
0x2d: {  	s3 =	simm.s32 $0x108;
	s8 =	sld [smem:$0x3FA8]  }
0x2e: {  	s3 =	simm.s32 @!p0 $0x1082;
	s9 =	sld [smem:$0x3FA9]  }
0x2f: {  	lr =	sadd.s32 s0, s3;
	s0 =	sld [smem:$0x3FA0]  }
0x30: {  	s3 =	sld [smem:$0x3FA3]  }
0x31: {  	[smem:$0x3FAC] =	sst s10  }
0x32: {  	s10 =	sld [smem:$0x3FAA];
	_ =	sdelay $0x3  }
0x33: {  	p0 =	seq.s32 s10, $0x1;
	s10 =	sld [smem:$0x3FAC];
	_ =	sdelay $0x3  }
0x34: {  	[smem:$0x3FAC] =	sst s10  }
0x35: {  	s10 =	sld [smem:$0x3FAB];
	_ =	sdelay $0x3  }
0x36: {  	p1 =	seq.s32 s10, $0x1;
	s10 =	sld [smem:$0x3FAC];
	_ =	sdelay $0x3  }
0x37: {  	[smem:$0x3FAC] =	sst s10  }
0x38: {  	s10 =	sld [smem:$0x3FAD]  }
0x39: {  	_ = 	snop;
	(pc) =	sbr.ind lr, $3  }
0x3a: {  	_ = 	snop  }
0x3b: {  	_ = 	snop  }
0x3c: {  	p2 =	seq.s32 s10, $0x1;
	s10 =	sld [smem:$0x3FAC]  }
0x3d: {  	_ =	shalt  }
0x3e: {  	_ =	shalt  }
0x3f: {  	_ =	shalt  }
0x40: {  	_ =	shalt  }
0x41: {  	_ =	shalt  }
0x42: {  	_ =	shalt  }
0x43: {  	_ =	shalt  }
0x44: {  	_ =	shalt  }
0x45: {  	_ =	shalt  }
0x46: {  	_ =	shalt  }
0x47: {  	_ =	shalt  }
0x48: {  	_ =	shalt  }
0x49: {  	_ =	shalt  }
0x4a: {  	_ =	shalt  }
0x4b: {  	_ =	shalt  }
0x4c: {  	_ =	shalt  }
0x4d: {  	_ =	shalt  }
0x4e: {  	_ =	shalt  }
0x4f: {  	_ =	shalt  }
0x50: {  	_ =	shalt  }
0x51: {  	_ =	shalt  }
0x52: {  	_ =	shalt  }
0x53: {  	_ =	shalt  }
0x54: {  	_ =	shalt  }
0x55: {  	_ =	shalt  }
0x56: {  	_ =	shalt  }
0x57: {  	_ =	shalt  }
0x58: {  	_ =	shalt  }
0x59: {  	_ =	shalt  }
0x5a: {  	_ =	shalt  }
0x5b: {  	_ =	shalt  }
0x5c: {  	_ =	shalt  }
0x5d: {  	_ =	shalt  }
0x5e: {  	_ =	shalt  }
0x5f: {  	_ =	shalt  }
0x60: {  	_ =	shalt  }
0x61: {  	_ =	shalt  }
0x62: {  	_ =	shalt  }
0x63: {  	_ =	shalt  }
0x64: {  	_ =	shalt  }
0x65: {  	_ =	shalt  }
0x66: {  	_ =	shalt  }
0x67: {  	_ =	shalt  }
0x68: {  	_ =	shalt  }
0x69: {  	_ =	shalt  }
0x6a: {  	_ =	shalt  }
0x6b: {  	_ =	shalt  }
0x6c: {  	_ =	shalt  }
0x6d: {  	_ =	shalt  }
0x6e: {  	_ =	shalt  }
0x6f: {  	_ =	shalt  }
0x70: {  	_ =	shalt  }
0x71: {  	_ =	shalt  }
0x72: {  	_ =	shalt  }
0x73: {  	_ =	shalt  }
0x74: {  	_ =	shalt  }
0x75: {  	_ =	shalt  }
0x76: {  	_ =	shalt  }
0x77: {  	_ =	shalt  }
0x78: {  	_ =	shalt  }
0x79: {  	_ =	shalt  }
0x7a: {  	_ =	shalt  }
0x7b: {  	_ =	shalt  }
0x7c: {  	_ =	shalt  }
0x7d: {  	_ =	shalt  }
0x7e: {  	_ =	shalt  }
0x7f: {  	_ =	shalt  }
0x80: {  	_ =	shalt  }
0x81: {  	_ =	shalt  }
0x82: {  	_ =	shalt  }
0x83: {  	_ =	shalt  }
0x84: {  	_ =	shalt  }
0x85: {  	_ =	shalt  }
0x86: {  	_ =	shalt  }
0x87: {  	_ =	shalt  }
.Lfunc_end0:
.L_simem_size_0:
called_computation.4_lowered:
.L_overlay_start_0:
0x88: {  	s2 =	sld [smem:$0x3FD9]  }
0x89: {  	s3 =	sld [smem:$0x3FFE];
	_ =	sdelay $0x1  }
0x8a: {  	s1 =	srdreg.scid  }
0x8b: {  	s0 =	sand.u32 $0x1, s1  }
0x8c: {  	s17 =	sshll.u32 s0, $0xA;
	s2 =	sadd.s32 s3, s2  }
0x8d: {  	s2 =	sadd.s32 s2, s17  }
0x8e: {  	[smem:$0x3FB8] =	sst s2  }
0x8f: {  	_ = 	snop  }
0x90: {  	s2 =	sld [smem:$0x3FD0];
	(tm) =	ssettm $0x1  }
0x91: {  	s18 =	sld [smem:$0x3FFB];
	_ =	sdelay $0x3  }
0x92: {  	_ =	strace s18  }
0x93: {  	s3 =	sld [smem:$0x3FFC];
	_ =	sdelay $0x3  }
0x94: {  	_ =	strace s3  }
0x95: {  	s3 =	sld [smem:$0x3FFD];
	_ =	sdelay $0x3  }
0x96: {  	_ =	strace s3  }
0x97: {  	_ =	strace $0x8FFFFFFF  }
0x98: {  	s19 =	sld [smem:$0x3FDB];
	_ =	sdelay $0x1  }
0x99: {  	s4 =	simm.s32 $_scs_section_size  }
0x9a: {  	s5 =	simm.s32 $_size__tile_overlayer_lowered;
	s6 =	simm.s32 $_tile_overlayer_lowered  }
0x9b: {  	s22 =	simm.s32 $0x1BFF;
	s21 =	sshll.u32 s6, $0x1;
	s3 =	sadd.s32 s4, s19  }
0x9c: {  	s7 =	simm.s32 $0x0;
	s20 =	sshll.u32 s5, $0x1;
	s5 =	sadd.s32 s21, s3  }
0x9d: {  	[timem:s7], [sflag:s22] =	dma.local [hbm:s5], s20  }
0x9e: {  	_ =	swait.ge [sflag:s22], s20  }
0x9f: {  	s4 =	ssub.s32 $0x0, s20;
	[sflag:s22] =	ssyncset.done $0x0  }
0xa0: {  	[sflag:s22] =	ssyncadd.s32 s4;
	_ =	sdelay $0x1  }
0xa1: {  	s23 =	simm.s32 $0x1B8B  }
0xa2: {  	_ =	swait.ge [sflag:s23], $0x1  }
0xa3: {  	[sflag:s23] =	ssyncset.done $0x0  }
0xa4: {  	s25 =	simm.s32 $0x1B8E;
	s24 =	sld [smem:$0x3FFE];
	[sflag:s23] =	ssyncadd.s32 $0xFFFFFFFF  }
0xa5: {  	s26 =	simm.s32 $execute0_lowered;
	[smem:$0x3FD2] =	sst s25  }
0xa6: {  	s5 =	sshll.u32 s26, $0x1;
	_ =	strace $0x80000052;
	[dreg:$0x1] =	wrdreg $0xFFFFFFFF  }
0xa7: {  	s28 =	simm.s32 $_size_execute0_lowered;
	s3 =	sadd.s32 s3, s5;
	[dreg:$0x0] =	wrdreg $0x0  }
0xa8: {  	s5 =	sshll.u32 s28, $0x1;
	[dreg:$0x2] =	wrdreg s3  }
0xa9: {  	[dreg:$0x3] =	wrdreg s5  }
0xaa: {  	[dreg:$0x4] =	wrdreg $0xC0  }
0xab: {  	_ =	task [dreg:s7], $0x5FFFF  }
0xac: {  	[dreg:$0x1] =	wrdreg $0xFFFFFFFF  }
0xad: {  	[dreg:$0x0] =	wrdreg $0x60  }
0xae: {  	[dreg:$0x2] =	wrdreg s24  }
0xaf: {  	[dreg:$0x3] =	wrdreg s2  }
0xb0: {  	[dreg:$0x4] =	wrdreg $0xA9000  }
0xb1: {  	[dreg:$0x5] =	wrdreg $0x9  }
0xb2: {  	_ =	task.clear_ibuf [dreg:s7], $0x6FFFF;
	_ =	strace $0x90000052  }
0xb3: {  	s29 =	simm.s32 $0x9;
	_ =	strace $0x80000054  }
0xb4: {  	_ =	swait.ge [sflag:s29], $0x1  }
0xb5: {  	[sflag:s29] =	ssyncadd.s32 $0xFFFFFFFF  }
0xb6: {  	_ =	strace $0x90000054  }
0xb7: {  	_ =	sfence  }
0xb8: {  	s30 =	sld [smem:$0x0];
	_ =	sdelay $0x2  }
0xb9: {  	s31 =	sshll.u32 s1, $0xD;
	s1 =	sshrl.u32 s1, $0x2  }
0xba: {  	s3 =	sand.u32 $0x4000, s31;
	s1 =	sadd.s32 s1, s30  }
0xbb: {  	s0 =	sor.u32 s3, s0;
	s1 =	sshll.u32 s1, $0x11  }
0xbc: {  	s0 =	sor.u32 s1, s0  }
0xbd: {  	s0 =	sadd.s32 $0x8F2B, s0  }
0xbe: {  	[sflag:s0] =	ssyncadd.remote.s32 $0x1  }
0xbf: {  	_ =	sfence.sel $0xFFFF  }
0xc0: {  	[dreg:$0x0] =	wrdreg $0xFFFFFFFF;
	(pc) =	sbr.abs _section_cstart, $3  }
0xc1: {  	[dreg:$0x1] =	wrdreg $0xFFFFFFFF  }
0xc2: {  	_ =	task.clear_ibuf [dreg:s7], $0x2FFFF;
	_ =	strace $0x9FFFFFFF  }
0xc3: {  	(tm) =	ssettm $0x7FFFFFFF  }
tec
execute0_lowered:
.L_overlay_start_1:
0x0: {  	(tag) =	ssettag $0x1  }
0x1: {  	s1 =	rddreg [dreg:$0x0];
	s2 =	srdreg.scid  }
0x2: {  	s0 =	stileid.u32;
	s9 =	rddreg [dreg:$0x1];
	s17 =	simm.s32 $0x2800  }
0x3: {  	s18 =	simm.s32 $0xA800;
	s19 =	simm.s32 $0x6800;
	s21 =	simm.s32 $0xA880  }
0x4: {  	s22 =	simm.s32 $0x1;
	s23 =	simm.s32 $0x5;
	s24 =	simm.s32 $0x2  }
0x5: {  	s25 =	simm.s32 $0x6;
	s26 =	simm.s32 $0x3;
	s28 =	simm.s32 $0x4  }
0x6: {  	s29 =	simm.s32 $0x0;
	s6 =	sand.u32 $0x1, s2;
	s3 =	sshll.u32 s0, $0x1  }
0x7: {  	s2 =	rddreg [dreg:$0x2];
	s5 =	sadd.s32 $0x2E200, s1;
	s8 =	smul.u32 $0x4F000, s0  }
0x8: {  	p0 =	seq.s32 s0, $0xF;
	s4 =	sor.u32 s6, s3;
	s7 =	smul.u32 $0x27800, s6  }
0x9: {  	s3 =	simm.s32 $0x0;
	s6 =	ssub.s32 $0x2, s6;
	s10 =	smul.u32 $0x500, s4  }
0xa: {  	s16 =	sadd.s32 $0x128400, s2;
	[smem:$0x7FF] =	sst s3;
	s4 =	smul.u32 $0x2780, s0  }
0xb: {  	s13 =	sshrl.u32 s6, $0x1;
	s31 =	sshrl.u32 s8, $0x2;
	s8 =	sadd.s32 $0x2BA80, s1  }
0xc: {  	_ =	strace $0x80000053;
	s14 =	sadd.s32 s7, s1;
	s13 =	ssub.s32 s6, s13  }
0xd: {  	s15 =	sadd.s32 s31, s2;
	s11 =	sadd.s32 s10, s1;
	s12 =	sadd.s32 s4, s1  }
0xe: {  	s9 =	sadd.s32 s9, s10;
	s10 =	sadd.s32 $0xAF200, s14;
	s1 =	sshll.u32 @!p0 s0, $0x6  }
0xf: {  	s15 =	sshrl.u32 @!p0 s15, $0x3;
	s6 =	sadd.s32 $0xA5200, s11;
	s7 =	sadd.s32 $0x6A00, s12  }
0x10: {  	s11 =	smax.u32 s13, $0x1;
	s12 =	simm.s32 $0x7;
	s13 =	sshrl.u32 @p0 s16, $0x3  }
0x11: {  	s14 =	sor.u32 @!p0 $0x1C07, s1;
	s16 =	simm.s32 $0x80;
	s20 =	sadd.s32 $0x10, s9  }
.LBB2_1:
0x12: {  	[tilespmem:s3], [sflag:$0x7] =	stream.linear.gather [hbm4b:s6+s3], $0x2800, $0x38;
	[tilespmem:$0x1E200] =	vst v63  }
0x13: {  	_ =	swait.ge [sflag:s12], $0x2800  }
0x14: {  	[sflag:s12] =	ssyncset.done $0x0  }
0x15: {  	s1 =	simm.s32 @p0 $0x1FC7;
	[sflag:s12] =	ssyncadd.s32 $0xFFFFD800  }
0x16: {  	[spmem:s13], [sflag:s1] =	dma.local @p0 [hbm:s8], $0x2180  }
0x17: {  	s1 =	simm.s32 @p0 $0x7  }
0x18: {  	_ =	swait.ge @p0 [sflag:s1], $0x2180  }
0x19: {  	[sflag:s1] =	ssyncset.done @p0 $0x0  }
0x1a: {  	[sflag:s1] =	ssyncadd.s32 @p0 $0xFFFFDE80;
	s1 =	simm.s32 @!p0 $0x7  }
0x1b: {  	[spmem:s15], [sflag:s14] =	dma.local @!p0 [hbm:s7], $0x2780  }
0x1c: {  	_ =	swait.ge @!p0 [sflag:s1], $0x2780  }
0x1d: {  	[sflag:s1] =	ssyncset.done @!p0 $0x0  }
0x1e: {  	[sflag:s1] =	ssyncadd.s32 @!p0 $0xFFFFD880  }
0x1f: {  	[bflag:$0x0] =	sbarrier.arrive $0xFFFF  }
0x20: {  	[tilespmem:s17], [sflag:$0x1] =	stream.indirect.gather [hbm4b:s5+s16], $0x80, s3, s16, $0xb8;
	[tilespmem:$0x1E200] =	vst v63  }
0x21: {  	_ = 	snop  }
0x22: {  	[tilespmem:s18], [sflag:$0x5] =	stream.linear.gather [hbm4b:s9+s3], $0x80, $0x38;
	[tilespmem:$0x1E200] =	vst v63  }
0x23: {  	_ = 	snop  }
0x24: {  	[tilespmem:s19], [sflag:$0x2] =	stream.indirect.gather [hbm4b:s5+s16], $0x80, s16, s16, $0xb8;
	[tilespmem:$0x1E200] =	vst v63  }
0x25: {  	_ = 	snop  }
0x26: {  	[tilespmem:s21], [sflag:$0x6] =	stream.linear.gather [hbm4b:s20+s3], $0x80, $0x38;
	[tilespmem:$0x1E200] =	vst v63  }
0x27: {  	_ =	swait.ge [sflag:s22], $0x4000  }
0x28: {  	[sflag:s22] =	ssyncset.done $0x0  }
0x29: {  	[sflag:s22] =	ssyncadd.s32 $0xFFFFC000  }
0x2a: {  	_ =	swait.ge [sflag:s23], $0x80  }
0x2b: {  	[sflag:s23] =	ssyncset.done $0x0  }
0x2c: {  	[sflag:s23] =	ssyncadd.s32 $0xFFFFFF80  }
0x2d: {  	[spmem:s2] =	stream.indirect.scatter.add.f32 [tilespmem:s17], [sflag:$0x3], $0x80, s18, s16, $0xb8;
	[tilespmem:$0x1E200] =	vst v63  }
0x2e: {  	_ =	swait.ge [sflag:s24], $0x4000  }
0x2f: {  	[sflag:s24] =	ssyncset.done $0x0  }
0x30: {  	[sflag:s24] =	ssyncadd.s32 $0xFFFFC000  }
0x31: {  	_ =	swait.ge [sflag:s25], $0x80  }
0x32: {  	[sflag:s25] =	ssyncset.done $0x0  }
0x33: {  	[sflag:s25] =	ssyncadd.s32 $0xFFFFFF80  }
0x34: {  	[spmem:s2] =	stream.indirect.scatter.add.f32 [tilespmem:s19], [sflag:$0x4], $0x80, s21, s16, $0xb8;
	[tilespmem:$0x1E200] =	vst v63  }
0x35: {  	_ =	swait.ge [sflag:s26], $0x4000  }
0x36: {  	[sflag:s26] =	ssyncset.done $0x0  }
0x37: {  	s0 =	simm.s32 $0x100;
	s31 =	sadd.s32 $0xFFFFFB20, s9;
	[sflag:s26] =	ssyncadd.s32 $0xFFFFC000  }
0x38: {  	[tilespmem:s17], [sflag:$0x1] =	stream.indirect.gather [hbm4b:s5+s16], $0x80, s0, s16, $0xb8;
	[tilespmem:$0x1E200] =	vst v63  }
0x39: {  	s0 =	sadd.s32 $0x500, s31  }
0x3a: {  	[tilespmem:s18], [sflag:$0x5] =	stream.linear.gather [hbm4b:s0+s3], $0x80, $0x38;
	[tilespmem:$0x1E200] =	vst v63  }
0x3b: {  	_ =	swait.ge [sflag:s28], $0x4000  }
0x3c: {  	s30 =	simm.s32 $0xFFFFFB40;
	s1 =	sadd.s32 $0x510, s31;
	[sflag:s28] =	ssyncset.done $0x0  }
0x3d: {  	s31 =	simm.s32 $0x200;
	s0 =	simm.s32 $0x180;
	[sflag:s28] =	ssyncadd.s32 $0xFFFFC000  }
0x3e: {  	[tilespmem:s19], [sflag:$0x2] =	stream.indirect.gather [hbm4b:s5+s16], $0x80, s0, s16, $0xb8;
	[tilespmem:$0x1E200] =	vst v63  }
.LBB2_2:
0x3f: {  	[tilespmem:s21], [sflag:$0x6] =	stream.linear.gather [hbm4b:s1+s3], $0x80, $0x38;
	[tilespmem:$0x1E200] =	vst v63  }
0x40: {  	s1 =	smov.u32 s30  }
0x41: {  	p1 =	sne.s32 s30, $0xFFFFFFE0;
	s30 =	sadd.s32 $0x20, s30;
	_ =	swait.ge [sflag:s22], $0x4000  }
0x42: {  	[sflag:s22] =	ssyncset.done $0x0  }
0x43: {  	[sflag:s22] =	ssyncadd.s32 $0xFFFFC000  }
0x44: {  	_ =	swait.ge [sflag:s23], $0x80  }
0x45: {  	[sflag:s23] =	ssyncset.done $0x0  }
0x46: {  	[sflag:s23] =	ssyncadd.s32 $0xFFFFFF80  }
0x47: {  	[spmem:s2] =	stream.indirect.scatter.add.f32 [tilespmem:s17], [sflag:$0x3], $0x80, s18, s16, $0xb8;
	[tilespmem:$0x1E200] =	vst v63  }
0x48: {  	_ =	swait.ge [sflag:s24], $0x4000  }
0x49: {  	[sflag:s24] =	ssyncset.done $0x0  }
0x4a: {  	[sflag:s24] =	ssyncadd.s32 $0xFFFFC000  }
0x4b: {  	_ =	swait.ge [sflag:s25], $0x80  }
0x4c: {  	[sflag:s25] =	ssyncset.done $0x0  }
0x4d: {  	[sflag:s25] =	ssyncadd.s32 $0xFFFFFF80  }
0x4e: {  	[spmem:s2] =	stream.indirect.scatter.add.f32 [tilespmem:s19], [sflag:$0x4], $0x80, s21, s16, $0xb8;
	[tilespmem:$0x1E200] =	vst v63  }
0x4f: {  	_ =	swait.ge [sflag:s26], $0x4000  }
0x50: {  	[sflag:s26] =	ssyncset.done $0x0  }
0x51: {  	s1 =	sadd.s32 s1, s9;
	[sflag:s26] =	ssyncadd.s32 $0xFFFFC000  }
0x52: {  	[tilespmem:s17], [sflag:$0x1] =	stream.indirect.gather [hbm4b:s5+s16], $0x80, s31, s16, $0xb8;
	[tilespmem:$0x1E200] =	vst v63  }
0x53: {  	s0 =	sadd.s32 $0x500, s1  }
0x54: {  	[tilespmem:s18], [sflag:$0x5] =	stream.linear.gather [hbm4b:s0+s3], $0x80, $0x38;
	[tilespmem:$0x1E200] =	vst v63  }
.Ltmp0:
0x55: {  	_ =	swait.ge [sflag:s28], $0x4000;
	(pc) =	sbr.rel @p1 .LBB2_2-.Ltmp0, $4  }
0x56: {  	[sflag:s28] =	ssyncset.done $0x0  }
0x57: {  	s0 =	sadd.s32 $0x80, s31;
	[sflag:s28] =	ssyncadd.s32 $0xFFFFC000  }
0x58: {  	[tilespmem:s19], [sflag:$0x2] =	stream.indirect.gather [hbm4b:s5+s16], $0x80, s0, s16, $0xb8;
	[tilespmem:$0x1E200] =	vst v63  }
0x59: {  	s1 =	sadd.s32 $0x510, s1;
	s31 =	sadd.s32 $0x100, s31  }
0x5a: {  	[tilespmem:s21], [sflag:$0x6] =	stream.linear.gather [hbm4b:s1+s3], $0x80, $0x38;
	[tilespmem:$0x1E200] =	vst v63  }
0x5b: {  	_ =	swait.ge [sflag:s22], $0x4000  }
0x5c: {  	[sflag:s22] =	ssyncset.done $0x0  }
0x5d: {  	[sflag:s22] =	ssyncadd.s32 $0xFFFFC000  }
0x5e: {  	_ =	swait.ge [sflag:s23], $0x80  }
0x5f: {  	[sflag:s23] =	ssyncset.done $0x0  }
0x60: {  	[sflag:s23] =	ssyncadd.s32 $0xFFFFFF80  }
0x61: {  	[spmem:s2] =	stream.indirect.scatter.add.f32 [tilespmem:s17], [sflag:$0x3], $0x80, s18, s16, $0xb8;
	[tilespmem:$0x1E200] =	vst v63  }
0x62: {  	_ =	swait.ge [sflag:s24], $0x4000  }
0x63: {  	[sflag:s24] =	ssyncset.done $0x0  }
0x64: {  	[sflag:s24] =	ssyncadd.s32 $0xFFFFC000  }
0x65: {  	_ =	swait.ge [sflag:s25], $0x80  }
0x66: {  	[sflag:s25] =	ssyncset.done $0x0  }
0x67: {  	[sflag:s25] =	ssyncadd.s32 $0xFFFFFF80  }
0x68: {  	[spmem:s2] =	stream.indirect.scatter.add.f32 [tilespmem:s19], [sflag:$0x4], $0x80, s21, s16, $0xb8;
	[tilespmem:$0x1E200] =	vst v63  }
0x69: {  	_ =	swait.ge [sflag:s26], $0x4000  }
0x6a: {  	[sflag:s26] =	ssyncset.done $0x0  }
0x6b: {  	[sflag:s26] =	ssyncadd.s32 $0xFFFFC000  }
0x6c: {  	_ =	swait.ge [sflag:s28], $0x4000  }
0x6d: {  	[sflag:s28] =	ssyncset.done $0x0  }
0x6e: {  	[sflag:s28] =	ssyncadd.s32 $0xFFFFC000  }
0x6f: {  	s0 =	sadd.s32 @p0 $0x25080, s10;
	s1 =	simm.s32 @p0 $0x1FC7;
	[bflag:$0x0] =	sbarrier.arrive $0xFFFF  }
0x70: {  	[hbm:s0], [sflag:s1] =	dma.local @p0 [spmem:s13], $0x2180  }
0x71: {  	s0 =	simm.s32 @p0 $0x7  }
0x72: {  	_ =	swait.ge @p0 [sflag:s0], $0x2180  }
0x73: {  	s29 =	sadd.s32 $0x1, s29;
	[sflag:s0] =	ssyncset.done @p0 $0x0  }
0x74: {  	p1 =	sne.s32 s29, s11;
	[sflag:s0] =	ssyncadd.s32 @p0 $0xFFFFDE80;
	s0 =	sadd.s32 @!p0 s4, s10  }
0x75: {  	[hbm:s0], [sflag:s14] =	dma.local @!p0 [spmem:s15], $0x2780  }
.Ltmp1:
0x76: {  	_ = 	snop;
	(pc) =	sbr.rel @p1 .LBB2_1-.Ltmp1, $4  }
0x77: {  	s0 =	simm.s32 @!p0 $0x7  }
0x78: {  	_ =	swait.ge @!p0 [sflag:s0], $0x2780  }
0x79: {  	[sflag:s0] =	ssyncset.done @!p0 $0x0  }
0x7a: {  	[sflag:s0] =	ssyncadd.s32 @!p0 $0xFFFFD880  }
0x7b: {  	_ =	sfence.sel $0x180000  }
0x7c: {  	[bflag:$0x0] =	sbarrier.arrive $0xFFFF  }
0x7d: {  	_ =	strace $0x90000053  }
0x7e: {  	s0 =	stileid.u32;
	[bflag:$0x2] =	sbarrier.arrive $0xFFFF  }
0x7f: {  	p0 =	sne.s32 s0, $0x0;
	s0 =	rddreg [dreg:$0x3]  }
0x80: {  	s0 =	sadd.s32 @!p0 $0x100000, s0  }
0x81: {  	[sflag:s0] =	ssyncadd.tile.s32 @!p0 $0x1;
	_ =	shalt  }
.Lfunc_end2:
_tile_overlayer_lowered:
.L_overlay_start_2:
0x82: {  	(tag) =	ssettag $0x2  }
0x83: {  	s0 =	rddreg [dreg:$0x0];
	s2 =	stileid.u32  }
0x84: {  	s1 =	rddreg [dreg:$0x1];
	p0 =	sne.s32 s2, $0x0  }
0x85: {  	s3 =	rddreg [dreg:$0x2];
	[bflag:$0x3] =	sbarrier.arrive $0xFFFF;
	s2 =	simm.s32 @!p0 $0x1C07  }
0x86: {  	[timem:s3], [sflag:s2] =	dma.local @!p0 [hbm:s0], s1  }
0x87: {  	s0 =	simm.s32 @!p0 $0x7  }
0x88: {  	_ =	swait.ge @!p0 [sflag:s0], s1  }
0x89: {  	s1 =	ssub.s32 @!p0 $0x0, s1;
	[sflag:s0] =	ssyncset.done @!p0 $0x0  }
0x8a: {  	[sflag:s0] =	ssyncadd.s32 @!p0 s1  }
0x8b: {  	[bflag:$0x3] =	sbarrier.arrive $0xFFFF  }
0x8c: {  	_ =	shalt  }

// kernel: kernel.33.cloned.1.call-start
scs
__scs_entry_jumppad:
0x0: {  	(pc) =	sbr.rel $0x88, $3  }
0x1: {  	(tag) =	ssettag $0x0;
	lr =	simm.s32 $0x1  }
0x2: {  	[smem:$0x3F91] =	sst lr;
	_ =	strace $0xD0000000  }
0x3: {  	_ = 	snop  }
0x4: {  	_ = 	snop  }
0x5: {  	_ = 	snop  }
0x6: {  	_ = 	snop  }
0x7: {  	_ = 	snop  }
__scs_overlays_trampoline_lowered:
0x8: {  	[smem:$0x3FA0] =	sst s0  }
0x9: {  	[smem:$0x3FA1] =	sst s1  }
0xa: {  	[smem:$0x3FA2] =	sst s2  }
0xb: {  	[smem:$0x3FA3] =	sst s3  }
0xc: {  	[smem:$0x3FA4] =	sst s4  }
0xd: {  	[smem:$0x3FA5] =	sst s5  }
0xe: {  	[smem:$0x3FA6] =	sst s6  }
0xf: {  	[smem:$0x3FA7] =	sst s7  }
0x10: {  	[smem:$0x3FA8] =	sst s8  }
0x11: {  	[smem:$0x3FA9] =	sst s9;
	s0 =	simm.s32 @!p0 $0x0  }
0x12: {  	s1 =	sld [smem:$0x3F8F];
	s0 =	simm.s32 @p0 $0x1  }
0x13: {  	[smem:$0x3FAA] =	sst s0;
	s0 =	simm.s32 @!p1 $0x0  }
0x14: {  	s2 =	sld [smem:$0x3F8E];
	s0 =	simm.s32 @p1 $0x1  }
0x15: {  	[smem:$0x3FAB] =	sst s0;
	s0 =	simm.s32 @!p2 $0x0  }
0x16: {  	s3 =	sld [smem:$0x3FDB];
	s0 =	simm.s32 @p2 $0x1  }
0x17: {  	s4 =	simm.s32 $0x1BF5;
	[smem:$0x3FAD] =	sst s0  }
0x18: {  	s0 =	sld [smem:$0x3F90];
	_ =	swait.ge [sflag:s4], $0x0  }
0x19: {  	s7 =	sld [smem:$0x3F91]  }
0x1a: {  	s8 =	sadd.s32 $0xFFFFE003, lr  }
0x1b: {  	s9 =	sadd.s32 $0xFFFFFEF7, lr;
	s5 =	simm.s32 $0xFFFFFFFF;
	p2 =	slt.u32 s8, $0xFFFFF086  }
0x1c: {  	p1 =	slt.u32 s9, $0xF7A;
	s5 =	simm.s32 @!p2 $0x0  }
0x1d: {  	s5 =	simm.s32 @p1 $0x1;
	p0 =	seq.s32 s7, s2  }
0x1e: {  	s7 =	smul.u32 @!p0 $0xF7A, s2;
	p2 =	seq.s32 @!p0 s5, $0x0  }
0x1f: {  	s9 =	smul.u32 $0xF7A, s1;
	s8 =	simm.s32 @!p0 $0x1BF5;
	p2 =	por !p2, p0  }
0x20: {  	[sflag:s8] =	ssyncset.s32 @!p0 $0xFFFFF086;
	s6 =	sadd.s32 @!p0 s3, s7;
	s7 =	simm.s32 @!p0 $0x108  }
0x21: {  	s3 =	sadd.s32 s3, s9;
	s6 =	sadd.s32 @!p0 $0x88, s6;
	s7 =	simm.s32 @p2 $0x1082  }
0x22: {  	[simem:s7], [sflag:s8] =	dma.local @!p0 [hbm:s6], $0xF7A  }
0x23: {  	s9 =	sor.u32 $0xD0000000, s2;
	s6 =	simm.s32 $0x108;
	_ =	swait.ge @!p0 [sflag:s8], $0x0  }
0x24: {  	s3 =	sadd.s32 $0x88, s3;
	s6 =	simm.s32 @!p1 $0x1082;
	[sflag:s4] =	ssyncset.s32 $0xFFFFF086  }
0x25: {  	[simem:s6], [sflag:s4] =	dma.local [hbm:s3], $0xF7A  }
0x26: {  	[smem:$0x3F91] =	sst s1;
	(tag) =	ssettag s2;
	_ =	strace s9  }
0x27: {  	s1 =	sld [smem:$0x3FA1]  }
0x28: {  	s2 =	sld [smem:$0x3FA2]  }
0x29: {  	s4 =	sld [smem:$0x3FA4]  }
0x2a: {  	p0 =	seq.s32 s5, $0x0;
	s5 =	sld [smem:$0x3FA5]  }
0x2b: {  	s6 =	sld [smem:$0x3FA6]  }
0x2c: {  	s7 =	sld [smem:$0x3FA7]  }
0x2d: {  	s3 =	simm.s32 $0x108;
	s8 =	sld [smem:$0x3FA8]  }
0x2e: {  	s3 =	simm.s32 @!p0 $0x1082;
	s9 =	sld [smem:$0x3FA9]  }
0x2f: {  	lr =	sadd.s32 s0, s3;
	s0 =	sld [smem:$0x3FA0]  }
0x30: {  	s3 =	sld [smem:$0x3FA3]  }
0x31: {  	[smem:$0x3FAC] =	sst s10  }
0x32: {  	s10 =	sld [smem:$0x3FAA];
	_ =	sdelay $0x3  }
0x33: {  	p0 =	seq.s32 s10, $0x1;
	s10 =	sld [smem:$0x3FAC];
	_ =	sdelay $0x3  }
0x34: {  	[smem:$0x3FAC] =	sst s10  }
0x35: {  	s10 =	sld [smem:$0x3FAB];
	_ =	sdelay $0x3  }
0x36: {  	p1 =	seq.s32 s10, $0x1;
	s10 =	sld [smem:$0x3FAC];
	_ =	sdelay $0x3  }
0x37: {  	[smem:$0x3FAC] =	sst s10  }
0x38: {  	s10 =	sld [smem:$0x3FAD]  }
0x39: {  	_ = 	snop;
	(pc) =	sbr.ind lr, $3  }
0x3a: {  	_ = 	snop  }
0x3b: {  	_ = 	snop  }
0x3c: {  	p2 =	seq.s32 s10, $0x1;
	s10 =	sld [smem:$0x3FAC]  }
0x3d: {  	_ =	shalt  }
0x3e: {  	_ =	shalt  }
0x3f: {  	_ =	shalt  }
0x40: {  	_ =	shalt  }
0x41: {  	_ =	shalt  }
0x42: {  	_ =	shalt  }
0x43: {  	_ =	shalt  }
0x44: {  	_ =	shalt  }
0x45: {  	_ =	shalt  }
0x46: {  	_ =	shalt  }
0x47: {  	_ =	shalt  }
0x48: {  	_ =	shalt  }
0x49: {  	_ =	shalt  }
0x4a: {  	_ =	shalt  }
0x4b: {  	_ =	shalt  }
0x4c: {  	_ =	shalt  }
0x4d: {  	_ =	shalt  }
0x4e: {  	_ =	shalt  }
0x4f: {  	_ =	shalt  }
0x50: {  	_ =	shalt  }
0x51: {  	_ =	shalt  }
0x52: {  	_ =	shalt  }
0x53: {  	_ =	shalt  }
0x54: {  	_ =	shalt  }
0x55: {  	_ =	shalt  }
0x56: {  	_ =	shalt  }
0x57: {  	_ =	shalt  }
0x58: {  	_ =	shalt  }
0x59: {  	_ =	shalt  }
0x5a: {  	_ =	shalt  }
0x5b: {  	_ =	shalt  }
0x5c: {  	_ =	shalt  }
0x5d: {  	_ =	shalt  }
0x5e: {  	_ =	shalt  }
0x5f: {  	_ =	shalt  }
0x60: {  	_ =	shalt  }
0x61: {  	_ =	shalt  }
0x62: {  	_ =	shalt  }
0x63: {  	_ =	shalt  }
0x64: {  	_ =	shalt  }
0x65: {  	_ =	shalt  }
0x66: {  	_ =	shalt  }
0x67: {  	_ =	shalt  }
0x68: {  	_ =	shalt  }
0x69: {  	_ =	shalt  }
0x6a: {  	_ =	shalt  }
0x6b: {  	_ =	shalt  }
0x6c: {  	_ =	shalt  }
0x6d: {  	_ =	shalt  }
0x6e: {  	_ =	shalt  }
0x6f: {  	_ =	shalt  }
0x70: {  	_ =	shalt  }
0x71: {  	_ =	shalt  }
0x72: {  	_ =	shalt  }
0x73: {  	_ =	shalt  }
0x74: {  	_ =	shalt  }
0x75: {  	_ =	shalt  }
0x76: {  	_ =	shalt  }
0x77: {  	_ =	shalt  }
0x78: {  	_ =	shalt  }
0x79: {  	_ =	shalt  }
0x7a: {  	_ =	shalt  }
0x7b: {  	_ =	shalt  }
0x7c: {  	_ =	shalt  }
0x7d: {  	_ =	shalt  }
0x7e: {  	_ =	shalt  }
0x7f: {  	_ =	shalt  }
0x80: {  	_ =	shalt  }
0x81: {  	_ =	shalt  }
0x82: {  	_ =	shalt  }
0x83: {  	_ =	shalt  }
0x84: {  	_ =	shalt  }
0x85: {  	_ =	shalt  }
0x86: {  	_ =	shalt  }
0x87: {  	_ =	shalt  }
.Lfunc_end0:
.L_simem_size_0:
called_computation.5_lowered:
.L_overlay_start_0:
0x88: {  	s2 =	sld [smem:$0x3FD9]  }
0x89: {  	s3 =	sld [smem:$0x3FFE];
	_ =	sdelay $0x1  }
0x8a: {  	s1 =	srdreg.scid  }
0x8b: {  	s0 =	sand.u32 $0x1, s1  }
0x8c: {  	s17 =	sshll.u32 s0, $0xA;
	s2 =	sadd.s32 s3, s2  }
0x8d: {  	s2 =	sadd.s32 s2, s17  }
0x8e: {  	[smem:$0x3FB8] =	sst s2  }
0x8f: {  	_ = 	snop  }
0x90: {  	s2 =	sld [smem:$0x3FD0];
	(tm) =	ssettm $0x1  }
0x91: {  	s18 =	sld [smem:$0x3FFB];
	_ =	sdelay $0x3  }
0x92: {  	_ =	strace s18  }
0x93: {  	s3 =	sld [smem:$0x3FFC];
	_ =	sdelay $0x3  }
0x94: {  	_ =	strace s3  }
0x95: {  	s3 =	sld [smem:$0x3FFD];
	_ =	sdelay $0x3  }
0x96: {  	_ =	strace s3  }
0x97: {  	_ =	strace $0x8FFFFFFF  }
0x98: {  	s19 =	sld [smem:$0x3FDB];
	_ =	sdelay $0x1  }
0x99: {  	s4 =	simm.s32 $_scs_section_size  }
0x9a: {  	s5 =	simm.s32 $_size__tile_overlayer_lowered;
	s6 =	simm.s32 $_tile_overlayer_lowered  }
0x9b: {  	s22 =	simm.s32 $0x1BFF;
	s21 =	sshll.u32 s6, $0x1;
	s3 =	sadd.s32 s4, s19  }
0x9c: {  	s7 =	simm.s32 $0x0;
	s20 =	sshll.u32 s5, $0x1;
	s5 =	sadd.s32 s21, s3  }
0x9d: {  	[timem:s7], [sflag:s22] =	dma.local [hbm:s5], s20  }
0x9e: {  	_ =	swait.ge [sflag:s22], s20  }
0x9f: {  	s4 =	ssub.s32 $0x0, s20;
	[sflag:s22] =	ssyncset.done $0x0  }
0xa0: {  	[sflag:s22] =	ssyncadd.s32 s4;
	_ =	sdelay $0x1  }
0xa1: {  	s23 =	simm.s32 $0x1B8B  }
0xa2: {  	_ =	swait.ge [sflag:s23], $0x1  }
0xa3: {  	[sflag:s23] =	ssyncset.done $0x0  }
0xa4: {  	s25 =	simm.s32 $0x1B8E;
	s24 =	sld [smem:$0x3FFE];
	[sflag:s23] =	ssyncadd.s32 $0xFFFFFFFF  }
0xa5: {  	s26 =	simm.s32 $execute0_lowered;
	[smem:$0x3FD2] =	sst s25  }
0xa6: {  	s5 =	sshll.u32 s26, $0x1;
	_ =	strace $0x80000055;
	[dreg:$0x1] =	wrdreg $0xFFFFFFFF  }
0xa7: {  	s28 =	simm.s32 $_size_execute0_lowered;
	s3 =	sadd.s32 s3, s5;
	[dreg:$0x0] =	wrdreg $0x0  }
0xa8: {  	s5 =	sshll.u32 s28, $0x1;
	[dreg:$0x2] =	wrdreg s3  }
0xa9: {  	[dreg:$0x3] =	wrdreg s5  }
0xaa: {  	[dreg:$0x4] =	wrdreg $0xC0  }
0xab: {  	_ =	task [dreg:s7], $0x5FFFF  }
0xac: {  	[dreg:$0x1] =	wrdreg $0xFFFFFFFF  }
0xad: {  	[dreg:$0x0] =	wrdreg $0x60  }
0xae: {  	[dreg:$0x2] =	wrdreg s24  }
0xaf: {  	[dreg:$0x3] =	wrdreg s2  }
0xb0: {  	[dreg:$0x4] =	wrdreg $0xA9000  }
0xb1: {  	[dreg:$0x5] =	wrdreg $0x9  }
0xb2: {  	_ =	task.clear_ibuf [dreg:s7], $0x6FFFF;
	_ =	strace $0x90000055  }
0xb3: {  	s29 =	simm.s32 $0x9;
	_ =	strace $0x80000057  }
0xb4: {  	_ =	swait.ge [sflag:s29], $0x1  }
0xb5: {  	[sflag:s29] =	ssyncadd.s32 $0xFFFFFFFF  }
0xb6: {  	_ =	strace $0x90000057  }
0xb7: {  	_ =	sfence  }
0xb8: {  	s30 =	sld [smem:$0x0];
	_ =	sdelay $0x2  }
0xb9: {  	s31 =	sshll.u32 s1, $0xD;
	s1 =	sshrl.u32 s1, $0x2  }
0xba: {  	s3 =	sand.u32 $0x4000, s31;
	s1 =	sadd.s32 s1, s30  }
0xbb: {  	s0 =	sor.u32 s3, s0;
	s1 =	sshll.u32 s1, $0x11  }
0xbc: {  	s0 =	sor.u32 s1, s0  }
0xbd: {  	s0 =	sadd.s32 $0x8F2B, s0  }
0xbe: {  	[sflag:s0] =	ssyncadd.remote.s32 $0x1  }
0xbf: {  	_ =	sfence.sel $0xFFFF  }
0xc0: {  	[dreg:$0x0] =	wrdreg $0xFFFFFFFF;
	(pc) =	sbr.abs _section_cstart, $3  }
0xc1: {  	[dreg:$0x1] =	wrdreg $0xFFFFFFFF  }
0xc2: {  	_ =	task.clear_ibuf [dreg:s7], $0x2FFFF;
	_ =	strace $0x9FFFFFFF  }
0xc3: {  	(tm) =	ssettm $0x7FFFFFFF  }
tec
execute0_lowered:
.L_overlay_start_1:
0x0: {  	(tag) =	ssettag $0x1  }
0x1: {  	s1 =	rddreg [dreg:$0x0];
	s2 =	srdreg.scid  }
0x2: {  	s0 =	stileid.u32;
	s9 =	rddreg [dreg:$0x1];
	s17 =	simm.s32 $0x2800  }
0x3: {  	s18 =	simm.s32 $0xA800;
	s19 =	simm.s32 $0x6800;
	s21 =	simm.s32 $0xA880  }
0x4: {  	s22 =	simm.s32 $0x1;
	s23 =	simm.s32 $0x5;
	s24 =	simm.s32 $0x2  }
0x5: {  	s25 =	simm.s32 $0x6;
	s26 =	simm.s32 $0x3;
	s28 =	simm.s32 $0x4  }
0x6: {  	s29 =	simm.s32 $0x0;
	s6 =	sand.u32 $0x1, s2;
	s3 =	sshll.u32 s0, $0x1  }
0x7: {  	s2 =	rddreg [dreg:$0x2];
	s5 =	sadd.s32 $0x2E200, s1;
	s8 =	smul.u32 $0x4F000, s0  }
0x8: {  	p0 =	seq.s32 s0, $0xF;
	s4 =	sor.u32 s6, s3;
	s7 =	smul.u32 $0x27800, s6  }
0x9: {  	s3 =	simm.s32 $0x0;
	s6 =	ssub.s32 $0x2, s6;
	s10 =	smul.u32 $0x500, s4  }
0xa: {  	s16 =	sadd.s32 $0x128400, s2;
	[smem:$0x7FF] =	sst s3;
	s4 =	smul.u32 $0x2780, s0  }
0xb: {  	s13 =	sshrl.u32 s6, $0x1;
	s31 =	sshrl.u32 s8, $0x2;
	s8 =	sadd.s32 $0x2BA80, s1  }
0xc: {  	_ =	strace $0x80000056;
	s14 =	sadd.s32 s7, s1;
	s13 =	ssub.s32 s6, s13  }
0xd: {  	s15 =	sadd.s32 s31, s2;
	s11 =	sadd.s32 s10, s1;
	s12 =	sadd.s32 s4, s1  }
0xe: {  	s9 =	sadd.s32 s9, s10;
	s10 =	sadd.s32 $0xAF200, s14;
	s1 =	sshll.u32 @!p0 s0, $0x6  }
0xf: {  	s15 =	sshrl.u32 @!p0 s15, $0x3;
	s6 =	sadd.s32 $0xA5200, s11;
	s7 =	sadd.s32 $0x6A00, s12  }
0x10: {  	s11 =	smax.u32 s13, $0x1;
	s12 =	simm.s32 $0x7;
	s13 =	sshrl.u32 @p0 s16, $0x3  }
0x11: {  	s14 =	sor.u32 @!p0 $0x1C07, s1;
	s16 =	simm.s32 $0x80;
	s20 =	sadd.s32 $0x10, s9  }
.LBB2_1:
0x12: {  	[tilespmem:s3], [sflag:$0x7] =	stream.linear.gather [hbm4b:s6+s3], $0x2800, $0x38;
	[tilespmem:$0x1E200] =	vst v63  }
0x13: {  	_ =	swait.ge [sflag:s12], $0x2800  }
0x14: {  	[sflag:s12] =	ssyncset.done $0x0  }
0x15: {  	s1 =	simm.s32 @p0 $0x1FC7;
	[sflag:s12] =	ssyncadd.s32 $0xFFFFD800  }
0x16: {  	[spmem:s13], [sflag:s1] =	dma.local @p0 [hbm:s8], $0x2180  }
0x17: {  	s1 =	simm.s32 @p0 $0x7  }
0x18: {  	_ =	swait.ge @p0 [sflag:s1], $0x2180  }
0x19: {  	[sflag:s1] =	ssyncset.done @p0 $0x0  }
0x1a: {  	[sflag:s1] =	ssyncadd.s32 @p0 $0xFFFFDE80;
	s1 =	simm.s32 @!p0 $0x7  }
0x1b: {  	[spmem:s15], [sflag:s14] =	dma.local @!p0 [hbm:s7], $0x2780  }
0x1c: {  	_ =	swait.ge @!p0 [sflag:s1], $0x2780  }
0x1d: {  	[sflag:s1] =	ssyncset.done @!p0 $0x0  }
0x1e: {  	[sflag:s1] =	ssyncadd.s32 @!p0 $0xFFFFD880  }
0x1f: {  	[bflag:$0x0] =	sbarrier.arrive $0xFFFF  }
0x20: {  	[tilespmem:s17], [sflag:$0x1] =	stream.indirect.gather [hbm4b:s5+s16], $0x80, s3, s16, $0xb8;
	[tilespmem:$0x1E200] =	vst v63  }
0x21: {  	_ = 	snop  }
0x22: {  	[tilespmem:s18], [sflag:$0x5] =	stream.linear.gather [hbm4b:s9+s3], $0x80, $0x38;
	[tilespmem:$0x1E200] =	vst v63  }
0x23: {  	_ = 	snop  }
0x24: {  	[tilespmem:s19], [sflag:$0x2] =	stream.indirect.gather [hbm4b:s5+s16], $0x80, s16, s16, $0xb8;
	[tilespmem:$0x1E200] =	vst v63  }
0x25: {  	_ = 	snop  }
0x26: {  	[tilespmem:s21], [sflag:$0x6] =	stream.linear.gather [hbm4b:s20+s3], $0x80, $0x38;
	[tilespmem:$0x1E200] =	vst v63  }
0x27: {  	_ =	swait.ge [sflag:s22], $0x4000  }
0x28: {  	[sflag:s22] =	ssyncset.done $0x0  }
0x29: {  	[sflag:s22] =	ssyncadd.s32 $0xFFFFC000  }
0x2a: {  	_ =	swait.ge [sflag:s23], $0x80  }
0x2b: {  	[sflag:s23] =	ssyncset.done $0x0  }
0x2c: {  	[sflag:s23] =	ssyncadd.s32 $0xFFFFFF80  }
0x2d: {  	[spmem:s2] =	stream.indirect.scatter.add.f32 [tilespmem:s17], [sflag:$0x3], $0x80, s18, s16, $0xb8;
	[tilespmem:$0x1E200] =	vst v63  }
0x2e: {  	_ =	swait.ge [sflag:s24], $0x4000  }
0x2f: {  	[sflag:s24] =	ssyncset.done $0x0  }
0x30: {  	[sflag:s24] =	ssyncadd.s32 $0xFFFFC000  }
0x31: {  	_ =	swait.ge [sflag:s25], $0x80  }
0x32: {  	[sflag:s25] =	ssyncset.done $0x0  }
0x33: {  	[sflag:s25] =	ssyncadd.s32 $0xFFFFFF80  }
0x34: {  	[spmem:s2] =	stream.indirect.scatter.add.f32 [tilespmem:s19], [sflag:$0x4], $0x80, s21, s16, $0xb8;
	[tilespmem:$0x1E200] =	vst v63  }
0x35: {  	_ =	swait.ge [sflag:s26], $0x4000  }
0x36: {  	[sflag:s26] =	ssyncset.done $0x0  }
0x37: {  	s0 =	simm.s32 $0x100;
	s31 =	sadd.s32 $0xFFFFFB20, s9;
	[sflag:s26] =	ssyncadd.s32 $0xFFFFC000  }
0x38: {  	[tilespmem:s17], [sflag:$0x1] =	stream.indirect.gather [hbm4b:s5+s16], $0x80, s0, s16, $0xb8;
	[tilespmem:$0x1E200] =	vst v63  }
0x39: {  	s0 =	sadd.s32 $0x500, s31  }
0x3a: {  	[tilespmem:s18], [sflag:$0x5] =	stream.linear.gather [hbm4b:s0+s3], $0x80, $0x38;
	[tilespmem:$0x1E200] =	vst v63  }
0x3b: {  	_ =	swait.ge [sflag:s28], $0x4000  }
0x3c: {  	s30 =	simm.s32 $0xFFFFFB40;
	s1 =	sadd.s32 $0x510, s31;
	[sflag:s28] =	ssyncset.done $0x0  }
0x3d: {  	s31 =	simm.s32 $0x200;
	s0 =	simm.s32 $0x180;
	[sflag:s28] =	ssyncadd.s32 $0xFFFFC000  }
0x3e: {  	[tilespmem:s19], [sflag:$0x2] =	stream.indirect.gather [hbm4b:s5+s16], $0x80, s0, s16, $0xb8;
	[tilespmem:$0x1E200] =	vst v63  }
.LBB2_2:
0x3f: {  	[tilespmem:s21], [sflag:$0x6] =	stream.linear.gather [hbm4b:s1+s3], $0x80, $0x38;
	[tilespmem:$0x1E200] =	vst v63  }
0x40: {  	s1 =	smov.u32 s30  }
0x41: {  	p1 =	sne.s32 s30, $0xFFFFFFE0;
	s30 =	sadd.s32 $0x20, s30;
	_ =	swait.ge [sflag:s22], $0x4000  }
0x42: {  	[sflag:s22] =	ssyncset.done $0x0  }
0x43: {  	[sflag:s22] =	ssyncadd.s32 $0xFFFFC000  }
0x44: {  	_ =	swait.ge [sflag:s23], $0x80  }
0x45: {  	[sflag:s23] =	ssyncset.done $0x0  }
0x46: {  	[sflag:s23] =	ssyncadd.s32 $0xFFFFFF80  }
0x47: {  	[spmem:s2] =	stream.indirect.scatter.add.f32 [tilespmem:s17], [sflag:$0x3], $0x80, s18, s16, $0xb8;
	[tilespmem:$0x1E200] =	vst v63  }
0x48: {  	_ =	swait.ge [sflag:s24], $0x4000  }
0x49: {  	[sflag:s24] =	ssyncset.done $0x0  }
0x4a: {  	[sflag:s24] =	ssyncadd.s32 $0xFFFFC000  }
0x4b: {  	_ =	swait.ge [sflag:s25], $0x80  }
0x4c: {  	[sflag:s25] =	ssyncset.done $0x0  }
0x4d: {  	[sflag:s25] =	ssyncadd.s32 $0xFFFFFF80  }
0x4e: {  	[spmem:s2] =	stream.indirect.scatter.add.f32 [tilespmem:s19], [sflag:$0x4], $0x80, s21, s16, $0xb8;
	[tilespmem:$0x1E200] =	vst v63  }
0x4f: {  	_ =	swait.ge [sflag:s26], $0x4000  }
0x50: {  	[sflag:s26] =	ssyncset.done $0x0  }
0x51: {  	s1 =	sadd.s32 s1, s9;
	[sflag:s26] =	ssyncadd.s32 $0xFFFFC000  }
0x52: {  	[tilespmem:s17], [sflag:$0x1] =	stream.indirect.gather [hbm4b:s5+s16], $0x80, s31, s16, $0xb8;
	[tilespmem:$0x1E200] =	vst v63  }
0x53: {  	s0 =	sadd.s32 $0x500, s1  }
0x54: {  	[tilespmem:s18], [sflag:$0x5] =	stream.linear.gather [hbm4b:s0+s3], $0x80, $0x38;
	[tilespmem:$0x1E200] =	vst v63  }
.Ltmp0:
0x55: {  	_ =	swait.ge [sflag:s28], $0x4000;
	(pc) =	sbr.rel @p1 .LBB2_2-.Ltmp0, $4  }
0x56: {  	[sflag:s28] =	ssyncset.done $0x0  }
0x57: {  	s0 =	sadd.s32 $0x80, s31;
	[sflag:s28] =	ssyncadd.s32 $0xFFFFC000  }
0x58: {  	[tilespmem:s19], [sflag:$0x2] =	stream.indirect.gather [hbm4b:s5+s16], $0x80, s0, s16, $0xb8;
	[tilespmem:$0x1E200] =	vst v63  }
0x59: {  	s1 =	sadd.s32 $0x510, s1;
	s31 =	sadd.s32 $0x100, s31  }
0x5a: {  	[tilespmem:s21], [sflag:$0x6] =	stream.linear.gather [hbm4b:s1+s3], $0x80, $0x38;
	[tilespmem:$0x1E200] =	vst v63  }
0x5b: {  	_ =	swait.ge [sflag:s22], $0x4000  }
0x5c: {  	[sflag:s22] =	ssyncset.done $0x0  }
0x5d: {  	[sflag:s22] =	ssyncadd.s32 $0xFFFFC000  }
0x5e: {  	_ =	swait.ge [sflag:s23], $0x80  }
0x5f: {  	[sflag:s23] =	ssyncset.done $0x0  }
0x60: {  	[sflag:s23] =	ssyncadd.s32 $0xFFFFFF80  }
0x61: {  	[spmem:s2] =	stream.indirect.scatter.add.f32 [tilespmem:s17], [sflag:$0x3], $0x80, s18, s16, $0xb8;
	[tilespmem:$0x1E200] =	vst v63  }
0x62: {  	_ =	swait.ge [sflag:s24], $0x4000  }
0x63: {  	[sflag:s24] =	ssyncset.done $0x0  }
0x64: {  	[sflag:s24] =	ssyncadd.s32 $0xFFFFC000  }
0x65: {  	_ =	swait.ge [sflag:s25], $0x80  }
0x66: {  	[sflag:s25] =	ssyncset.done $0x0  }
0x67: {  	[sflag:s25] =	ssyncadd.s32 $0xFFFFFF80  }
0x68: {  	[spmem:s2] =	stream.indirect.scatter.add.f32 [tilespmem:s19], [sflag:$0x4], $0x80, s21, s16, $0xb8;
	[tilespmem:$0x1E200] =	vst v63  }
0x69: {  	_ =	swait.ge [sflag:s26], $0x4000  }
0x6a: {  	[sflag:s26] =	ssyncset.done $0x0  }
0x6b: {  	[sflag:s26] =	ssyncadd.s32 $0xFFFFC000  }
0x6c: {  	_ =	swait.ge [sflag:s28], $0x4000  }
0x6d: {  	[sflag:s28] =	ssyncset.done $0x0  }
0x6e: {  	[sflag:s28] =	ssyncadd.s32 $0xFFFFC000  }
0x6f: {  	s0 =	sadd.s32 @p0 $0x25080, s10;
	s1 =	simm.s32 @p0 $0x1FC7;
	[bflag:$0x0] =	sbarrier.arrive $0xFFFF  }
0x70: {  	[hbm:s0], [sflag:s1] =	dma.local @p0 [spmem:s13], $0x2180  }
0x71: {  	s0 =	simm.s32 @p0 $0x7  }
0x72: {  	_ =	swait.ge @p0 [sflag:s0], $0x2180  }
0x73: {  	s29 =	sadd.s32 $0x1, s29;
	[sflag:s0] =	ssyncset.done @p0 $0x0  }
0x74: {  	p1 =	sne.s32 s29, s11;
	[sflag:s0] =	ssyncadd.s32 @p0 $0xFFFFDE80;
	s0 =	sadd.s32 @!p0 s4, s10  }
0x75: {  	[hbm:s0], [sflag:s14] =	dma.local @!p0 [spmem:s15], $0x2780  }
.Ltmp1:
0x76: {  	_ = 	snop;
	(pc) =	sbr.rel @p1 .LBB2_1-.Ltmp1, $4  }
0x77: {  	s0 =	simm.s32 @!p0 $0x7  }
0x78: {  	_ =	swait.ge @!p0 [sflag:s0], $0x2780  }
0x79: {  	[sflag:s0] =	ssyncset.done @!p0 $0x0  }
0x7a: {  	[sflag:s0] =	ssyncadd.s32 @!p0 $0xFFFFD880  }
0x7b: {  	_ =	sfence.sel $0x180000  }
0x7c: {  	[bflag:$0x0] =	sbarrier.arrive $0xFFFF  }
0x7d: {  	_ =	strace $0x90000056  }
0x7e: {  	s0 =	stileid.u32;
	[bflag:$0x2] =	sbarrier.arrive $0xFFFF  }
0x7f: {  	p0 =	sne.s32 s0, $0x0;
	s0 =	rddreg [dreg:$0x3]  }
0x80: {  	s0 =	sadd.s32 @!p0 $0x100000, s0  }
0x81: {  	[sflag:s0] =	ssyncadd.tile.s32 @!p0 $0x1;
	_ =	shalt  }
.Lfunc_end2:
_tile_overlayer_lowered:
.L_overlay_start_2:
0x82: {  	(tag) =	ssettag $0x2  }
0x83: {  	s0 =	rddreg [dreg:$0x0];
	s2 =	stileid.u32  }
0x84: {  	s1 =	rddreg [dreg:$0x1];
	p0 =	sne.s32 s2, $0x0  }
0x85: {  	s3 =	rddreg [dreg:$0x2];
	[bflag:$0x3] =	sbarrier.arrive $0xFFFF;
	s2 =	simm.s32 @!p0 $0x1C07  }
0x86: {  	[timem:s3], [sflag:s2] =	dma.local @!p0 [hbm:s0], s1  }
0x87: {  	s0 =	simm.s32 @!p0 $0x7  }
0x88: {  	_ =	swait.ge @!p0 [sflag:s0], s1  }
0x89: {  	s1 =	ssub.s32 @!p0 $0x0, s1;
	[sflag:s0] =	ssyncset.done @!p0 $0x0  }
0x8a: {  	[sflag:s0] =	ssyncadd.s32 @!p0 s1  }
0x8b: {  	[bflag:$0x3] =	sbarrier.arrive $0xFFFF  }
0x8c: {  	_ =	shalt  }

// kernel: kernel.36.cloned.1.call-start
scs
__scs_entry_jumppad:
0x0: {  	(pc) =	sbr.rel $0x88, $3  }
0x1: {  	(tag) =	ssettag $0x0;
	lr =	simm.s32 $0x1  }
0x2: {  	[smem:$0x3F91] =	sst lr;
	_ =	strace $0xD0000000  }
0x3: {  	_ = 	snop  }
0x4: {  	_ = 	snop  }
0x5: {  	_ = 	snop  }
0x6: {  	_ = 	snop  }
0x7: {  	_ = 	snop  }
__scs_overlays_trampoline_lowered:
0x8: {  	[smem:$0x3FA0] =	sst s0  }
0x9: {  	[smem:$0x3FA1] =	sst s1  }
0xa: {  	[smem:$0x3FA2] =	sst s2  }
0xb: {  	[smem:$0x3FA3] =	sst s3  }
0xc: {  	[smem:$0x3FA4] =	sst s4  }
0xd: {  	[smem:$0x3FA5] =	sst s5  }
0xe: {  	[smem:$0x3FA6] =	sst s6  }
0xf: {  	[smem:$0x3FA7] =	sst s7  }
0x10: {  	[smem:$0x3FA8] =	sst s8  }
0x11: {  	[smem:$0x3FA9] =	sst s9;
	s0 =	simm.s32 @!p0 $0x0  }
0x12: {  	s1 =	sld [smem:$0x3F8F];
	s0 =	simm.s32 @p0 $0x1  }
0x13: {  	[smem:$0x3FAA] =	sst s0;
	s0 =	simm.s32 @!p1 $0x0  }
0x14: {  	s2 =	sld [smem:$0x3F8E];
	s0 =	simm.s32 @p1 $0x1  }
0x15: {  	[smem:$0x3FAB] =	sst s0;
	s0 =	simm.s32 @!p2 $0x0  }
0x16: {  	s3 =	sld [smem:$0x3FDB];
	s0 =	simm.s32 @p2 $0x1  }
0x17: {  	s4 =	simm.s32 $0x1BF5;
	[smem:$0x3FAD] =	sst s0  }
0x18: {  	s0 =	sld [smem:$0x3F90];
	_ =	swait.ge [sflag:s4], $0x0  }
0x19: {  	s7 =	sld [smem:$0x3F91]  }
0x1a: {  	s8 =	sadd.s32 $0xFFFFE003, lr  }
0x1b: {  	s9 =	sadd.s32 $0xFFFFFEF7, lr;
	s5 =	simm.s32 $0xFFFFFFFF;
	p2 =	slt.u32 s8, $0xFFFFF086  }
0x1c: {  	p1 =	slt.u32 s9, $0xF7A;
	s5 =	simm.s32 @!p2 $0x0  }
0x1d: {  	s5 =	simm.s32 @p1 $0x1;
	p0 =	seq.s32 s7, s2  }
0x1e: {  	s7 =	smul.u32 @!p0 $0xF7A, s2;
	p2 =	seq.s32 @!p0 s5, $0x0  }
0x1f: {  	s9 =	smul.u32 $0xF7A, s1;
	s8 =	simm.s32 @!p0 $0x1BF5;
	p2 =	por !p2, p0  }
0x20: {  	[sflag:s8] =	ssyncset.s32 @!p0 $0xFFFFF086;
	s6 =	sadd.s32 @!p0 s3, s7;
	s7 =	simm.s32 @!p0 $0x108  }
0x21: {  	s3 =	sadd.s32 s3, s9;
	s6 =	sadd.s32 @!p0 $0x88, s6;
	s7 =	simm.s32 @p2 $0x1082  }
0x22: {  	[simem:s7], [sflag:s8] =	dma.local @!p0 [hbm:s6], $0xF7A  }
0x23: {  	s9 =	sor.u32 $0xD0000000, s2;
	s6 =	simm.s32 $0x108;
	_ =	swait.ge @!p0 [sflag:s8], $0x0  }
0x24: {  	s3 =	sadd.s32 $0x88, s3;
	s6 =	simm.s32 @!p1 $0x1082;
	[sflag:s4] =	ssyncset.s32 $0xFFFFF086  }
0x25: {  	[simem:s6], [sflag:s4] =	dma.local [hbm:s3], $0xF7A  }
0x26: {  	[smem:$0x3F91] =	sst s1;
	(tag) =	ssettag s2;
	_ =	strace s9  }
0x27: {  	s1 =	sld [smem:$0x3FA1]  }
0x28: {  	s2 =	sld [smem:$0x3FA2]  }
0x29: {  	s4 =	sld [smem:$0x3FA4]  }
0x2a: {  	p0 =	seq.s32 s5, $0x0;
	s5 =	sld [smem:$0x3FA5]  }
0x2b: {  	s6 =	sld [smem:$0x3FA6]  }
0x2c: {  	s7 =	sld [smem:$0x3FA7]  }
0x2d: {  	s3 =	simm.s32 $0x108;
	s8 =	sld [smem:$0x3FA8]  }
0x2e: {  	s3 =	simm.s32 @!p0 $0x1082;
	s9 =	sld [smem:$0x3FA9]  }
0x2f: {  	lr =	sadd.s32 s0, s3;
	s0 =	sld [smem:$0x3FA0]  }
0x30: {  	s3 =	sld [smem:$0x3FA3]  }
0x31: {  	[smem:$0x3FAC] =	sst s10  }
0x32: {  	s10 =	sld [smem:$0x3FAA];
	_ =	sdelay $0x3  }
0x33: {  	p0 =	seq.s32 s10, $0x1;
	s10 =	sld [smem:$0x3FAC];
	_ =	sdelay $0x3  }
0x34: {  	[smem:$0x3FAC] =	sst s10  }
0x35: {  	s10 =	sld [smem:$0x3FAB];
	_ =	sdelay $0x3  }
0x36: {  	p1 =	seq.s32 s10, $0x1;
	s10 =	sld [smem:$0x3FAC];
	_ =	sdelay $0x3  }
0x37: {  	[smem:$0x3FAC] =	sst s10  }
0x38: {  	s10 =	sld [smem:$0x3FAD]  }
0x39: {  	_ = 	snop;
	(pc) =	sbr.ind lr, $3  }
0x3a: {  	_ = 	snop  }
0x3b: {  	_ = 	snop  }
0x3c: {  	p2 =	seq.s32 s10, $0x1;
	s10 =	sld [smem:$0x3FAC]  }
0x3d: {  	_ =	shalt  }
0x3e: {  	_ =	shalt  }
0x3f: {  	_ =	shalt  }
0x40: {  	_ =	shalt  }
0x41: {  	_ =	shalt  }
0x42: {  	_ =	shalt  }
0x43: {  	_ =	shalt  }
0x44: {  	_ =	shalt  }
0x45: {  	_ =	shalt  }
0x46: {  	_ =	shalt  }
0x47: {  	_ =	shalt  }
0x48: {  	_ =	shalt  }
0x49: {  	_ =	shalt  }
0x4a: {  	_ =	shalt  }
0x4b: {  	_ =	shalt  }
0x4c: {  	_ =	shalt  }
0x4d: {  	_ =	shalt  }
0x4e: {  	_ =	shalt  }
0x4f: {  	_ =	shalt  }
0x50: {  	_ =	shalt  }
0x51: {  	_ =	shalt  }
0x52: {  	_ =	shalt  }
0x53: {  	_ =	shalt  }
0x54: {  	_ =	shalt  }
0x55: {  	_ =	shalt  }
0x56: {  	_ =	shalt  }
0x57: {  	_ =	shalt  }
0x58: {  	_ =	shalt  }
0x59: {  	_ =	shalt  }
0x5a: {  	_ =	shalt  }
0x5b: {  	_ =	shalt  }
0x5c: {  	_ =	shalt  }
0x5d: {  	_ =	shalt  }
0x5e: {  	_ =	shalt  }
0x5f: {  	_ =	shalt  }
0x60: {  	_ =	shalt  }
0x61: {  	_ =	shalt  }
0x62: {  	_ =	shalt  }
0x63: {  	_ =	shalt  }
0x64: {  	_ =	shalt  }
0x65: {  	_ =	shalt  }
0x66: {  	_ =	shalt  }
0x67: {  	_ =	shalt  }
0x68: {  	_ =	shalt  }
0x69: {  	_ =	shalt  }
0x6a: {  	_ =	shalt  }
0x6b: {  	_ =	shalt  }
0x6c: {  	_ =	shalt  }
0x6d: {  	_ =	shalt  }
0x6e: {  	_ =	shalt  }
0x6f: {  	_ =	shalt  }
0x70: {  	_ =	shalt  }
0x71: {  	_ =	shalt  }
0x72: {  	_ =	shalt  }
0x73: {  	_ =	shalt  }
0x74: {  	_ =	shalt  }
0x75: {  	_ =	shalt  }
0x76: {  	_ =	shalt  }
0x77: {  	_ =	shalt  }
0x78: {  	_ =	shalt  }
0x79: {  	_ =	shalt  }
0x7a: {  	_ =	shalt  }
0x7b: {  	_ =	shalt  }
0x7c: {  	_ =	shalt  }
0x7d: {  	_ =	shalt  }
0x7e: {  	_ =	shalt  }
0x7f: {  	_ =	shalt  }
0x80: {  	_ =	shalt  }
0x81: {  	_ =	shalt  }
0x82: {  	_ =	shalt  }
0x83: {  	_ =	shalt  }
0x84: {  	_ =	shalt  }
0x85: {  	_ =	shalt  }
0x86: {  	_ =	shalt  }
0x87: {  	_ =	shalt  }
.Lfunc_end0:
.L_simem_size_0:
called_computation.6_lowered:
.L_overlay_start_0:
0x88: {  	s2 =	sld [smem:$0x3FD9]  }
0x89: {  	s3 =	sld [smem:$0x3FFE];
	_ =	sdelay $0x1  }
0x8a: {  	s1 =	srdreg.scid  }
0x8b: {  	s0 =	sand.u32 $0x1, s1  }
0x8c: {  	s17 =	sshll.u32 s0, $0xA;
	s2 =	sadd.s32 s3, s2  }
0x8d: {  	s2 =	sadd.s32 s2, s17  }
0x8e: {  	[smem:$0x3FB8] =	sst s2  }
0x8f: {  	_ = 	snop  }
0x90: {  	s2 =	sld [smem:$0x3FD0];
	(tm) =	ssettm $0x1  }
0x91: {  	s18 =	sld [smem:$0x3FFB];
	_ =	sdelay $0x3  }
0x92: {  	_ =	strace s18  }
0x93: {  	s3 =	sld [smem:$0x3FFC];
	_ =	sdelay $0x3  }
0x94: {  	_ =	strace s3  }
0x95: {  	s3 =	sld [smem:$0x3FFD];
	_ =	sdelay $0x3  }
0x96: {  	_ =	strace s3  }
0x97: {  	_ =	strace $0x8FFFFFFF  }
0x98: {  	s19 =	sld [smem:$0x3FDB];
	_ =	sdelay $0x1  }
0x99: {  	s4 =	simm.s32 $_scs_section_size  }
0x9a: {  	s5 =	simm.s32 $_size__tile_overlayer_lowered;
	s6 =	simm.s32 $_tile_overlayer_lowered  }
0x9b: {  	s22 =	simm.s32 $0x1BFF;
	s21 =	sshll.u32 s6, $0x1;
	s3 =	sadd.s32 s4, s19  }
0x9c: {  	s7 =	simm.s32 $0x0;
	s20 =	sshll.u32 s5, $0x1;
	s5 =	sadd.s32 s21, s3  }
0x9d: {  	[timem:s7], [sflag:s22] =	dma.local [hbm:s5], s20  }
0x9e: {  	_ =	swait.ge [sflag:s22], s20  }
0x9f: {  	s4 =	ssub.s32 $0x0, s20;
	[sflag:s22] =	ssyncset.done $0x0  }
0xa0: {  	[sflag:s22] =	ssyncadd.s32 s4;
	_ =	sdelay $0x1  }
0xa1: {  	s23 =	simm.s32 $0x1B8B  }
0xa2: {  	_ =	swait.ge [sflag:s23], $0x1  }
0xa3: {  	[sflag:s23] =	ssyncset.done $0x0  }
0xa4: {  	s25 =	simm.s32 $0x1B8E;
	s24 =	sld [smem:$0x3FFE];
	[sflag:s23] =	ssyncadd.s32 $0xFFFFFFFF  }
0xa5: {  	s26 =	simm.s32 $execute0_lowered;
	[smem:$0x3FD2] =	sst s25  }
0xa6: {  	s5 =	sshll.u32 s26, $0x1;
	_ =	strace $0x80000058;
	[dreg:$0x1] =	wrdreg $0xFFFFFFFF  }
0xa7: {  	s28 =	simm.s32 $_size_execute0_lowered;
	s3 =	sadd.s32 s3, s5;
	[dreg:$0x0] =	wrdreg $0x0  }
0xa8: {  	s5 =	sshll.u32 s28, $0x1;
	[dreg:$0x2] =	wrdreg s3  }
0xa9: {  	[dreg:$0x3] =	wrdreg s5  }
0xaa: {  	[dreg:$0x4] =	wrdreg $0xC0  }
0xab: {  	_ =	task [dreg:s7], $0x5FFFF  }
0xac: {  	[dreg:$0x1] =	wrdreg $0xFFFFFFFF  }
0xad: {  	[dreg:$0x0] =	wrdreg $0x60  }
0xae: {  	[dreg:$0x2] =	wrdreg s24  }
0xaf: {  	[dreg:$0x3] =	wrdreg s2  }
0xb0: {  	[dreg:$0x4] =	wrdreg $0xA9000  }
0xb1: {  	[dreg:$0x5] =	wrdreg $0x9  }
0xb2: {  	_ =	task.clear_ibuf [dreg:s7], $0x6FFFF;
	_ =	strace $0x90000058  }
0xb3: {  	s29 =	simm.s32 $0x9;
	_ =	strace $0x8000005A  }
0xb4: {  	_ =	swait.ge [sflag:s29], $0x1  }
0xb5: {  	[sflag:s29] =	ssyncadd.s32 $0xFFFFFFFF  }
0xb6: {  	_ =	strace $0x9000005A  }
0xb7: {  	_ =	sfence  }
0xb8: {  	s30 =	sld [smem:$0x0];
	_ =	sdelay $0x2  }
0xb9: {  	s31 =	sshll.u32 s1, $0xD;
	s1 =	sshrl.u32 s1, $0x2  }
0xba: {  	s3 =	sand.u32 $0x4000, s31;
	s1 =	sadd.s32 s1, s30  }
0xbb: {  	s0 =	sor.u32 s3, s0;
	s1 =	sshll.u32 s1, $0x11  }
0xbc: {  	s0 =	sor.u32 s1, s0  }
0xbd: {  	s0 =	sadd.s32 $0x8F2B, s0  }
0xbe: {  	[sflag:s0] =	ssyncadd.remote.s32 $0x1  }
0xbf: {  	_ =	sfence.sel $0xFFFF  }
0xc0: {  	[dreg:$0x0] =	wrdreg $0xFFFFFFFF;
	(pc) =	sbr.abs _section_cstart, $3  }
0xc1: {  	[dreg:$0x1] =	wrdreg $0xFFFFFFFF  }
0xc2: {  	_ =	task.clear_ibuf [dreg:s7], $0x2FFFF;
	_ =	strace $0x9FFFFFFF  }
0xc3: {  	(tm) =	ssettm $0x7FFFFFFF  }
tec
execute0_lowered:
.L_overlay_start_1:
0x0: {  	(tag) =	ssettag $0x1  }
0x1: {  	s1 =	rddreg [dreg:$0x0];
	s2 =	srdreg.scid  }
0x2: {  	s0 =	stileid.u32;
	s9 =	rddreg [dreg:$0x1];
	s17 =	simm.s32 $0x2800  }
0x3: {  	s18 =	simm.s32 $0xA800;
	s19 =	simm.s32 $0x6800;
	s21 =	simm.s32 $0xA880  }
0x4: {  	s22 =	simm.s32 $0x1;
	s23 =	simm.s32 $0x5;
	s24 =	simm.s32 $0x2  }
0x5: {  	s25 =	simm.s32 $0x6;
	s26 =	simm.s32 $0x3;
	s28 =	simm.s32 $0x4  }
0x6: {  	s29 =	simm.s32 $0x0;
	s6 =	sand.u32 $0x1, s2;
	s3 =	sshll.u32 s0, $0x1  }
0x7: {  	s2 =	rddreg [dreg:$0x2];
	s5 =	sadd.s32 $0x2E200, s1;
	s8 =	smul.u32 $0x4F000, s0  }
0x8: {  	p0 =	seq.s32 s0, $0xF;
	s4 =	sor.u32 s6, s3;
	s7 =	smul.u32 $0x27800, s6  }
0x9: {  	s3 =	simm.s32 $0x0;
	s6 =	ssub.s32 $0x2, s6;
	s10 =	smul.u32 $0x500, s4  }
0xa: {  	s16 =	sadd.s32 $0x128400, s2;
	[smem:$0x7FF] =	sst s3;
	s4 =	smul.u32 $0x2780, s0  }
0xb: {  	s13 =	sshrl.u32 s6, $0x1;
	s31 =	sshrl.u32 s8, $0x2;
	s8 =	sadd.s32 $0x2BA80, s1  }
0xc: {  	_ =	strace $0x80000059;
	s14 =	sadd.s32 s7, s1;
	s13 =	ssub.s32 s6, s13  }
0xd: {  	s15 =	sadd.s32 s31, s2;
	s11 =	sadd.s32 s10, s1;
	s12 =	sadd.s32 s4, s1  }
0xe: {  	s9 =	sadd.s32 s9, s10;
	s10 =	sadd.s32 $0xAF200, s14;
	s1 =	sshll.u32 @!p0 s0, $0x6  }
0xf: {  	s15 =	sshrl.u32 @!p0 s15, $0x3;
	s6 =	sadd.s32 $0xA5200, s11;
	s7 =	sadd.s32 $0x6A00, s12  }
0x10: {  	s11 =	smax.u32 s13, $0x1;
	s12 =	simm.s32 $0x7;
	s13 =	sshrl.u32 @p0 s16, $0x3  }
0x11: {  	s14 =	sor.u32 @!p0 $0x1C07, s1;
	s16 =	simm.s32 $0x80;
	s20 =	sadd.s32 $0x10, s9  }
.LBB2_1:
0x12: {  	[tilespmem:s3], [sflag:$0x7] =	stream.linear.gather [hbm4b:s6+s3], $0x2800, $0x38;
	[tilespmem:$0x1E200] =	vst v63  }
0x13: {  	_ =	swait.ge [sflag:s12], $0x2800  }
0x14: {  	[sflag:s12] =	ssyncset.done $0x0  }
0x15: {  	s1 =	simm.s32 @p0 $0x1FC7;
	[sflag:s12] =	ssyncadd.s32 $0xFFFFD800  }
0x16: {  	[spmem:s13], [sflag:s1] =	dma.local @p0 [hbm:s8], $0x2180  }
0x17: {  	s1 =	simm.s32 @p0 $0x7  }
0x18: {  	_ =	swait.ge @p0 [sflag:s1], $0x2180  }
0x19: {  	[sflag:s1] =	ssyncset.done @p0 $0x0  }
0x1a: {  	[sflag:s1] =	ssyncadd.s32 @p0 $0xFFFFDE80;
	s1 =	simm.s32 @!p0 $0x7  }
0x1b: {  	[spmem:s15], [sflag:s14] =	dma.local @!p0 [hbm:s7], $0x2780  }
0x1c: {  	_ =	swait.ge @!p0 [sflag:s1], $0x2780  }
0x1d: {  	[sflag:s1] =	ssyncset.done @!p0 $0x0  }
0x1e: {  	[sflag:s1] =	ssyncadd.s32 @!p0 $0xFFFFD880  }
0x1f: {  	[bflag:$0x0] =	sbarrier.arrive $0xFFFF  }
0x20: {  	[tilespmem:s17], [sflag:$0x1] =	stream.indirect.gather [hbm4b:s5+s16], $0x80, s3, s16, $0xb8;
	[tilespmem:$0x1E200] =	vst v63  }
0x21: {  	_ = 	snop  }
0x22: {  	[tilespmem:s18], [sflag:$0x5] =	stream.linear.gather [hbm4b:s9+s3], $0x80, $0x38;
	[tilespmem:$0x1E200] =	vst v63  }
0x23: {  	_ = 	snop  }
0x24: {  	[tilespmem:s19], [sflag:$0x2] =	stream.indirect.gather [hbm4b:s5+s16], $0x80, s16, s16, $0xb8;
	[tilespmem:$0x1E200] =	vst v63  }
0x25: {  	_ = 	snop  }
0x26: {  	[tilespmem:s21], [sflag:$0x6] =	stream.linear.gather [hbm4b:s20+s3], $0x80, $0x38;
	[tilespmem:$0x1E200] =	vst v63  }
0x27: {  	_ =	swait.ge [sflag:s22], $0x4000  }
0x28: {  	[sflag:s22] =	ssyncset.done $0x0  }
0x29: {  	[sflag:s22] =	ssyncadd.s32 $0xFFFFC000  }
0x2a: {  	_ =	swait.ge [sflag:s23], $0x80  }
0x2b: {  	[sflag:s23] =	ssyncset.done $0x0  }
0x2c: {  	[sflag:s23] =	ssyncadd.s32 $0xFFFFFF80  }
0x2d: {  	[spmem:s2] =	stream.indirect.scatter.add.f32 [tilespmem:s17], [sflag:$0x3], $0x80, s18, s16, $0xb8;
	[tilespmem:$0x1E200] =	vst v63  }
0x2e: {  	_ =	swait.ge [sflag:s24], $0x4000  }
0x2f: {  	[sflag:s24] =	ssyncset.done $0x0  }
0x30: {  	[sflag:s24] =	ssyncadd.s32 $0xFFFFC000  }
0x31: {  	_ =	swait.ge [sflag:s25], $0x80  }
0x32: {  	[sflag:s25] =	ssyncset.done $0x0  }
0x33: {  	[sflag:s25] =	ssyncadd.s32 $0xFFFFFF80  }
0x34: {  	[spmem:s2] =	stream.indirect.scatter.add.f32 [tilespmem:s19], [sflag:$0x4], $0x80, s21, s16, $0xb8;
	[tilespmem:$0x1E200] =	vst v63  }
0x35: {  	_ =	swait.ge [sflag:s26], $0x4000  }
0x36: {  	[sflag:s26] =	ssyncset.done $0x0  }
0x37: {  	s0 =	simm.s32 $0x100;
	s31 =	sadd.s32 $0xFFFFFB20, s9;
	[sflag:s26] =	ssyncadd.s32 $0xFFFFC000  }
0x38: {  	[tilespmem:s17], [sflag:$0x1] =	stream.indirect.gather [hbm4b:s5+s16], $0x80, s0, s16, $0xb8;
	[tilespmem:$0x1E200] =	vst v63  }
0x39: {  	s0 =	sadd.s32 $0x500, s31  }
0x3a: {  	[tilespmem:s18], [sflag:$0x5] =	stream.linear.gather [hbm4b:s0+s3], $0x80, $0x38;
	[tilespmem:$0x1E200] =	vst v63  }
0x3b: {  	_ =	swait.ge [sflag:s28], $0x4000  }
0x3c: {  	s30 =	simm.s32 $0xFFFFFB40;
	s1 =	sadd.s32 $0x510, s31;
	[sflag:s28] =	ssyncset.done $0x0  }
0x3d: {  	s31 =	simm.s32 $0x200;
	s0 =	simm.s32 $0x180;
	[sflag:s28] =	ssyncadd.s32 $0xFFFFC000  }
0x3e: {  	[tilespmem:s19], [sflag:$0x2] =	stream.indirect.gather [hbm4b:s5+s16], $0x80, s0, s16, $0xb8;
	[tilespmem:$0x1E200] =	vst v63  }
.LBB2_2:
0x3f: {  	[tilespmem:s21], [sflag:$0x6] =	stream.linear.gather [hbm4b:s1+s3], $0x80, $0x38;
	[tilespmem:$0x1E200] =	vst v63  }
0x40: {  	s1 =	smov.u32 s30  }
0x41: {  	p1 =	sne.s32 s30, $0xFFFFFFE0;
	s30 =	sadd.s32 $0x20, s30;
	_ =	swait.ge [sflag:s22], $0x4000  }
0x42: {  	[sflag:s22] =	ssyncset.done $0x0  }
0x43: {  	[sflag:s22] =	ssyncadd.s32 $0xFFFFC000  }
0x44: {  	_ =	swait.ge [sflag:s23], $0x80  }
0x45: {  	[sflag:s23] =	ssyncset.done $0x0  }
0x46: {  	[sflag:s23] =	ssyncadd.s32 $0xFFFFFF80  }
0x47: {  	[spmem:s2] =	stream.indirect.scatter.add.f32 [tilespmem:s17], [sflag:$0x3], $0x80, s18, s16, $0xb8;
	[tilespmem:$0x1E200] =	vst v63  }
0x48: {  	_ =	swait.ge [sflag:s24], $0x4000  }
0x49: {  	[sflag:s24] =	ssyncset.done $0x0  }
0x4a: {  	[sflag:s24] =	ssyncadd.s32 $0xFFFFC000  }
0x4b: {  	_ =	swait.ge [sflag:s25], $0x80  }
0x4c: {  	[sflag:s25] =	ssyncset.done $0x0  }
0x4d: {  	[sflag:s25] =	ssyncadd.s32 $0xFFFFFF80  }
0x4e: {  	[spmem:s2] =	stream.indirect.scatter.add.f32 [tilespmem:s19], [sflag:$0x4], $0x80, s21, s16, $0xb8;
	[tilespmem:$0x1E200] =	vst v63  }
0x4f: {  	_ =	swait.ge [sflag:s26], $0x4000  }
0x50: {  	[sflag:s26] =	ssyncset.done $0x0  }
0x51: {  	s1 =	sadd.s32 s1, s9;
	[sflag:s26] =	ssyncadd.s32 $0xFFFFC000  }
0x52: {  	[tilespmem:s17], [sflag:$0x1] =	stream.indirect.gather [hbm4b:s5+s16], $0x80, s31, s16, $0xb8;
	[tilespmem:$0x1E200] =	vst v63  }
0x53: {  	s0 =	sadd.s32 $0x500, s1  }
0x54: {  	[tilespmem:s18], [sflag:$0x5] =	stream.linear.gather [hbm4b:s0+s3], $0x80, $0x38;
	[tilespmem:$0x1E200] =	vst v63  }
.Ltmp0:
0x55: {  	_ =	swait.ge [sflag:s28], $0x4000;
	(pc) =	sbr.rel @p1 .LBB2_2-.Ltmp0, $4  }
0x56: {  	[sflag:s28] =	ssyncset.done $0x0  }
0x57: {  	s0 =	sadd.s32 $0x80, s31;
	[sflag:s28] =	ssyncadd.s32 $0xFFFFC000  }
0x58: {  	[tilespmem:s19], [sflag:$0x2] =	stream.indirect.gather [hbm4b:s5+s16], $0x80, s0, s16, $0xb8;
	[tilespmem:$0x1E200] =	vst v63  }
0x59: {  	s1 =	sadd.s32 $0x510, s1;
	s31 =	sadd.s32 $0x100, s31  }
0x5a: {  	[tilespmem:s21], [sflag:$0x6] =	stream.linear.gather [hbm4b:s1+s3], $0x80, $0x38;
	[tilespmem:$0x1E200] =	vst v63  }
0x5b: {  	_ =	swait.ge [sflag:s22], $0x4000  }
0x5c: {  	[sflag:s22] =	ssyncset.done $0x0  }
0x5d: {  	[sflag:s22] =	ssyncadd.s32 $0xFFFFC000  }
0x5e: {  	_ =	swait.ge [sflag:s23], $0x80  }
0x5f: {  	[sflag:s23] =	ssyncset.done $0x0  }
0x60: {  	[sflag:s23] =	ssyncadd.s32 $0xFFFFFF80  }
0x61: {  	[spmem:s2] =	stream.indirect.scatter.add.f32 [tilespmem:s17], [sflag:$0x3], $0x80, s18, s16, $0xb8;
	[tilespmem:$0x1E200] =	vst v63  }
0x62: {  	_ =	swait.ge [sflag:s24], $0x4000  }
0x63: {  	[sflag:s24] =	ssyncset.done $0x0  }
0x64: {  	[sflag:s24] =	ssyncadd.s32 $0xFFFFC000  }
0x65: {  	_ =	swait.ge [sflag:s25], $0x80  }
0x66: {  	[sflag:s25] =	ssyncset.done $0x0  }
0x67: {  	[sflag:s25] =	ssyncadd.s32 $0xFFFFFF80  }
0x68: {  	[spmem:s2] =	stream.indirect.scatter.add.f32 [tilespmem:s19], [sflag:$0x4], $0x80, s21, s16, $0xb8;
	[tilespmem:$0x1E200] =	vst v63  }
0x69: {  	_ =	swait.ge [sflag:s26], $0x4000  }
0x6a: {  	[sflag:s26] =	ssyncset.done $0x0  }
0x6b: {  	[sflag:s26] =	ssyncadd.s32 $0xFFFFC000  }
0x6c: {  	_ =	swait.ge [sflag:s28], $0x4000  }
0x6d: {  	[sflag:s28] =	ssyncset.done $0x0  }
0x6e: {  	[sflag:s28] =	ssyncadd.s32 $0xFFFFC000  }
0x6f: {  	s0 =	sadd.s32 @p0 $0x25080, s10;
	s1 =	simm.s32 @p0 $0x1FC7;
	[bflag:$0x0] =	sbarrier.arrive $0xFFFF  }
0x70: {  	[hbm:s0], [sflag:s1] =	dma.local @p0 [spmem:s13], $0x2180  }
0x71: {  	s0 =	simm.s32 @p0 $0x7  }
0x72: {  	_ =	swait.ge @p0 [sflag:s0], $0x2180  }
0x73: {  	s29 =	sadd.s32 $0x1, s29;
	[sflag:s0] =	ssyncset.done @p0 $0x0  }
0x74: {  	p1 =	sne.s32 s29, s11;
	[sflag:s0] =	ssyncadd.s32 @p0 $0xFFFFDE80;
	s0 =	sadd.s32 @!p0 s4, s10  }
0x75: {  	[hbm:s0], [sflag:s14] =	dma.local @!p0 [spmem:s15], $0x2780  }
.Ltmp1:
0x76: {  	_ = 	snop;
	(pc) =	sbr.rel @p1 .LBB2_1-.Ltmp1, $4  }
0x77: {  	s0 =	simm.s32 @!p0 $0x7  }
0x78: {  	_ =	swait.ge @!p0 [sflag:s0], $0x2780  }
0x79: {  	[sflag:s0] =	ssyncset.done @!p0 $0x0  }
0x7a: {  	[sflag:s0] =	ssyncadd.s32 @!p0 $0xFFFFD880  }
0x7b: {  	_ =	sfence.sel $0x180000  }
0x7c: {  	[bflag:$0x0] =	sbarrier.arrive $0xFFFF  }
0x7d: {  	_ =	strace $0x90000059  }
0x7e: {  	s0 =	stileid.u32;
	[bflag:$0x2] =	sbarrier.arrive $0xFFFF  }
0x7f: {  	p0 =	sne.s32 s0, $0x0;
	s0 =	rddreg [dreg:$0x3]  }
0x80: {  	s0 =	sadd.s32 @!p0 $0x100000, s0  }
0x81: {  	[sflag:s0] =	ssyncadd.tile.s32 @!p0 $0x1;
	_ =	shalt  }
.Lfunc_end2:
_tile_overlayer_lowered:
.L_overlay_start_2:
0x82: {  	(tag) =	ssettag $0x2  }
0x83: {  	s0 =	rddreg [dreg:$0x0];
	s2 =	stileid.u32  }
0x84: {  	s1 =	rddreg [dreg:$0x1];
	p0 =	sne.s32 s2, $0x0  }
0x85: {  	s3 =	rddreg [dreg:$0x2];
	[bflag:$0x3] =	sbarrier.arrive $0xFFFF;
	s2 =	simm.s32 @!p0 $0x1C07  }
0x86: {  	[timem:s3], [sflag:s2] =	dma.local @!p0 [hbm:s0], s1  }
0x87: {  	s0 =	simm.s32 @!p0 $0x7  }
0x88: {  	_ =	swait.ge @!p0 [sflag:s0], s1  }
0x89: {  	s1 =	ssub.s32 @!p0 $0x0, s1;
	[sflag:s0] =	ssyncset.done @!p0 $0x0  }
0x8a: {  	[sflag:s0] =	ssyncadd.s32 @!p0 s1  }
0x8b: {  	[bflag:$0x3] =	sbarrier.arrive $0xFFFF  }
0x8c: {  	_ =	shalt  }

// kernel: kernel.39.cloned.1.call-start
scs
__scs_entry_jumppad:
0x0: {  	(pc) =	sbr.rel $0x88, $3  }
0x1: {  	(tag) =	ssettag $0x0;
	lr =	simm.s32 $0x1  }
0x2: {  	[smem:$0x3F91] =	sst lr;
	_ =	strace $0xD0000000  }
0x3: {  	_ = 	snop  }
0x4: {  	_ = 	snop  }
0x5: {  	_ = 	snop  }
0x6: {  	_ = 	snop  }
0x7: {  	_ = 	snop  }
__scs_overlays_trampoline_lowered:
0x8: {  	[smem:$0x3FA0] =	sst s0  }
0x9: {  	[smem:$0x3FA1] =	sst s1  }
0xa: {  	[smem:$0x3FA2] =	sst s2  }
0xb: {  	[smem:$0x3FA3] =	sst s3  }
0xc: {  	[smem:$0x3FA4] =	sst s4  }
0xd: {  	[smem:$0x3FA5] =	sst s5  }
0xe: {  	[smem:$0x3FA6] =	sst s6  }
0xf: {  	[smem:$0x3FA7] =	sst s7  }
0x10: {  	[smem:$0x3FA8] =	sst s8  }
0x11: {  	[smem:$0x3FA9] =	sst s9;
	s0 =	simm.s32 @!p0 $0x0  }
0x12: {  	s1 =	sld [smem:$0x3F8F];
	s0 =	simm.s32 @p0 $0x1  }
0x13: {  	[smem:$0x3FAA] =	sst s0;
	s0 =	simm.s32 @!p1 $0x0  }
0x14: {  	s2 =	sld [smem:$0x3F8E];
	s0 =	simm.s32 @p1 $0x1  }
0x15: {  	[smem:$0x3FAB] =	sst s0;
	s0 =	simm.s32 @!p2 $0x0  }
0x16: {  	s3 =	sld [smem:$0x3FDB];
	s0 =	simm.s32 @p2 $0x1  }
0x17: {  	s4 =	simm.s32 $0x1BF5;
	[smem:$0x3FAD] =	sst s0  }
0x18: {  	s0 =	sld [smem:$0x3F90];
	_ =	swait.ge [sflag:s4], $0x0  }
0x19: {  	s7 =	sld [smem:$0x3F91]  }
0x1a: {  	s8 =	sadd.s32 $0xFFFFE003, lr  }
0x1b: {  	s9 =	sadd.s32 $0xFFFFFEF7, lr;
	s5 =	simm.s32 $0xFFFFFFFF;
	p2 =	slt.u32 s8, $0xFFFFF086  }
0x1c: {  	p1 =	slt.u32 s9, $0xF7A;
	s5 =	simm.s32 @!p2 $0x0  }
0x1d: {  	s5 =	simm.s32 @p1 $0x1;
	p0 =	seq.s32 s7, s2  }
0x1e: {  	s7 =	smul.u32 @!p0 $0xF7A, s2;
	p2 =	seq.s32 @!p0 s5, $0x0  }
0x1f: {  	s9 =	smul.u32 $0xF7A, s1;
	s8 =	simm.s32 @!p0 $0x1BF5;
	p2 =	por !p2, p0  }
0x20: {  	[sflag:s8] =	ssyncset.s32 @!p0 $0xFFFFF086;
	s6 =	sadd.s32 @!p0 s3, s7;
	s7 =	simm.s32 @!p0 $0x108  }
0x21: {  	s3 =	sadd.s32 s3, s9;
	s6 =	sadd.s32 @!p0 $0x88, s6;
	s7 =	simm.s32 @p2 $0x1082  }
0x22: {  	[simem:s7], [sflag:s8] =	dma.local @!p0 [hbm:s6], $0xF7A  }
0x23: {  	s9 =	sor.u32 $0xD0000000, s2;
	s6 =	simm.s32 $0x108;
	_ =	swait.ge @!p0 [sflag:s8], $0x0  }
0x24: {  	s3 =	sadd.s32 $0x88, s3;
	s6 =	simm.s32 @!p1 $0x1082;
	[sflag:s4] =	ssyncset.s32 $0xFFFFF086  }
0x25: {  	[simem:s6], [sflag:s4] =	dma.local [hbm:s3], $0xF7A  }
0x26: {  	[smem:$0x3F91] =	sst s1;
	(tag) =	ssettag s2;
	_ =	strace s9  }
0x27: {  	s1 =	sld [smem:$0x3FA1]  }
0x28: {  	s2 =	sld [smem:$0x3FA2]  }
0x29: {  	s4 =	sld [smem:$0x3FA4]  }
0x2a: {  	p0 =	seq.s32 s5, $0x0;
	s5 =	sld [smem:$0x3FA5]  }
0x2b: {  	s6 =	sld [smem:$0x3FA6]  }
0x2c: {  	s7 =	sld [smem:$0x3FA7]  }
0x2d: {  	s3 =	simm.s32 $0x108;
	s8 =	sld [smem:$0x3FA8]  }
0x2e: {  	s3 =	simm.s32 @!p0 $0x1082;
	s9 =	sld [smem:$0x3FA9]  }
0x2f: {  	lr =	sadd.s32 s0, s3;
	s0 =	sld [smem:$0x3FA0]  }
0x30: {  	s3 =	sld [smem:$0x3FA3]  }
0x31: {  	[smem:$0x3FAC] =	sst s10  }
0x32: {  	s10 =	sld [smem:$0x3FAA];
	_ =	sdelay $0x3  }
0x33: {  	p0 =	seq.s32 s10, $0x1;
	s10 =	sld [smem:$0x3FAC];
	_ =	sdelay $0x3  }
0x34: {  	[smem:$0x3FAC] =	sst s10  }
0x35: {  	s10 =	sld [smem:$0x3FAB];
	_ =	sdelay $0x3  }
0x36: {  	p1 =	seq.s32 s10, $0x1;
	s10 =	sld [smem:$0x3FAC];
	_ =	sdelay $0x3  }
0x37: {  	[smem:$0x3FAC] =	sst s10  }
0x38: {  	s10 =	sld [smem:$0x3FAD]  }
0x39: {  	_ = 	snop;
	(pc) =	sbr.ind lr, $3  }
0x3a: {  	_ = 	snop  }
0x3b: {  	_ = 	snop  }
0x3c: {  	p2 =	seq.s32 s10, $0x1;
	s10 =	sld [smem:$0x3FAC]  }
0x3d: {  	_ =	shalt  }
0x3e: {  	_ =	shalt  }
0x3f: {  	_ =	shalt  }
0x40: {  	_ =	shalt  }
0x41: {  	_ =	shalt  }
0x42: {  	_ =	shalt  }
0x43: {  	_ =	shalt  }
0x44: {  	_ =	shalt  }
0x45: {  	_ =	shalt  }
0x46: {  	_ =	shalt  }
0x47: {  	_ =	shalt  }
0x48: {  	_ =	shalt  }
0x49: {  	_ =	shalt  }
0x4a: {  	_ =	shalt  }
0x4b: {  	_ =	shalt  }
0x4c: {  	_ =	shalt  }
0x4d: {  	_ =	shalt  }
0x4e: {  	_ =	shalt  }
0x4f: {  	_ =	shalt  }
0x50: {  	_ =	shalt  }
0x51: {  	_ =	shalt  }
0x52: {  	_ =	shalt  }
0x53: {  	_ =	shalt  }
0x54: {  	_ =	shalt  }
0x55: {  	_ =	shalt  }
0x56: {  	_ =	shalt  }
0x57: {  	_ =	shalt  }
0x58: {  	_ =	shalt  }
0x59: {  	_ =	shalt  }
0x5a: {  	_ =	shalt  }
0x5b: {  	_ =	shalt  }
0x5c: {  	_ =	shalt  }
0x5d: {  	_ =	shalt  }
0x5e: {  	_ =	shalt  }
0x5f: {  	_ =	shalt  }
0x60: {  	_ =	shalt  }
0x61: {  	_ =	shalt  }
0x62: {  	_ =	shalt  }
0x63: {  	_ =	shalt  }
0x64: {  	_ =	shalt  }
0x65: {  	_ =	shalt  }
0x66: {  	_ =	shalt  }
0x67: {  	_ =	shalt  }
0x68: {  	_ =	shalt  }
0x69: {  	_ =	shalt  }
0x6a: {  	_ =	shalt  }
0x6b: {  	_ =	shalt  }
0x6c: {  	_ =	shalt  }
0x6d: {  	_ =	shalt  }
0x6e: {  	_ =	shalt  }
0x6f: {  	_ =	shalt  }
0x70: {  	_ =	shalt  }
0x71: {  	_ =	shalt  }
0x72: {  	_ =	shalt  }
0x73: {  	_ =	shalt  }
0x74: {  	_ =	shalt  }
0x75: {  	_ =	shalt  }
0x76: {  	_ =	shalt  }
0x77: {  	_ =	shalt  }
0x78: {  	_ =	shalt  }
0x79: {  	_ =	shalt  }
0x7a: {  	_ =	shalt  }
0x7b: {  	_ =	shalt  }
0x7c: {  	_ =	shalt  }
0x7d: {  	_ =	shalt  }
0x7e: {  	_ =	shalt  }
0x7f: {  	_ =	shalt  }
0x80: {  	_ =	shalt  }
0x81: {  	_ =	shalt  }
0x82: {  	_ =	shalt  }
0x83: {  	_ =	shalt  }
0x84: {  	_ =	shalt  }
0x85: {  	_ =	shalt  }
0x86: {  	_ =	shalt  }
0x87: {  	_ =	shalt  }
.Lfunc_end0:
.L_simem_size_0:
called_computation.7_lowered:
.L_overlay_start_0:
0x88: {  	s2 =	sld [smem:$0x3FD9]  }
0x89: {  	s3 =	sld [smem:$0x3FFE];
	_ =	sdelay $0x1  }
0x8a: {  	s1 =	srdreg.scid  }
0x8b: {  	s0 =	sand.u32 $0x1, s1  }
0x8c: {  	s17 =	sshll.u32 s0, $0xA;
	s2 =	sadd.s32 s3, s2  }
0x8d: {  	s2 =	sadd.s32 s2, s17  }
0x8e: {  	[smem:$0x3FB8] =	sst s2  }
0x8f: {  	_ = 	snop  }
0x90: {  	s2 =	sld [smem:$0x3FD0];
	(tm) =	ssettm $0x1  }
0x91: {  	s18 =	sld [smem:$0x3FFB];
	_ =	sdelay $0x3  }
0x92: {  	_ =	strace s18  }
0x93: {  	s3 =	sld [smem:$0x3FFC];
	_ =	sdelay $0x3  }
0x94: {  	_ =	strace s3  }
0x95: {  	s3 =	sld [smem:$0x3FFD];
	_ =	sdelay $0x3  }
0x96: {  	_ =	strace s3  }
0x97: {  	_ =	strace $0x8FFFFFFF  }
0x98: {  	s19 =	sld [smem:$0x3FDB];
	_ =	sdelay $0x1  }
0x99: {  	s4 =	simm.s32 $_scs_section_size  }
0x9a: {  	s5 =	simm.s32 $_size__tile_overlayer_lowered;
	s6 =	simm.s32 $_tile_overlayer_lowered  }
0x9b: {  	s22 =	simm.s32 $0x1BFF;
	s21 =	sshll.u32 s6, $0x1;
	s3 =	sadd.s32 s4, s19  }
0x9c: {  	s7 =	simm.s32 $0x0;
	s20 =	sshll.u32 s5, $0x1;
	s5 =	sadd.s32 s21, s3  }
0x9d: {  	[timem:s7], [sflag:s22] =	dma.local [hbm:s5], s20  }
0x9e: {  	_ =	swait.ge [sflag:s22], s20  }
0x9f: {  	s4 =	ssub.s32 $0x0, s20;
	[sflag:s22] =	ssyncset.done $0x0  }
0xa0: {  	[sflag:s22] =	ssyncadd.s32 s4;
	_ =	sdelay $0x1  }
0xa1: {  	s23 =	simm.s32 $0x1B8B  }
0xa2: {  	_ =	swait.ge [sflag:s23], $0x1  }
0xa3: {  	[sflag:s23] =	ssyncset.done $0x0  }
0xa4: {  	s25 =	simm.s32 $0x1B8E;
	s24 =	sld [smem:$0x3FFE];
	[sflag:s23] =	ssyncadd.s32 $0xFFFFFFFF  }
0xa5: {  	s26 =	simm.s32 $execute0_lowered;
	[smem:$0x3FD2] =	sst s25  }
0xa6: {  	s5 =	sshll.u32 s26, $0x1;
	_ =	strace $0x8000005B;
	[dreg:$0x1] =	wrdreg $0xFFFFFFFF  }
0xa7: {  	s28 =	simm.s32 $_size_execute0_lowered;
	s3 =	sadd.s32 s3, s5;
	[dreg:$0x0] =	wrdreg $0x0  }
0xa8: {  	s5 =	sshll.u32 s28, $0x1;
	[dreg:$0x2] =	wrdreg s3  }
0xa9: {  	[dreg:$0x3] =	wrdreg s5  }
0xaa: {  	[dreg:$0x4] =	wrdreg $0xC0  }
0xab: {  	_ =	task [dreg:s7], $0x5FFFF  }
0xac: {  	[dreg:$0x1] =	wrdreg $0xFFFFFFFF  }
0xad: {  	[dreg:$0x0] =	wrdreg $0x60  }
0xae: {  	[dreg:$0x2] =	wrdreg s24  }
0xaf: {  	[dreg:$0x3] =	wrdreg s2  }
0xb0: {  	[dreg:$0x4] =	wrdreg $0xA9000  }
0xb1: {  	[dreg:$0x5] =	wrdreg $0x9  }
0xb2: {  	_ =	task.clear_ibuf [dreg:s7], $0x6FFFF;
	_ =	strace $0x9000005B  }
0xb3: {  	s29 =	simm.s32 $0x9;
	_ =	strace $0x8000005D  }
0xb4: {  	_ =	swait.ge [sflag:s29], $0x1  }
0xb5: {  	[sflag:s29] =	ssyncadd.s32 $0xFFFFFFFF  }
0xb6: {  	_ =	strace $0x9000005D  }
0xb7: {  	_ =	sfence  }
0xb8: {  	s30 =	sld [smem:$0x0];
	_ =	sdelay $0x2  }
0xb9: {  	s31 =	sshll.u32 s1, $0xD;
	s1 =	sshrl.u32 s1, $0x2  }
0xba: {  	s3 =	sand.u32 $0x4000, s31;
	s1 =	sadd.s32 s1, s30  }
0xbb: {  	s0 =	sor.u32 s3, s0;
	s1 =	sshll.u32 s1, $0x11  }
0xbc: {  	s0 =	sor.u32 s1, s0  }
0xbd: {  	s0 =	sadd.s32 $0x8F2B, s0  }
0xbe: {  	[sflag:s0] =	ssyncadd.remote.s32 $0x1  }
0xbf: {  	_ =	sfence.sel $0xFFFF  }
0xc0: {  	[dreg:$0x0] =	wrdreg $0xFFFFFFFF;
	(pc) =	sbr.abs _section_cstart, $3  }
0xc1: {  	[dreg:$0x1] =	wrdreg $0xFFFFFFFF  }
0xc2: {  	_ =	task.clear_ibuf [dreg:s7], $0x2FFFF;
	_ =	strace $0x9FFFFFFF  }
0xc3: {  	(tm) =	ssettm $0x7FFFFFFF  }
tec
execute0_lowered:
.L_overlay_start_1:
0x0: {  	(tag) =	ssettag $0x1  }
0x1: {  	s1 =	rddreg [dreg:$0x0];
	s2 =	srdreg.scid  }
0x2: {  	s0 =	stileid.u32;
	s9 =	rddreg [dreg:$0x1];
	s17 =	simm.s32 $0x2800  }
0x3: {  	s18 =	simm.s32 $0xA800;
	s19 =	simm.s32 $0x6800;
	s21 =	simm.s32 $0xA880  }
0x4: {  	s22 =	simm.s32 $0x1;
	s23 =	simm.s32 $0x5;
	s24 =	simm.s32 $0x2  }
0x5: {  	s25 =	simm.s32 $0x6;
	s26 =	simm.s32 $0x3;
	s28 =	simm.s32 $0x4  }
0x6: {  	s29 =	simm.s32 $0x0;
	s6 =	sand.u32 $0x1, s2;
	s3 =	sshll.u32 s0, $0x1  }
0x7: {  	s2 =	rddreg [dreg:$0x2];
	s5 =	sadd.s32 $0x2E200, s1;
	s8 =	smul.u32 $0x4F000, s0  }
0x8: {  	p0 =	seq.s32 s0, $0xF;
	s4 =	sor.u32 s6, s3;
	s7 =	smul.u32 $0x27800, s6  }
0x9: {  	s3 =	simm.s32 $0x0;
	s6 =	ssub.s32 $0x2, s6;
	s10 =	smul.u32 $0x500, s4  }
0xa: {  	s16 =	sadd.s32 $0x128400, s2;
	[smem:$0x7FF] =	sst s3;
	s4 =	smul.u32 $0x2780, s0  }
0xb: {  	s13 =	sshrl.u32 s6, $0x1;
	s31 =	sshrl.u32 s8, $0x2;
	s8 =	sadd.s32 $0x2BA80, s1  }
0xc: {  	_ =	strace $0x8000005C;
	s14 =	sadd.s32 s7, s1;
	s13 =	ssub.s32 s6, s13  }
0xd: {  	s15 =	sadd.s32 s31, s2;
	s11 =	sadd.s32 s10, s1;
	s12 =	sadd.s32 s4, s1  }
0xe: {  	s9 =	sadd.s32 s9, s10;
	s10 =	sadd.s32 $0x55A00, s14;
	s1 =	sshll.u32 @!p0 s0, $0x6  }
0xf: {  	s15 =	sshrl.u32 @!p0 s15, $0x3;
	s6 =	sadd.s32 $0xA5200, s11;
	s7 =	sadd.s32 $0x6A00, s12  }
0x10: {  	s11 =	smax.u32 s13, $0x1;
	s12 =	simm.s32 $0x7;
	s13 =	sshrl.u32 @p0 s16, $0x3  }
0x11: {  	s14 =	sor.u32 @!p0 $0x1C07, s1;
	s16 =	simm.s32 $0x80;
	s20 =	sadd.s32 $0x10, s9  }
.LBB2_1:
0x12: {  	[tilespmem:s3], [sflag:$0x7] =	stream.linear.gather [hbm4b:s6+s3], $0x2800, $0x38;
	[tilespmem:$0x1E200] =	vst v63  }
0x13: {  	_ =	swait.ge [sflag:s12], $0x2800  }
0x14: {  	[sflag:s12] =	ssyncset.done $0x0  }
0x15: {  	s1 =	simm.s32 @p0 $0x1FC7;
	[sflag:s12] =	ssyncadd.s32 $0xFFFFD800  }
0x16: {  	[spmem:s13], [sflag:s1] =	dma.local @p0 [hbm:s8], $0x2180  }
0x17: {  	s1 =	simm.s32 @p0 $0x7  }
0x18: {  	_ =	swait.ge @p0 [sflag:s1], $0x2180  }
0x19: {  	[sflag:s1] =	ssyncset.done @p0 $0x0  }
0x1a: {  	[sflag:s1] =	ssyncadd.s32 @p0 $0xFFFFDE80;
	s1 =	simm.s32 @!p0 $0x7  }
0x1b: {  	[spmem:s15], [sflag:s14] =	dma.local @!p0 [hbm:s7], $0x2780  }
0x1c: {  	_ =	swait.ge @!p0 [sflag:s1], $0x2780  }
0x1d: {  	[sflag:s1] =	ssyncset.done @!p0 $0x0  }
0x1e: {  	[sflag:s1] =	ssyncadd.s32 @!p0 $0xFFFFD880  }
0x1f: {  	[bflag:$0x0] =	sbarrier.arrive $0xFFFF  }
0x20: {  	[tilespmem:s17], [sflag:$0x1] =	stream.indirect.gather [hbm4b:s5+s16], $0x80, s3, s16, $0xb8;
	[tilespmem:$0x1E200] =	vst v63  }
0x21: {  	_ = 	snop  }
0x22: {  	[tilespmem:s18], [sflag:$0x5] =	stream.linear.gather [hbm4b:s9+s3], $0x80, $0x38;
	[tilespmem:$0x1E200] =	vst v63  }
0x23: {  	_ = 	snop  }
0x24: {  	[tilespmem:s19], [sflag:$0x2] =	stream.indirect.gather [hbm4b:s5+s16], $0x80, s16, s16, $0xb8;
	[tilespmem:$0x1E200] =	vst v63  }
0x25: {  	_ = 	snop  }
0x26: {  	[tilespmem:s21], [sflag:$0x6] =	stream.linear.gather [hbm4b:s20+s3], $0x80, $0x38;
	[tilespmem:$0x1E200] =	vst v63  }
0x27: {  	_ =	swait.ge [sflag:s22], $0x4000  }
0x28: {  	[sflag:s22] =	ssyncset.done $0x0  }
0x29: {  	[sflag:s22] =	ssyncadd.s32 $0xFFFFC000  }
0x2a: {  	_ =	swait.ge [sflag:s23], $0x80  }
0x2b: {  	[sflag:s23] =	ssyncset.done $0x0  }
0x2c: {  	[sflag:s23] =	ssyncadd.s32 $0xFFFFFF80  }
0x2d: {  	[spmem:s2] =	stream.indirect.scatter.add.f32 [tilespmem:s17], [sflag:$0x3], $0x80, s18, s16, $0xb8;
	[tilespmem:$0x1E200] =	vst v63  }
0x2e: {  	_ =	swait.ge [sflag:s24], $0x4000  }
0x2f: {  	[sflag:s24] =	ssyncset.done $0x0  }
0x30: {  	[sflag:s24] =	ssyncadd.s32 $0xFFFFC000  }
0x31: {  	_ =	swait.ge [sflag:s25], $0x80  }
0x32: {  	[sflag:s25] =	ssyncset.done $0x0  }
0x33: {  	[sflag:s25] =	ssyncadd.s32 $0xFFFFFF80  }
0x34: {  	[spmem:s2] =	stream.indirect.scatter.add.f32 [tilespmem:s19], [sflag:$0x4], $0x80, s21, s16, $0xb8;
	[tilespmem:$0x1E200] =	vst v63  }
0x35: {  	_ =	swait.ge [sflag:s26], $0x4000  }
0x36: {  	[sflag:s26] =	ssyncset.done $0x0  }
0x37: {  	s0 =	simm.s32 $0x100;
	s31 =	sadd.s32 $0xFFFFFB20, s9;
	[sflag:s26] =	ssyncadd.s32 $0xFFFFC000  }
0x38: {  	[tilespmem:s17], [sflag:$0x1] =	stream.indirect.gather [hbm4b:s5+s16], $0x80, s0, s16, $0xb8;
	[tilespmem:$0x1E200] =	vst v63  }
0x39: {  	s0 =	sadd.s32 $0x500, s31  }
0x3a: {  	[tilespmem:s18], [sflag:$0x5] =	stream.linear.gather [hbm4b:s0+s3], $0x80, $0x38;
	[tilespmem:$0x1E200] =	vst v63  }
0x3b: {  	_ =	swait.ge [sflag:s28], $0x4000  }
0x3c: {  	s30 =	simm.s32 $0xFFFFFB40;
	s1 =	sadd.s32 $0x510, s31;
	[sflag:s28] =	ssyncset.done $0x0  }
0x3d: {  	s31 =	simm.s32 $0x200;
	s0 =	simm.s32 $0x180;
	[sflag:s28] =	ssyncadd.s32 $0xFFFFC000  }
0x3e: {  	[tilespmem:s19], [sflag:$0x2] =	stream.indirect.gather [hbm4b:s5+s16], $0x80, s0, s16, $0xb8;
	[tilespmem:$0x1E200] =	vst v63  }
.LBB2_2:
0x3f: {  	[tilespmem:s21], [sflag:$0x6] =	stream.linear.gather [hbm4b:s1+s3], $0x80, $0x38;
	[tilespmem:$0x1E200] =	vst v63  }
0x40: {  	s1 =	smov.u32 s30  }
0x41: {  	p1 =	sne.s32 s30, $0xFFFFFFE0;
	s30 =	sadd.s32 $0x20, s30;
	_ =	swait.ge [sflag:s22], $0x4000  }
0x42: {  	[sflag:s22] =	ssyncset.done $0x0  }
0x43: {  	[sflag:s22] =	ssyncadd.s32 $0xFFFFC000  }
0x44: {  	_ =	swait.ge [sflag:s23], $0x80  }
0x45: {  	[sflag:s23] =	ssyncset.done $0x0  }
0x46: {  	[sflag:s23] =	ssyncadd.s32 $0xFFFFFF80  }
0x47: {  	[spmem:s2] =	stream.indirect.scatter.add.f32 [tilespmem:s17], [sflag:$0x3], $0x80, s18, s16, $0xb8;
	[tilespmem:$0x1E200] =	vst v63  }
0x48: {  	_ =	swait.ge [sflag:s24], $0x4000  }
0x49: {  	[sflag:s24] =	ssyncset.done $0x0  }
0x4a: {  	[sflag:s24] =	ssyncadd.s32 $0xFFFFC000  }
0x4b: {  	_ =	swait.ge [sflag:s25], $0x80  }
0x4c: {  	[sflag:s25] =	ssyncset.done $0x0  }
0x4d: {  	[sflag:s25] =	ssyncadd.s32 $0xFFFFFF80  }
0x4e: {  	[spmem:s2] =	stream.indirect.scatter.add.f32 [tilespmem:s19], [sflag:$0x4], $0x80, s21, s16, $0xb8;
	[tilespmem:$0x1E200] =	vst v63  }
0x4f: {  	_ =	swait.ge [sflag:s26], $0x4000  }
0x50: {  	[sflag:s26] =	ssyncset.done $0x0  }
0x51: {  	s1 =	sadd.s32 s1, s9;
	[sflag:s26] =	ssyncadd.s32 $0xFFFFC000  }
0x52: {  	[tilespmem:s17], [sflag:$0x1] =	stream.indirect.gather [hbm4b:s5+s16], $0x80, s31, s16, $0xb8;
	[tilespmem:$0x1E200] =	vst v63  }
0x53: {  	s0 =	sadd.s32 $0x500, s1  }
0x54: {  	[tilespmem:s18], [sflag:$0x5] =	stream.linear.gather [hbm4b:s0+s3], $0x80, $0x38;
	[tilespmem:$0x1E200] =	vst v63  }
.Ltmp0:
0x55: {  	_ =	swait.ge [sflag:s28], $0x4000;
	(pc) =	sbr.rel @p1 .LBB2_2-.Ltmp0, $4  }
0x56: {  	[sflag:s28] =	ssyncset.done $0x0  }
0x57: {  	s0 =	sadd.s32 $0x80, s31;
	[sflag:s28] =	ssyncadd.s32 $0xFFFFC000  }
0x58: {  	[tilespmem:s19], [sflag:$0x2] =	stream.indirect.gather [hbm4b:s5+s16], $0x80, s0, s16, $0xb8;
	[tilespmem:$0x1E200] =	vst v63  }
0x59: {  	s1 =	sadd.s32 $0x510, s1;
	s31 =	sadd.s32 $0x100, s31  }
0x5a: {  	[tilespmem:s21], [sflag:$0x6] =	stream.linear.gather [hbm4b:s1+s3], $0x80, $0x38;
	[tilespmem:$0x1E200] =	vst v63  }
0x5b: {  	_ =	swait.ge [sflag:s22], $0x4000  }
0x5c: {  	[sflag:s22] =	ssyncset.done $0x0  }
0x5d: {  	[sflag:s22] =	ssyncadd.s32 $0xFFFFC000  }
0x5e: {  	_ =	swait.ge [sflag:s23], $0x80  }
0x5f: {  	[sflag:s23] =	ssyncset.done $0x0  }
0x60: {  	[sflag:s23] =	ssyncadd.s32 $0xFFFFFF80  }
0x61: {  	[spmem:s2] =	stream.indirect.scatter.add.f32 [tilespmem:s17], [sflag:$0x3], $0x80, s18, s16, $0xb8;
	[tilespmem:$0x1E200] =	vst v63  }
0x62: {  	_ =	swait.ge [sflag:s24], $0x4000  }
0x63: {  	[sflag:s24] =	ssyncset.done $0x0  }
0x64: {  	[sflag:s24] =	ssyncadd.s32 $0xFFFFC000  }
0x65: {  	_ =	swait.ge [sflag:s25], $0x80  }
0x66: {  	[sflag:s25] =	ssyncset.done $0x0  }
0x67: {  	[sflag:s25] =	ssyncadd.s32 $0xFFFFFF80  }
0x68: {  	[spmem:s2] =	stream.indirect.scatter.add.f32 [tilespmem:s19], [sflag:$0x4], $0x80, s21, s16, $0xb8;
	[tilespmem:$0x1E200] =	vst v63  }
0x69: {  	_ =	swait.ge [sflag:s26], $0x4000  }
0x6a: {  	[sflag:s26] =	ssyncset.done $0x0  }
0x6b: {  	[sflag:s26] =	ssyncadd.s32 $0xFFFFC000  }
0x6c: {  	_ =	swait.ge [sflag:s28], $0x4000  }
0x6d: {  	[sflag:s28] =	ssyncset.done $0x0  }
0x6e: {  	[sflag:s28] =	ssyncadd.s32 $0xFFFFC000  }
0x6f: {  	s0 =	sadd.s32 @p0 $0x25080, s10;
	s1 =	simm.s32 @p0 $0x1FC7;
	[bflag:$0x0] =	sbarrier.arrive $0xFFFF  }
0x70: {  	[hbm:s0], [sflag:s1] =	dma.local @p0 [spmem:s13], $0x2180  }
0x71: {  	s0 =	simm.s32 @p0 $0x7  }
0x72: {  	_ =	swait.ge @p0 [sflag:s0], $0x2180  }
0x73: {  	s29 =	sadd.s32 $0x1, s29;
	[sflag:s0] =	ssyncset.done @p0 $0x0  }
0x74: {  	p1 =	sne.s32 s29, s11;
	[sflag:s0] =	ssyncadd.s32 @p0 $0xFFFFDE80;
	s0 =	sadd.s32 @!p0 s4, s10  }
0x75: {  	[hbm:s0], [sflag:s14] =	dma.local @!p0 [spmem:s15], $0x2780  }
.Ltmp1:
0x76: {  	_ = 	snop;
	(pc) =	sbr.rel @p1 .LBB2_1-.Ltmp1, $4  }
0x77: {  	s0 =	simm.s32 @!p0 $0x7  }
0x78: {  	_ =	swait.ge @!p0 [sflag:s0], $0x2780  }
0x79: {  	[sflag:s0] =	ssyncset.done @!p0 $0x0  }
0x7a: {  	[sflag:s0] =	ssyncadd.s32 @!p0 $0xFFFFD880  }
0x7b: {  	_ =	sfence.sel $0x180000  }
0x7c: {  	[bflag:$0x0] =	sbarrier.arrive $0xFFFF  }
0x7d: {  	_ =	strace $0x9000005C  }
0x7e: {  	s0 =	stileid.u32;
	[bflag:$0x2] =	sbarrier.arrive $0xFFFF  }
0x7f: {  	p0 =	sne.s32 s0, $0x0;
	s0 =	rddreg [dreg:$0x3]  }
0x80: {  	s0 =	sadd.s32 @!p0 $0x100000, s0  }
0x81: {  	[sflag:s0] =	ssyncadd.tile.s32 @!p0 $0x1;
	_ =	shalt  }
.Lfunc_end2:
_tile_overlayer_lowered:
.L_overlay_start_2:
0x82: {  	(tag) =	ssettag $0x2  }
0x83: {  	s0 =	rddreg [dreg:$0x0];
	s2 =	stileid.u32  }
0x84: {  	s1 =	rddreg [dreg:$0x1];
	p0 =	sne.s32 s2, $0x0  }
0x85: {  	s3 =	rddreg [dreg:$0x2];
	[bflag:$0x3] =	sbarrier.arrive $0xFFFF;
	s2 =	simm.s32 @!p0 $0x1C07  }
0x86: {  	[timem:s3], [sflag:s2] =	dma.local @!p0 [hbm:s0], s1  }
0x87: {  	s0 =	simm.s32 @!p0 $0x7  }
0x88: {  	_ =	swait.ge @!p0 [sflag:s0], s1  }
0x89: {  	s1 =	ssub.s32 @!p0 $0x0, s1;
	[sflag:s0] =	ssyncset.done @!p0 $0x0  }
0x8a: {  	[sflag:s0] =	ssyncadd.s32 @!p0 s1  }
0x8b: {  	[bflag:$0x3] =	sbarrier.arrive $0xFFFF  }
0x8c: {  	_ =	shalt  }

</sc_bundles>
